<compile_context>
chip_gen: v7x
topology: tpu7x:2x2x1
jax: 0.10.2.dev20260603
libtpu: 0.0.44.dev20260713+nightly
codegen_flags: <defaults>
</compile_context>

<pallas_src>
import functools

import jax
import jax.numpy as jnp
from jax import lax
from jax.experimental import pallas as pl
from jax.experimental.pallas import tpu as pltpu
from jax.experimental.pallas import tpu_sc as plsc

N = 10000
E = 320000
D = 128
C = 6

DP = 8
NPAD = 10240
NCORES = 2
NSUB = 16
NW = NCORES * NSUB
EPAD = 327680
EPW = EPAD // NW
CHUNK = 128
NCHUNK = EPW // CHUNK
RPT = NPAD // NSUB


def _mm_body(x_ref, w1_ref, w2_ref, w3_ref, out_ref):
    hi = jax.lax.Precision.HIGHEST
    w12 = jnp.dot(w1_ref[...], w2_ref[...], precision=hi,
                  preferred_element_type=jnp.float32)
    w123 = jnp.dot(w12, w3_ref[...], precision=hi,
                   preferred_element_type=jnp.float32)
    y0 = jnp.dot(x_ref[...], w123, precision=hi,
                 preferred_element_type=jnp.float32)
    out_ref[...] = jnp.pad(y0, ((0, 2 * NPAD - N), (0, 0)))


def _add_body(p_ref, out_ref):
    out_ref[...] = p_ref[0, :N] + p_ref[1, :N]


_sc_mesh = plsc.VectorSubcoreMesh(core_axis_name="c", subcore_axis_name="s")


NBUF = 8


NIOTA = RPT // CHUNK


@functools.partial(
    pl.kernel,
    out_type=jax.ShapeDtypeStruct((NCORES * NPAD, DP), jnp.float32),
    mesh=_sc_mesh,
    scratch_types=[
        pltpu.VMEM((NCHUNK, CHUNK), jnp.int32),
        pltpu.VMEM((NCHUNK, CHUNK), jnp.int32),
        [pltpu.VMEM((CHUNK, DP), jnp.float32) for _ in range(NBUF)],
        [pltpu.SemaphoreType.DMA for _ in range(NBUF)],
        [pltpu.SemaphoreType.DMA for _ in range(NBUF)],
        pltpu.VMEM((NIOTA, CHUNK), jnp.int32),
        pltpu.VMEM((RPT, DP), jnp.float32),
        pltpu.VMEM_SHARED((NPAD, DP), jnp.float32),
        pltpu.VMEM_SHARED((NPAD, DP), jnp.float32),
    ],
    compiler_params=pltpu.CompilerParams(use_tc_tiling_on_sc=False),
)
def _sc_pass(p_hbm, src_hbm, dst_hbm, zeros_hbm, iota_hbm, out_hbm,
             sidx, didx, rows, gsem, ssem, iidx, pbuf, yspm, acc):
    c = lax.axis_index("c")
    s = lax.axis_index("s")
    wid = c * NSUB + s
    pltpu.sync_copy(p_hbm.at[pl.ds(s * RPT, RPT)],
                    yspm.at[pl.ds(s * RPT, RPT)])
    pltpu.sync_copy(zeros_hbm.at[pl.ds(s * RPT, RPT)],
                    acc.at[pl.ds(s * RPT, RPT)])
    pltpu.sync_copy(p_hbm.at[pl.ds(NPAD + s * RPT, RPT)], pbuf)
    pltpu.sync_copy(iota_hbm.at[s], iidx)
    pltpu.sync_copy(src_hbm.at[wid], sidx)
    pltpu.sync_copy(dst_hbm.at[wid], didx)
    for j in range(NIOTA):
        pltpu.sync_copy(pbuf.at[pl.ds(j * CHUNK, CHUNK)],
                        yspm.at[iidx.at[j]], add=True)
    plsc.subcore_barrier()

    for b in range(NBUF):
        pltpu.async_copy(yspm.at[sidx.at[b]], rows[b], gsem[b])

    def group(g, carry):
        for b in range(NBUF):
            i = g * NBUF + b
            bp = (b - 1) % NBUF
            pltpu.make_async_copy(yspm.at[sidx.at[i]], rows[b],
                                  gsem[b]).wait()
            pltpu.async_copy(rows[b], acc.at[didx.at[i]], ssem[b], add=True)

            @pl.when(i > 0)
            def _():
                pltpu.make_async_copy(rows[bp], acc.at[didx.at[i - 1]],
                                      ssem[bp]).wait()

                @pl.when(i - 1 + NBUF < NCHUNK)
                def _():
                    pltpu.async_copy(yspm.at[sidx.at[i - 1 + NBUF]],
                                     rows[bp], gsem[bp])
        return carry

    lax.fori_loop(0, NCHUNK // NBUF, group, 0)
    lastb = (NCHUNK - 1) % NBUF
    pltpu.make_async_copy(rows[lastb], acc.at[didx.at[NCHUNK - 1]],
                          ssem[lastb]).wait()
    plsc.subcore_barrier()
    pltpu.sync_copy(acc.at[pl.ds(s * RPT, RPT)],
                    out_hbm.at[pl.ds(c * NPAD + s * RPT, RPT)])


def kernel(x, edge_index, W1, W2, W3):
    src = edge_index[0]
    dst = edge_index[1]
    pad_e = EPAD - E
    src_p = jnp.concatenate([src, jnp.full((pad_e,), N, jnp.int32)])
    dst_p = jnp.concatenate([dst, jnp.full((pad_e,), N, jnp.int32)])
    src_p = src_p.reshape(NW, NCHUNK, CHUNK)
    dst_p = dst_p.reshape(NW, NCHUNK, CHUNK)
    W3p = jnp.pad(W3, ((0, 0), (0, DP - C)))
    zeros = jnp.zeros((NPAD, DP), jnp.float32)
    iota = jnp.arange(NPAD, dtype=jnp.int32).reshape(NSUB, NIOTA, CHUNK)

    p = pl.pallas_call(
        _mm_body,
        out_shape=jax.ShapeDtypeStruct((NCORES * NPAD, DP), jnp.float32),
    )(x, W1, W2, W3p)

    for _ in range(3):
        p = _sc_pass(p, src_p, dst_p, zeros, iota)

    y = pl.pallas_call(
        _add_body,
        out_shape=jax.ShapeDtypeStruct((N, DP), jnp.float32),
    )(p.reshape(NCORES, NPAD, DP))

    return y[:, :C]

# --- scband reference (transcript-rebuilt; emitter-appended) ---
"""Pipeline reference for scband-gcn-18030272708828 (READ-ONLY COPY).

The authoritative reference and input builder live on the scoring server;
editing this copy changes nothing except your own understanding.
"""

import jax, jax.numpy as jnp
import numpy as np

N = 10000
E = 320000
D = 128
H = 128
C = 6


def setup_inputs(seed: int = 0) -> dict:
    key = jax.random.key(seed)
    k1, k2, k3, k4, k5 = jax.random.split(key, 5)
    x = jax.random.normal(k1, (N, D), dtype=jnp.float32)
    edge_index = jax.random.randint(k2, (2, E), 0, N, dtype=jnp.int32)
    # Dense(use_bias=False) kernels for the three GraphConv layers
    W1 = jax.random.normal(k3, (D, H), dtype=jnp.float32) * 0.05
    W2 = jax.random.normal(k4, (H, H), dtype=jnp.float32) * 0.05
    W3 = jax.random.normal(k5, (H, C), dtype=jnp.float32) * 0.05
    return {"x": x, "edge_index": edge_index, "W1": W1, "W2": W2, "W3": W3}


def reference(x, edge_index, W1, W2, W3):
    # GCN.call: three GraphConv layers, each = Dense(no bias) then
    # copy_src -> sum aggregation (message passing: h_dst = sum over incoming edges of h_src)
    src = edge_index[0]
    dst = edge_index[1]
    n = x.shape[0]

    def graph_conv(h, W):
        h = h @ W                              # Dense, no bias
        m = jnp.take(h, src, axis=0)           # copy_src: gather messages from source nodes
        return jax.ops.segment_sum(m, dst, num_segments=n)  # sum reduce onto destination nodes

    h = graph_conv(x, W1)   # input_layer
    h = graph_conv(h, W2)   # hidden_layer
    h = graph_conv(h, W3)   # output_layer
    return h

if __name__ == "__main__":
    import jax
    _d = setup_inputs()
    print(jax.jit(kernel)(*tuple(_d.values())))

</pallas_src>

<mosaic_0001>
#map = affine_map<(d0, d1) -> (0, 0)>
#map1 = affine_map<(d0, d1) -> (0, 0, 0)>
module attributes {stable_mosaic.version = 14 : i64} {
  func.func @_sc_pass(%arg0: i32, %arg1: i32, %arg2: memref<20480x8xf32, #tpu.memory_space<hbm>>, %arg3: memref<32x80x128xi32, #tpu.memory_space<hbm>>, %arg4: memref<32x80x128xi32, #tpu.memory_space<hbm>>, %arg5: memref<10240x8xf32, #tpu.memory_space<hbm>>, %arg6: memref<16x5x128xi32, #tpu.memory_space<hbm>>, %arg7: memref<20480x8xf32, #tpu.memory_space<hbm>>, %arg8: memref<80x128xi32, #tpu.memory_space<vmem>>, %arg9: memref<80x128xi32, #tpu.memory_space<vmem>>, %arg10: memref<128x8xf32, #tpu.memory_space<vmem>>, %arg11: memref<128x8xf32, #tpu.memory_space<vmem>>, %arg12: memref<128x8xf32, #tpu.memory_space<vmem>>, %arg13: memref<128x8xf32, #tpu.memory_space<vmem>>, %arg14: memref<128x8xf32, #tpu.memory_space<vmem>>, %arg15: memref<128x8xf32, #tpu.memory_space<vmem>>, %arg16: memref<128x8xf32, #tpu.memory_space<vmem>>, %arg17: memref<128x8xf32, #tpu.memory_space<vmem>>, %arg18: memref<!tpu.dma_semaphore, #tpu.memory_space<semaphore_mem>>, %arg19: memref<!tpu.dma_semaphore, #tpu.memory_space<semaphore_mem>>, %arg20: memref<!tpu.dma_semaphore, #tpu.memory_space<semaphore_mem>>, %arg21: memref<!tpu.dma_semaphore, #tpu.memory_space<semaphore_mem>>, %arg22: memref<!tpu.dma_semaphore, #tpu.memory_space<semaphore_mem>>, %arg23: memref<!tpu.dma_semaphore, #tpu.memory_space<semaphore_mem>>, %arg24: memref<!tpu.dma_semaphore, #tpu.memory_space<semaphore_mem>>, %arg25: memref<!tpu.dma_semaphore, #tpu.memory_space<semaphore_mem>>, %arg26: memref<!tpu.dma_semaphore, #tpu.memory_space<semaphore_mem>>, %arg27: memref<!tpu.dma_semaphore, #tpu.memory_space<semaphore_mem>>, %arg28: memref<!tpu.dma_semaphore, #tpu.memory_space<semaphore_mem>>, %arg29: memref<!tpu.dma_semaphore, #tpu.memory_space<semaphore_mem>>, %arg30: memref<!tpu.dma_semaphore, #tpu.memory_space<semaphore_mem>>, %arg31: memref<!tpu.dma_semaphore, #tpu.memory_space<semaphore_mem>>, %arg32: memref<!tpu.dma_semaphore, #tpu.memory_space<semaphore_mem>>, %arg33: memref<!tpu.dma_semaphore, #tpu.memory_space<semaphore_mem>>, %arg34: memref<5x128xi32, #tpu.memory_space<vmem>>, %arg35: memref<640x8xf32, #tpu.memory_space<vmem>>, %arg36: memref<10240x8xf32, #tpu.memory_space<vmem_shared>>, %arg37: memref<10240x8xf32, #tpu.memory_space<vmem_shared>>) attributes {dimension_semantics = [#tpu.dimension_semantics<core_parallel>, #tpu.dimension_semantics<subcore_parallel>], iteration_bounds = array<i64: 2, 16>, scalar_prefetch = 0 : i64, scratch_operands = 30 : i64, tpu.core_type = #tpu.core_type<sc_vector_subcore>, window_params = [{transform_indices = #map}, {transform_indices = #map1}, {transform_indices = #map1}, {transform_indices = #map}, {transform_indices = #map1}, {transform_indices = #map}]} {
    %mul3A = arith.constant 16 : i32
    %mul3A_0 = arith.muli %arg0, %mul3A : i32
    %add3A = arith.addi %mul3A_0, %arg1 : i32
    %mul3A_1 = arith.constant 640 : i32
    %mul3A_2 = arith.muli %arg1, %mul3A_1 : i32
    %mul3A_3 = arith.constant 640 : i32
    %mul3A_4 = arith.muli %arg1, %mul3A_3 : i32
    "tpu.region"() ({
      %run_scoped3A_91 = tpu.sem_alloc : memref<!tpu.dma_semaphore, #tpu.memory_space<semaphore_mem>>
      %dma_start3A_92 = arith.constant 0 : i32
      %dma_start3A_93 = tpu.memref_slice %arg36[%mul3A_4, %dma_start3A_92] : memref<10240x8xf32, #tpu.memory_space<vmem_shared>> -> memref<640x8xf32, #tpu.memory_space<vmem_shared>>
      %dma_start3A_94 = arith.constant 0 : i32
      %dma_start3A_95 = tpu.memref_slice %arg2[%mul3A_2, %dma_start3A_94] : memref<20480x8xf32, #tpu.memory_space<hbm>> -> memref<640x8xf32, #tpu.memory_space<hbm>>
      tpu.enqueue_dma source(%dma_start3A_95 : memref<640x8xf32, #tpu.memory_space<hbm>>) target(%dma_start3A_93 : memref<640x8xf32, #tpu.memory_space<vmem_shared>>) target_semaphore(%run_scoped3A_91 : memref<!tpu.dma_semaphore, #tpu.memory_space<semaphore_mem>>)
      %dma_wait3A_96 = arith.constant 0 : i32
      %dma_wait3A_97 = tpu.memref_slice %arg36[%mul3A_4, %dma_wait3A_96] : memref<10240x8xf32, #tpu.memory_space<vmem_shared>> -> memref<640x8xf32, #tpu.memory_space<vmem_shared>>
      %dma_wait3A_98 = arith.constant 0 : i32
      %dma_wait3A_99 = tpu.memref_slice %arg2[%mul3A_2, %dma_wait3A_98] : memref<20480x8xf32, #tpu.memory_space<hbm>> -> memref<640x8xf32, #tpu.memory_space<hbm>>
      tpu.wait_dma2 semaphore(%run_scoped3A_91 : memref<!tpu.dma_semaphore, #tpu.memory_space<semaphore_mem>>) src(%dma_wait3A_99 : memref<640x8xf32, #tpu.memory_space<hbm>>) dst(%dma_wait3A_97 : memref<640x8xf32, #tpu.memory_space<vmem_shared>>)
      tpu.yield
    }) : () -> ()
    %mul3A_5 = arith.constant 640 : i32
    %mul3A_6 = arith.muli %arg1, %mul3A_5 : i32
    %mul3A_7 = arith.constant 640 : i32
    %mul3A_8 = arith.muli %arg1, %mul3A_7 : i32
    "tpu.region"() ({
      %run_scoped3A_91 = tpu.sem_alloc : memref<!tpu.dma_semaphore, #tpu.memory_space<semaphore_mem>>
      %dma_start3A_92 = arith.constant 0 : i32
      %dma_start3A_93 = tpu.memref_slice %arg37[%mul3A_8, %dma_start3A_92] : memref<10240x8xf32, #tpu.memory_space<vmem_shared>> -> memref<640x8xf32, #tpu.memory_space<vmem_shared>>
      %dma_start3A_94 = arith.constant 0 : i32
      %dma_start3A_95 = tpu.memref_slice %arg5[%mul3A_6, %dma_start3A_94] : memref<10240x8xf32, #tpu.memory_space<hbm>> -> memref<640x8xf32, #tpu.memory_space<hbm>>
      tpu.enqueue_dma source(%dma_start3A_95 : memref<640x8xf32, #tpu.memory_space<hbm>>) target(%dma_start3A_93 : memref<640x8xf32, #tpu.memory_space<vmem_shared>>) target_semaphore(%run_scoped3A_91 : memref<!tpu.dma_semaphore, #tpu.memory_space<semaphore_mem>>)
      %dma_wait3A_96 = arith.constant 0 : i32
      %dma_wait3A_97 = tpu.memref_slice %arg37[%mul3A_8, %dma_wait3A_96] : memref<10240x8xf32, #tpu.memory_space<vmem_shared>> -> memref<640x8xf32, #tpu.memory_space<vmem_shared>>
      %dma_wait3A_98 = arith.constant 0 : i32
      %dma_wait3A_99 = tpu.memref_slice %arg5[%mul3A_6, %dma_wait3A_98] : memref<10240x8xf32, #tpu.memory_space<hbm>> -> memref<640x8xf32, #tpu.memory_space<hbm>>
      tpu.wait_dma2 semaphore(%run_scoped3A_91 : memref<!tpu.dma_semaphore, #tpu.memory_space<semaphore_mem>>) src(%dma_wait3A_99 : memref<640x8xf32, #tpu.memory_space<hbm>>) dst(%dma_wait3A_97 : memref<640x8xf32, #tpu.memory_space<vmem_shared>>)
      tpu.yield
    }) : () -> ()
    %mul3A_9 = arith.constant 640 : i32
    %mul3A_10 = arith.muli %arg1, %mul3A_9 : i32
    %add3A_11 = arith.constant 10240 : i32
    %add3A_12 = arith.addi %add3A_11, %mul3A_10 : i32
    "tpu.region"() ({
      %run_scoped3A_91 = tpu.sem_alloc : memref<!tpu.dma_semaphore, #tpu.memory_space<semaphore_mem>>
      %dma_start3A_92 = arith.constant 0 : i32
      %dma_start3A_93 = tpu.memref_slice %arg2[%add3A_12, %dma_start3A_92] : memref<20480x8xf32, #tpu.memory_space<hbm>> -> memref<640x8xf32, #tpu.memory_space<hbm>>
      %dma_start3A_94 = arith.constant 0 : i32
      %dma_start3A_95 = tpu.memref_slice %arg2[%add3A_12, %dma_start3A_94] : memref<20480x8xf32, #tpu.memory_space<hbm>> -> memref<640x8xf32, #tpu.memory_space<hbm>>
      tpu.enqueue_dma source(%dma_start3A_95 : memref<640x8xf32, #tpu.memory_space<hbm>>) target(%arg35 : memref<640x8xf32, #tpu.memory_space<vmem>>) target_semaphore(%run_scoped3A_91 : memref<!tpu.dma_semaphore, #tpu.memory_space<semaphore_mem>>)
      %dma_wait3A_96 = arith.constant 0 : i32
      %dma_wait3A_97 = tpu.memref_slice %arg2[%add3A_12, %dma_wait3A_96] : memref<20480x8xf32, #tpu.memory_space<hbm>> -> memref<640x8xf32, #tpu.memory_space<hbm>>
      %dma_wait3A_98 = arith.constant 0 : i32
      %dma_wait3A_99 = tpu.memref_slice %arg2[%add3A_12, %dma_wait3A_98] : memref<20480x8xf32, #tpu.memory_space<hbm>> -> memref<640x8xf32, #tpu.memory_space<hbm>>
      tpu.wait_dma2 semaphore(%run_scoped3A_91 : memref<!tpu.dma_semaphore, #tpu.memory_space<semaphore_mem>>) src(%dma_wait3A_99 : memref<640x8xf32, #tpu.memory_space<hbm>>) dst(%arg35 : memref<640x8xf32, #tpu.memory_space<vmem>>)
      tpu.yield
    }) : () -> ()
    "tpu.region"() ({
      %run_scoped3A_91 = tpu.sem_alloc : memref<!tpu.dma_semaphore, #tpu.memory_space<semaphore_mem>>
      %dma_start3A_92 = arith.constant 0 : i32
      %dma_start3A_93 = arith.constant 0 : i32
      %dma_start3A_94 = tpu.memref_slice %arg6[%arg1, %dma_start3A_92, %dma_start3A_93] : memref<16x5x128xi32, #tpu.memory_space<hbm>> -> memref<1x5x128xi32, #tpu.memory_space<hbm>>
      %dma_start3A_95 = tpu.memref_squeeze %dma_start3A_94 : memref<1x5x128xi32, #tpu.memory_space<hbm>> -> memref<5x128xi32, #tpu.memory_space<hbm>>
      %dma_start3A_96 = arith.constant 0 : i32
      %dma_start3A_97 = arith.constant 0 : i32
      %dma_start3A_98 = tpu.memref_slice %arg6[%arg1, %dma_start3A_96, %dma_start3A_97] : memref<16x5x128xi32, #tpu.memory_space<hbm>> -> memref<1x5x128xi32, #tpu.memory_space<hbm>>
      %dma_start3A_99 = tpu.memref_squeeze %dma_start3A_98 : memref<1x5x128xi32, #tpu.memory_space<hbm>> -> memref<5x128xi32, #tpu.memory_space<hbm>>
      tpu.enqueue_dma source(%dma_start3A_99 : memref<5x128xi32, #tpu.memory_space<hbm>>) target(%arg34 : memref<5x128xi32, #tpu.memory_space<vmem>>) target_semaphore(%run_scoped3A_91 : memref<!tpu.dma_semaphore, #tpu.memory_space<semaphore_mem>>)
      %dma_wait3A_100 = arith.constant 0 : i32
      %dma_wait3A_101 = arith.constant 0 : i32
      %dma_wait3A_102 = tpu.memref_slice %arg6[%arg1, %dma_wait3A_100, %dma_wait3A_101] : memref<16x5x128xi32, #tpu.memory_space<hbm>> -> memref<1x5x128xi32, #tpu.memory_space<hbm>>
      %dma_wait3A_103 = tpu.memref_squeeze %dma_wait3A_102 : memref<1x5x128xi32, #tpu.memory_space<hbm>> -> memref<5x128xi32, #tpu.memory_space<hbm>>
      %dma_wait3A_104 = arith.constant 0 : i32
      %dma_wait3A_105 = arith.constant 0 : i32
      %dma_wait3A_106 = tpu.memref_slice %arg6[%arg1, %dma_wait3A_104, %dma_wait3A_105] : memref<16x5x128xi32, #tpu.memory_space<hbm>> -> memref<1x5x128xi32, #tpu.memory_space<hbm>>
      %dma_wait3A_107 = tpu.memref_squeeze %dma_wait3A_106 : memref<1x5x128xi32, #tpu.memory_space<hbm>> -> memref<5x128xi32, #tpu.memory_space<hbm>>
      tpu.wait_dma2 semaphore(%run_scoped3A_91 : memref<!tpu.dma_semaphore, #tpu.memory_space<semaphore_mem>>) src(%dma_wait3A_107 : memref<5x128xi32, #tpu.memory_space<hbm>>) dst(%arg34 : memref<5x128xi32, #tpu.memory_space<vmem>>)
      tpu.yield
    }) : () -> ()
    "tpu.region"() ({
      %run_scoped3A_91 = tpu.sem_alloc : memref<!tpu.dma_semaphore, #tpu.memory_space<semaphore_mem>>
      %dma_start3A_92 = arith.constant 0 : i32
      %dma_start3A_93 = arith.constant 0 : i32
      %dma_start3A_94 = tpu.memref_slice %arg3[%add3A, %dma_start3A_92, %dma_start3A_93] : memref<32x80x128xi32, #tpu.memory_space<hbm>> -> memref<1x80x128xi32, #tpu.memory_space<hbm>>
      %dma_start3A_95 = tpu.memref_squeeze %dma_start3A_94 : memref<1x80x128xi32, #tpu.memory_space<hbm>> -> memref<80x128xi32, #tpu.memory_space<hbm>>
      %dma_start3A_96 = arith.constant 0 : i32
      %dma_start3A_97 = arith.constant 0 : i32
      %dma_start3A_98 = tpu.memref_slice %arg3[%add3A, %dma_start3A_96, %dma_start3A_97] : memref<32x80x128xi32, #tpu.memory_space<hbm>> -> memref<1x80x128xi32, #tpu.memory_space<hbm>>
      %dma_start3A_99 = tpu.memref_squeeze %dma_start3A_98 : memref<1x80x128xi32, #tpu.memory_space<hbm>> -> memref<80x128xi32, #tpu.memory_space<hbm>>
      tpu.enqueue_dma source(%dma_start3A_99 : memref<80x128xi32, #tpu.memory_space<hbm>>) target(%arg8 : memref<80x128xi32, #tpu.memory_space<vmem>>) target_semaphore(%run_scoped3A_91 : memref<!tpu.dma_semaphore, #tpu.memory_space<semaphore_mem>>)
      %dma_wait3A_100 = arith.constant 0 : i32
      %dma_wait3A_101 = arith.constant 0 : i32
      %dma_wait3A_102 = tpu.memref_slice %arg3[%add3A, %dma_wait3A_100, %dma_wait3A_101] : memref<32x80x128xi32, #tpu.memory_space<hbm>> -> memref<1x80x128xi32, #tpu.memory_space<hbm>>
      %dma_wait3A_103 = tpu.memref_squeeze %dma_wait3A_102 : memref<1x80x128xi32, #tpu.memory_space<hbm>> -> memref<80x128xi32, #tpu.memory_space<hbm>>
      %dma_wait3A_104 = arith.constant 0 : i32
      %dma_wait3A_105 = arith.constant 0 : i32
      %dma_wait3A_106 = tpu.memref_slice %arg3[%add3A, %dma_wait3A_104, %dma_wait3A_105] : memref<32x80x128xi32, #tpu.memory_space<hbm>> -> memref<1x80x128xi32, #tpu.memory_space<hbm>>
      %dma_wait3A_107 = tpu.memref_squeeze %dma_wait3A_106 : memref<1x80x128xi32, #tpu.memory_space<hbm>> -> memref<80x128xi32, #tpu.memory_space<hbm>>
      tpu.wait_dma2 semaphore(%run_scoped3A_91 : memref<!tpu.dma_semaphore, #tpu.memory_space<semaphore_mem>>) src(%dma_wait3A_107 : memref<80x128xi32, #tpu.memory_space<hbm>>) dst(%arg8 : memref<80x128xi32, #tpu.memory_space<vmem>>)
      tpu.yield
    }) : () -> ()
    "tpu.region"() ({
      %run_scoped3A_91 = tpu.sem_alloc : memref<!tpu.dma_semaphore, #tpu.memory_space<semaphore_mem>>
      %dma_start3A_92 = arith.constant 0 : i32
      %dma_start3A_93 = arith.constant 0 : i32
      %dma_start3A_94 = tpu.memref_slice %arg4[%add3A, %dma_start3A_92, %dma_start3A_93] : memref<32x80x128xi32, #tpu.memory_space<hbm>> -> memref<1x80x128xi32, #tpu.memory_space<hbm>>
      %dma_start3A_95 = tpu.memref_squeeze %dma_start3A_94 : memref<1x80x128xi32, #tpu.memory_space<hbm>> -> memref<80x128xi32, #tpu.memory_space<hbm>>
      %dma_start3A_96 = arith.constant 0 : i32
      %dma_start3A_97 = arith.constant 0 : i32
      %dma_start3A_98 = tpu.memref_slice %arg4[%add3A, %dma_start3A_96, %dma_start3A_97] : memref<32x80x128xi32, #tpu.memory_space<hbm>> -> memref<1x80x128xi32, #tpu.memory_space<hbm>>
      %dma_start3A_99 = tpu.memref_squeeze %dma_start3A_98 : memref<1x80x128xi32, #tpu.memory_space<hbm>> -> memref<80x128xi32, #tpu.memory_space<hbm>>
      tpu.enqueue_dma source(%dma_start3A_99 : memref<80x128xi32, #tpu.memory_space<hbm>>) target(%arg9 : memref<80x128xi32, #tpu.memory_space<vmem>>) target_semaphore(%run_scoped3A_91 : memref<!tpu.dma_semaphore, #tpu.memory_space<semaphore_mem>>)
      %dma_wait3A_100 = arith.constant 0 : i32
      %dma_wait3A_101 = arith.constant 0 : i32
      %dma_wait3A_102 = tpu.memref_slice %arg4[%add3A, %dma_wait3A_100, %dma_wait3A_101] : memref<32x80x128xi32, #tpu.memory_space<hbm>> -> memref<1x80x128xi32, #tpu.memory_space<hbm>>
      %dma_wait3A_103 = tpu.memref_squeeze %dma_wait3A_102 : memref<1x80x128xi32, #tpu.memory_space<hbm>> -> memref<80x128xi32, #tpu.memory_space<hbm>>
      %dma_wait3A_104 = arith.constant 0 : i32
      %dma_wait3A_105 = arith.constant 0 : i32
      %dma_wait3A_106 = tpu.memref_slice %arg4[%add3A, %dma_wait3A_104, %dma_wait3A_105] : memref<32x80x128xi32, #tpu.memory_space<hbm>> -> memref<1x80x128xi32, #tpu.memory_space<hbm>>
      %dma_wait3A_107 = tpu.memref_squeeze %dma_wait3A_106 : memref<1x80x128xi32, #tpu.memory_space<hbm>> -> memref<80x128xi32, #tpu.memory_space<hbm>>
      tpu.wait_dma2 semaphore(%run_scoped3A_91 : memref<!tpu.dma_semaphore, #tpu.memory_space<semaphore_mem>>) src(%dma_wait3A_107 : memref<80x128xi32, #tpu.memory_space<hbm>>) dst(%arg9 : memref<80x128xi32, #tpu.memory_space<vmem>>)
      tpu.yield
    }) : () -> ()
    %run_scoped3A = arith.constant 0 : i32
    "tpu.region"() ({
      %run_scoped3A_91 = tpu.sem_alloc : memref<!tpu.dma_semaphore, #tpu.memory_space<semaphore_mem>>
      %dma_start3A_92 = arith.constant 0 : i32
      %dma_start3A_93 = arith.constant 0 : i32
      %dma_start3A_94 = tpu.memref_slice %arg35[%dma_start3A_92, %dma_start3A_93] : memref<640x8xf32, #tpu.memory_space<vmem>> -> memref<128x8xf32, #tpu.memory_space<vmem>>
      %dma_start3A_95 = arith.constant 0 : i32
      %dma_start3A_96 = tpu.memref_slice %arg34[%run_scoped3A, %dma_start3A_95] : memref<5x128xi32, #tpu.memory_space<vmem>> -> memref<1x128xi32, #tpu.memory_space<vmem>>
      %dma_start3A_97 = tpu.memref_squeeze %dma_start3A_96 : memref<1x128xi32, #tpu.memory_space<vmem>> -> memref<128xi32, #tpu.memory_space<vmem>>
      %dma_start3A_98 = arith.constant 0 : i32
      %dma_start3A_99 = arith.constant 0 : i32
      %dma_start3A_100 = tpu.memref_slice %arg36[%dma_start3A_98, %dma_start3A_99] : memref<10240x8xf32, #tpu.memory_space<vmem_shared>> -> memref<10240x8xf32, #tpu.memory_space<vmem_shared>>
      tpu.enqueue_indirect_dma source(%dma_start3A_94 : memref<128x8xf32, #tpu.memory_space<vmem>>) target(%dma_start3A_100 : memref<10240x8xf32, #tpu.memory_space<vmem_shared>>) offsets(%dma_start3A_97 : memref<128xi32, #tpu.memory_space<vmem>>) semaphore(%run_scoped3A_91 : memref<!tpu.dma_semaphore, #tpu.memory_space<semaphore_mem>>) {add = true}
      %dma_wait3A_101 = arith.constant 0 : i32
      %dma_wait3A_102 = arith.constant 0 : i32
      %dma_wait3A_103 = tpu.memref_slice %arg35[%dma_wait3A_101, %dma_wait3A_102] : memref<640x8xf32, #tpu.memory_space<vmem>> -> memref<128x8xf32, #tpu.memory_space<vmem>>
      %dma_wait3A_104 = arith.constant 0 : i32
      %dma_wait3A_105 = tpu.memref_slice %arg34[%run_scoped3A, %dma_wait3A_104] : memref<5x128xi32, #tpu.memory_space<vmem>> -> memref<1x128xi32, #tpu.memory_space<vmem>>
      %dma_wait3A_106 = tpu.memref_squeeze %dma_wait3A_105 : memref<1x128xi32, #tpu.memory_space<vmem>> -> memref<128xi32, #tpu.memory_space<vmem>>
      %dma_wait3A_107 = arith.constant 0 : i32
      %dma_wait3A_108 = arith.constant 0 : i32
      %dma_wait3A_109 = tpu.memref_slice %arg36[%dma_wait3A_107, %dma_wait3A_108] : memref<10240x8xf32, #tpu.memory_space<vmem_shared>> -> memref<10240x8xf32, #tpu.memory_space<vmem_shared>>
      tpu.wait_indirect_dma semaphore(%run_scoped3A_91 : memref<!tpu.dma_semaphore, #tpu.memory_space<semaphore_mem>>) src(%dma_wait3A_103 : memref<128x8xf32, #tpu.memory_space<vmem>>) dst(%dma_wait3A_109 : memref<10240x8xf32, #tpu.memory_space<vmem_shared>>)
      tpu.yield
    }) : () -> ()
    %run_scoped3A_13 = arith.constant 1 : i32
    "tpu.region"() ({
      %run_scoped3A_91 = tpu.sem_alloc : memref<!tpu.dma_semaphore, #tpu.memory_space<semaphore_mem>>
      %dma_start3A_92 = arith.constant 128 : i32
      %dma_start3A_93 = arith.constant 0 : i32
      %dma_start3A_94 = tpu.memref_slice %arg35[%dma_start3A_92, %dma_start3A_93] : memref<640x8xf32, #tpu.memory_space<vmem>> -> memref<128x8xf32, #tpu.memory_space<vmem>>
      %dma_start3A_95 = arith.constant 0 : i32
      %dma_start3A_96 = tpu.memref_slice %arg34[%run_scoped3A_13, %dma_start3A_95] : memref<5x128xi32, #tpu.memory_space<vmem>> -> memref<1x128xi32, #tpu.memory_space<vmem>>
      %dma_start3A_97 = tpu.memref_squeeze %dma_start3A_96 : memref<1x128xi32, #tpu.memory_space<vmem>> -> memref<128xi32, #tpu.memory_space<vmem>>
      %dma_start3A_98 = arith.constant 0 : i32
      %dma_start3A_99 = arith.constant 0 : i32
      %dma_start3A_100 = tpu.memref_slice %arg36[%dma_start3A_98, %dma_start3A_99] : memref<10240x8xf32, #tpu.memory_space<vmem_shared>> -> memref<10240x8xf32, #tpu.memory_space<vmem_shared>>
      tpu.enqueue_indirect_dma source(%dma_start3A_94 : memref<128x8xf32, #tpu.memory_space<vmem>>) target(%dma_start3A_100 : memref<10240x8xf32, #tpu.memory_space<vmem_shared>>) offsets(%dma_start3A_97 : memref<128xi32, #tpu.memory_space<vmem>>) semaphore(%run_scoped3A_91 : memref<!tpu.dma_semaphore, #tpu.memory_space<semaphore_mem>>) {add = true}
      %dma_wait3A_101 = arith.constant 128 : i32
      %dma_wait3A_102 = arith.constant 0 : i32
      %dma_wait3A_103 = tpu.memref_slice %arg35[%dma_wait3A_101, %dma_wait3A_102] : memref<640x8xf32, #tpu.memory_space<vmem>> -> memref<128x8xf32, #tpu.memory_space<vmem>>
      %dma_wait3A_104 = arith.constant 0 : i32
      %dma_wait3A_105 = tpu.memref_slice %arg34[%run_scoped3A_13, %dma_wait3A_104] : memref<5x128xi32, #tpu.memory_space<vmem>> -> memref<1x128xi32, #tpu.memory_space<vmem>>
      %dma_wait3A_106 = tpu.memref_squeeze %dma_wait3A_105 : memref<1x128xi32, #tpu.memory_space<vmem>> -> memref<128xi32, #tpu.memory_space<vmem>>
      %dma_wait3A_107 = arith.constant 0 : i32
      %dma_wait3A_108 = arith.constant 0 : i32
      %dma_wait3A_109 = tpu.memref_slice %arg36[%dma_wait3A_107, %dma_wait3A_108] : memref<10240x8xf32, #tpu.memory_space<vmem_shared>> -> memref<10240x8xf32, #tpu.memory_space<vmem_shared>>
      tpu.wait_indirect_dma semaphore(%run_scoped3A_91 : memref<!tpu.dma_semaphore, #tpu.memory_space<semaphore_mem>>) src(%dma_wait3A_103 : memref<128x8xf32, #tpu.memory_space<vmem>>) dst(%dma_wait3A_109 : memref<10240x8xf32, #tpu.memory_space<vmem_shared>>)
      tpu.yield
    }) : () -> ()
    %run_scoped3A_14 = arith.constant 2 : i32
    "tpu.region"() ({
      %run_scoped3A_91 = tpu.sem_alloc : memref<!tpu.dma_semaphore, #tpu.memory_space<semaphore_mem>>
      %dma_start3A_92 = arith.constant 256 : i32
      %dma_start3A_93 = arith.constant 0 : i32
      %dma_start3A_94 = tpu.memref_slice %arg35[%dma_start3A_92, %dma_start3A_93] : memref<640x8xf32, #tpu.memory_space<vmem>> -> memref<128x8xf32, #tpu.memory_space<vmem>>
      %dma_start3A_95 = arith.constant 0 : i32
      %dma_start3A_96 = tpu.memref_slice %arg34[%run_scoped3A_14, %dma_start3A_95] : memref<5x128xi32, #tpu.memory_space<vmem>> -> memref<1x128xi32, #tpu.memory_space<vmem>>
      %dma_start3A_97 = tpu.memref_squeeze %dma_start3A_96 : memref<1x128xi32, #tpu.memory_space<vmem>> -> memref<128xi32, #tpu.memory_space<vmem>>
      %dma_start3A_98 = arith.constant 0 : i32
      %dma_start3A_99 = arith.constant 0 : i32
      %dma_start3A_100 = tpu.memref_slice %arg36[%dma_start3A_98, %dma_start3A_99] : memref<10240x8xf32, #tpu.memory_space<vmem_shared>> -> memref<10240x8xf32, #tpu.memory_space<vmem_shared>>
      tpu.enqueue_indirect_dma source(%dma_start3A_94 : memref<128x8xf32, #tpu.memory_space<vmem>>) target(%dma_start3A_100 : memref<10240x8xf32, #tpu.memory_space<vmem_shared>>) offsets(%dma_start3A_97 : memref<128xi32, #tpu.memory_space<vmem>>) semaphore(%run_scoped3A_91 : memref<!tpu.dma_semaphore, #tpu.memory_space<semaphore_mem>>) {add = true}
      %dma_wait3A_101 = arith.constant 256 : i32
      %dma_wait3A_102 = arith.constant 0 : i32
      %dma_wait3A_103 = tpu.memref_slice %arg35[%dma_wait3A_101, %dma_wait3A_102] : memref<640x8xf32, #tpu.memory_space<vmem>> -> memref<128x8xf32, #tpu.memory_space<vmem>>
      %dma_wait3A_104 = arith.constant 0 : i32
      %dma_wait3A_105 = tpu.memref_slice %arg34[%run_scoped3A_14, %dma_wait3A_104] : memref<5x128xi32, #tpu.memory_space<vmem>> -> memref<1x128xi32, #tpu.memory_space<vmem>>
      %dma_wait3A_106 = tpu.memref_squeeze %dma_wait3A_105 : memref<1x128xi32, #tpu.memory_space<vmem>> -> memref<128xi32, #tpu.memory_space<vmem>>
      %dma_wait3A_107 = arith.constant 0 : i32
      %dma_wait3A_108 = arith.constant 0 : i32
      %dma_wait3A_109 = tpu.memref_slice %arg36[%dma_wait3A_107, %dma_wait3A_108] : memref<10240x8xf32, #tpu.memory_space<vmem_shared>> -> memref<10240x8xf32, #tpu.memory_space<vmem_shared>>
      tpu.wait_indirect_dma semaphore(%run_scoped3A_91 : memref<!tpu.dma_semaphore, #tpu.memory_space<semaphore_mem>>) src(%dma_wait3A_103 : memref<128x8xf32, #tpu.memory_space<vmem>>) dst(%dma_wait3A_109 : memref<10240x8xf32, #tpu.memory_space<vmem_shared>>)
      tpu.yield
    }) : () -> ()
    %run_scoped3A_15 = arith.constant 3 : i32
    "tpu.region"() ({
      %run_scoped3A_91 = tpu.sem_alloc : memref<!tpu.dma_semaphore, #tpu.memory_space<semaphore_mem>>
      %dma_start3A_92 = arith.constant 384 : i32
      %dma_start3A_93 = arith.constant 0 : i32
      %dma_start3A_94 = tpu.memref_slice %arg35[%dma_start3A_92, %dma_start3A_93] : memref<640x8xf32, #tpu.memory_space<vmem>> -> memref<128x8xf32, #tpu.memory_space<vmem>>
      %dma_start3A_95 = arith.constant 0 : i32
      %dma_start3A_96 = tpu.memref_slice %arg34[%run_scoped3A_15, %dma_start3A_95] : memref<5x128xi32, #tpu.memory_space<vmem>> -> memref<1x128xi32, #tpu.memory_space<vmem>>
      %dma_start3A_97 = tpu.memref_squeeze %dma_start3A_96 : memref<1x128xi32, #tpu.memory_space<vmem>> -> memref<128xi32, #tpu.memory_space<vmem>>
      %dma_start3A_98 = arith.constant 0 : i32
      %dma_start3A_99 = arith.constant 0 : i32
      %dma_start3A_100 = tpu.memref_slice %arg36[%dma_start3A_98, %dma_start3A_99] : memref<10240x8xf32, #tpu.memory_space<vmem_shared>> -> memref<10240x8xf32, #tpu.memory_space<vmem_shared>>
      tpu.enqueue_indirect_dma source(%dma_start3A_94 : memref<128x8xf32, #tpu.memory_space<vmem>>) target(%dma_start3A_100 : memref<10240x8xf32, #tpu.memory_space<vmem_shared>>) offsets(%dma_start3A_97 : memref<128xi32, #tpu.memory_space<vmem>>) semaphore(%run_scoped3A_91 : memref<!tpu.dma_semaphore, #tpu.memory_space<semaphore_mem>>) {add = true}
      %dma_wait3A_101 = arith.constant 384 : i32
      %dma_wait3A_102 = arith.constant 0 : i32
      %dma_wait3A_103 = tpu.memref_slice %arg35[%dma_wait3A_101, %dma_wait3A_102] : memref<640x8xf32, #tpu.memory_space<vmem>> -> memref<128x8xf32, #tpu.memory_space<vmem>>
      %dma_wait3A_104 = arith.constant 0 : i32
      %dma_wait3A_105 = tpu.memref_slice %arg34[%run_scoped3A_15, %dma_wait3A_104] : memref<5x128xi32, #tpu.memory_space<vmem>> -> memref<1x128xi32, #tpu.memory_space<vmem>>
      %dma_wait3A_106 = tpu.memref_squeeze %dma_wait3A_105 : memref<1x128xi32, #tpu.memory_space<vmem>> -> memref<128xi32, #tpu.memory_space<vmem>>
      %dma_wait3A_107 = arith.constant 0 : i32
      %dma_wait3A_108 = arith.constant 0 : i32
      %dma_wait3A_109 = tpu.memref_slice %arg36[%dma_wait3A_107, %dma_wait3A_108] : memref<10240x8xf32, #tpu.memory_space<vmem_shared>> -> memref<10240x8xf32, #tpu.memory_space<vmem_shared>>
      tpu.wait_indirect_dma semaphore(%run_scoped3A_91 : memref<!tpu.dma_semaphore, #tpu.memory_space<semaphore_mem>>) src(%dma_wait3A_103 : memref<128x8xf32, #tpu.memory_space<vmem>>) dst(%dma_wait3A_109 : memref<10240x8xf32, #tpu.memory_space<vmem_shared>>)
      tpu.yield
    }) : () -> ()
    %run_scoped3A_16 = arith.constant 4 : i32
    "tpu.region"() ({
      %run_scoped3A_91 = tpu.sem_alloc : memref<!tpu.dma_semaphore, #tpu.memory_space<semaphore_mem>>
      %dma_start3A_92 = arith.constant 512 : i32
      %dma_start3A_93 = arith.constant 0 : i32
      %dma_start3A_94 = tpu.memref_slice %arg35[%dma_start3A_92, %dma_start3A_93] : memref<640x8xf32, #tpu.memory_space<vmem>> -> memref<128x8xf32, #tpu.memory_space<vmem>>
      %dma_start3A_95 = arith.constant 0 : i32
      %dma_start3A_96 = tpu.memref_slice %arg34[%run_scoped3A_16, %dma_start3A_95] : memref<5x128xi32, #tpu.memory_space<vmem>> -> memref<1x128xi32, #tpu.memory_space<vmem>>
      %dma_start3A_97 = tpu.memref_squeeze %dma_start3A_96 : memref<1x128xi32, #tpu.memory_space<vmem>> -> memref<128xi32, #tpu.memory_space<vmem>>
      %dma_start3A_98 = arith.constant 0 : i32
      %dma_start3A_99 = arith.constant 0 : i32
      %dma_start3A_100 = tpu.memref_slice %arg36[%dma_start3A_98, %dma_start3A_99] : memref<10240x8xf32, #tpu.memory_space<vmem_shared>> -> memref<10240x8xf32, #tpu.memory_space<vmem_shared>>
      tpu.enqueue_indirect_dma source(%dma_start3A_94 : memref<128x8xf32, #tpu.memory_space<vmem>>) target(%dma_start3A_100 : memref<10240x8xf32, #tpu.memory_space<vmem_shared>>) offsets(%dma_start3A_97 : memref<128xi32, #tpu.memory_space<vmem>>) semaphore(%run_scoped3A_91 : memref<!tpu.dma_semaphore, #tpu.memory_space<semaphore_mem>>) {add = true}
      %dma_wait3A_101 = arith.constant 512 : i32
      %dma_wait3A_102 = arith.constant 0 : i32
      %dma_wait3A_103 = tpu.memref_slice %arg35[%dma_wait3A_101, %dma_wait3A_102] : memref<640x8xf32, #tpu.memory_space<vmem>> -> memref<128x8xf32, #tpu.memory_space<vmem>>
      %dma_wait3A_104 = arith.constant 0 : i32
      %dma_wait3A_105 = tpu.memref_slice %arg34[%run_scoped3A_16, %dma_wait3A_104] : memref<5x128xi32, #tpu.memory_space<vmem>> -> memref<1x128xi32, #tpu.memory_space<vmem>>
      %dma_wait3A_106 = tpu.memref_squeeze %dma_wait3A_105 : memref<1x128xi32, #tpu.memory_space<vmem>> -> memref<128xi32, #tpu.memory_space<vmem>>
      %dma_wait3A_107 = arith.constant 0 : i32
      %dma_wait3A_108 = arith.constant 0 : i32
      %dma_wait3A_109 = tpu.memref_slice %arg36[%dma_wait3A_107, %dma_wait3A_108] : memref<10240x8xf32, #tpu.memory_space<vmem_shared>> -> memref<10240x8xf32, #tpu.memory_space<vmem_shared>>
      tpu.wait_indirect_dma semaphore(%run_scoped3A_91 : memref<!tpu.dma_semaphore, #tpu.memory_space<semaphore_mem>>) src(%dma_wait3A_103 : memref<128x8xf32, #tpu.memory_space<vmem>>) dst(%dma_wait3A_109 : memref<10240x8xf32, #tpu.memory_space<vmem_shared>>)
      tpu.yield
    }) : () -> ()
    %barrier3A = arith.constant 0 : index
    tpu.barrier barrier_id(%barrier3A)
    %dma_start3A = arith.constant 0 : i32
    %dma_start3A_17 = arith.constant 0 : i32
    %dma_start3A_18 = tpu.memref_slice %arg8[%dma_start3A, %dma_start3A_17] : memref<80x128xi32, #tpu.memory_space<vmem>> -> memref<1x128xi32, #tpu.memory_space<vmem>>
    %dma_start3A_19 = tpu.memref_squeeze %dma_start3A_18 : memref<1x128xi32, #tpu.memory_space<vmem>> -> memref<128xi32, #tpu.memory_space<vmem>>
    %dma_start3A_20 = arith.constant 0 : i32
    %dma_start3A_21 = arith.constant 0 : i32
    %dma_start3A_22 = tpu.memref_slice %arg36[%dma_start3A_20, %dma_start3A_21] : memref<10240x8xf32, #tpu.memory_space<vmem_shared>> -> memref<10240x8xf32, #tpu.memory_space<vmem_shared>>
    tpu.enqueue_indirect_dma source(%dma_start3A_22 : memref<10240x8xf32, #tpu.memory_space<vmem_shared>>) target(%arg10 : memref<128x8xf32, #tpu.memory_space<vmem>>) offsets(%dma_start3A_19 : memref<128xi32, #tpu.memory_space<vmem>>) semaphore(%arg18 : memref<!tpu.dma_semaphore, #tpu.memory_space<semaphore_mem>>)
    %dma_start3A_23 = arith.constant 1 : i32
    %dma_start3A_24 = arith.constant 0 : i32
    %dma_start3A_25 = tpu.memref_slice %arg8[%dma_start3A_23, %dma_start3A_24] : memref<80x128xi32, #tpu.memory_space<vmem>> -> memref<1x128xi32, #tpu.memory_space<vmem>>
    %dma_start3A_26 = tpu.memref_squeeze %dma_start3A_25 : memref<1x128xi32, #tpu.memory_space<vmem>> -> memref<128xi32, #tpu.memory_space<vmem>>
    %dma_start3A_27 = arith.constant 0 : i32
    %dma_start3A_28 = arith.constant 0 : i32
    %dma_start3A_29 = tpu.memref_slice %arg36[%dma_start3A_27, %dma_start3A_28] : memref<10240x8xf32, #tpu.memory_space<vmem_shared>> -> memref<10240x8xf32, #tpu.memory_space<vmem_shared>>
    tpu.enqueue_indirect_dma source(%dma_start3A_29 : memref<10240x8xf32, #tpu.memory_space<vmem_shared>>) target(%arg11 : memref<128x8xf32, #tpu.memory_space<vmem>>) offsets(%dma_start3A_26 : memref<128xi32, #tpu.memory_space<vmem>>) semaphore(%arg19 : memref<!tpu.dma_semaphore, #tpu.memory_space<semaphore_mem>>)
    %dma_start3A_30 = arith.constant 2 : i32
    %dma_start3A_31 = arith.constant 0 : i32
    %dma_start3A_32 = tpu.memref_slice %arg8[%dma_start3A_30, %dma_start3A_31] : memref<80x128xi32, #tpu.memory_space<vmem>> -> memref<1x128xi32, #tpu.memory_space<vmem>>
    %dma_start3A_33 = tpu.memref_squeeze %dma_start3A_32 : memref<1x128xi32, #tpu.memory_space<vmem>> -> memref<128xi32, #tpu.memory_space<vmem>>
    %dma_start3A_34 = arith.constant 0 : i32
    %dma_start3A_35 = arith.constant 0 : i32
    %dma_start3A_36 = tpu.memref_slice %arg36[%dma_start3A_34, %dma_start3A_35] : memref<10240x8xf32, #tpu.memory_space<vmem_shared>> -> memref<10240x8xf32, #tpu.memory_space<vmem_shared>>
    tpu.enqueue_indirect_dma source(%dma_start3A_36 : memref<10240x8xf32, #tpu.memory_space<vmem_shared>>) target(%arg12 : memref<128x8xf32, #tpu.memory_space<vmem>>) offsets(%dma_start3A_33 : memref<128xi32, #tpu.memory_space<vmem>>) semaphore(%arg20 : memref<!tpu.dma_semaphore, #tpu.memory_space<semaphore_mem>>)
    %dma_start3A_37 = arith.constant 3 : i32
    %dma_start3A_38 = arith.constant 0 : i32
    %dma_start3A_39 = tpu.memref_slice %arg8[%dma_start3A_37, %dma_start3A_38] : memref<80x128xi32, #tpu.memory_space<vmem>> -> memref<1x128xi32, #tpu.memory_space<vmem>>
    %dma_start3A_40 = tpu.memref_squeeze %dma_start3A_39 : memref<1x128xi32, #tpu.memory_space<vmem>> -> memref<128xi32, #tpu.memory_space<vmem>>
    %dma_start3A_41 = arith.constant 0 : i32
    %dma_start3A_42 = arith.constant 0 : i32
    %dma_start3A_43 = tpu.memref_slice %arg36[%dma_start3A_41, %dma_start3A_42] : memref<10240x8xf32, #tpu.memory_space<vmem_shared>> -> memref<10240x8xf32, #tpu.memory_space<vmem_shared>>
    tpu.enqueue_indirect_dma source(%dma_start3A_43 : memref<10240x8xf32, #tpu.memory_space<vmem_shared>>) target(%arg13 : memref<128x8xf32, #tpu.memory_space<vmem>>) offsets(%dma_start3A_40 : memref<128xi32, #tpu.memory_space<vmem>>) semaphore(%arg21 : memref<!tpu.dma_semaphore, #tpu.memory_space<semaphore_mem>>)
    %dma_start3A_44 = arith.constant 4 : i32
    %dma_start3A_45 = arith.constant 0 : i32
    %dma_start3A_46 = tpu.memref_slice %arg8[%dma_start3A_44, %dma_start3A_45] : memref<80x128xi32, #tpu.memory_space<vmem>> -> memref<1x128xi32, #tpu.memory_space<vmem>>
    %dma_start3A_47 = tpu.memref_squeeze %dma_start3A_46 : memref<1x128xi32, #tpu.memory_space<vmem>> -> memref<128xi32, #tpu.memory_space<vmem>>
    %dma_start3A_48 = arith.constant 0 : i32
    %dma_start3A_49 = arith.constant 0 : i32
    %dma_start3A_50 = tpu.memref_slice %arg36[%dma_start3A_48, %dma_start3A_49] : memref<10240x8xf32, #tpu.memory_space<vmem_shared>> -> memref<10240x8xf32, #tpu.memory_space<vmem_shared>>
    tpu.enqueue_indirect_dma source(%dma_start3A_50 : memref<10240x8xf32, #tpu.memory_space<vmem_shared>>) target(%arg14 : memref<128x8xf32, #tpu.memory_space<vmem>>) offsets(%dma_start3A_47 : memref<128xi32, #tpu.memory_space<vmem>>) semaphore(%arg22 : memref<!tpu.dma_semaphore, #tpu.memory_space<semaphore_mem>>)
    %dma_start3A_51 = arith.constant 5 : i32
    %dma_start3A_52 = arith.constant 0 : i32
    %dma_start3A_53 = tpu.memref_slice %arg8[%dma_start3A_51, %dma_start3A_52] : memref<80x128xi32, #tpu.memory_space<vmem>> -> memref<1x128xi32, #tpu.memory_space<vmem>>
    %dma_start3A_54 = tpu.memref_squeeze %dma_start3A_53 : memref<1x128xi32, #tpu.memory_space<vmem>> -> memref<128xi32, #tpu.memory_space<vmem>>
    %dma_start3A_55 = arith.constant 0 : i32
    %dma_start3A_56 = arith.constant 0 : i32
    %dma_start3A_57 = tpu.memref_slice %arg36[%dma_start3A_55, %dma_start3A_56] : memref<10240x8xf32, #tpu.memory_space<vmem_shared>> -> memref<10240x8xf32, #tpu.memory_space<vmem_shared>>
    tpu.enqueue_indirect_dma source(%dma_start3A_57 : memref<10240x8xf32, #tpu.memory_space<vmem_shared>>) target(%arg15 : memref<128x8xf32, #tpu.memory_space<vmem>>) offsets(%dma_start3A_54 : memref<128xi32, #tpu.memory_space<vmem>>) semaphore(%arg23 : memref<!tpu.dma_semaphore, #tpu.memory_space<semaphore_mem>>)
    %dma_start3A_58 = arith.constant 6 : i32
    %dma_start3A_59 = arith.constant 0 : i32
    %dma_start3A_60 = tpu.memref_slice %arg8[%dma_start3A_58, %dma_start3A_59] : memref<80x128xi32, #tpu.memory_space<vmem>> -> memref<1x128xi32, #tpu.memory_space<vmem>>
    %dma_start3A_61 = tpu.memref_squeeze %dma_start3A_60 : memref<1x128xi32, #tpu.memory_space<vmem>> -> memref<128xi32, #tpu.memory_space<vmem>>
    %dma_start3A_62 = arith.constant 0 : i32
    %dma_start3A_63 = arith.constant 0 : i32
    %dma_start3A_64 = tpu.memref_slice %arg36[%dma_start3A_62, %dma_start3A_63] : memref<10240x8xf32, #tpu.memory_space<vmem_shared>> -> memref<10240x8xf32, #tpu.memory_space<vmem_shared>>
    tpu.enqueue_indirect_dma source(%dma_start3A_64 : memref<10240x8xf32, #tpu.memory_space<vmem_shared>>) target(%arg16 : memref<128x8xf32, #tpu.memory_space<vmem>>) offsets(%dma_start3A_61 : memref<128xi32, #tpu.memory_space<vmem>>) semaphore(%arg24 : memref<!tpu.dma_semaphore, #tpu.memory_space<semaphore_mem>>)
    %dma_start3A_65 = arith.constant 7 : i32
    %dma_start3A_66 = arith.constant 0 : i32
    %dma_start3A_67 = tpu.memref_slice %arg8[%dma_start3A_65, %dma_start3A_66] : memref<80x128xi32, #tpu.memory_space<vmem>> -> memref<1x128xi32, #tpu.memory_space<vmem>>
    %dma_start3A_68 = tpu.memref_squeeze %dma_start3A_67 : memref<1x128xi32, #tpu.memory_space<vmem>> -> memref<128xi32, #tpu.memory_space<vmem>>
    %dma_start3A_69 = arith.constant 0 : i32
    %dma_start3A_70 = arith.constant 0 : i32
    %dma_start3A_71 = tpu.memref_slice %arg36[%dma_start3A_69, %dma_start3A_70] : memref<10240x8xf32, #tpu.memory_space<vmem_shared>> -> memref<10240x8xf32, #tpu.memory_space<vmem_shared>>
    tpu.enqueue_indirect_dma source(%dma_start3A_71 : memref<10240x8xf32, #tpu.memory_space<vmem_shared>>) target(%arg17 : memref<128x8xf32, #tpu.memory_space<vmem>>) offsets(%dma_start3A_68 : memref<128xi32, #tpu.memory_space<vmem>>) semaphore(%arg25 : memref<!tpu.dma_semaphore, #tpu.memory_space<semaphore_mem>>)
    %scan3A = arith.constant 0 : i32
    %scan3A_72 = arith.constant 0 : i32
    %scan3A_73 = arith.constant 10 : i32
    %scan3A_74 = arith.addi %scan3A_72, %scan3A_73 : i32
    %scan3A_75 = arith.constant 1 : i32
    scf.for %scan3A_91 = %scan3A_72 to %scan3A_74 step %scan3A_75  : i32 {
      %mul3A_92 = arith.constant 8 : i32
      %mul3A_93 = arith.muli %scan3A_91, %mul3A_92 : i32
      %add3A_94 = arith.constant 0 : i32
      %add3A_95 = arith.addi %mul3A_93, %add3A_94 : i32
      %dma_wait3A_96 = arith.constant 0 : i32
      %dma_wait3A_97 = tpu.memref_slice %arg8[%add3A_95, %dma_wait3A_96] : memref<80x128xi32, #tpu.memory_space<vmem>> -> memref<1x128xi32, #tpu.memory_space<vmem>>
      %dma_wait3A_98 = tpu.memref_squeeze %dma_wait3A_97 : memref<1x128xi32, #tpu.memory_space<vmem>> -> memref<128xi32, #tpu.memory_space<vmem>>
      %dma_wait3A_99 = arith.constant 0 : i32
      %dma_wait3A_100 = arith.constant 0 : i32
      %dma_wait3A_101 = tpu.memref_slice %arg36[%dma_wait3A_99, %dma_wait3A_100] : memref<10240x8xf32, #tpu.memory_space<vmem_shared>> -> memref<10240x8xf32, #tpu.memory_space<vmem_shared>>
      tpu.wait_indirect_dma semaphore(%arg18 : memref<!tpu.dma_semaphore, #tpu.memory_space<semaphore_mem>>) src(%dma_wait3A_101 : memref<10240x8xf32, #tpu.memory_space<vmem_shared>>) dst(%arg10 : memref<128x8xf32, #tpu.memory_space<vmem>>)
      %dma_start3A_102 = arith.constant 0 : i32
      %dma_start3A_103 = tpu.memref_slice %arg9[%add3A_95, %dma_start3A_102] : memref<80x128xi32, #tpu.memory_space<vmem>> -> memref<1x128xi32, #tpu.memory_space<vmem>>
      %dma_start3A_104 = tpu.memref_squeeze %dma_start3A_103 : memref<1x128xi32, #tpu.memory_space<vmem>> -> memref<128xi32, #tpu.memory_space<vmem>>
      %dma_start3A_105 = arith.constant 0 : i32
      %dma_start3A_106 = arith.constant 0 : i32
      %dma_start3A_107 = tpu.memref_slice %arg37[%dma_start3A_105, %dma_start3A_106] : memref<10240x8xf32, #tpu.memory_space<vmem_shared>> -> memref<10240x8xf32, #tpu.memory_space<vmem_shared>>
      tpu.enqueue_indirect_dma source(%arg10 : memref<128x8xf32, #tpu.memory_space<vmem>>) target(%dma_start3A_107 : memref<10240x8xf32, #tpu.memory_space<vmem_shared>>) offsets(%dma_start3A_104 : memref<128xi32, #tpu.memory_space<vmem>>) semaphore(%arg26 : memref<!tpu.dma_semaphore, #tpu.memory_space<semaphore_mem>>) {add = true}
      %gt3A = arith.constant 0 : i32
      %gt3A_108 = arith.cmpi sgt, %add3A_95, %gt3A : i32
      %convert_element_type3A = arith.extui %gt3A_108 : i1 to i32
      %cond3A = arith.constant 0 : i32
      %cond3A_109 = arith.cmpi ne, %convert_element_type3A, %cond3A : i32
      scf.if %cond3A_109 {
        %sub3A = arith.constant 1 : i32
        %sub3A_257 = arith.subi %add3A_95, %sub3A : i32
        %dma_wait3A_258 = arith.constant 0 : i32
        %dma_wait3A_259 = tpu.memref_slice %arg9[%sub3A_257, %dma_wait3A_258] : memref<80x128xi32, #tpu.memory_space<vmem>> -> memref<1x128xi32, #tpu.memory_space<vmem>>
        %dma_wait3A_260 = tpu.memref_squeeze %dma_wait3A_259 : memref<1x128xi32, #tpu.memory_space<vmem>> -> memref<128xi32, #tpu.memory_space<vmem>>
        %dma_wait3A_261 = arith.constant 0 : i32
        %dma_wait3A_262 = arith.constant 0 : i32
        %dma_wait3A_263 = tpu.memref_slice %arg37[%dma_wait3A_261, %dma_wait3A_262] : memref<10240x8xf32, #tpu.memory_space<vmem_shared>> -> memref<10240x8xf32, #tpu.memory_space<vmem_shared>>
        tpu.wait_indirect_dma semaphore(%arg33 : memref<!tpu.dma_semaphore, #tpu.memory_space<semaphore_mem>>) src(%arg17 : memref<128x8xf32, #tpu.memory_space<vmem>>) dst(%dma_wait3A_263 : memref<10240x8xf32, #tpu.memory_space<vmem_shared>>)
        %sub3A_264 = arith.constant 1 : i32
        %sub3A_265 = arith.subi %add3A_95, %sub3A_264 : i32
        %add3A_266 = arith.constant 8 : i32
        %add3A_267 = arith.addi %sub3A_265, %add3A_266 : i32
        %lt3A = arith.constant 80 : i32
        %lt3A_268 = arith.cmpi slt, %add3A_267, %lt3A : i32
        %convert_element_type3A_269 = arith.extui %lt3A_268 : i1 to i32
        %cond3A_270 = arith.constant 0 : i32
        %cond3A_271 = arith.cmpi ne, %convert_element_type3A_269, %cond3A_270 : i32
        scf.if %cond3A_271 {
          %sub3A_272 = arith.constant 1 : i32
          %sub3A_273 = arith.subi %add3A_95, %sub3A_272 : i32
          %add3A_274 = arith.constant 8 : i32
          %add3A_275 = arith.addi %sub3A_273, %add3A_274 : i32
          %dma_start3A_276 = arith.constant 0 : i32
          %dma_start3A_277 = tpu.memref_slice %arg8[%add3A_275, %dma_start3A_276] : memref<80x128xi32, #tpu.memory_space<vmem>> -> memref<1x128xi32, #tpu.memory_space<vmem>>
          %dma_start3A_278 = tpu.memref_squeeze %dma_start3A_277 : memref<1x128xi32, #tpu.memory_space<vmem>> -> memref<128xi32, #tpu.memory_space<vmem>>
          %dma_start3A_279 = arith.constant 0 : i32
          %dma_start3A_280 = arith.constant 0 : i32
          %dma_start3A_281 = tpu.memref_slice %arg36[%dma_start3A_279, %dma_start3A_280] : memref<10240x8xf32, #tpu.memory_space<vmem_shared>> -> memref<10240x8xf32, #tpu.memory_space<vmem_shared>>
          tpu.enqueue_indirect_dma source(%dma_start3A_281 : memref<10240x8xf32, #tpu.memory_space<vmem_shared>>) target(%arg17 : memref<128x8xf32, #tpu.memory_space<vmem>>) offsets(%dma_start3A_278 : memref<128xi32, #tpu.memory_space<vmem>>) semaphore(%arg25 : memref<!tpu.dma_semaphore, #tpu.memory_space<semaphore_mem>>)
        } else {
        }
      } else {
      }
      %mul3A_110 = arith.constant 8 : i32
      %mul3A_111 = arith.muli %scan3A_91, %mul3A_110 : i32
      %add3A_112 = arith.constant 1 : i32
      %add3A_113 = arith.addi %mul3A_111, %add3A_112 : i32
      %dma_wait3A_114 = arith.constant 0 : i32
      %dma_wait3A_115 = tpu.memref_slice %arg8[%add3A_113, %dma_wait3A_114] : memref<80x128xi32, #tpu.memory_space<vmem>> -> memref<1x128xi32, #tpu.memory_space<vmem>>
      %dma_wait3A_116 = tpu.memref_squeeze %dma_wait3A_115 : memref<1x128xi32, #tpu.memory_space<vmem>> -> memref<128xi32, #tpu.memory_space<vmem>>
      %dma_wait3A_117 = arith.constant 0 : i32
      %dma_wait3A_118 = arith.constant 0 : i32
      %dma_wait3A_119 = tpu.memref_slice %arg36[%dma_wait3A_117, %dma_wait3A_118] : memref<10240x8xf32, #tpu.memory_space<vmem_shared>> -> memref<10240x8xf32, #tpu.memory_space<vmem_shared>>
      tpu.wait_indirect_dma semaphore(%arg19 : memref<!tpu.dma_semaphore, #tpu.memory_space<semaphore_mem>>) src(%dma_wait3A_119 : memref<10240x8xf32, #tpu.memory_space<vmem_shared>>) dst(%arg11 : memref<128x8xf32, #tpu.memory_space<vmem>>)
      %dma_start3A_120 = arith.constant 0 : i32
      %dma_start3A_121 = tpu.memref_slice %arg9[%add3A_113, %dma_start3A_120] : memref<80x128xi32, #tpu.memory_space<vmem>> -> memref<1x128xi32, #tpu.memory_space<vmem>>
      %dma_start3A_122 = tpu.memref_squeeze %dma_start3A_121 : memref<1x128xi32, #tpu.memory_space<vmem>> -> memref<128xi32, #tpu.memory_space<vmem>>
      %dma_start3A_123 = arith.constant 0 : i32
      %dma_start3A_124 = arith.constant 0 : i32
      %dma_start3A_125 = tpu.memref_slice %arg37[%dma_start3A_123, %dma_start3A_124] : memref<10240x8xf32, #tpu.memory_space<vmem_shared>> -> memref<10240x8xf32, #tpu.memory_space<vmem_shared>>
      tpu.enqueue_indirect_dma source(%arg11 : memref<128x8xf32, #tpu.memory_space<vmem>>) target(%dma_start3A_125 : memref<10240x8xf32, #tpu.memory_space<vmem_shared>>) offsets(%dma_start3A_122 : memref<128xi32, #tpu.memory_space<vmem>>) semaphore(%arg27 : memref<!tpu.dma_semaphore, #tpu.memory_space<semaphore_mem>>) {add = true}
      %gt3A_126 = arith.constant 0 : i32
      %gt3A_127 = arith.cmpi sgt, %add3A_113, %gt3A_126 : i32
      %convert_element_type3A_128 = arith.extui %gt3A_127 : i1 to i32
      %cond3A_129 = arith.constant 0 : i32
      %cond3A_130 = arith.cmpi ne, %convert_element_type3A_128, %cond3A_129 : i32
      scf.if %cond3A_130 {
        %sub3A = arith.constant 1 : i32
        %sub3A_257 = arith.subi %add3A_113, %sub3A : i32
        %dma_wait3A_258 = arith.constant 0 : i32
        %dma_wait3A_259 = tpu.memref_slice %arg9[%sub3A_257, %dma_wait3A_258] : memref<80x128xi32, #tpu.memory_space<vmem>> -> memref<1x128xi32, #tpu.memory_space<vmem>>
        %dma_wait3A_260 = tpu.memref_squeeze %dma_wait3A_259 : memref<1x128xi32, #tpu.memory_space<vmem>> -> memref<128xi32, #tpu.memory_space<vmem>>
        %dma_wait3A_261 = arith.constant 0 : i32
        %dma_wait3A_262 = arith.constant 0 : i32
        %dma_wait3A_263 = tpu.memref_slice %arg37[%dma_wait3A_261, %dma_wait3A_262] : memref<10240x8xf32, #tpu.memory_space<vmem_shared>> -> memref<10240x8xf32, #tpu.memory_space<vmem_shared>>
        tpu.wait_indirect_dma semaphore(%arg26 : memref<!tpu.dma_semaphore, #tpu.memory_space<semaphore_mem>>) src(%arg10 : memref<128x8xf32, #tpu.memory_space<vmem>>) dst(%dma_wait3A_263 : memref<10240x8xf32, #tpu.memory_space<vmem_shared>>)
        %sub3A_264 = arith.constant 1 : i32
        %sub3A_265 = arith.subi %add3A_113, %sub3A_264 : i32
        %add3A_266 = arith.constant 8 : i32
        %add3A_267 = arith.addi %sub3A_265, %add3A_266 : i32
        %lt3A = arith.constant 80 : i32
        %lt3A_268 = arith.cmpi slt, %add3A_267, %lt3A : i32
        %convert_element_type3A_269 = arith.extui %lt3A_268 : i1 to i32
        %cond3A_270 = arith.constant 0 : i32
        %cond3A_271 = arith.cmpi ne, %convert_element_type3A_269, %cond3A_270 : i32
        scf.if %cond3A_271 {
          %sub3A_272 = arith.constant 1 : i32
          %sub3A_273 = arith.subi %add3A_113, %sub3A_272 : i32
          %add3A_274 = arith.constant 8 : i32
          %add3A_275 = arith.addi %sub3A_273, %add3A_274 : i32
          %dma_start3A_276 = arith.constant 0 : i32
          %dma_start3A_277 = tpu.memref_slice %arg8[%add3A_275, %dma_start3A_276] : memref<80x128xi32, #tpu.memory_space<vmem>> -> memref<1x128xi32, #tpu.memory_space<vmem>>
          %dma_start3A_278 = tpu.memref_squeeze %dma_start3A_277 : memref<1x128xi32, #tpu.memory_space<vmem>> -> memref<128xi32, #tpu.memory_space<vmem>>
          %dma_start3A_279 = arith.constant 0 : i32
          %dma_start3A_280 = arith.constant 0 : i32
          %dma_start3A_281 = tpu.memref_slice %arg36[%dma_start3A_279, %dma_start3A_280] : memref<10240x8xf32, #tpu.memory_space<vmem_shared>> -> memref<10240x8xf32, #tpu.memory_space<vmem_shared>>
          tpu.enqueue_indirect_dma source(%dma_start3A_281 : memref<10240x8xf32, #tpu.memory_space<vmem_shared>>) target(%arg10 : memref<128x8xf32, #tpu.memory_space<vmem>>) offsets(%dma_start3A_278 : memref<128xi32, #tpu.memory_space<vmem>>) semaphore(%arg18 : memref<!tpu.dma_semaphore, #tpu.memory_space<semaphore_mem>>)
        } else {
        }
      } else {
      }
      %mul3A_131 = arith.constant 8 : i32
      %mul3A_132 = arith.muli %scan3A_91, %mul3A_131 : i32
      %add3A_133 = arith.constant 2 : i32
      %add3A_134 = arith.addi %mul3A_132, %add3A_133 : i32
      %dma_wait3A_135 = arith.constant 0 : i32
      %dma_wait3A_136 = tpu.memref_slice %arg8[%add3A_134, %dma_wait3A_135] : memref<80x128xi32, #tpu.memory_space<vmem>> -> memref<1x128xi32, #tpu.memory_space<vmem>>
      %dma_wait3A_137 = tpu.memref_squeeze %dma_wait3A_136 : memref<1x128xi32, #tpu.memory_space<vmem>> -> memref<128xi32, #tpu.memory_space<vmem>>
      %dma_wait3A_138 = arith.constant 0 : i32
      %dma_wait3A_139 = arith.constant 0 : i32
      %dma_wait3A_140 = tpu.memref_slice %arg36[%dma_wait3A_138, %dma_wait3A_139] : memref<10240x8xf32, #tpu.memory_space<vmem_shared>> -> memref<10240x8xf32, #tpu.memory_space<vmem_shared>>
      tpu.wait_indirect_dma semaphore(%arg20 : memref<!tpu.dma_semaphore, #tpu.memory_space<semaphore_mem>>) src(%dma_wait3A_140 : memref<10240x8xf32, #tpu.memory_space<vmem_shared>>) dst(%arg12 : memref<128x8xf32, #tpu.memory_space<vmem>>)
      %dma_start3A_141 = arith.constant 0 : i32
      %dma_start3A_142 = tpu.memref_slice %arg9[%add3A_134, %dma_start3A_141] : memref<80x128xi32, #tpu.memory_space<vmem>> -> memref<1x128xi32, #tpu.memory_space<vmem>>
      %dma_start3A_143 = tpu.memref_squeeze %dma_start3A_142 : memref<1x128xi32, #tpu.memory_space<vmem>> -> memref<128xi32, #tpu.memory_space<vmem>>
      %dma_start3A_144 = arith.constant 0 : i32
      %dma_start3A_145 = arith.constant 0 : i32
      %dma_start3A_146 = tpu.memref_slice %arg37[%dma_start3A_144, %dma_start3A_145] : memref<10240x8xf32, #tpu.memory_space<vmem_shared>> -> memref<10240x8xf32, #tpu.memory_space<vmem_shared>>
      tpu.enqueue_indirect_dma source(%arg12 : memref<128x8xf32, #tpu.memory_space<vmem>>) target(%dma_start3A_146 : memref<10240x8xf32, #tpu.memory_space<vmem_shared>>) offsets(%dma_start3A_143 : memref<128xi32, #tpu.memory_space<vmem>>) semaphore(%arg28 : memref<!tpu.dma_semaphore, #tpu.memory_space<semaphore_mem>>) {add = true}
      %gt3A_147 = arith.constant 0 : i32
      %gt3A_148 = arith.cmpi sgt, %add3A_134, %gt3A_147 : i32
      %convert_element_type3A_149 = arith.extui %gt3A_148 : i1 to i32
      %cond3A_150 = arith.constant 0 : i32
      %cond3A_151 = arith.cmpi ne, %convert_element_type3A_149, %cond3A_150 : i32
      scf.if %cond3A_151 {
        %sub3A = arith.constant 1 : i32
        %sub3A_257 = arith.subi %add3A_134, %sub3A : i32
        %dma_wait3A_258 = arith.constant 0 : i32
        %dma_wait3A_259 = tpu.memref_slice %arg9[%sub3A_257, %dma_wait3A_258] : memref<80x128xi32, #tpu.memory_space<vmem>> -> memref<1x128xi32, #tpu.memory_space<vmem>>
        %dma_wait3A_260 = tpu.memref_squeeze %dma_wait3A_259 : memref<1x128xi32, #tpu.memory_space<vmem>> -> memref<128xi32, #tpu.memory_space<vmem>>
        %dma_wait3A_261 = arith.constant 0 : i32
        %dma_wait3A_262 = arith.constant 0 : i32
        %dma_wait3A_263 = tpu.memref_slice %arg37[%dma_wait3A_261, %dma_wait3A_262] : memref<10240x8xf32, #tpu.memory_space<vmem_shared>> -> memref<10240x8xf32, #tpu.memory_space<vmem_shared>>
        tpu.wait_indirect_dma semaphore(%arg27 : memref<!tpu.dma_semaphore, #tpu.memory_space<semaphore_mem>>) src(%arg11 : memref<128x8xf32, #tpu.memory_space<vmem>>) dst(%dma_wait3A_263 : memref<10240x8xf32, #tpu.memory_space<vmem_shared>>)
        %sub3A_264 = arith.constant 1 : i32
        %sub3A_265 = arith.subi %add3A_134, %sub3A_264 : i32
        %add3A_266 = arith.constant 8 : i32
        %add3A_267 = arith.addi %sub3A_265, %add3A_266 : i32
        %lt3A = arith.constant 80 : i32
        %lt3A_268 = arith.cmpi slt, %add3A_267, %lt3A : i32
        %convert_element_type3A_269 = arith.extui %lt3A_268 : i1 to i32
        %cond3A_270 = arith.constant 0 : i32
        %cond3A_271 = arith.cmpi ne, %convert_element_type3A_269, %cond3A_270 : i32
        scf.if %cond3A_271 {
          %sub3A_272 = arith.constant 1 : i32
          %sub3A_273 = arith.subi %add3A_134, %sub3A_272 : i32
          %add3A_274 = arith.constant 8 : i32
          %add3A_275 = arith.addi %sub3A_273, %add3A_274 : i32
          %dma_start3A_276 = arith.constant 0 : i32
          %dma_start3A_277 = tpu.memref_slice %arg8[%add3A_275, %dma_start3A_276] : memref<80x128xi32, #tpu.memory_space<vmem>> -> memref<1x128xi32, #tpu.memory_space<vmem>>
          %dma_start3A_278 = tpu.memref_squeeze %dma_start3A_277 : memref<1x128xi32, #tpu.memory_space<vmem>> -> memref<128xi32, #tpu.memory_space<vmem>>
          %dma_start3A_279 = arith.constant 0 : i32
          %dma_start3A_280 = arith.constant 0 : i32
          %dma_start3A_281 = tpu.memref_slice %arg36[%dma_start3A_279, %dma_start3A_280] : memref<10240x8xf32, #tpu.memory_space<vmem_shared>> -> memref<10240x8xf32, #tpu.memory_space<vmem_shared>>
          tpu.enqueue_indirect_dma source(%dma_start3A_281 : memref<10240x8xf32, #tpu.memory_space<vmem_shared>>) target(%arg11 : memref<128x8xf32, #tpu.memory_space<vmem>>) offsets(%dma_start3A_278 : memref<128xi32, #tpu.memory_space<vmem>>) semaphore(%arg19 : memref<!tpu.dma_semaphore, #tpu.memory_space<semaphore_mem>>)
        } else {
        }
      } else {
      }
      %mul3A_152 = arith.constant 8 : i32
      %mul3A_153 = arith.muli %scan3A_91, %mul3A_152 : i32
      %add3A_154 = arith.constant 3 : i32
      %add3A_155 = arith.addi %mul3A_153, %add3A_154 : i32
      %dma_wait3A_156 = arith.constant 0 : i32
      %dma_wait3A_157 = tpu.memref_slice %arg8[%add3A_155, %dma_wait3A_156] : memref<80x128xi32, #tpu.memory_space<vmem>> -> memref<1x128xi32, #tpu.memory_space<vmem>>
      %dma_wait3A_158 = tpu.memref_squeeze %dma_wait3A_157 : memref<1x128xi32, #tpu.memory_space<vmem>> -> memref<128xi32, #tpu.memory_space<vmem>>
      %dma_wait3A_159 = arith.constant 0 : i32
      %dma_wait3A_160 = arith.constant 0 : i32
      %dma_wait3A_161 = tpu.memref_slice %arg36[%dma_wait3A_159, %dma_wait3A_160] : memref<10240x8xf32, #tpu.memory_space<vmem_shared>> -> memref<10240x8xf32, #tpu.memory_space<vmem_shared>>
      tpu.wait_indirect_dma semaphore(%arg21 : memref<!tpu.dma_semaphore, #tpu.memory_space<semaphore_mem>>) src(%dma_wait3A_161 : memref<10240x8xf32, #tpu.memory_space<vmem_shared>>) dst(%arg13 : memref<128x8xf32, #tpu.memory_space<vmem>>)
      %dma_start3A_162 = arith.constant 0 : i32
      %dma_start3A_163 = tpu.memref_slice %arg9[%add3A_155, %dma_start3A_162] : memref<80x128xi32, #tpu.memory_space<vmem>> -> memref<1x128xi32, #tpu.memory_space<vmem>>
      %dma_start3A_164 = tpu.memref_squeeze %dma_start3A_163 : memref<1x128xi32, #tpu.memory_space<vmem>> -> memref<128xi32, #tpu.memory_space<vmem>>
      %dma_start3A_165 = arith.constant 0 : i32
      %dma_start3A_166 = arith.constant 0 : i32
      %dma_start3A_167 = tpu.memref_slice %arg37[%dma_start3A_165, %dma_start3A_166] : memref<10240x8xf32, #tpu.memory_space<vmem_shared>> -> memref<10240x8xf32, #tpu.memory_space<vmem_shared>>
      tpu.enqueue_indirect_dma source(%arg13 : memref<128x8xf32, #tpu.memory_space<vmem>>) target(%dma_start3A_167 : memref<10240x8xf32, #tpu.memory_space<vmem_shared>>) offsets(%dma_start3A_164 : memref<128xi32, #tpu.memory_space<vmem>>) semaphore(%arg29 : memref<!tpu.dma_semaphore, #tpu.memory_space<semaphore_mem>>) {add = true}
      %gt3A_168 = arith.constant 0 : i32
      %gt3A_169 = arith.cmpi sgt, %add3A_155, %gt3A_168 : i32
      %convert_element_type3A_170 = arith.extui %gt3A_169 : i1 to i32
      %cond3A_171 = arith.constant 0 : i32
      %cond3A_172 = arith.cmpi ne, %convert_element_type3A_170, %cond3A_171 : i32
      scf.if %cond3A_172 {
        %sub3A = arith.constant 1 : i32
        %sub3A_257 = arith.subi %add3A_155, %sub3A : i32
        %dma_wait3A_258 = arith.constant 0 : i32
        %dma_wait3A_259 = tpu.memref_slice %arg9[%sub3A_257, %dma_wait3A_258] : memref<80x128xi32, #tpu.memory_space<vmem>> -> memref<1x128xi32, #tpu.memory_space<vmem>>
        %dma_wait3A_260 = tpu.memref_squeeze %dma_wait3A_259 : memref<1x128xi32, #tpu.memory_space<vmem>> -> memref<128xi32, #tpu.memory_space<vmem>>
        %dma_wait3A_261 = arith.constant 0 : i32
        %dma_wait3A_262 = arith.constant 0 : i32
        %dma_wait3A_263 = tpu.memref_slice %arg37[%dma_wait3A_261, %dma_wait3A_262] : memref<10240x8xf32, #tpu.memory_space<vmem_shared>> -> memref<10240x8xf32, #tpu.memory_space<vmem_shared>>
        tpu.wait_indirect_dma semaphore(%arg28 : memref<!tpu.dma_semaphore, #tpu.memory_space<semaphore_mem>>) src(%arg12 : memref<128x8xf32, #tpu.memory_space<vmem>>) dst(%dma_wait3A_263 : memref<10240x8xf32, #tpu.memory_space<vmem_shared>>)
        %sub3A_264 = arith.constant 1 : i32
        %sub3A_265 = arith.subi %add3A_155, %sub3A_264 : i32
        %add3A_266 = arith.constant 8 : i32
        %add3A_267 = arith.addi %sub3A_265, %add3A_266 : i32
        %lt3A = arith.constant 80 : i32
        %lt3A_268 = arith.cmpi slt, %add3A_267, %lt3A : i32
        %convert_element_type3A_269 = arith.extui %lt3A_268 : i1 to i32
        %cond3A_270 = arith.constant 0 : i32
        %cond3A_271 = arith.cmpi ne, %convert_element_type3A_269, %cond3A_270 : i32
        scf.if %cond3A_271 {
          %sub3A_272 = arith.constant 1 : i32
          %sub3A_273 = arith.subi %add3A_155, %sub3A_272 : i32
          %add3A_274 = arith.constant 8 : i32
          %add3A_275 = arith.addi %sub3A_273, %add3A_274 : i32
          %dma_start3A_276 = arith.constant 0 : i32
          %dma_start3A_277 = tpu.memref_slice %arg8[%add3A_275, %dma_start3A_276] : memref<80x128xi32, #tpu.memory_space<vmem>> -> memref<1x128xi32, #tpu.memory_space<vmem>>
          %dma_start3A_278 = tpu.memref_squeeze %dma_start3A_277 : memref<1x128xi32, #tpu.memory_space<vmem>> -> memref<128xi32, #tpu.memory_space<vmem>>
          %dma_start3A_279 = arith.constant 0 : i32
          %dma_start3A_280 = arith.constant 0 : i32
          %dma_start3A_281 = tpu.memref_slice %arg36[%dma_start3A_279, %dma_start3A_280] : memref<10240x8xf32, #tpu.memory_space<vmem_shared>> -> memref<10240x8xf32, #tpu.memory_space<vmem_shared>>
          tpu.enqueue_indirect_dma source(%dma_start3A_281 : memref<10240x8xf32, #tpu.memory_space<vmem_shared>>) target(%arg12 : memref<128x8xf32, #tpu.memory_space<vmem>>) offsets(%dma_start3A_278 : memref<128xi32, #tpu.memory_space<vmem>>) semaphore(%arg20 : memref<!tpu.dma_semaphore, #tpu.memory_space<semaphore_mem>>)
        } else {
        }
      } else {
      }
      %mul3A_173 = arith.constant 8 : i32
      %mul3A_174 = arith.muli %scan3A_91, %mul3A_173 : i32
      %add3A_175 = arith.constant 4 : i32
      %add3A_176 = arith.addi %mul3A_174, %add3A_175 : i32
      %dma_wait3A_177 = arith.constant 0 : i32
      %dma_wait3A_178 = tpu.memref_slice %arg8[%add3A_176, %dma_wait3A_177] : memref<80x128xi32, #tpu.memory_space<vmem>> -> memref<1x128xi32, #tpu.memory_space<vmem>>
      %dma_wait3A_179 = tpu.memref_squeeze %dma_wait3A_178 : memref<1x128xi32, #tpu.memory_space<vmem>> -> memref<128xi32, #tpu.memory_space<vmem>>
      %dma_wait3A_180 = arith.constant 0 : i32
      %dma_wait3A_181 = arith.constant 0 : i32
      %dma_wait3A_182 = tpu.memref_slice %arg36[%dma_wait3A_180, %dma_wait3A_181] : memref<10240x8xf32, #tpu.memory_space<vmem_shared>> -> memref<10240x8xf32, #tpu.memory_space<vmem_shared>>
      tpu.wait_indirect_dma semaphore(%arg22 : memref<!tpu.dma_semaphore, #tpu.memory_space<semaphore_mem>>) src(%dma_wait3A_182 : memref<10240x8xf32, #tpu.memory_space<vmem_shared>>) dst(%arg14 : memref<128x8xf32, #tpu.memory_space<vmem>>)
      %dma_start3A_183 = arith.constant 0 : i32
      %dma_start3A_184 = tpu.memref_slice %arg9[%add3A_176, %dma_start3A_183] : memref<80x128xi32, #tpu.memory_space<vmem>> -> memref<1x128xi32, #tpu.memory_space<vmem>>
      %dma_start3A_185 = tpu.memref_squeeze %dma_start3A_184 : memref<1x128xi32, #tpu.memory_space<vmem>> -> memref<128xi32, #tpu.memory_space<vmem>>
      %dma_start3A_186 = arith.constant 0 : i32
      %dma_start3A_187 = arith.constant 0 : i32
      %dma_start3A_188 = tpu.memref_slice %arg37[%dma_start3A_186, %dma_start3A_187] : memref<10240x8xf32, #tpu.memory_space<vmem_shared>> -> memref<10240x8xf32, #tpu.memory_space<vmem_shared>>
      tpu.enqueue_indirect_dma source(%arg14 : memref<128x8xf32, #tpu.memory_space<vmem>>) target(%dma_start3A_188 : memref<10240x8xf32, #tpu.memory_space<vmem_shared>>) offsets(%dma_start3A_185 : memref<128xi32, #tpu.memory_space<vmem>>) semaphore(%arg30 : memref<!tpu.dma_semaphore, #tpu.memory_space<semaphore_mem>>) {add = true}
      %gt3A_189 = arith.constant 0 : i32
      %gt3A_190 = arith.cmpi sgt, %add3A_176, %gt3A_189 : i32
      %convert_element_type3A_191 = arith.extui %gt3A_190 : i1 to i32
      %cond3A_192 = arith.constant 0 : i32
      %cond3A_193 = arith.cmpi ne, %convert_element_type3A_191, %cond3A_192 : i32
      scf.if %cond3A_193 {
        %sub3A = arith.constant 1 : i32
        %sub3A_257 = arith.subi %add3A_176, %sub3A : i32
        %dma_wait3A_258 = arith.constant 0 : i32
        %dma_wait3A_259 = tpu.memref_slice %arg9[%sub3A_257, %dma_wait3A_258] : memref<80x128xi32, #tpu.memory_space<vmem>> -> memref<1x128xi32, #tpu.memory_space<vmem>>
        %dma_wait3A_260 = tpu.memref_squeeze %dma_wait3A_259 : memref<1x128xi32, #tpu.memory_space<vmem>> -> memref<128xi32, #tpu.memory_space<vmem>>
        %dma_wait3A_261 = arith.constant 0 : i32
        %dma_wait3A_262 = arith.constant 0 : i32
        %dma_wait3A_263 = tpu.memref_slice %arg37[%dma_wait3A_261, %dma_wait3A_262] : memref<10240x8xf32, #tpu.memory_space<vmem_shared>> -> memref<10240x8xf32, #tpu.memory_space<vmem_shared>>
        tpu.wait_indirect_dma semaphore(%arg29 : memref<!tpu.dma_semaphore, #tpu.memory_space<semaphore_mem>>) src(%arg13 : memref<128x8xf32, #tpu.memory_space<vmem>>) dst(%dma_wait3A_263 : memref<10240x8xf32, #tpu.memory_space<vmem_shared>>)
        %sub3A_264 = arith.constant 1 : i32
        %sub3A_265 = arith.subi %add3A_176, %sub3A_264 : i32
        %add3A_266 = arith.constant 8 : i32
        %add3A_267 = arith.addi %sub3A_265, %add3A_266 : i32
        %lt3A = arith.constant 80 : i32
        %lt3A_268 = arith.cmpi slt, %add3A_267, %lt3A : i32
        %convert_element_type3A_269 = arith.extui %lt3A_268 : i1 to i32
        %cond3A_270 = arith.constant 0 : i32
        %cond3A_271 = arith.cmpi ne, %convert_element_type3A_269, %cond3A_270 : i32
        scf.if %cond3A_271 {
          %sub3A_272 = arith.constant 1 : i32
          %sub3A_273 = arith.subi %add3A_176, %sub3A_272 : i32
          %add3A_274 = arith.constant 8 : i32
          %add3A_275 = arith.addi %sub3A_273, %add3A_274 : i32
          %dma_start3A_276 = arith.constant 0 : i32
          %dma_start3A_277 = tpu.memref_slice %arg8[%add3A_275, %dma_start3A_276] : memref<80x128xi32, #tpu.memory_space<vmem>> -> memref<1x128xi32, #tpu.memory_space<vmem>>
          %dma_start3A_278 = tpu.memref_squeeze %dma_start3A_277 : memref<1x128xi32, #tpu.memory_space<vmem>> -> memref<128xi32, #tpu.memory_space<vmem>>
          %dma_start3A_279 = arith.constant 0 : i32
          %dma_start3A_280 = arith.constant 0 : i32
          %dma_start3A_281 = tpu.memref_slice %arg36[%dma_start3A_279, %dma_start3A_280] : memref<10240x8xf32, #tpu.memory_space<vmem_shared>> -> memref<10240x8xf32, #tpu.memory_space<vmem_shared>>
          tpu.enqueue_indirect_dma source(%dma_start3A_281 : memref<10240x8xf32, #tpu.memory_space<vmem_shared>>) target(%arg13 : memref<128x8xf32, #tpu.memory_space<vmem>>) offsets(%dma_start3A_278 : memref<128xi32, #tpu.memory_space<vmem>>) semaphore(%arg21 : memref<!tpu.dma_semaphore, #tpu.memory_space<semaphore_mem>>)
        } else {
        }
      } else {
      }
      %mul3A_194 = arith.constant 8 : i32
      %mul3A_195 = arith.muli %scan3A_91, %mul3A_194 : i32
      %add3A_196 = arith.constant 5 : i32
      %add3A_197 = arith.addi %mul3A_195, %add3A_196 : i32
      %dma_wait3A_198 = arith.constant 0 : i32
      %dma_wait3A_199 = tpu.memref_slice %arg8[%add3A_197, %dma_wait3A_198] : memref<80x128xi32, #tpu.memory_space<vmem>> -> memref<1x128xi32, #tpu.memory_space<vmem>>
      %dma_wait3A_200 = tpu.memref_squeeze %dma_wait3A_199 : memref<1x128xi32, #tpu.memory_space<vmem>> -> memref<128xi32, #tpu.memory_space<vmem>>
      %dma_wait3A_201 = arith.constant 0 : i32
      %dma_wait3A_202 = arith.constant 0 : i32
      %dma_wait3A_203 = tpu.memref_slice %arg36[%dma_wait3A_201, %dma_wait3A_202] : memref<10240x8xf32, #tpu.memory_space<vmem_shared>> -> memref<10240x8xf32, #tpu.memory_space<vmem_shared>>
      tpu.wait_indirect_dma semaphore(%arg23 : memref<!tpu.dma_semaphore, #tpu.memory_space<semaphore_mem>>) src(%dma_wait3A_203 : memref<10240x8xf32, #tpu.memory_space<vmem_shared>>) dst(%arg15 : memref<128x8xf32, #tpu.memory_space<vmem>>)
      %dma_start3A_204 = arith.constant 0 : i32
      %dma_start3A_205 = tpu.memref_slice %arg9[%add3A_197, %dma_start3A_204] : memref<80x128xi32, #tpu.memory_space<vmem>> -> memref<1x128xi32, #tpu.memory_space<vmem>>
      %dma_start3A_206 = tpu.memref_squeeze %dma_start3A_205 : memref<1x128xi32, #tpu.memory_space<vmem>> -> memref<128xi32, #tpu.memory_space<vmem>>
      %dma_start3A_207 = arith.constant 0 : i32
      %dma_start3A_208 = arith.constant 0 : i32
      %dma_start3A_209 = tpu.memref_slice %arg37[%dma_start3A_207, %dma_start3A_208] : memref<10240x8xf32, #tpu.memory_space<vmem_shared>> -> memref<10240x8xf32, #tpu.memory_space<vmem_shared>>
      tpu.enqueue_indirect_dma source(%arg15 : memref<128x8xf32, #tpu.memory_space<vmem>>) target(%dma_start3A_209 : memref<10240x8xf32, #tpu.memory_space<vmem_shared>>) offsets(%dma_start3A_206 : memref<128xi32, #tpu.memory_space<vmem>>) semaphore(%arg31 : memref<!tpu.dma_semaphore, #tpu.memory_space<semaphore_mem>>) {add = true}
      %gt3A_210 = arith.constant 0 : i32
      %gt3A_211 = arith.cmpi sgt, %add3A_197, %gt3A_210 : i32
      %convert_element_type3A_212 = arith.extui %gt3A_211 : i1 to i32
      %cond3A_213 = arith.constant 0 : i32
      %cond3A_214 = arith.cmpi ne, %convert_element_type3A_212, %cond3A_213 : i32
      scf.if %cond3A_214 {
        %sub3A = arith.constant 1 : i32
        %sub3A_257 = arith.subi %add3A_197, %sub3A : i32
        %dma_wait3A_258 = arith.constant 0 : i32
        %dma_wait3A_259 = tpu.memref_slice %arg9[%sub3A_257, %dma_wait3A_258] : memref<80x128xi32, #tpu.memory_space<vmem>> -> memref<1x128xi32, #tpu.memory_space<vmem>>
        %dma_wait3A_260 = tpu.memref_squeeze %dma_wait3A_259 : memref<1x128xi32, #tpu.memory_space<vmem>> -> memref<128xi32, #tpu.memory_space<vmem>>
        %dma_wait3A_261 = arith.constant 0 : i32
        %dma_wait3A_262 = arith.constant 0 : i32
        %dma_wait3A_263 = tpu.memref_slice %arg37[%dma_wait3A_261, %dma_wait3A_262] : memref<10240x8xf32, #tpu.memory_space<vmem_shared>> -> memref<10240x8xf32, #tpu.memory_space<vmem_shared>>
        tpu.wait_indirect_dma semaphore(%arg30 : memref<!tpu.dma_semaphore, #tpu.memory_space<semaphore_mem>>) src(%arg14 : memref<128x8xf32, #tpu.memory_space<vmem>>) dst(%dma_wait3A_263 : memref<10240x8xf32, #tpu.memory_space<vmem_shared>>)
        %sub3A_264 = arith.constant 1 : i32
        %sub3A_265 = arith.subi %add3A_197, %sub3A_264 : i32
        %add3A_266 = arith.constant 8 : i32
        %add3A_267 = arith.addi %sub3A_265, %add3A_266 : i32
        %lt3A = arith.constant 80 : i32
        %lt3A_268 = arith.cmpi slt, %add3A_267, %lt3A : i32
        %convert_element_type3A_269 = arith.extui %lt3A_268 : i1 to i32
        %cond3A_270 = arith.constant 0 : i32
        %cond3A_271 = arith.cmpi ne, %convert_element_type3A_269, %cond3A_270 : i32
        scf.if %cond3A_271 {
          %sub3A_272 = arith.constant 1 : i32
          %sub3A_273 = arith.subi %add3A_197, %sub3A_272 : i32
          %add3A_274 = arith.constant 8 : i32
          %add3A_275 = arith.addi %sub3A_273, %add3A_274 : i32
          %dma_start3A_276 = arith.constant 0 : i32
          %dma_start3A_277 = tpu.memref_slice %arg8[%add3A_275, %dma_start3A_276] : memref<80x128xi32, #tpu.memory_space<vmem>> -> memref<1x128xi32, #tpu.memory_space<vmem>>
          %dma_start3A_278 = tpu.memref_squeeze %dma_start3A_277 : memref<1x128xi32, #tpu.memory_space<vmem>> -> memref<128xi32, #tpu.memory_space<vmem>>
          %dma_start3A_279 = arith.constant 0 : i32
          %dma_start3A_280 = arith.constant 0 : i32
          %dma_start3A_281 = tpu.memref_slice %arg36[%dma_start3A_279, %dma_start3A_280] : memref<10240x8xf32, #tpu.memory_space<vmem_shared>> -> memref<10240x8xf32, #tpu.memory_space<vmem_shared>>
          tpu.enqueue_indirect_dma source(%dma_start3A_281 : memref<10240x8xf32, #tpu.memory_space<vmem_shared>>) target(%arg14 : memref<128x8xf32, #tpu.memory_space<vmem>>) offsets(%dma_start3A_278 : memref<128xi32, #tpu.memory_space<vmem>>) semaphore(%arg22 : memref<!tpu.dma_semaphore, #tpu.memory_space<semaphore_mem>>)
        } else {
        }
      } else {
      }
      %mul3A_215 = arith.constant 8 : i32
      %mul3A_216 = arith.muli %scan3A_91, %mul3A_215 : i32
      %add3A_217 = arith.constant 6 : i32
      %add3A_218 = arith.addi %mul3A_216, %add3A_217 : i32
      %dma_wait3A_219 = arith.constant 0 : i32
      %dma_wait3A_220 = tpu.memref_slice %arg8[%add3A_218, %dma_wait3A_219] : memref<80x128xi32, #tpu.memory_space<vmem>> -> memref<1x128xi32, #tpu.memory_space<vmem>>
      %dma_wait3A_221 = tpu.memref_squeeze %dma_wait3A_220 : memref<1x128xi32, #tpu.memory_space<vmem>> -> memref<128xi32, #tpu.memory_space<vmem>>
      %dma_wait3A_222 = arith.constant 0 : i32
      %dma_wait3A_223 = arith.constant 0 : i32
      %dma_wait3A_224 = tpu.memref_slice %arg36[%dma_wait3A_222, %dma_wait3A_223] : memref<10240x8xf32, #tpu.memory_space<vmem_shared>> -> memref<10240x8xf32, #tpu.memory_space<vmem_shared>>
      tpu.wait_indirect_dma semaphore(%arg24 : memref<!tpu.dma_semaphore, #tpu.memory_space<semaphore_mem>>) src(%dma_wait3A_224 : memref<10240x8xf32, #tpu.memory_space<vmem_shared>>) dst(%arg16 : memref<128x8xf32, #tpu.memory_space<vmem>>)
      %dma_start3A_225 = arith.constant 0 : i32
      %dma_start3A_226 = tpu.memref_slice %arg9[%add3A_218, %dma_start3A_225] : memref<80x128xi32, #tpu.memory_space<vmem>> -> memref<1x128xi32, #tpu.memory_space<vmem>>
      %dma_start3A_227 = tpu.memref_squeeze %dma_start3A_226 : memref<1x128xi32, #tpu.memory_space<vmem>> -> memref<128xi32, #tpu.memory_space<vmem>>
      %dma_start3A_228 = arith.constant 0 : i32
      %dma_start3A_229 = arith.constant 0 : i32
      %dma_start3A_230 = tpu.memref_slice %arg37[%dma_start3A_228, %dma_start3A_229] : memref<10240x8xf32, #tpu.memory_space<vmem_shared>> -> memref<10240x8xf32, #tpu.memory_space<vmem_shared>>
      tpu.enqueue_indirect_dma source(%arg16 : memref<128x8xf32, #tpu.memory_space<vmem>>) target(%dma_start3A_230 : memref<10240x8xf32, #tpu.memory_space<vmem_shared>>) offsets(%dma_start3A_227 : memref<128xi32, #tpu.memory_space<vmem>>) semaphore(%arg32 : memref<!tpu.dma_semaphore, #tpu.memory_space<semaphore_mem>>) {add = true}
      %gt3A_231 = arith.constant 0 : i32
      %gt3A_232 = arith.cmpi sgt, %add3A_218, %gt3A_231 : i32
      %convert_element_type3A_233 = arith.extui %gt3A_232 : i1 to i32
      %cond3A_234 = arith.constant 0 : i32
      %cond3A_235 = arith.cmpi ne, %convert_element_type3A_233, %cond3A_234 : i32
      scf.if %cond3A_235 {
        %sub3A = arith.constant 1 : i32
        %sub3A_257 = arith.subi %add3A_218, %sub3A : i32
        %dma_wait3A_258 = arith.constant 0 : i32
        %dma_wait3A_259 = tpu.memref_slice %arg9[%sub3A_257, %dma_wait3A_258] : memref<80x128xi32, #tpu.memory_space<vmem>> -> memref<1x128xi32, #tpu.memory_space<vmem>>
        %dma_wait3A_260 = tpu.memref_squeeze %dma_wait3A_259 : memref<1x128xi32, #tpu.memory_space<vmem>> -> memref<128xi32, #tpu.memory_space<vmem>>
        %dma_wait3A_261 = arith.constant 0 : i32
        %dma_wait3A_262 = arith.constant 0 : i32
        %dma_wait3A_263 = tpu.memref_slice %arg37[%dma_wait3A_261, %dma_wait3A_262] : memref<10240x8xf32, #tpu.memory_space<vmem_shared>> -> memref<10240x8xf32, #tpu.memory_space<vmem_shared>>
        tpu.wait_indirect_dma semaphore(%arg31 : memref<!tpu.dma_semaphore, #tpu.memory_space<semaphore_mem>>) src(%arg15 : memref<128x8xf32, #tpu.memory_space<vmem>>) dst(%dma_wait3A_263 : memref<10240x8xf32, #tpu.memory_space<vmem_shared>>)
        %sub3A_264 = arith.constant 1 : i32
        %sub3A_265 = arith.subi %add3A_218, %sub3A_264 : i32
        %add3A_266 = arith.constant 8 : i32
        %add3A_267 = arith.addi %sub3A_265, %add3A_266 : i32
        %lt3A = arith.constant 80 : i32
        %lt3A_268 = arith.cmpi slt, %add3A_267, %lt3A : i32
        %convert_element_type3A_269 = arith.extui %lt3A_268 : i1 to i32
        %cond3A_270 = arith.constant 0 : i32
        %cond3A_271 = arith.cmpi ne, %convert_element_type3A_269, %cond3A_270 : i32
        scf.if %cond3A_271 {
          %sub3A_272 = arith.constant 1 : i32
          %sub3A_273 = arith.subi %add3A_218, %sub3A_272 : i32
          %add3A_274 = arith.constant 8 : i32
          %add3A_275 = arith.addi %sub3A_273, %add3A_274 : i32
          %dma_start3A_276 = arith.constant 0 : i32
          %dma_start3A_277 = tpu.memref_slice %arg8[%add3A_275, %dma_start3A_276] : memref<80x128xi32, #tpu.memory_space<vmem>> -> memref<1x128xi32, #tpu.memory_space<vmem>>
          %dma_start3A_278 = tpu.memref_squeeze %dma_start3A_277 : memref<1x128xi32, #tpu.memory_space<vmem>> -> memref<128xi32, #tpu.memory_space<vmem>>
          %dma_start3A_279 = arith.constant 0 : i32
          %dma_start3A_280 = arith.constant 0 : i32
          %dma_start3A_281 = tpu.memref_slice %arg36[%dma_start3A_279, %dma_start3A_280] : memref<10240x8xf32, #tpu.memory_space<vmem_shared>> -> memref<10240x8xf32, #tpu.memory_space<vmem_shared>>
          tpu.enqueue_indirect_dma source(%dma_start3A_281 : memref<10240x8xf32, #tpu.memory_space<vmem_shared>>) target(%arg15 : memref<128x8xf32, #tpu.memory_space<vmem>>) offsets(%dma_start3A_278 : memref<128xi32, #tpu.memory_space<vmem>>) semaphore(%arg23 : memref<!tpu.dma_semaphore, #tpu.memory_space<semaphore_mem>>)
        } else {
        }
      } else {
      }
      %mul3A_236 = arith.constant 8 : i32
      %mul3A_237 = arith.muli %scan3A_91, %mul3A_236 : i32
      %add3A_238 = arith.constant 7 : i32
      %add3A_239 = arith.addi %mul3A_237, %add3A_238 : i32
      %dma_wait3A_240 = arith.constant 0 : i32
      %dma_wait3A_241 = tpu.memref_slice %arg8[%add3A_239, %dma_wait3A_240] : memref<80x128xi32, #tpu.memory_space<vmem>> -> memref<1x128xi32, #tpu.memory_space<vmem>>
      %dma_wait3A_242 = tpu.memref_squeeze %dma_wait3A_241 : memref<1x128xi32, #tpu.memory_space<vmem>> -> memref<128xi32, #tpu.memory_space<vmem>>
      %dma_wait3A_243 = arith.constant 0 : i32
      %dma_wait3A_244 = arith.constant 0 : i32
      %dma_wait3A_245 = tpu.memref_slice %arg36[%dma_wait3A_243, %dma_wait3A_244] : memref<10240x8xf32, #tpu.memory_space<vmem_shared>> -> memref<10240x8xf32, #tpu.memory_space<vmem_shared>>
      tpu.wait_indirect_dma semaphore(%arg25 : memref<!tpu.dma_semaphore, #tpu.memory_space<semaphore_mem>>) src(%dma_wait3A_245 : memref<10240x8xf32, #tpu.memory_space<vmem_shared>>) dst(%arg17 : memref<128x8xf32, #tpu.memory_space<vmem>>)
      %dma_start3A_246 = arith.constant 0 : i32
      %dma_start3A_247 = tpu.memref_slice %arg9[%add3A_239, %dma_start3A_246] : memref<80x128xi32, #tpu.memory_space<vmem>> -> memref<1x128xi32, #tpu.memory_space<vmem>>
      %dma_start3A_248 = tpu.memref_squeeze %dma_start3A_247 : memref<1x128xi32, #tpu.memory_space<vmem>> -> memref<128xi32, #tpu.memory_space<vmem>>
      %dma_start3A_249 = arith.constant 0 : i32
      %dma_start3A_250 = arith.constant 0 : i32
      %dma_start3A_251 = tpu.memref_slice %arg37[%dma_start3A_249, %dma_start3A_250] : memref<10240x8xf32, #tpu.memory_space<vmem_shared>> -> memref<10240x8xf32, #tpu.memory_space<vmem_shared>>
      tpu.enqueue_indirect_dma source(%arg17 : memref<128x8xf32, #tpu.memory_space<vmem>>) target(%dma_start3A_251 : memref<10240x8xf32, #tpu.memory_space<vmem_shared>>) offsets(%dma_start3A_248 : memref<128xi32, #tpu.memory_space<vmem>>) semaphore(%arg33 : memref<!tpu.dma_semaphore, #tpu.memory_space<semaphore_mem>>) {add = true}
      %gt3A_252 = arith.constant 0 : i32
      %gt3A_253 = arith.cmpi sgt, %add3A_239, %gt3A_252 : i32
      %convert_element_type3A_254 = arith.extui %gt3A_253 : i1 to i32
      %cond3A_255 = arith.constant 0 : i32
      %cond3A_256 = arith.cmpi ne, %convert_element_type3A_254, %cond3A_255 : i32
      scf.if %cond3A_256 {
        %sub3A = arith.constant 1 : i32
        %sub3A_257 = arith.subi %add3A_239, %sub3A : i32
        %dma_wait3A_258 = arith.constant 0 : i32
        %dma_wait3A_259 = tpu.memref_slice %arg9[%sub3A_257, %dma_wait3A_258] : memref<80x128xi32, #tpu.memory_space<vmem>> -> memref<1x128xi32, #tpu.memory_space<vmem>>
        %dma_wait3A_260 = tpu.memref_squeeze %dma_wait3A_259 : memref<1x128xi32, #tpu.memory_space<vmem>> -> memref<128xi32, #tpu.memory_space<vmem>>
        %dma_wait3A_261 = arith.constant 0 : i32
        %dma_wait3A_262 = arith.constant 0 : i32
        %dma_wait3A_263 = tpu.memref_slice %arg37[%dma_wait3A_261, %dma_wait3A_262] : memref<10240x8xf32, #tpu.memory_space<vmem_shared>> -> memref<10240x8xf32, #tpu.memory_space<vmem_shared>>
        tpu.wait_indirect_dma semaphore(%arg32 : memref<!tpu.dma_semaphore, #tpu.memory_space<semaphore_mem>>) src(%arg16 : memref<128x8xf32, #tpu.memory_space<vmem>>) dst(%dma_wait3A_263 : memref<10240x8xf32, #tpu.memory_space<vmem_shared>>)
        %sub3A_264 = arith.constant 1 : i32
        %sub3A_265 = arith.subi %add3A_239, %sub3A_264 : i32
        %add3A_266 = arith.constant 8 : i32
        %add3A_267 = arith.addi %sub3A_265, %add3A_266 : i32
        %lt3A = arith.constant 80 : i32
        %lt3A_268 = arith.cmpi slt, %add3A_267, %lt3A : i32
        %convert_element_type3A_269 = arith.extui %lt3A_268 : i1 to i32
        %cond3A_270 = arith.constant 0 : i32
        %cond3A_271 = arith.cmpi ne, %convert_element_type3A_269, %cond3A_270 : i32
        scf.if %cond3A_271 {
          %sub3A_272 = arith.constant 1 : i32
          %sub3A_273 = arith.subi %add3A_239, %sub3A_272 : i32
          %add3A_274 = arith.constant 8 : i32
          %add3A_275 = arith.addi %sub3A_273, %add3A_274 : i32
          %dma_start3A_276 = arith.constant 0 : i32
          %dma_start3A_277 = tpu.memref_slice %arg8[%add3A_275, %dma_start3A_276] : memref<80x128xi32, #tpu.memory_space<vmem>> -> memref<1x128xi32, #tpu.memory_space<vmem>>
          %dma_start3A_278 = tpu.memref_squeeze %dma_start3A_277 : memref<1x128xi32, #tpu.memory_space<vmem>> -> memref<128xi32, #tpu.memory_space<vmem>>
          %dma_start3A_279 = arith.constant 0 : i32
          %dma_start3A_280 = arith.constant 0 : i32
          %dma_start3A_281 = tpu.memref_slice %arg36[%dma_start3A_279, %dma_start3A_280] : memref<10240x8xf32, #tpu.memory_space<vmem_shared>> -> memref<10240x8xf32, #tpu.memory_space<vmem_shared>>
          tpu.enqueue_indirect_dma source(%dma_start3A_281 : memref<10240x8xf32, #tpu.memory_space<vmem_shared>>) target(%arg16 : memref<128x8xf32, #tpu.memory_space<vmem>>) offsets(%dma_start3A_278 : memref<128xi32, #tpu.memory_space<vmem>>) semaphore(%arg24 : memref<!tpu.dma_semaphore, #tpu.memory_space<semaphore_mem>>)
        } else {
        }
      } else {
      }
    }
    %scan3A_76 = arith.constant 10 : i32
    %dma_wait3A = arith.constant 79 : i32
    %dma_wait3A_77 = arith.constant 0 : i32
    %dma_wait3A_78 = tpu.memref_slice %arg9[%dma_wait3A, %dma_wait3A_77] : memref<80x128xi32, #tpu.memory_space<vmem>> -> memref<1x128xi32, #tpu.memory_space<vmem>>
    %dma_wait3A_79 = tpu.memref_squeeze %dma_wait3A_78 : memref<1x128xi32, #tpu.memory_space<vmem>> -> memref<128xi32, #tpu.memory_space<vmem>>
    %dma_wait3A_80 = arith.constant 0 : i32
    %dma_wait3A_81 = arith.constant 0 : i32
    %dma_wait3A_82 = tpu.memref_slice %arg37[%dma_wait3A_80, %dma_wait3A_81] : memref<10240x8xf32, #tpu.memory_space<vmem_shared>> -> memref<10240x8xf32, #tpu.memory_space<vmem_shared>>
    tpu.wait_indirect_dma semaphore(%arg33 : memref<!tpu.dma_semaphore, #tpu.memory_space<semaphore_mem>>) src(%arg17 : memref<128x8xf32, #tpu.memory_space<vmem>>) dst(%dma_wait3A_82 : memref<10240x8xf32, #tpu.memory_space<vmem_shared>>)
    %barrier3A_83 = arith.constant 0 : index
    tpu.barrier barrier_id(%barrier3A_83)
    %mul3A_84 = arith.constant 640 : i32
    %mul3A_85 = arith.muli %arg1, %mul3A_84 : i32
    %mul3A_86 = arith.constant 10240 : i32
    %mul3A_87 = arith.muli %arg0, %mul3A_86 : i32
    %mul3A_88 = arith.constant 640 : i32
    %mul3A_89 = arith.muli %arg1, %mul3A_88 : i32
    %add3A_90 = arith.addi %mul3A_87, %mul3A_89 : i32
    "tpu.region"() ({
      %run_scoped3A_91 = tpu.sem_alloc : memref<!tpu.dma_semaphore, #tpu.memory_space<semaphore_mem>>
      %dma_start3A_92 = arith.constant 0 : i32
      %dma_start3A_93 = tpu.memref_slice %arg7[%add3A_90, %dma_start3A_92] : memref<20480x8xf32, #tpu.memory_space<hbm>> -> memref<640x8xf32, #tpu.memory_space<hbm>>
      %dma_start3A_94 = arith.constant 0 : i32
      %dma_start3A_95 = tpu.memref_slice %arg37[%mul3A_85, %dma_start3A_94] : memref<10240x8xf32, #tpu.memory_space<vmem_shared>> -> memref<640x8xf32, #tpu.memory_space<vmem_shared>>
      tpu.enqueue_dma source(%dma_start3A_95 : memref<640x8xf32, #tpu.memory_space<vmem_shared>>) target(%dma_start3A_93 : memref<640x8xf32, #tpu.memory_space<hbm>>) target_semaphore(%run_scoped3A_91 : memref<!tpu.dma_semaphore, #tpu.memory_space<semaphore_mem>>)
      %dma_wait3A_96 = arith.constant 0 : i32
      %dma_wait3A_97 = tpu.memref_slice %arg7[%add3A_90, %dma_wait3A_96] : memref<20480x8xf32, #tpu.memory_space<hbm>> -> memref<640x8xf32, #tpu.memory_space<hbm>>
      %dma_wait3A_98 = arith.constant 0 : i32
      %dma_wait3A_99 = tpu.memref_slice %arg37[%mul3A_85, %dma_wait3A_98] : memref<10240x8xf32, #tpu.memory_space<vmem_shared>> -> memref<640x8xf32, #tpu.memory_space<vmem_shared>>
      tpu.wait_dma2 semaphore(%run_scoped3A_91 : memref<!tpu.dma_semaphore, #tpu.memory_space<semaphore_mem>>) src(%dma_wait3A_99 : memref<640x8xf32, #tpu.memory_space<vmem_shared>>) dst(%dma_wait3A_97 : memref<640x8xf32, #tpu.memory_space<hbm>>)
      tpu.yield
    }) : () -> ()
    return
  }
}

#map = affine_map<(d0, d1) -> (0, 0)>
#map1 = affine_map<(d0, d1) -> (0, 0, 0)>
module attributes {stable_mosaic.version = 14 : i64} {
  func.func @_sc_pass(%arg0: i32, %arg1: i32, %arg2: memref<20480x8xf32, #tpu.memory_space<hbm>>, %arg3: memref<32x80x128xi32, #tpu.memory_space<hbm>>, %arg4: memref<32x80x128xi32, #tpu.memory_space<hbm>>, %arg5: memref<10240x8xf32, #tpu.memory_space<hbm>>, %arg6: memref<16x5x128xi32, #tpu.memory_space<hbm>>, %arg7: memref<20480x8xf32, #tpu.memory_space<hbm>>, %arg8: memref<80x128xi32, #tpu.memory_space<vmem>>, %arg9: memref<80x128xi32, #tpu.memory_space<vmem>>, %arg10: memref<128x8xf32, #tpu.memory_space<vmem>>, %arg11: memref<128x8xf32, #tpu.memory_space<vmem>>, %arg12: memref<128x8xf32, #tpu.memory_space<vmem>>, %arg13: memref<128x8xf32, #tpu.memory_space<vmem>>, %arg14: memref<128x8xf32, #tpu.memory_space<vmem>>, %arg15: memref<128x8xf32, #tpu.memory_space<vmem>>, %arg16: memref<128x8xf32, #tpu.memory_space<vmem>>, %arg17: memref<128x8xf32, #tpu.memory_space<vmem>>, %arg18: memref<!tpu.dma_semaphore, #tpu.memory_space<semaphore_mem>>, %arg19: memref<!tpu.dma_semaphore, #tpu.memory_space<semaphore_mem>>, %arg20: memref<!tpu.dma_semaphore, #tpu.memory_space<semaphore_mem>>, %arg21: memref<!tpu.dma_semaphore, #tpu.memory_space<semaphore_mem>>, %arg22: memref<!tpu.dma_semaphore, #tpu.memory_space<semaphore_mem>>, %arg23: memref<!tpu.dma_semaphore, #tpu.memory_space<semaphore_mem>>, %arg24: memref<!tpu.dma_semaphore, #tpu.memory_space<semaphore_mem>>, %arg25: memref<!tpu.dma_semaphore, #tpu.memory_space<semaphore_mem>>, %arg26: memref<!tpu.dma_semaphore, #tpu.memory_space<semaphore_mem>>, %arg27: memref<!tpu.dma_semaphore, #tpu.memory_space<semaphore_mem>>, %arg28: memref<!tpu.dma_semaphore, #tpu.memory_space<semaphore_mem>>, %arg29: memref<!tpu.dma_semaphore, #tpu.memory_space<semaphore_mem>>, %arg30: memref<!tpu.dma_semaphore, #tpu.memory_space<semaphore_mem>>, %arg31: memref<!tpu.dma_semaphore, #tpu.memory_space<semaphore_mem>>, %arg32: memref<!tpu.dma_semaphore, #tpu.memory_space<semaphore_mem>>, %arg33: memref<!tpu.dma_semaphore, #tpu.memory_space<semaphore_mem>>, %arg34: memref<5x128xi32, #tpu.memory_space<vmem>>, %arg35: memref<640x8xf32, #tpu.memory_space<vmem>>, %arg36: memref<10240x8xf32, #tpu.memory_space<vmem_shared>>, %arg37: memref<10240x8xf32, #tpu.memory_space<vmem_shared>>) attributes {dimension_semantics = [#tpu.dimension_semantics<core_parallel>, #tpu.dimension_semantics<subcore_parallel>], iteration_bounds = array<i64: 2, 16>, scalar_prefetch = 0 : i64, scratch_operands = 30 : i64, tpu.core_type = #tpu.core_type<sc_vector_subcore>, window_params = [{transform_indices = #map}, {transform_indices = #map1}, {transform_indices = #map1}, {transform_indices = #map}, {transform_indices = #map1}, {transform_indices = #map}]} {
    %mul3A = arith.constant 16 : i32
    %mul3A_0 = arith.muli %arg0, %mul3A : i32
    %add3A = arith.addi %mul3A_0, %arg1 : i32
    %mul3A_1 = arith.constant 640 : i32
    %mul3A_2 = arith.muli %arg1, %mul3A_1 : i32
    %mul3A_3 = arith.constant 640 : i32
    %mul3A_4 = arith.muli %arg1, %mul3A_3 : i32
    "tpu.region"() ({
      %run_scoped3A_91 = tpu.sem_alloc : memref<!tpu.dma_semaphore, #tpu.memory_space<semaphore_mem>>
      %dma_start3A_92 = arith.constant 0 : i32
      %dma_start3A_93 = tpu.memref_slice %arg36[%mul3A_4, %dma_start3A_92] : memref<10240x8xf32, #tpu.memory_space<vmem_shared>> -> memref<640x8xf32, #tpu.memory_space<vmem_shared>>
      %dma_start3A_94 = arith.constant 0 : i32
      %dma_start3A_95 = tpu.memref_slice %arg2[%mul3A_2, %dma_start3A_94] : memref<20480x8xf32, #tpu.memory_space<hbm>> -> memref<640x8xf32, #tpu.memory_space<hbm>>
      tpu.enqueue_dma source(%dma_start3A_95 : memref<640x8xf32, #tpu.memory_space<hbm>>) target(%dma_start3A_93 : memref<640x8xf32, #tpu.memory_space<vmem_shared>>) target_semaphore(%run_scoped3A_91 : memref<!tpu.dma_semaphore, #tpu.memory_space<semaphore_mem>>)
      %dma_wait3A_96 = arith.constant 0 : i32
      %dma_wait3A_97 = tpu.memref_slice %arg36[%mul3A_4, %dma_wait3A_96] : memref<10240x8xf32, #tpu.memory_space<vmem_shared>> -> memref<640x8xf32, #tpu.memory_space<vmem_shared>>
      %dma_wait3A_98 = arith.constant 0 : i32
      %dma_wait3A_99 = tpu.memref_slice %arg2[%mul3A_2, %dma_wait3A_98] : memref<20480x8xf32, #tpu.memory_space<hbm>> -> memref<640x8xf32, #tpu.memory_space<hbm>>
      tpu.wait_dma2 semaphore(%run_scoped3A_91 : memref<!tpu.dma_semaphore, #tpu.memory_space<semaphore_mem>>) src(%dma_wait3A_99 : memref<640x8xf32, #tpu.memory_space<hbm>>) dst(%dma_wait3A_97 : memref<640x8xf32, #tpu.memory_space<vmem_shared>>)
      tpu.yield
    }) : () -> ()
    %mul3A_5 = arith.constant 640 : i32
    %mul3A_6 = arith.muli %arg1, %mul3A_5 : i32
    %mul3A_7 = arith.constant 640 : i32
    %mul3A_8 = arith.muli %arg1, %mul3A_7 : i32
    "tpu.region"() ({
      %run_scoped3A_91 = tpu.sem_alloc : memref<!tpu.dma_semaphore, #tpu.memory_space<semaphore_mem>>
      %dma_start3A_92 = arith.constant 0 : i32
      %dma_start3A_93 = tpu.memref_slice %arg37[%mul3A_8, %dma_start3A_92] : memref<10240x8xf32, #tpu.memory_space<vmem_shared>> -> memref<640x8xf32, #tpu.memory_space<vmem_shared>>
      %dma_start3A_94 = arith.constant 0 : i32
      %dma_start3A_95 = tpu.memref_slice %arg5[%mul3A_6, %dma_start3A_94] : memref<10240x8xf32, #tpu.memory_space<hbm>> -> memref<640x8xf32, #tpu.memory_space<hbm>>
      tpu.enqueue_dma source(%dma_start3A_95 : memref<640x8xf32, #tpu.memory_space<hbm>>) target(%dma_start3A_93 : memref<640x8xf32, #tpu.memory_space<vmem_shared>>) target_semaphore(%run_scoped3A_91 : memref<!tpu.dma_semaphore, #tpu.memory_space<semaphore_mem>>)
      %dma_wait3A_96 = arith.constant 0 : i32
      %dma_wait3A_97 = tpu.memref_slice %arg37[%mul3A_8, %dma_wait3A_96] : memref<10240x8xf32, #tpu.memory_space<vmem_shared>> -> memref<640x8xf32, #tpu.memory_space<vmem_shared>>
      %dma_wait3A_98 = arith.constant 0 : i32
      %dma_wait3A_99 = tpu.memref_slice %arg5[%mul3A_6, %dma_wait3A_98] : memref<10240x8xf32, #tpu.memory_space<hbm>> -> memref<640x8xf32, #tpu.memory_space<hbm>>
      tpu.wait_dma2 semaphore(%run_scoped3A_91 : memref<!tpu.dma_semaphore, #tpu.memory_space<semaphore_mem>>) src(%dma_wait3A_99 : memref<640x8xf32, #tpu.memory_space<hbm>>) dst(%dma_wait3A_97 : memref<640x8xf32, #tpu.memory_space<vmem_shared>>)
      tpu.yield
    }) : () -> ()
    %mul3A_9 = arith.constant 640 : i32
    %mul3A_10 = arith.muli %arg1, %mul3A_9 : i32
    %add3A_11 = arith.constant 10240 : i32
    %add3A_12 = arith.addi %add3A_11, %mul3A_10 : i32
    "tpu.region"() ({
      %run_scoped3A_91 = tpu.sem_alloc : memref<!tpu.dma_semaphore, #tpu.memory_space<semaphore_mem>>
      %dma_start3A_92 = arith.constant 0 : i32
      %dma_start3A_93 = tpu.memref_slice %arg2[%add3A_12, %dma_start3A_92] : memref<20480x8xf32, #tpu.memory_space<hbm>> -> memref<640x8xf32, #tpu.memory_space<hbm>>
      %dma_start3A_94 = arith.constant 0 : i32
      %dma_start3A_95 = tpu.memref_slice %arg2[%add3A_12, %dma_start3A_94] : memref<20480x8xf32, #tpu.memory_space<hbm>> -> memref<640x8xf32, #tpu.memory_space<hbm>>
      tpu.enqueue_dma source(%dma_start3A_95 : memref<640x8xf32, #tpu.memory_space<hbm>>) target(%arg35 : memref<640x8xf32, #tpu.memory_space<vmem>>) target_semaphore(%run_scoped3A_91 : memref<!tpu.dma_semaphore, #tpu.memory_space<semaphore_mem>>)
      %dma_wait3A_96 = arith.constant 0 : i32
      %dma_wait3A_97 = tpu.memref_slice %arg2[%add3A_12, %dma_wait3A_96] : memref<20480x8xf32, #tpu.memory_space<hbm>> -> memref<640x8xf32, #tpu.memory_space<hbm>>
      %dma_wait3A_98 = arith.constant 0 : i32
      %dma_wait3A_99 = tpu.memref_slice %arg2[%add3A_12, %dma_wait3A_98] : memref<20480x8xf32, #tpu.memory_space<hbm>> -> memref<640x8xf32, #tpu.memory_space<hbm>>
      tpu.wait_dma2 semaphore(%run_scoped3A_91 : memref<!tpu.dma_semaphore, #tpu.memory_space<semaphore_mem>>) src(%dma_wait3A_99 : memref<640x8xf32, #tpu.memory_space<hbm>>) dst(%arg35 : memref<640x8xf32, #tpu.memory_space<vmem>>)
      tpu.yield
    }) : () -> ()
    "tpu.region"() ({
      %run_scoped3A_91 = tpu.sem_alloc : memref<!tpu.dma_semaphore, #tpu.memory_space<semaphore_mem>>
      %dma_start3A_92 = arith.constant 0 : i32
      %dma_start3A_93 = arith.constant 0 : i32
      %dma_start3A_94 = tpu.memref_slice %arg6[%arg1, %dma_start3A_92, %dma_start3A_93] : memref<16x5x128xi32, #tpu.memory_space<hbm>> -> memref<1x5x128xi32, #tpu.memory_space<hbm>>
      %dma_start3A_95 = tpu.memref_squeeze %dma_start3A_94 : memref<1x5x128xi32, #tpu.memory_space<hbm>> -> memref<5x128xi32, #tpu.memory_space<hbm>>
      %dma_start3A_96 = arith.constant 0 : i32
      %dma_start3A_97 = arith.constant 0 : i32
      %dma_start3A_98 = tpu.memref_slice %arg6[%arg1, %dma_start3A_96, %dma_start3A_97] : memref<16x5x128xi32, #tpu.memory_space<hbm>> -> memref<1x5x128xi32, #tpu.memory_space<hbm>>
      %dma_start3A_99 = tpu.memref_squeeze %dma_start3A_98 : memref<1x5x128xi32, #tpu.memory_space<hbm>> -> memref<5x128xi32, #tpu.memory_space<hbm>>
      tpu.enqueue_dma source(%dma_start3A_99 : memref<5x128xi32, #tpu.memory_space<hbm>>) target(%arg34 : memref<5x128xi32, #tpu.memory_space<vmem>>) target_semaphore(%run_scoped3A_91 : memref<!tpu.dma_semaphore, #tpu.memory_space<semaphore_mem>>)
      %dma_wait3A_100 = arith.constant 0 : i32
      %dma_wait3A_101 = arith.constant 0 : i32
      %dma_wait3A_102 = tpu.memref_slice %arg6[%arg1, %dma_wait3A_100, %dma_wait3A_101] : memref<16x5x128xi32, #tpu.memory_space<hbm>> -> memref<1x5x128xi32, #tpu.memory_space<hbm>>
      %dma_wait3A_103 = tpu.memref_squeeze %dma_wait3A_102 : memref<1x5x128xi32, #tpu.memory_space<hbm>> -> memref<5x128xi32, #tpu.memory_space<hbm>>
      %dma_wait3A_104 = arith.constant 0 : i32
      %dma_wait3A_105 = arith.constant 0 : i32
      %dma_wait3A_106 = tpu.memref_slice %arg6[%arg1, %dma_wait3A_104, %dma_wait3A_105] : memref<16x5x128xi32, #tpu.memory_space<hbm>> -> memref<1x5x128xi32, #tpu.memory_space<hbm>>
      %dma_wait3A_107 = tpu.memref_squeeze %dma_wait3A_106 : memref<1x5x128xi32, #tpu.memory_space<hbm>> -> memref<5x128xi32, #tpu.memory_space<hbm>>
      tpu.wait_dma2 semaphore(%run_scoped3A_91 : memref<!tpu.dma_semaphore, #tpu.memory_space<semaphore_mem>>) src(%dma_wait3A_107 : memref<5x128xi32, #tpu.memory_space<hbm>>) dst(%arg34 : memref<5x128xi32, #tpu.memory_space<vmem>>)
      tpu.yield
    }) : () -> ()
    "tpu.region"() ({
      %run_scoped3A_91 = tpu.sem_alloc : memref<!tpu.dma_semaphore, #tpu.memory_space<semaphore_mem>>
      %dma_start3A_92 = arith.constant 0 : i32
      %dma_start3A_93 = arith.constant 0 : i32
      %dma_start3A_94 = tpu.memref_slice %arg3[%add3A, %dma_start3A_92, %dma_start3A_93] : memref<32x80x128xi32, #tpu.memory_space<hbm>> -> memref<1x80x128xi32, #tpu.memory_space<hbm>>
      %dma_start3A_95 = tpu.memref_squeeze %dma_start3A_94 : memref<1x80x128xi32, #tpu.memory_space<hbm>> -> memref<80x128xi32, #tpu.memory_space<hbm>>
      %dma_start3A_96 = arith.constant 0 : i32
      %dma_start3A_97 = arith.constant 0 : i32
      %dma_start3A_98 = tpu.memref_slice %arg3[%add3A, %dma_start3A_96, %dma_start3A_97] : memref<32x80x128xi32, #tpu.memory_space<hbm>> -> memref<1x80x128xi32, #tpu.memory_space<hbm>>
      %dma_start3A_99 = tpu.memref_squeeze %dma_start3A_98 : memref<1x80x128xi32, #tpu.memory_space<hbm>> -> memref<80x128xi32, #tpu.memory_space<hbm>>
      tpu.enqueue_dma source(%dma_start3A_99 : memref<80x128xi32, #tpu.memory_space<hbm>>) target(%arg8 : memref<80x128xi32, #tpu.memory_space<vmem>>) target_semaphore(%run_scoped3A_91 : memref<!tpu.dma_semaphore, #tpu.memory_space<semaphore_mem>>)
      %dma_wait3A_100 = arith.constant 0 : i32
      %dma_wait3A_101 = arith.constant 0 : i32
      %dma_wait3A_102 = tpu.memref_slice %arg3[%add3A, %dma_wait3A_100, %dma_wait3A_101] : memref<32x80x128xi32, #tpu.memory_space<hbm>> -> memref<1x80x128xi32, #tpu.memory_space<hbm>>
      %dma_wait3A_103 = tpu.memref_squeeze %dma_wait3A_102 : memref<1x80x128xi32, #tpu.memory_space<hbm>> -> memref<80x128xi32, #tpu.memory_space<hbm>>
      %dma_wait3A_104 = arith.constant 0 : i32
      %dma_wait3A_105 = arith.constant 0 : i32
      %dma_wait3A_106 = tpu.memref_slice %arg3[%add3A, %dma_wait3A_104, %dma_wait3A_105] : memref<32x80x128xi32, #tpu.memory_space<hbm>> -> memref<1x80x128xi32, #tpu.memory_space<hbm>>
      %dma_wait3A_107 = tpu.memref_squeeze %dma_wait3A_106 : memref<1x80x128xi32, #tpu.memory_space<hbm>> -> memref<80x128xi32, #tpu.memory_space<hbm>>
      tpu.wait_dma2 semaphore(%run_scoped3A_91 : memref<!tpu.dma_semaphore, #tpu.memory_space<semaphore_mem>>) src(%dma_wait3A_107 : memref<80x128xi32, #tpu.memory_space<hbm>>) dst(%arg8 : memref<80x128xi32, #tpu.memory_space<vmem>>)
      tpu.yield
    }) : () -> ()
    "tpu.region"() ({
      %run_scoped3A_91 = tpu.sem_alloc : memref<!tpu.dma_semaphore, #tpu.memory_space<semaphore_mem>>
      %dma_start3A_92 = arith.constant 0 : i32
      %dma_start3A_93 = arith.constant 0 : i32
      %dma_start3A_94 = tpu.memref_slice %arg4[%add3A, %dma_start3A_92, %dma_start3A_93] : memref<32x80x128xi32, #tpu.memory_space<hbm>> -> memref<1x80x128xi32, #tpu.memory_space<hbm>>
      %dma_start3A_95 = tpu.memref_squeeze %dma_start3A_94 : memref<1x80x128xi32, #tpu.memory_space<hbm>> -> memref<80x128xi32, #tpu.memory_space<hbm>>
      %dma_start3A_96 = arith.constant 0 : i32
      %dma_start3A_97 = arith.constant 0 : i32
      %dma_start3A_98 = tpu.memref_slice %arg4[%add3A, %dma_start3A_96, %dma_start3A_97] : memref<32x80x128xi32, #tpu.memory_space<hbm>> -> memref<1x80x128xi32, #tpu.memory_space<hbm>>
      %dma_start3A_99 = tpu.memref_squeeze %dma_start3A_98 : memref<1x80x128xi32, #tpu.memory_space<hbm>> -> memref<80x128xi32, #tpu.memory_space<hbm>>
      tpu.enqueue_dma source(%dma_start3A_99 : memref<80x128xi32, #tpu.memory_space<hbm>>) target(%arg9 : memref<80x128xi32, #tpu.memory_space<vmem>>) target_semaphore(%run_scoped3A_91 : memref<!tpu.dma_semaphore, #tpu.memory_space<semaphore_mem>>)
      %dma_wait3A_100 = arith.constant 0 : i32
      %dma_wait3A_101 = arith.constant 0 : i32
      %dma_wait3A_102 = tpu.memref_slice %arg4[%add3A, %dma_wait3A_100, %dma_wait3A_101] : memref<32x80x128xi32, #tpu.memory_space<hbm>> -> memref<1x80x128xi32, #tpu.memory_space<hbm>>
      %dma_wait3A_103 = tpu.memref_squeeze %dma_wait3A_102 : memref<1x80x128xi32, #tpu.memory_space<hbm>> -> memref<80x128xi32, #tpu.memory_space<hbm>>
      %dma_wait3A_104 = arith.constant 0 : i32
      %dma_wait3A_105 = arith.constant 0 : i32
      %dma_wait3A_106 = tpu.memref_slice %arg4[%add3A, %dma_wait3A_104, %dma_wait3A_105] : memref<32x80x128xi32, #tpu.memory_space<hbm>> -> memref<1x80x128xi32, #tpu.memory_space<hbm>>
      %dma_wait3A_107 = tpu.memref_squeeze %dma_wait3A_106 : memref<1x80x128xi32, #tpu.memory_space<hbm>> -> memref<80x128xi32, #tpu.memory_space<hbm>>
      tpu.wait_dma2 semaphore(%run_scoped3A_91 : memref<!tpu.dma_semaphore, #tpu.memory_space<semaphore_mem>>) src(%dma_wait3A_107 : memref<80x128xi32, #tpu.memory_space<hbm>>) dst(%arg9 : memref<80x128xi32, #tpu.memory_space<vmem>>)
      tpu.yield
    }) : () -> ()
    %run_scoped3A = arith.constant 0 : i32
    "tpu.region"() ({
      %run_scoped3A_91 = tpu.sem_alloc : memref<!tpu.dma_semaphore, #tpu.memory_space<semaphore_mem>>
      %dma_start3A_92 = arith.constant 0 : i32
      %dma_start3A_93 = arith.constant 0 : i32
      %dma_start3A_94 = tpu.memref_slice %arg35[%dma_start3A_92, %dma_start3A_93] : memref<640x8xf32, #tpu.memory_space<vmem>> -> memref<128x8xf32, #tpu.memory_space<vmem>>
      %dma_start3A_95 = arith.constant 0 : i32
      %dma_start3A_96 = tpu.memref_slice %arg34[%run_scoped3A, %dma_start3A_95] : memref<5x128xi32, #tpu.memory_space<vmem>> -> memref<1x128xi32, #tpu.memory_space<vmem>>
      %dma_start3A_97 = tpu.memref_squeeze %dma_start3A_96 : memref<1x128xi32, #tpu.memory_space<vmem>> -> memref<128xi32, #tpu.memory_space<vmem>>
      %dma_start3A_98 = arith.constant 0 : i32
      %dma_start3A_99 = arith.constant 0 : i32
      %dma_start3A_100 = tpu.memref_slice %arg36[%dma_start3A_98, %dma_start3A_99] : memref<10240x8xf32, #tpu.memory_space<vmem_shared>> -> memref<10240x8xf32, #tpu.memory_space<vmem_shared>>
      tpu.enqueue_indirect_dma source(%dma_start3A_94 : memref<128x8xf32, #tpu.memory_space<vmem>>) target(%dma_start3A_100 : memref<10240x8xf32, #tpu.memory_space<vmem_shared>>) offsets(%dma_start3A_97 : memref<128xi32, #tpu.memory_space<vmem>>) semaphore(%run_scoped3A_91 : memref<!tpu.dma_semaphore, #tpu.memory_space<semaphore_mem>>) {add = true}
      %dma_wait3A_101 = arith.constant 0 : i32
      %dma_wait3A_102 = arith.constant 0 : i32
      %dma_wait3A_103 = tpu.memref_slice %arg35[%dma_wait3A_101, %dma_wait3A_102] : memref<640x8xf32, #tpu.memory_space<vmem>> -> memref<128x8xf32, #tpu.memory_space<vmem>>
      %dma_wait3A_104 = arith.constant 0 : i32
      %dma_wait3A_105 = tpu.memref_slice %arg34[%run_scoped3A, %dma_wait3A_104] : memref<5x128xi32, #tpu.memory_space<vmem>> -> memref<1x128xi32, #tpu.memory_space<vmem>>
      %dma_wait3A_106 = tpu.memref_squeeze %dma_wait3A_105 : memref<1x128xi32, #tpu.memory_space<vmem>> -> memref<128xi32, #tpu.memory_space<vmem>>
      %dma_wait3A_107 = arith.constant 0 : i32
      %dma_wait3A_108 = arith.constant 0 : i32
      %dma_wait3A_109 = tpu.memref_slice %arg36[%dma_wait3A_107, %dma_wait3A_108] : memref<10240x8xf32, #tpu.memory_space<vmem_shared>> -> memref<10240x8xf32, #tpu.memory_space<vmem_shared>>
      tpu.wait_indirect_dma semaphore(%run_scoped3A_91 : memref<!tpu.dma_semaphore, #tpu.memory_space<semaphore_mem>>) src(%dma_wait3A_103 : memref<128x8xf32, #tpu.memory_space<vmem>>) dst(%dma_wait3A_109 : memref<10240x8xf32, #tpu.memory_space<vmem_shared>>)
      tpu.yield
    }) : () -> ()
    %run_scoped3A_13 = arith.constant 1 : i32
    "tpu.region"() ({
      %run_scoped3A_91 = tpu.sem_alloc : memref<!tpu.dma_semaphore, #tpu.memory_space<semaphore_mem>>
      %dma_start3A_92 = arith.constant 128 : i32
      %dma_start3A_93 = arith.constant 0 : i32
      %dma_start3A_94 = tpu.memref_slice %arg35[%dma_start3A_92, %dma_start3A_93] : memref<640x8xf32, #tpu.memory_space<vmem>> -> memref<128x8xf32, #tpu.memory_space<vmem>>
      %dma_start3A_95 = arith.constant 0 : i32
      %dma_start3A_96 = tpu.memref_slice %arg34[%run_scoped3A_13, %dma_start3A_95] : memref<5x128xi32, #tpu.memory_space<vmem>> -> memref<1x128xi32, #tpu.memory_space<vmem>>
      %dma_start3A_97 = tpu.memref_squeeze %dma_start3A_96 : memref<1x128xi32, #tpu.memory_space<vmem>> -> memref<128xi32, #tpu.memory_space<vmem>>
      %dma_start3A_98 = arith.constant 0 : i32
      %dma_start3A_99 = arith.constant 0 : i32
      %dma_start3A_100 = tpu.memref_slice %arg36[%dma_start3A_98, %dma_start3A_99] : memref<10240x8xf32, #tpu.memory_space<vmem_shared>> -> memref<10240x8xf32, #tpu.memory_space<vmem_shared>>
      tpu.enqueue_indirect_dma source(%dma_start3A_94 : memref<128x8xf32, #tpu.memory_space<vmem>>) target(%dma_start3A_100 : memref<10240x8xf32, #tpu.memory_space<vmem_shared>>) offsets(%dma_start3A_97 : memref<128xi32, #tpu.memory_space<vmem>>) semaphore(%run_scoped3A_91 : memref<!tpu.dma_semaphore, #tpu.memory_space<semaphore_mem>>) {add = true}
      %dma_wait3A_101 = arith.constant 128 : i32
      %dma_wait3A_102 = arith.constant 0 : i32
      %dma_wait3A_103 = tpu.memref_slice %arg35[%dma_wait3A_101, %dma_wait3A_102] : memref<640x8xf32, #tpu.memory_space<vmem>> -> memref<128x8xf32, #tpu.memory_space<vmem>>
      %dma_wait3A_104 = arith.constant 0 : i32
      %dma_wait3A_105 = tpu.memref_slice %arg34[%run_scoped3A_13, %dma_wait3A_104] : memref<5x128xi32, #tpu.memory_space<vmem>> -> memref<1x128xi32, #tpu.memory_space<vmem>>
      %dma_wait3A_106 = tpu.memref_squeeze %dma_wait3A_105 : memref<1x128xi32, #tpu.memory_space<vmem>> -> memref<128xi32, #tpu.memory_space<vmem>>
      %dma_wait3A_107 = arith.constant 0 : i32
      %dma_wait3A_108 = arith.constant 0 : i32
      %dma_wait3A_109 = tpu.memref_slice %arg36[%dma_wait3A_107, %dma_wait3A_108] : memref<10240x8xf32, #tpu.memory_space<vmem_shared>> -> memref<10240x8xf32, #tpu.memory_space<vmem_shared>>
      tpu.wait_indirect_dma semaphore(%run_scoped3A_91 : memref<!tpu.dma_semaphore, #tpu.memory_space<semaphore_mem>>) src(%dma_wait3A_103 : memref<128x8xf32, #tpu.memory_space<vmem>>) dst(%dma_wait3A_109 : memref<10240x8xf32, #tpu.memory_space<vmem_shared>>)
      tpu.yield
    }) : () -> ()
    %run_scoped3A_14 = arith.constant 2 : i32
    "tpu.region"() ({
      %run_scoped3A_91 = tpu.sem_alloc : memref<!tpu.dma_semaphore, #tpu.memory_space<semaphore_mem>>
      %dma_start3A_92 = arith.constant 256 : i32
      %dma_start3A_93 = arith.constant 0 : i32
      %dma_start3A_94 = tpu.memref_slice %arg35[%dma_start3A_92, %dma_start3A_93] : memref<640x8xf32, #tpu.memory_space<vmem>> -> memref<128x8xf32, #tpu.memory_space<vmem>>
      %dma_start3A_95 = arith.constant 0 : i32
      %dma_start3A_96 = tpu.memref_slice %arg34[%run_scoped3A_14, %dma_start3A_95] : memref<5x128xi32, #tpu.memory_space<vmem>> -> memref<1x128xi32, #tpu.memory_space<vmem>>
      %dma_start3A_97 = tpu.memref_squeeze %dma_start3A_96 : memref<1x128xi32, #tpu.memory_space<vmem>> -> memref<128xi32, #tpu.memory_space<vmem>>
      %dma_start3A_98 = arith.constant 0 : i32
      %dma_start3A_99 = arith.constant 0 : i32
      %dma_start3A_100 = tpu.memref_slice %arg36[%dma_start3A_98, %dma_start3A_99] : memref<10240x8xf32, #tpu.memory_space<vmem_shared>> -> memref<10240x8xf32, #tpu.memory_space<vmem_shared>>
      tpu.enqueue_indirect_dma source(%dma_start3A_94 : memref<128x8xf32, #tpu.memory_space<vmem>>) target(%dma_start3A_100 : memref<10240x8xf32, #tpu.memory_space<vmem_shared>>) offsets(%dma_start3A_97 : memref<128xi32, #tpu.memory_space<vmem>>) semaphore(%run_scoped3A_91 : memref<!tpu.dma_semaphore, #tpu.memory_space<semaphore_mem>>) {add = true}
      %dma_wait3A_101 = arith.constant 256 : i32
      %dma_wait3A_102 = arith.constant 0 : i32
      %dma_wait3A_103 = tpu.memref_slice %arg35[%dma_wait3A_101, %dma_wait3A_102] : memref<640x8xf32, #tpu.memory_space<vmem>> -> memref<128x8xf32, #tpu.memory_space<vmem>>
      %dma_wait3A_104 = arith.constant 0 : i32
      %dma_wait3A_105 = tpu.memref_slice %arg34[%run_scoped3A_14, %dma_wait3A_104] : memref<5x128xi32, #tpu.memory_space<vmem>> -> memref<1x128xi32, #tpu.memory_space<vmem>>
      %dma_wait3A_106 = tpu.memref_squeeze %dma_wait3A_105 : memref<1x128xi32, #tpu.memory_space<vmem>> -> memref<128xi32, #tpu.memory_space<vmem>>
      %dma_wait3A_107 = arith.constant 0 : i32
      %dma_wait3A_108 = arith.constant 0 : i32
      %dma_wait3A_109 = tpu.memref_slice %arg36[%dma_wait3A_107, %dma_wait3A_108] : memref<10240x8xf32, #tpu.memory_space<vmem_shared>> -> memref<10240x8xf32, #tpu.memory_space<vmem_shared>>
      tpu.wait_indirect_dma semaphore(%run_scoped3A_91 : memref<!tpu.dma_semaphore, #tpu.memory_space<semaphore_mem>>) src(%dma_wait3A_103 : memref<128x8xf32, #tpu.memory_space<vmem>>) dst(%dma_wait3A_109 : memref<10240x8xf32, #tpu.memory_space<vmem_shared>>)
      tpu.yield
    }) : () -> ()
    %run_scoped3A_15 = arith.constant 3 : i32
    "tpu.region"() ({
      %run_scoped3A_91 = tpu.sem_alloc : memref<!tpu.dma_semaphore, #tpu.memory_space<semaphore_mem>>
      %dma_start3A_92 = arith.constant 384 : i32
      %dma_start3A_93 = arith.constant 0 : i32
      %dma_start3A_94 = tpu.memref_slice %arg35[%dma_start3A_92, %dma_start3A_93] : memref<640x8xf32, #tpu.memory_space<vmem>> -> memref<128x8xf32, #tpu.memory_space<vmem>>
      %dma_start3A_95 = arith.constant 0 : i32
      %dma_start3A_96 = tpu.memref_slice %arg34[%run_scoped3A_15, %dma_start3A_95] : memref<5x128xi32, #tpu.memory_space<vmem>> -> memref<1x128xi32, #tpu.memory_space<vmem>>
      %dma_start3A_97 = tpu.memref_squeeze %dma_start3A_96 : memref<1x128xi32, #tpu.memory_space<vmem>> -> memref<128xi32, #tpu.memory_space<vmem>>
      %dma_start3A_98 = arith.constant 0 : i32
      %dma_start3A_99 = arith.constant 0 : i32
      %dma_start3A_100 = tpu.memref_slice %arg36[%dma_start3A_98, %dma_start3A_99] : memref<10240x8xf32, #tpu.memory_space<vmem_shared>> -> memref<10240x8xf32, #tpu.memory_space<vmem_shared>>
      tpu.enqueue_indirect_dma source(%dma_start3A_94 : memref<128x8xf32, #tpu.memory_space<vmem>>) target(%dma_start3A_100 : memref<10240x8xf32, #tpu.memory_space<vmem_shared>>) offsets(%dma_start3A_97 : memref<128xi32, #tpu.memory_space<vmem>>) semaphore(%run_scoped3A_91 : memref<!tpu.dma_semaphore, #tpu.memory_space<semaphore_mem>>) {add = true}
      %dma_wait3A_101 = arith.constant 384 : i32
      %dma_wait3A_102 = arith.constant 0 : i32
      %dma_wait3A_103 = tpu.memref_slice %arg35[%dma_wait3A_101, %dma_wait3A_102] : memref<640x8xf32, #tpu.memory_space<vmem>> -> memref<128x8xf32, #tpu.memory_space<vmem>>
      %dma_wait3A_104 = arith.constant 0 : i32
      %dma_wait3A_105 = tpu.memref_slice %arg34[%run_scoped3A_15, %dma_wait3A_104] : memref<5x128xi32, #tpu.memory_space<vmem>> -> memref<1x128xi32, #tpu.memory_space<vmem>>
      %dma_wait3A_106 = tpu.memref_squeeze %dma_wait3A_105 : memref<1x128xi32, #tpu.memory_space<vmem>> -> memref<128xi32, #tpu.memory_space<vmem>>
      %dma_wait3A_107 = arith.constant 0 : i32
      %dma_wait3A_108 = arith.constant 0 : i32
      %dma_wait3A_109 = tpu.memref_slice %arg36[%dma_wait3A_107, %dma_wait3A_108] : memref<10240x8xf32, #tpu.memory_space<vmem_shared>> -> memref<10240x8xf32, #tpu.memory_space<vmem_shared>>
      tpu.wait_indirect_dma semaphore(%run_scoped3A_91 : memref<!tpu.dma_semaphore, #tpu.memory_space<semaphore_mem>>) src(%dma_wait3A_103 : memref<128x8xf32, #tpu.memory_space<vmem>>) dst(%dma_wait3A_109 : memref<10240x8xf32, #tpu.memory_space<vmem_shared>>)
      tpu.yield
    }) : () -> ()
    %run_scoped3A_16 = arith.constant 4 : i32
    "tpu.region"() ({
      %run_scoped3A_91 = tpu.sem_alloc : memref<!tpu.dma_semaphore, #tpu.memory_space<semaphore_mem>>
      %dma_start3A_92 = arith.constant 512 : i32
      %dma_start3A_93 = arith.constant 0 : i32
      %dma_start3A_94 = tpu.memref_slice %arg35[%dma_start3A_92, %dma_start3A_93] : memref<640x8xf32, #tpu.memory_space<vmem>> -> memref<128x8xf32, #tpu.memory_space<vmem>>
      %dma_start3A_95 = arith.constant 0 : i32
      %dma_start3A_96 = tpu.memref_slice %arg34[%run_scoped3A_16, %dma_start3A_95] : memref<5x128xi32, #tpu.memory_space<vmem>> -> memref<1x128xi32, #tpu.memory_space<vmem>>
      %dma_start3A_97 = tpu.memref_squeeze %dma_start3A_96 : memref<1x128xi32, #tpu.memory_space<vmem>> -> memref<128xi32, #tpu.memory_space<vmem>>
      %dma_start3A_98 = arith.constant 0 : i32
      %dma_start3A_99 = arith.constant 0 : i32
      %dma_start3A_100 = tpu.memref_slice %arg36[%dma_start3A_98, %dma_start3A_99] : memref<10240x8xf32, #tpu.memory_space<vmem_shared>> -> memref<10240x8xf32, #tpu.memory_space<vmem_shared>>
      tpu.enqueue_indirect_dma source(%dma_start3A_94 : memref<128x8xf32, #tpu.memory_space<vmem>>) target(%dma_start3A_100 : memref<10240x8xf32, #tpu.memory_space<vmem_shared>>) offsets(%dma_start3A_97 : memref<128xi32, #tpu.memory_space<vmem>>) semaphore(%run_scoped3A_91 : memref<!tpu.dma_semaphore, #tpu.memory_space<semaphore_mem>>) {add = true}
      %dma_wait3A_101 = arith.constant 512 : i32
      %dma_wait3A_102 = arith.constant 0 : i32
      %dma_wait3A_103 = tpu.memref_slice %arg35[%dma_wait3A_101, %dma_wait3A_102] : memref<640x8xf32, #tpu.memory_space<vmem>> -> memref<128x8xf32, #tpu.memory_space<vmem>>
      %dma_wait3A_104 = arith.constant 0 : i32
      %dma_wait3A_105 = tpu.memref_slice %arg34[%run_scoped3A_16, %dma_wait3A_104] : memref<5x128xi32, #tpu.memory_space<vmem>> -> memref<1x128xi32, #tpu.memory_space<vmem>>
      %dma_wait3A_106 = tpu.memref_squeeze %dma_wait3A_105 : memref<1x128xi32, #tpu.memory_space<vmem>> -> memref<128xi32, #tpu.memory_space<vmem>>
      %dma_wait3A_107 = arith.constant 0 : i32
      %dma_wait3A_108 = arith.constant 0 : i32
      %dma_wait3A_109 = tpu.memref_slice %arg36[%dma_wait3A_107, %dma_wait3A_108] : memref<10240x8xf32, #tpu.memory_space<vmem_shared>> -> memref<10240x8xf32, #tpu.memory_space<vmem_shared>>
      tpu.wait_indirect_dma semaphore(%run_scoped3A_91 : memref<!tpu.dma_semaphore, #tpu.memory_space<semaphore_mem>>) src(%dma_wait3A_103 : memref<128x8xf32, #tpu.memory_space<vmem>>) dst(%dma_wait3A_109 : memref<10240x8xf32, #tpu.memory_space<vmem_shared>>)
      tpu.yield
    }) : () -> ()
    %barrier3A = arith.constant 0 : index
    tpu.barrier barrier_id(%barrier3A)
    %dma_start3A = arith.constant 0 : i32
    %dma_start3A_17 = arith.constant 0 : i32
    %dma_start3A_18 = tpu.memref_slice %arg8[%dma_start3A, %dma_start3A_17] : memref<80x128xi32, #tpu.memory_space<vmem>> -> memref<1x128xi32, #tpu.memory_space<vmem>>
    %dma_start3A_19 = tpu.memref_squeeze %dma_start3A_18 : memref<1x128xi32, #tpu.memory_space<vmem>> -> memref<128xi32, #tpu.memory_space<vmem>>
    %dma_start3A_20 = arith.constant 0 : i32
    %dma_start3A_21 = arith.constant 0 : i32
    %dma_start3A_22 = tpu.memref_slice %arg36[%dma_start3A_20, %dma_start3A_21] : memref<10240x8xf32, #tpu.memory_space<vmem_shared>> -> memref<10240x8xf32, #tpu.memory_space<vmem_shared>>
    tpu.enqueue_indirect_dma source(%dma_start3A_22 : memref<10240x8xf32, #tpu.memory_space<vmem_shared>>) target(%arg10 : memref<128x8xf32, #tpu.memory_space<vmem>>) offsets(%dma_start3A_19 : memref<128xi32, #tpu.memory_space<vmem>>) semaphore(%arg18 : memref<!tpu.dma_semaphore, #tpu.memory_space<semaphore_mem>>)
    %dma_start3A_23 = arith.constant 1 : i32
    %dma_start3A_24 = arith.constant 0 : i32
    %dma_start3A_25 = tpu.memref_slice %arg8[%dma_start3A_23, %dma_start3A_24] : memref<80x128xi32, #tpu.memory_space<vmem>> -> memref<1x128xi32, #tpu.memory_space<vmem>>
    %dma_start3A_26 = tpu.memref_squeeze %dma_start3A_25 : memref<1x128xi32, #tpu.memory_space<vmem>> -> memref<128xi32, #tpu.memory_space<vmem>>
    %dma_start3A_27 = arith.constant 0 : i32
    %dma_start3A_28 = arith.constant 0 : i32
    %dma_start3A_29 = tpu.memref_slice %arg36[%dma_start3A_27, %dma_start3A_28] : memref<10240x8xf32, #tpu.memory_space<vmem_shared>> -> memref<10240x8xf32, #tpu.memory_space<vmem_shared>>
    tpu.enqueue_indirect_dma source(%dma_start3A_29 : memref<10240x8xf32, #tpu.memory_space<vmem_shared>>) target(%arg11 : memref<128x8xf32, #tpu.memory_space<vmem>>) offsets(%dma_start3A_26 : memref<128xi32, #tpu.memory_space<vmem>>) semaphore(%arg19 : memref<!tpu.dma_semaphore, #tpu.memory_space<semaphore_mem>>)
    %dma_start3A_30 = arith.constant 2 : i32
    %dma_start3A_31 = arith.constant 0 : i32
    %dma_start3A_32 = tpu.memref_slice %arg8[%dma_start3A_30, %dma_start3A_31] : memref<80x128xi32, #tpu.memory_space<vmem>> -> memref<1x128xi32, #tpu.memory_space<vmem>>
    %dma_start3A_33 = tpu.memref_squeeze %dma_start3A_32 : memref<1x128xi32, #tpu.memory_space<vmem>> -> memref<128xi32, #tpu.memory_space<vmem>>
    %dma_start3A_34 = arith.constant 0 : i32
    %dma_start3A_35 = arith.constant 0 : i32
    %dma_start3A_36 = tpu.memref_slice %arg36[%dma_start3A_34, %dma_start3A_35] : memref<10240x8xf32, #tpu.memory_space<vmem_shared>> -> memref<10240x8xf32, #tpu.memory_space<vmem_shared>>
    tpu.enqueue_indirect_dma source(%dma_start3A_36 : memref<10240x8xf32, #tpu.memory_space<vmem_shared>>) target(%arg12 : memref<128x8xf32, #tpu.memory_space<vmem>>) offsets(%dma_start3A_33 : memref<128xi32, #tpu.memory_space<vmem>>) semaphore(%arg20 : memref<!tpu.dma_semaphore, #tpu.memory_space<semaphore_mem>>)
    %dma_start3A_37 = arith.constant 3 : i32
    %dma_start3A_38 = arith.constant 0 : i32
    %dma_start3A_39 = tpu.memref_slice %arg8[%dma_start3A_37, %dma_start3A_38] : memref<80x128xi32, #tpu.memory_space<vmem>> -> memref<1x128xi32, #tpu.memory_space<vmem>>
    %dma_start3A_40 = tpu.memref_squeeze %dma_start3A_39 : memref<1x128xi32, #tpu.memory_space<vmem>> -> memref<128xi32, #tpu.memory_space<vmem>>
    %dma_start3A_41 = arith.constant 0 : i32
    %dma_start3A_42 = arith.constant 0 : i32
    %dma_start3A_43 = tpu.memref_slice %arg36[%dma_start3A_41, %dma_start3A_42] : memref<10240x8xf32, #tpu.memory_space<vmem_shared>> -> memref<10240x8xf32, #tpu.memory_space<vmem_shared>>
    tpu.enqueue_indirect_dma source(%dma_start3A_43 : memref<10240x8xf32, #tpu.memory_space<vmem_shared>>) target(%arg13 : memref<128x8xf32, #tpu.memory_space<vmem>>) offsets(%dma_start3A_40 : memref<128xi32, #tpu.memory_space<vmem>>) semaphore(%arg21 : memref<!tpu.dma_semaphore, #tpu.memory_space<semaphore_mem>>)
    %dma_start3A_44 = arith.constant 4 : i32
    %dma_start3A_45 = arith.constant 0 : i32
    %dma_start3A_46 = tpu.memref_slice %arg8[%dma_start3A_44, %dma_start3A_45] : memref<80x128xi32, #tpu.memory_space<vmem>> -> memref<1x128xi32, #tpu.memory_space<vmem>>
    %dma_start3A_47 = tpu.memref_squeeze %dma_start3A_46 : memref<1x128xi32, #tpu.memory_space<vmem>> -> memref<128xi32, #tpu.memory_space<vmem>>
    %dma_start3A_48 = arith.constant 0 : i32
    %dma_start3A_49 = arith.constant 0 : i32
    %dma_start3A_50 = tpu.memref_slice %arg36[%dma_start3A_48, %dma_start3A_49] : memref<10240x8xf32, #tpu.memory_space<vmem_shared>> -> memref<10240x8xf32, #tpu.memory_space<vmem_shared>>
    tpu.enqueue_indirect_dma source(%dma_start3A_50 : memref<10240x8xf32, #tpu.memory_space<vmem_shared>>) target(%arg14 : memref<128x8xf32, #tpu.memory_space<vmem>>) offsets(%dma_start3A_47 : memref<128xi32, #tpu.memory_space<vmem>>) semaphore(%arg22 : memref<!tpu.dma_semaphore, #tpu.memory_space<semaphore_mem>>)
    %dma_start3A_51 = arith.constant 5 : i32
    %dma_start3A_52 = arith.constant 0 : i32
    %dma_start3A_53 = tpu.memref_slice %arg8[%dma_start3A_51, %dma_start3A_52] : memref<80x128xi32, #tpu.memory_space<vmem>> -> memref<1x128xi32, #tpu.memory_space<vmem>>
    %dma_start3A_54 = tpu.memref_squeeze %dma_start3A_53 : memref<1x128xi32, #tpu.memory_space<vmem>> -> memref<128xi32, #tpu.memory_space<vmem>>
    %dma_start3A_55 = arith.constant 0 : i32
    %dma_start3A_56 = arith.constant 0 : i32
    %dma_start3A_57 = tpu.memref_slice %arg36[%dma_start3A_55, %dma_start3A_56] : memref<10240x8xf32, #tpu.memory_space<vmem_shared>> -> memref<10240x8xf32, #tpu.memory_space<vmem_shared>>
    tpu.enqueue_indirect_dma source(%dma_start3A_57 : memref<10240x8xf32, #tpu.memory_space<vmem_shared>>) target(%arg15 : memref<128x8xf32, #tpu.memory_space<vmem>>) offsets(%dma_start3A_54 : memref<128xi32, #tpu.memory_space<vmem>>) semaphore(%arg23 : memref<!tpu.dma_semaphore, #tpu.memory_space<semaphore_mem>>)
    %dma_start3A_58 = arith.constant 6 : i32
    %dma_start3A_59 = arith.constant 0 : i32
    %dma_start3A_60 = tpu.memref_slice %arg8[%dma_start3A_58, %dma_start3A_59] : memref<80x128xi32, #tpu.memory_space<vmem>> -> memref<1x128xi32, #tpu.memory_space<vmem>>
    %dma_start3A_61 = tpu.memref_squeeze %dma_start3A_60 : memref<1x128xi32, #tpu.memory_space<vmem>> -> memref<128xi32, #tpu.memory_space<vmem>>
    %dma_start3A_62 = arith.constant 0 : i32
    %dma_start3A_63 = arith.constant 0 : i32
    %dma_start3A_64 = tpu.memref_slice %arg36[%dma_start3A_62, %dma_start3A_63] : memref<10240x8xf32, #tpu.memory_space<vmem_shared>> -> memref<10240x8xf32, #tpu.memory_space<vmem_shared>>
    tpu.enqueue_indirect_dma source(%dma_start3A_64 : memref<10240x8xf32, #tpu.memory_space<vmem_shared>>) target(%arg16 : memref<128x8xf32, #tpu.memory_space<vmem>>) offsets(%dma_start3A_61 : memref<128xi32, #tpu.memory_space<vmem>>) semaphore(%arg24 : memref<!tpu.dma_semaphore, #tpu.memory_space<semaphore_mem>>)
    %dma_start3A_65 = arith.constant 7 : i32
    %dma_start3A_66 = arith.constant 0 : i32
    %dma_start3A_67 = tpu.memref_slice %arg8[%dma_start3A_65, %dma_start3A_66] : memref<80x128xi32, #tpu.memory_space<vmem>> -> memref<1x128xi32, #tpu.memory_space<vmem>>
    %dma_start3A_68 = tpu.memref_squeeze %dma_start3A_67 : memref<1x128xi32, #tpu.memory_space<vmem>> -> memref<128xi32, #tpu.memory_space<vmem>>
    %dma_start3A_69 = arith.constant 0 : i32
    %dma_start3A_70 = arith.constant 0 : i32
    %dma_start3A_71 = tpu.memref_slice %arg36[%dma_start3A_69, %dma_start3A_70] : memref<10240x8xf32, #tpu.memory_space<vmem_shared>> -> memref<10240x8xf32, #tpu.memory_space<vmem_shared>>
    tpu.enqueue_indirect_dma source(%dma_start3A_71 : memref<10240x8xf32, #tpu.memory_space<vmem_shared>>) target(%arg17 : memref<128x8xf32, #tpu.memory_space<vmem>>) offsets(%dma_start3A_68 : memref<128xi32, #tpu.memory_space<vmem>>) semaphore(%arg25 : memref<!tpu.dma_semaphore, #tpu.memory_space<semaphore_mem>>)
    %scan3A = arith.constant 0 : i32
    %scan3A_72 = arith.constant 0 : i32
    %scan3A_73 = arith.constant 10 : i32
    %scan3A_74 = arith.addi %scan3A_72, %scan3A_73 : i32
    %scan3A_75 = arith.constant 1 : i32
    scf.for %scan3A_91 = %scan3A_72 to %scan3A_74 step %scan3A_75  : i32 {
      %mul3A_92 = arith.constant 8 : i32
      %mul3A_93 = arith.muli %scan3A_91, %mul3A_92 : i32
      %add3A_94 = arith.constant 0 : i32
      %add3A_95 = arith.addi %mul3A_93, %add3A_94 : i32
      %dma_wait3A_96 = arith.constant 0 : i32
      %dma_wait3A_97 = tpu.memref_slice %arg8[%add3A_95, %dma_wait3A_96] : memref<80x128xi32, #tpu.memory_space<vmem>> -> memref<1x128xi32, #tpu.memory_space<vmem>>
      %dma_wait3A_98 = tpu.memref_squeeze %dma_wait3A_97 : memref<1x128xi32, #tpu.memory_space<vmem>> -> memref<128xi32, #tpu.memory_space<vmem>>
      %dma_wait3A_99 = arith.constant 0 : i32
      %dma_wait3A_100 = arith.constant 0 : i32
      %dma_wait3A_101 = tpu.memref_slice %arg36[%dma_wait3A_99, %dma_wait3A_100] : memref<10240x8xf32, #tpu.memory_space<vmem_shared>> -> memref<10240x8xf32, #tpu.memory_space<vmem_shared>>
      tpu.wait_indirect_dma semaphore(%arg18 : memref<!tpu.dma_semaphore, #tpu.memory_space<semaphore_mem>>) src(%dma_wait3A_101 : memref<10240x8xf32, #tpu.memory_space<vmem_shared>>) dst(%arg10 : memref<128x8xf32, #tpu.memory_space<vmem>>)
      %dma_start3A_102 = arith.constant 0 : i32
      %dma_start3A_103 = tpu.memref_slice %arg9[%add3A_95, %dma_start3A_102] : memref<80x128xi32, #tpu.memory_space<vmem>> -> memref<1x128xi32, #tpu.memory_space<vmem>>
      %dma_start3A_104 = tpu.memref_squeeze %dma_start3A_103 : memref<1x128xi32, #tpu.memory_space<vmem>> -> memref<128xi32, #tpu.memory_space<vmem>>
      %dma_start3A_105 = arith.constant 0 : i32
      %dma_start3A_106 = arith.constant 0 : i32
      %dma_start3A_107 = tpu.memref_slice %arg37[%dma_start3A_105, %dma_start3A_106] : memref<10240x8xf32, #tpu.memory_space<vmem_shared>> -> memref<10240x8xf32, #tpu.memory_space<vmem_shared>>
      tpu.enqueue_indirect_dma source(%arg10 : memref<128x8xf32, #tpu.memory_space<vmem>>) target(%dma_start3A_107 : memref<10240x8xf32, #tpu.memory_space<vmem_shared>>) offsets(%dma_start3A_104 : memref<128xi32, #tpu.memory_space<vmem>>) semaphore(%arg26 : memref<!tpu.dma_semaphore, #tpu.memory_space<semaphore_mem>>) {add = true}
      %gt3A = arith.constant 0 : i32
      %gt3A_108 = arith.cmpi sgt, %add3A_95, %gt3A : i32
      %convert_element_type3A = arith.extui %gt3A_108 : i1 to i32
      %cond3A = arith.constant 0 : i32
      %cond3A_109 = arith.cmpi ne, %convert_element_type3A, %cond3A : i32
      scf.if %cond3A_109 {
        %sub3A = arith.constant 1 : i32
        %sub3A_257 = arith.subi %add3A_95, %sub3A : i32
        %dma_wait3A_258 = arith.constant 0 : i32
        %dma_wait3A_259 = tpu.memref_slice %arg9[%sub3A_257, %dma_wait3A_258] : memref<80x128xi32, #tpu.memory_space<vmem>> -> memref<1x128xi32, #tpu.memory_space<vmem>>
        %dma_wait3A_260 = tpu.memref_squeeze %dma_wait3A_259 : memref<1x128xi32, #tpu.memory_space<vmem>> -> memref<128xi32, #tpu.memory_space<vmem>>
        %dma_wait3A_261 = arith.constant 0 : i32
        %dma_wait3A_262 = arith.constant 0 : i32
        %dma_wait3A_263 = tpu.memref_slice %arg37[%dma_wait3A_261, %dma_wait3A_262] : memref<10240x8xf32, #tpu.memory_space<vmem_shared>> -> memref<10240x8xf32, #tpu.memory_space<vmem_shared>>
        tpu.wait_indirect_dma semaphore(%arg33 : memref<!tpu.dma_semaphore, #tpu.memory_space<semaphore_mem>>) src(%arg17 : memref<128x8xf32, #tpu.memory_space<vmem>>) dst(%dma_wait3A_263 : memref<10240x8xf32, #tpu.memory_space<vmem_shared>>)
        %sub3A_264 = arith.constant 1 : i32
        %sub3A_265 = arith.subi %add3A_95, %sub3A_264 : i32
        %add3A_266 = arith.constant 8 : i32
        %add3A_267 = arith.addi %sub3A_265, %add3A_266 : i32
        %lt3A = arith.constant 80 : i32
        %lt3A_268 = arith.cmpi slt, %add3A_267, %lt3A : i32
        %convert_element_type3A_269 = arith.extui %lt3A_268 : i1 to i32
        %cond3A_270 = arith.constant 0 : i32
        %cond3A_271 = arith.cmpi ne, %convert_element_type3A_269, %cond3A_270 : i32
        scf.if %cond3A_271 {
          %sub3A_272 = arith.constant 1 : i32
          %sub3A_273 = arith.subi %add3A_95, %sub3A_272 : i32
          %add3A_274 = arith.constant 8 : i32
          %add3A_275 = arith.addi %sub3A_273, %add3A_274 : i32
          %dma_start3A_276 = arith.constant 0 : i32
          %dma_start3A_277 = tpu.memref_slice %arg8[%add3A_275, %dma_start3A_276] : memref<80x128xi32, #tpu.memory_space<vmem>> -> memref<1x128xi32, #tpu.memory_space<vmem>>
          %dma_start3A_278 = tpu.memref_squeeze %dma_start3A_277 : memref<1x128xi32, #tpu.memory_space<vmem>> -> memref<128xi32, #tpu.memory_space<vmem>>
          %dma_start3A_279 = arith.constant 0 : i32
          %dma_start3A_280 = arith.constant 0 : i32
          %dma_start3A_281 = tpu.memref_slice %arg36[%dma_start3A_279, %dma_start3A_280] : memref<10240x8xf32, #tpu.memory_space<vmem_shared>> -> memref<10240x8xf32, #tpu.memory_space<vmem_shared>>
          tpu.enqueue_indirect_dma source(%dma_start3A_281 : memref<10240x8xf32, #tpu.memory_space<vmem_shared>>) target(%arg17 : memref<128x8xf32, #tpu.memory_space<vmem>>) offsets(%dma_start3A_278 : memref<128xi32, #tpu.memory_space<vmem>>) semaphore(%arg25 : memref<!tpu.dma_semaphore, #tpu.memory_space<semaphore_mem>>)
        } else {
        }
      } else {
      }
      %mul3A_110 = arith.constant 8 : i32
      %mul3A_111 = arith.muli %scan3A_91, %mul3A_110 : i32
      %add3A_112 = arith.constant 1 : i32
      %add3A_113 = arith.addi %mul3A_111, %add3A_112 : i32
      %dma_wait3A_114 = arith.constant 0 : i32
      %dma_wait3A_115 = tpu.memref_slice %arg8[%add3A_113, %dma_wait3A_114] : memref<80x128xi32, #tpu.memory_space<vmem>> -> memref<1x128xi32, #tpu.memory_space<vmem>>
      %dma_wait3A_116 = tpu.memref_squeeze %dma_wait3A_115 : memref<1x128xi32, #tpu.memory_space<vmem>> -> memref<128xi32, #tpu.memory_space<vmem>>
      %dma_wait3A_117 = arith.constant 0 : i32
      %dma_wait3A_118 = arith.constant 0 : i32
      %dma_wait3A_119 = tpu.memref_slice %arg36[%dma_wait3A_117, %dma_wait3A_118] : memref<10240x8xf32, #tpu.memory_space<vmem_shared>> -> memref<10240x8xf32, #tpu.memory_space<vmem_shared>>
      tpu.wait_indirect_dma semaphore(%arg19 : memref<!tpu.dma_semaphore, #tpu.memory_space<semaphore_mem>>) src(%dma_wait3A_119 : memref<10240x8xf32, #tpu.memory_space<vmem_shared>>) dst(%arg11 : memref<128x8xf32, #tpu.memory_space<vmem>>)
      %dma_start3A_120 = arith.constant 0 : i32
      %dma_start3A_121 = tpu.memref_slice %arg9[%add3A_113, %dma_start3A_120] : memref<80x128xi32, #tpu.memory_space<vmem>> -> memref<1x128xi32, #tpu.memory_space<vmem>>
      %dma_start3A_122 = tpu.memref_squeeze %dma_start3A_121 : memref<1x128xi32, #tpu.memory_space<vmem>> -> memref<128xi32, #tpu.memory_space<vmem>>
      %dma_start3A_123 = arith.constant 0 : i32
      %dma_start3A_124 = arith.constant 0 : i32
      %dma_start3A_125 = tpu.memref_slice %arg37[%dma_start3A_123, %dma_start3A_124] : memref<10240x8xf32, #tpu.memory_space<vmem_shared>> -> memref<10240x8xf32, #tpu.memory_space<vmem_shared>>
      tpu.enqueue_indirect_dma source(%arg11 : memref<128x8xf32, #tpu.memory_space<vmem>>) target(%dma_start3A_125 : memref<10240x8xf32, #tpu.memory_space<vmem_shared>>) offsets(%dma_start3A_122 : memref<128xi32, #tpu.memory_space<vmem>>) semaphore(%arg27 : memref<!tpu.dma_semaphore, #tpu.memory_space<semaphore_mem>>) {add = true}
      %gt3A_126 = arith.constant 0 : i32
      %gt3A_127 = arith.cmpi sgt, %add3A_113, %gt3A_126 : i32
      %convert_element_type3A_128 = arith.extui %gt3A_127 : i1 to i32
      %cond3A_129 = arith.constant 0 : i32
      %cond3A_130 = arith.cmpi ne, %convert_element_type3A_128, %cond3A_129 : i32
      scf.if %cond3A_130 {
        %sub3A = arith.constant 1 : i32
        %sub3A_257 = arith.subi %add3A_113, %sub3A : i32
        %dma_wait3A_258 = arith.constant 0 : i32
        %dma_wait3A_259 = tpu.memref_slice %arg9[%sub3A_257, %dma_wait3A_258] : memref<80x128xi32, #tpu.memory_space<vmem>> -> memref<1x128xi32, #tpu.memory_space<vmem>>
        %dma_wait3A_260 = tpu.memref_squeeze %dma_wait3A_259 : memref<1x128xi32, #tpu.memory_space<vmem>> -> memref<128xi32, #tpu.memory_space<vmem>>
        %dma_wait3A_261 = arith.constant 0 : i32
        %dma_wait3A_262 = arith.constant 0 : i32
        %dma_wait3A_263 = tpu.memref_slice %arg37[%dma_wait3A_261, %dma_wait3A_262] : memref<10240x8xf32, #tpu.memory_space<vmem_shared>> -> memref<10240x8xf32, #tpu.memory_space<vmem_shared>>
        tpu.wait_indirect_dma semaphore(%arg26 : memref<!tpu.dma_semaphore, #tpu.memory_space<semaphore_mem>>) src(%arg10 : memref<128x8xf32, #tpu.memory_space<vmem>>) dst(%dma_wait3A_263 : memref<10240x8xf32, #tpu.memory_space<vmem_shared>>)
        %sub3A_264 = arith.constant 1 : i32
        %sub3A_265 = arith.subi %add3A_113, %sub3A_264 : i32
        %add3A_266 = arith.constant 8 : i32
        %add3A_267 = arith.addi %sub3A_265, %add3A_266 : i32
        %lt3A = arith.constant 80 : i32
        %lt3A_268 = arith.cmpi slt, %add3A_267, %lt3A : i32
        %convert_element_type3A_269 = arith.extui %lt3A_268 : i1 to i32
        %cond3A_270 = arith.constant 0 : i32
        %cond3A_271 = arith.cmpi ne, %convert_element_type3A_269, %cond3A_270 : i32
        scf.if %cond3A_271 {
          %sub3A_272 = arith.constant 1 : i32
          %sub3A_273 = arith.subi %add3A_113, %sub3A_272 : i32
          %add3A_274 = arith.constant 8 : i32
          %add3A_275 = arith.addi %sub3A_273, %add3A_274 : i32
          %dma_start3A_276 = arith.constant 0 : i32
          %dma_start3A_277 = tpu.memref_slice %arg8[%add3A_275, %dma_start3A_276] : memref<80x128xi32, #tpu.memory_space<vmem>> -> memref<1x128xi32, #tpu.memory_space<vmem>>
          %dma_start3A_278 = tpu.memref_squeeze %dma_start3A_277 : memref<1x128xi32, #tpu.memory_space<vmem>> -> memref<128xi32, #tpu.memory_space<vmem>>
          %dma_start3A_279 = arith.constant 0 : i32
          %dma_start3A_280 = arith.constant 0 : i32
          %dma_start3A_281 = tpu.memref_slice %arg36[%dma_start3A_279, %dma_start3A_280] : memref<10240x8xf32, #tpu.memory_space<vmem_shared>> -> memref<10240x8xf32, #tpu.memory_space<vmem_shared>>
          tpu.enqueue_indirect_dma source(%dma_start3A_281 : memref<10240x8xf32, #tpu.memory_space<vmem_shared>>) target(%arg10 : memref<128x8xf32, #tpu.memory_space<vmem>>) offsets(%dma_start3A_278 : memref<128xi32, #tpu.memory_space<vmem>>) semaphore(%arg18 : memref<!tpu.dma_semaphore, #tpu.memory_space<semaphore_mem>>)
        } else {
        }
      } else {
      }
      %mul3A_131 = arith.constant 8 : i32
      %mul3A_132 = arith.muli %scan3A_91, %mul3A_131 : i32
      %add3A_133 = arith.constant 2 : i32
      %add3A_134 = arith.addi %mul3A_132, %add3A_133 : i32
      %dma_wait3A_135 = arith.constant 0 : i32
      %dma_wait3A_136 = tpu.memref_slice %arg8[%add3A_134, %dma_wait3A_135] : memref<80x128xi32, #tpu.memory_space<vmem>> -> memref<1x128xi32, #tpu.memory_space<vmem>>
      %dma_wait3A_137 = tpu.memref_squeeze %dma_wait3A_136 : memref<1x128xi32, #tpu.memory_space<vmem>> -> memref<128xi32, #tpu.memory_space<vmem>>
      %dma_wait3A_138 = arith.constant 0 : i32
      %dma_wait3A_139 = arith.constant 0 : i32
      %dma_wait3A_140 = tpu.memref_slice %arg36[%dma_wait3A_138, %dma_wait3A_139] : memref<10240x8xf32, #tpu.memory_space<vmem_shared>> -> memref<10240x8xf32, #tpu.memory_space<vmem_shared>>
      tpu.wait_indirect_dma semaphore(%arg20 : memref<!tpu.dma_semaphore, #tpu.memory_space<semaphore_mem>>) src(%dma_wait3A_140 : memref<10240x8xf32, #tpu.memory_space<vmem_shared>>) dst(%arg12 : memref<128x8xf32, #tpu.memory_space<vmem>>)
      %dma_start3A_141 = arith.constant 0 : i32
      %dma_start3A_142 = tpu.memref_slice %arg9[%add3A_134, %dma_start3A_141] : memref<80x128xi32, #tpu.memory_space<vmem>> -> memref<1x128xi32, #tpu.memory_space<vmem>>
      %dma_start3A_143 = tpu.memref_squeeze %dma_start3A_142 : memref<1x128xi32, #tpu.memory_space<vmem>> -> memref<128xi32, #tpu.memory_space<vmem>>
      %dma_start3A_144 = arith.constant 0 : i32
      %dma_start3A_145 = arith.constant 0 : i32
      %dma_start3A_146 = tpu.memref_slice %arg37[%dma_start3A_144, %dma_start3A_145] : memref<10240x8xf32, #tpu.memory_space<vmem_shared>> -> memref<10240x8xf32, #tpu.memory_space<vmem_shared>>
      tpu.enqueue_indirect_dma source(%arg12 : memref<128x8xf32, #tpu.memory_space<vmem>>) target(%dma_start3A_146 : memref<10240x8xf32, #tpu.memory_space<vmem_shared>>) offsets(%dma_start3A_143 : memref<128xi32, #tpu.memory_space<vmem>>) semaphore(%arg28 : memref<!tpu.dma_semaphore, #tpu.memory_space<semaphore_mem>>) {add = true}
      %gt3A_147 = arith.constant 0 : i32
      %gt3A_148 = arith.cmpi sgt, %add3A_134, %gt3A_147 : i32
      %convert_element_type3A_149 = arith.extui %gt3A_148 : i1 to i32
      %cond3A_150 = arith.constant 0 : i32
      %cond3A_151 = arith.cmpi ne, %convert_element_type3A_149, %cond3A_150 : i32
      scf.if %cond3A_151 {
        %sub3A = arith.constant 1 : i32
        %sub3A_257 = arith.subi %add3A_134, %sub3A : i32
        %dma_wait3A_258 = arith.constant 0 : i32
        %dma_wait3A_259 = tpu.memref_slice %arg9[%sub3A_257, %dma_wait3A_258] : memref<80x128xi32, #tpu.memory_space<vmem>> -> memref<1x128xi32, #tpu.memory_space<vmem>>
        %dma_wait3A_260 = tpu.memref_squeeze %dma_wait3A_259 : memref<1x128xi32, #tpu.memory_space<vmem>> -> memref<128xi32, #tpu.memory_space<vmem>>
        %dma_wait3A_261 = arith.constant 0 : i32
        %dma_wait3A_262 = arith.constant 0 : i32
        %dma_wait3A_263 = tpu.memref_slice %arg37[%dma_wait3A_261, %dma_wait3A_262] : memref<10240x8xf32, #tpu.memory_space<vmem_shared>> -> memref<10240x8xf32, #tpu.memory_space<vmem_shared>>
        tpu.wait_indirect_dma semaphore(%arg27 : memref<!tpu.dma_semaphore, #tpu.memory_space<semaphore_mem>>) src(%arg11 : memref<128x8xf32, #tpu.memory_space<vmem>>) dst(%dma_wait3A_263 : memref<10240x8xf32, #tpu.memory_space<vmem_shared>>)
        %sub3A_264 = arith.constant 1 : i32
        %sub3A_265 = arith.subi %add3A_134, %sub3A_264 : i32
        %add3A_266 = arith.constant 8 : i32
        %add3A_267 = arith.addi %sub3A_265, %add3A_266 : i32
        %lt3A = arith.constant 80 : i32
        %lt3A_268 = arith.cmpi slt, %add3A_267, %lt3A : i32
        %convert_element_type3A_269 = arith.extui %lt3A_268 : i1 to i32
        %cond3A_270 = arith.constant 0 : i32
        %cond3A_271 = arith.cmpi ne, %convert_element_type3A_269, %cond3A_270 : i32
        scf.if %cond3A_271 {
          %sub3A_272 = arith.constant 1 : i32
          %sub3A_273 = arith.subi %add3A_134, %sub3A_272 : i32
          %add3A_274 = arith.constant 8 : i32
          %add3A_275 = arith.addi %sub3A_273, %add3A_274 : i32
          %dma_start3A_276 = arith.constant 0 : i32
          %dma_start3A_277 = tpu.memref_slice %arg8[%add3A_275, %dma_start3A_276] : memref<80x128xi32, #tpu.memory_space<vmem>> -> memref<1x128xi32, #tpu.memory_space<vmem>>
          %dma_start3A_278 = tpu.memref_squeeze %dma_start3A_277 : memref<1x128xi32, #tpu.memory_space<vmem>> -> memref<128xi32, #tpu.memory_space<vmem>>
          %dma_start3A_279 = arith.constant 0 : i32
          %dma_start3A_280 = arith.constant 0 : i32
          %dma_start3A_281 = tpu.memref_slice %arg36[%dma_start3A_279, %dma_start3A_280] : memref<10240x8xf32, #tpu.memory_space<vmem_shared>> -> memref<10240x8xf32, #tpu.memory_space<vmem_shared>>
          tpu.enqueue_indirect_dma source(%dma_start3A_281 : memref<10240x8xf32, #tpu.memory_space<vmem_shared>>) target(%arg11 : memref<128x8xf32, #tpu.memory_space<vmem>>) offsets(%dma_start3A_278 : memref<128xi32, #tpu.memory_space<vmem>>) semaphore(%arg19 : memref<!tpu.dma_semaphore, #tpu.memory_space<semaphore_mem>>)
        } else {
        }
      } else {
      }
      %mul3A_152 = arith.constant 8 : i32
      %mul3A_153 = arith.muli %scan3A_91, %mul3A_152 : i32
      %add3A_154 = arith.constant 3 : i32
      %add3A_155 = arith.addi %mul3A_153, %add3A_154 : i32
      %dma_wait3A_156 = arith.constant 0 : i32
      %dma_wait3A_157 = tpu.memref_slice %arg8[%add3A_155, %dma_wait3A_156] : memref<80x128xi32, #tpu.memory_space<vmem>> -> memref<1x128xi32, #tpu.memory_space<vmem>>
      %dma_wait3A_158 = tpu.memref_squeeze %dma_wait3A_157 : memref<1x128xi32, #tpu.memory_space<vmem>> -> memref<128xi32, #tpu.memory_space<vmem>>
      %dma_wait3A_159 = arith.constant 0 : i32
      %dma_wait3A_160 = arith.constant 0 : i32
      %dma_wait3A_161 = tpu.memref_slice %arg36[%dma_wait3A_159, %dma_wait3A_160] : memref<10240x8xf32, #tpu.memory_space<vmem_shared>> -> memref<10240x8xf32, #tpu.memory_space<vmem_shared>>
      tpu.wait_indirect_dma semaphore(%arg21 : memref<!tpu.dma_semaphore, #tpu.memory_space<semaphore_mem>>) src(%dma_wait3A_161 : memref<10240x8xf32, #tpu.memory_space<vmem_shared>>) dst(%arg13 : memref<128x8xf32, #tpu.memory_space<vmem>>)
      %dma_start3A_162 = arith.constant 0 : i32
      %dma_start3A_163 = tpu.memref_slice %arg9[%add3A_155, %dma_start3A_162] : memref<80x128xi32, #tpu.memory_space<vmem>> -> memref<1x128xi32, #tpu.memory_space<vmem>>
      %dma_start3A_164 = tpu.memref_squeeze %dma_start3A_163 : memref<1x128xi32, #tpu.memory_space<vmem>> -> memref<128xi32, #tpu.memory_space<vmem>>
      %dma_start3A_165 = arith.constant 0 : i32
      %dma_start3A_166 = arith.constant 0 : i32
      %dma_start3A_167 = tpu.memref_slice %arg37[%dma_start3A_165, %dma_start3A_166] : memref<10240x8xf32, #tpu.memory_space<vmem_shared>> -> memref<10240x8xf32, #tpu.memory_space<vmem_shared>>
      tpu.enqueue_indirect_dma source(%arg13 : memref<128x8xf32, #tpu.memory_space<vmem>>) target(%dma_start3A_167 : memref<10240x8xf32, #tpu.memory_space<vmem_shared>>) offsets(%dma_start3A_164 : memref<128xi32, #tpu.memory_space<vmem>>) semaphore(%arg29 : memref<!tpu.dma_semaphore, #tpu.memory_space<semaphore_mem>>) {add = true}
      %gt3A_168 = arith.constant 0 : i32
      %gt3A_169 = arith.cmpi sgt, %add3A_155, %gt3A_168 : i32
      %convert_element_type3A_170 = arith.extui %gt3A_169 : i1 to i32
      %cond3A_171 = arith.constant 0 : i32
      %cond3A_172 = arith.cmpi ne, %convert_element_type3A_170, %cond3A_171 : i32
      scf.if %cond3A_172 {
        %sub3A = arith.constant 1 : i32
        %sub3A_257 = arith.subi %add3A_155, %sub3A : i32
        %dma_wait3A_258 = arith.constant 0 : i32
        %dma_wait3A_259 = tpu.memref_slice %arg9[%sub3A_257, %dma_wait3A_258] : memref<80x128xi32, #tpu.memory_space<vmem>> -> memref<1x128xi32, #tpu.memory_space<vmem>>
        %dma_wait3A_260 = tpu.memref_squeeze %dma_wait3A_259 : memref<1x128xi32, #tpu.memory_space<vmem>> -> memref<128xi32, #tpu.memory_space<vmem>>
        %dma_wait3A_261 = arith.constant 0 : i32
        %dma_wait3A_262 = arith.constant 0 : i32
        %dma_wait3A_263 = tpu.memref_slice %arg37[%dma_wait3A_261, %dma_wait3A_262] : memref<10240x8xf32, #tpu.memory_space<vmem_shared>> -> memref<10240x8xf32, #tpu.memory_space<vmem_shared>>
        tpu.wait_indirect_dma semaphore(%arg28 : memref<!tpu.dma_semaphore, #tpu.memory_space<semaphore_mem>>) src(%arg12 : memref<128x8xf32, #tpu.memory_space<vmem>>) dst(%dma_wait3A_263 : memref<10240x8xf32, #tpu.memory_space<vmem_shared>>)
        %sub3A_264 = arith.constant 1 : i32
        %sub3A_265 = arith.subi %add3A_155, %sub3A_264 : i32
        %add3A_266 = arith.constant 8 : i32
        %add3A_267 = arith.addi %sub3A_265, %add3A_266 : i32
        %lt3A = arith.constant 80 : i32
        %lt3A_268 = arith.cmpi slt, %add3A_267, %lt3A : i32
        %convert_element_type3A_269 = arith.extui %lt3A_268 : i1 to i32
        %cond3A_270 = arith.constant 0 : i32
        %cond3A_271 = arith.cmpi ne, %convert_element_type3A_269, %cond3A_270 : i32
        scf.if %cond3A_271 {
          %sub3A_272 = arith.constant 1 : i32
          %sub3A_273 = arith.subi %add3A_155, %sub3A_272 : i32
          %add3A_274 = arith.constant 8 : i32
          %add3A_275 = arith.addi %sub3A_273, %add3A_274 : i32
          %dma_start3A_276 = arith.constant 0 : i32
          %dma_start3A_277 = tpu.memref_slice %arg8[%add3A_275, %dma_start3A_276] : memref<80x128xi32, #tpu.memory_space<vmem>> -> memref<1x128xi32, #tpu.memory_space<vmem>>
          %dma_start3A_278 = tpu.memref_squeeze %dma_start3A_277 : memref<1x128xi32, #tpu.memory_space<vmem>> -> memref<128xi32, #tpu.memory_space<vmem>>
          %dma_start3A_279 = arith.constant 0 : i32
          %dma_start3A_280 = arith.constant 0 : i32
          %dma_start3A_281 = tpu.memref_slice %arg36[%dma_start3A_279, %dma_start3A_280] : memref<10240x8xf32, #tpu.memory_space<vmem_shared>> -> memref<10240x8xf32, #tpu.memory_space<vmem_shared>>
          tpu.enqueue_indirect_dma source(%dma_start3A_281 : memref<10240x8xf32, #tpu.memory_space<vmem_shared>>) target(%arg12 : memref<128x8xf32, #tpu.memory_space<vmem>>) offsets(%dma_start3A_278 : memref<128xi32, #tpu.memory_space<vmem>>) semaphore(%arg20 : memref<!tpu.dma_semaphore, #tpu.memory_space<semaphore_mem>>)
        } else {
        }
      } else {
      }
      %mul3A_173 = arith.constant 8 : i32
      %mul3A_174 = arith.muli %scan3A_91, %mul3A_173 : i32
      %add3A_175 = arith.constant 4 : i32
      %add3A_176 = arith.addi %mul3A_174, %add3A_175 : i32
      %dma_wait3A_177 = arith.constant 0 : i32
      %dma_wait3A_178 = tpu.memref_slice %arg8[%add3A_176, %dma_wait3A_177] : memref<80x128xi32, #tpu.memory_space<vmem>> -> memref<1x128xi32, #tpu.memory_space<vmem>>
      %dma_wait3A_179 = tpu.memref_squeeze %dma_wait3A_178 : memref<1x128xi32, #tpu.memory_space<vmem>> -> memref<128xi32, #tpu.memory_space<vmem>>
      %dma_wait3A_180 = arith.constant 0 : i32
      %dma_wait3A_181 = arith.constant 0 : i32
      %dma_wait3A_182 = tpu.memref_slice %arg36[%dma_wait3A_180, %dma_wait3A_181] : memref<10240x8xf32, #tpu.memory_space<vmem_shared>> -> memref<10240x8xf32, #tpu.memory_space<vmem_shared>>
      tpu.wait_indirect_dma semaphore(%arg22 : memref<!tpu.dma_semaphore, #tpu.memory_space<semaphore_mem>>) src(%dma_wait3A_182 : memref<10240x8xf32, #tpu.memory_space<vmem_shared>>) dst(%arg14 : memref<128x8xf32, #tpu.memory_space<vmem>>)
      %dma_start3A_183 = arith.constant 0 : i32
      %dma_start3A_184 = tpu.memref_slice %arg9[%add3A_176, %dma_start3A_183] : memref<80x128xi32, #tpu.memory_space<vmem>> -> memref<1x128xi32, #tpu.memory_space<vmem>>
      %dma_start3A_185 = tpu.memref_squeeze %dma_start3A_184 : memref<1x128xi32, #tpu.memory_space<vmem>> -> memref<128xi32, #tpu.memory_space<vmem>>
      %dma_start3A_186 = arith.constant 0 : i32
      %dma_start3A_187 = arith.constant 0 : i32
      %dma_start3A_188 = tpu.memref_slice %arg37[%dma_start3A_186, %dma_start3A_187] : memref<10240x8xf32, #tpu.memory_space<vmem_shared>> -> memref<10240x8xf32, #tpu.memory_space<vmem_shared>>
      tpu.enqueue_indirect_dma source(%arg14 : memref<128x8xf32, #tpu.memory_space<vmem>>) target(%dma_start3A_188 : memref<10240x8xf32, #tpu.memory_space<vmem_shared>>) offsets(%dma_start3A_185 : memref<128xi32, #tpu.memory_space<vmem>>) semaphore(%arg30 : memref<!tpu.dma_semaphore, #tpu.memory_space<semaphore_mem>>) {add = true}
      %gt3A_189 = arith.constant 0 : i32
      %gt3A_190 = arith.cmpi sgt, %add3A_176, %gt3A_189 : i32
      %convert_element_type3A_191 = arith.extui %gt3A_190 : i1 to i32
      %cond3A_192 = arith.constant 0 : i32
      %cond3A_193 = arith.cmpi ne, %convert_element_type3A_191, %cond3A_192 : i32
      scf.if %cond3A_193 {
        %sub3A = arith.constant 1 : i32
        %sub3A_257 = arith.subi %add3A_176, %sub3A : i32
        %dma_wait3A_258 = arith.constant 0 : i32
        %dma_wait3A_259 = tpu.memref_slice %arg9[%sub3A_257, %dma_wait3A_258] : memref<80x128xi32, #tpu.memory_space<vmem>> -> memref<1x128xi32, #tpu.memory_space<vmem>>
        %dma_wait3A_260 = tpu.memref_squeeze %dma_wait3A_259 : memref<1x128xi32, #tpu.memory_space<vmem>> -> memref<128xi32, #tpu.memory_space<vmem>>
        %dma_wait3A_261 = arith.constant 0 : i32
        %dma_wait3A_262 = arith.constant 0 : i32
        %dma_wait3A_263 = tpu.memref_slice %arg37[%dma_wait3A_261, %dma_wait3A_262] : memref<10240x8xf32, #tpu.memory_space<vmem_shared>> -> memref<10240x8xf32, #tpu.memory_space<vmem_shared>>
        tpu.wait_indirect_dma semaphore(%arg29 : memref<!tpu.dma_semaphore, #tpu.memory_space<semaphore_mem>>) src(%arg13 : memref<128x8xf32, #tpu.memory_space<vmem>>) dst(%dma_wait3A_263 : memref<10240x8xf32, #tpu.memory_space<vmem_shared>>)
        %sub3A_264 = arith.constant 1 : i32
        %sub3A_265 = arith.subi %add3A_176, %sub3A_264 : i32
        %add3A_266 = arith.constant 8 : i32
        %add3A_267 = arith.addi %sub3A_265, %add3A_266 : i32
        %lt3A = arith.constant 80 : i32
        %lt3A_268 = arith.cmpi slt, %add3A_267, %lt3A : i32
        %convert_element_type3A_269 = arith.extui %lt3A_268 : i1 to i32
        %cond3A_270 = arith.constant 0 : i32
        %cond3A_271 = arith.cmpi ne, %convert_element_type3A_269, %cond3A_270 : i32
        scf.if %cond3A_271 {
          %sub3A_272 = arith.constant 1 : i32
          %sub3A_273 = arith.subi %add3A_176, %sub3A_272 : i32
          %add3A_274 = arith.constant 8 : i32
          %add3A_275 = arith.addi %sub3A_273, %add3A_274 : i32
          %dma_start3A_276 = arith.constant 0 : i32
          %dma_start3A_277 = tpu.memref_slice %arg8[%add3A_275, %dma_start3A_276] : memref<80x128xi32, #tpu.memory_space<vmem>> -> memref<1x128xi32, #tpu.memory_space<vmem>>
          %dma_start3A_278 = tpu.memref_squeeze %dma_start3A_277 : memref<1x128xi32, #tpu.memory_space<vmem>> -> memref<128xi32, #tpu.memory_space<vmem>>
          %dma_start3A_279 = arith.constant 0 : i32
          %dma_start3A_280 = arith.constant 0 : i32
          %dma_start3A_281 = tpu.memref_slice %arg36[%dma_start3A_279, %dma_start3A_280] : memref<10240x8xf32, #tpu.memory_space<vmem_shared>> -> memref<10240x8xf32, #tpu.memory_space<vmem_shared>>
          tpu.enqueue_indirect_dma source(%dma_start3A_281 : memref<10240x8xf32, #tpu.memory_space<vmem_shared>>) target(%arg13 : memref<128x8xf32, #tpu.memory_space<vmem>>) offsets(%dma_start3A_278 : memref<128xi32, #tpu.memory_space<vmem>>) semaphore(%arg21 : memref<!tpu.dma_semaphore, #tpu.memory_space<semaphore_mem>>)
        } else {
        }
      } else {
      }
      %mul3A_194 = arith.constant 8 : i32
      %mul3A_195 = arith.muli %scan3A_91, %mul3A_194 : i32
      %add3A_196 = arith.constant 5 : i32
      %add3A_197 = arith.addi %mul3A_195, %add3A_196 : i32
      %dma_wait3A_198 = arith.constant 0 : i32
      %dma_wait3A_199 = tpu.memref_slice %arg8[%add3A_197, %dma_wait3A_198] : memref<80x128xi32, #tpu.memory_space<vmem>> -> memref<1x128xi32, #tpu.memory_space<vmem>>
      %dma_wait3A_200 = tpu.memref_squeeze %dma_wait3A_199 : memref<1x128xi32, #tpu.memory_space<vmem>> -> memref<128xi32, #tpu.memory_space<vmem>>
      %dma_wait3A_201 = arith.constant 0 : i32
      %dma_wait3A_202 = arith.constant 0 : i32
      %dma_wait3A_203 = tpu.memref_slice %arg36[%dma_wait3A_201, %dma_wait3A_202] : memref<10240x8xf32, #tpu.memory_space<vmem_shared>> -> memref<10240x8xf32, #tpu.memory_space<vmem_shared>>
      tpu.wait_indirect_dma semaphore(%arg23 : memref<!tpu.dma_semaphore, #tpu.memory_space<semaphore_mem>>) src(%dma_wait3A_203 : memref<10240x8xf32, #tpu.memory_space<vmem_shared>>) dst(%arg15 : memref<128x8xf32, #tpu.memory_space<vmem>>)
      %dma_start3A_204 = arith.constant 0 : i32
      %dma_start3A_205 = tpu.memref_slice %arg9[%add3A_197, %dma_start3A_204] : memref<80x128xi32, #tpu.memory_space<vmem>> -> memref<1x128xi32, #tpu.memory_space<vmem>>
      %dma_start3A_206 = tpu.memref_squeeze %dma_start3A_205 : memref<1x128xi32, #tpu.memory_space<vmem>> -> memref<128xi32, #tpu.memory_space<vmem>>
      %dma_start3A_207 = arith.constant 0 : i32
      %dma_start3A_208 = arith.constant 0 : i32
      %dma_start3A_209 = tpu.memref_slice %arg37[%dma_start3A_207, %dma_start3A_208] : memref<10240x8xf32, #tpu.memory_space<vmem_shared>> -> memref<10240x8xf32, #tpu.memory_space<vmem_shared>>
      tpu.enqueue_indirect_dma source(%arg15 : memref<128x8xf32, #tpu.memory_space<vmem>>) target(%dma_start3A_209 : memref<10240x8xf32, #tpu.memory_space<vmem_shared>>) offsets(%dma_start3A_206 : memref<128xi32, #tpu.memory_space<vmem>>) semaphore(%arg31 : memref<!tpu.dma_semaphore, #tpu.memory_space<semaphore_mem>>) {add = true}
      %gt3A_210 = arith.constant 0 : i32
      %gt3A_211 = arith.cmpi sgt, %add3A_197, %gt3A_210 : i32
      %convert_element_type3A_212 = arith.extui %gt3A_211 : i1 to i32
      %cond3A_213 = arith.constant 0 : i32
      %cond3A_214 = arith.cmpi ne, %convert_element_type3A_212, %cond3A_213 : i32
      scf.if %cond3A_214 {
        %sub3A = arith.constant 1 : i32
        %sub3A_257 = arith.subi %add3A_197, %sub3A : i32
        %dma_wait3A_258 = arith.constant 0 : i32
        %dma_wait3A_259 = tpu.memref_slice %arg9[%sub3A_257, %dma_wait3A_258] : memref<80x128xi32, #tpu.memory_space<vmem>> -> memref<1x128xi32, #tpu.memory_space<vmem>>
        %dma_wait3A_260 = tpu.memref_squeeze %dma_wait3A_259 : memref<1x128xi32, #tpu.memory_space<vmem>> -> memref<128xi32, #tpu.memory_space<vmem>>
        %dma_wait3A_261 = arith.constant 0 : i32
        %dma_wait3A_262 = arith.constant 0 : i32
        %dma_wait3A_263 = tpu.memref_slice %arg37[%dma_wait3A_261, %dma_wait3A_262] : memref<10240x8xf32, #tpu.memory_space<vmem_shared>> -> memref<10240x8xf32, #tpu.memory_space<vmem_shared>>
        tpu.wait_indirect_dma semaphore(%arg30 : memref<!tpu.dma_semaphore, #tpu.memory_space<semaphore_mem>>) src(%arg14 : memref<128x8xf32, #tpu.memory_space<vmem>>) dst(%dma_wait3A_263 : memref<10240x8xf32, #tpu.memory_space<vmem_shared>>)
        %sub3A_264 = arith.constant 1 : i32
        %sub3A_265 = arith.subi %add3A_197, %sub3A_264 : i32
        %add3A_266 = arith.constant 8 : i32
        %add3A_267 = arith.addi %sub3A_265, %add3A_266 : i32
        %lt3A = arith.constant 80 : i32
        %lt3A_268 = arith.cmpi slt, %add3A_267, %lt3A : i32
        %convert_element_type3A_269 = arith.extui %lt3A_268 : i1 to i32
        %cond3A_270 = arith.constant 0 : i32
        %cond3A_271 = arith.cmpi ne, %convert_element_type3A_269, %cond3A_270 : i32
        scf.if %cond3A_271 {
          %sub3A_272 = arith.constant 1 : i32
          %sub3A_273 = arith.subi %add3A_197, %sub3A_272 : i32
          %add3A_274 = arith.constant 8 : i32
          %add3A_275 = arith.addi %sub3A_273, %add3A_274 : i32
          %dma_start3A_276 = arith.constant 0 : i32
          %dma_start3A_277 = tpu.memref_slice %arg8[%add3A_275, %dma_start3A_276] : memref<80x128xi32, #tpu.memory_space<vmem>> -> memref<1x128xi32, #tpu.memory_space<vmem>>
          %dma_start3A_278 = tpu.memref_squeeze %dma_start3A_277 : memref<1x128xi32, #tpu.memory_space<vmem>> -> memref<128xi32, #tpu.memory_space<vmem>>
          %dma_start3A_279 = arith.constant 0 : i32
          %dma_start3A_280 = arith.constant 0 : i32
          %dma_start3A_281 = tpu.memref_slice %arg36[%dma_start3A_279, %dma_start3A_280] : memref<10240x8xf32, #tpu.memory_space<vmem_shared>> -> memref<10240x8xf32, #tpu.memory_space<vmem_shared>>
          tpu.enqueue_indirect_dma source(%dma_start3A_281 : memref<10240x8xf32, #tpu.memory_space<vmem_shared>>) target(%arg14 : memref<128x8xf32, #tpu.memory_space<vmem>>) offsets(%dma_start3A_278 : memref<128xi32, #tpu.memory_space<vmem>>) semaphore(%arg22 : memref<!tpu.dma_semaphore, #tpu.memory_space<semaphore_mem>>)
        } else {
        }
      } else {
      }
      %mul3A_215 = arith.constant 8 : i32
      %mul3A_216 = arith.muli %scan3A_91, %mul3A_215 : i32
      %add3A_217 = arith.constant 6 : i32
      %add3A_218 = arith.addi %mul3A_216, %add3A_217 : i32
      %dma_wait3A_219 = arith.constant 0 : i32
      %dma_wait3A_220 = tpu.memref_slice %arg8[%add3A_218, %dma_wait3A_219] : memref<80x128xi32, #tpu.memory_space<vmem>> -> memref<1x128xi32, #tpu.memory_space<vmem>>
      %dma_wait3A_221 = tpu.memref_squeeze %dma_wait3A_220 : memref<1x128xi32, #tpu.memory_space<vmem>> -> memref<128xi32, #tpu.memory_space<vmem>>
      %dma_wait3A_222 = arith.constant 0 : i32
      %dma_wait3A_223 = arith.constant 0 : i32
      %dma_wait3A_224 = tpu.memref_slice %arg36[%dma_wait3A_222, %dma_wait3A_223] : memref<10240x8xf32, #tpu.memory_space<vmem_shared>> -> memref<10240x8xf32, #tpu.memory_space<vmem_shared>>
      tpu.wait_indirect_dma semaphore(%arg24 : memref<!tpu.dma_semaphore, #tpu.memory_space<semaphore_mem>>) src(%dma_wait3A_224 : memref<10240x8xf32, #tpu.memory_space<vmem_shared>>) dst(%arg16 : memref<128x8xf32, #tpu.memory_space<vmem>>)
      %dma_start3A_225 = arith.constant 0 : i32
      %dma_start3A_226 = tpu.memref_slice %arg9[%add3A_218, %dma_start3A_225] : memref<80x128xi32, #tpu.memory_space<vmem>> -> memref<1x128xi32, #tpu.memory_space<vmem>>
      %dma_start3A_227 = tpu.memref_squeeze %dma_start3A_226 : memref<1x128xi32, #tpu.memory_space<vmem>> -> memref<128xi32, #tpu.memory_space<vmem>>
      %dma_start3A_228 = arith.constant 0 : i32
      %dma_start3A_229 = arith.constant 0 : i32
      %dma_start3A_230 = tpu.memref_slice %arg37[%dma_start3A_228, %dma_start3A_229] : memref<10240x8xf32, #tpu.memory_space<vmem_shared>> -> memref<10240x8xf32, #tpu.memory_space<vmem_shared>>
      tpu.enqueue_indirect_dma source(%arg16 : memref<128x8xf32, #tpu.memory_space<vmem>>) target(%dma_start3A_230 : memref<10240x8xf32, #tpu.memory_space<vmem_shared>>) offsets(%dma_start3A_227 : memref<128xi32, #tpu.memory_space<vmem>>) semaphore(%arg32 : memref<!tpu.dma_semaphore, #tpu.memory_space<semaphore_mem>>) {add = true}
      %gt3A_231 = arith.constant 0 : i32
      %gt3A_232 = arith.cmpi sgt, %add3A_218, %gt3A_231 : i32
      %convert_element_type3A_233 = arith.extui %gt3A_232 : i1 to i32
      %cond3A_234 = arith.constant 0 : i32
      %cond3A_235 = arith.cmpi ne, %convert_element_type3A_233, %cond3A_234 : i32
      scf.if %cond3A_235 {
        %sub3A = arith.constant 1 : i32
        %sub3A_257 = arith.subi %add3A_218, %sub3A : i32
        %dma_wait3A_258 = arith.constant 0 : i32
        %dma_wait3A_259 = tpu.memref_slice %arg9[%sub3A_257, %dma_wait3A_258] : memref<80x128xi32, #tpu.memory_space<vmem>> -> memref<1x128xi32, #tpu.memory_space<vmem>>
        %dma_wait3A_260 = tpu.memref_squeeze %dma_wait3A_259 : memref<1x128xi32, #tpu.memory_space<vmem>> -> memref<128xi32, #tpu.memory_space<vmem>>
        %dma_wait3A_261 = arith.constant 0 : i32
        %dma_wait3A_262 = arith.constant 0 : i32
        %dma_wait3A_263 = tpu.memref_slice %arg37[%dma_wait3A_261, %dma_wait3A_262] : memref<10240x8xf32, #tpu.memory_space<vmem_shared>> -> memref<10240x8xf32, #tpu.memory_space<vmem_shared>>
        tpu.wait_indirect_dma semaphore(%arg31 : memref<!tpu.dma_semaphore, #tpu.memory_space<semaphore_mem>>) src(%arg15 : memref<128x8xf32, #tpu.memory_space<vmem>>) dst(%dma_wait3A_263 : memref<10240x8xf32, #tpu.memory_space<vmem_shared>>)
        %sub3A_264 = arith.constant 1 : i32
        %sub3A_265 = arith.subi %add3A_218, %sub3A_264 : i32
        %add3A_266 = arith.constant 8 : i32
        %add3A_267 = arith.addi %sub3A_265, %add3A_266 : i32
        %lt3A = arith.constant 80 : i32
        %lt3A_268 = arith.cmpi slt, %add3A_267, %lt3A : i32
        %convert_element_type3A_269 = arith.extui %lt3A_268 : i1 to i32
        %cond3A_270 = arith.constant 0 : i32
        %cond3A_271 = arith.cmpi ne, %convert_element_type3A_269, %cond3A_270 : i32
        scf.if %cond3A_271 {
          %sub3A_272 = arith.constant 1 : i32
          %sub3A_273 = arith.subi %add3A_218, %sub3A_272 : i32
          %add3A_274 = arith.constant 8 : i32
          %add3A_275 = arith.addi %sub3A_273, %add3A_274 : i32
          %dma_start3A_276 = arith.constant 0 : i32
          %dma_start3A_277 = tpu.memref_slice %arg8[%add3A_275, %dma_start3A_276] : memref<80x128xi32, #tpu.memory_space<vmem>> -> memref<1x128xi32, #tpu.memory_space<vmem>>
          %dma_start3A_278 = tpu.memref_squeeze %dma_start3A_277 : memref<1x128xi32, #tpu.memory_space<vmem>> -> memref<128xi32, #tpu.memory_space<vmem>>
          %dma_start3A_279 = arith.constant 0 : i32
          %dma_start3A_280 = arith.constant 0 : i32
          %dma_start3A_281 = tpu.memref_slice %arg36[%dma_start3A_279, %dma_start3A_280] : memref<10240x8xf32, #tpu.memory_space<vmem_shared>> -> memref<10240x8xf32, #tpu.memory_space<vmem_shared>>
          tpu.enqueue_indirect_dma source(%dma_start3A_281 : memref<10240x8xf32, #tpu.memory_space<vmem_shared>>) target(%arg15 : memref<128x8xf32, #tpu.memory_space<vmem>>) offsets(%dma_start3A_278 : memref<128xi32, #tpu.memory_space<vmem>>) semaphore(%arg23 : memref<!tpu.dma_semaphore, #tpu.memory_space<semaphore_mem>>)
        } else {
        }
      } else {
      }
      %mul3A_236 = arith.constant 8 : i32
      %mul3A_237 = arith.muli %scan3A_91, %mul3A_236 : i32
      %add3A_238 = arith.constant 7 : i32
      %add3A_239 = arith.addi %mul3A_237, %add3A_238 : i32
      %dma_wait3A_240 = arith.constant 0 : i32
      %dma_wait3A_241 = tpu.memref_slice %arg8[%add3A_239, %dma_wait3A_240] : memref<80x128xi32, #tpu.memory_space<vmem>> -> memref<1x128xi32, #tpu.memory_space<vmem>>
      %dma_wait3A_242 = tpu.memref_squeeze %dma_wait3A_241 : memref<1x128xi32, #tpu.memory_space<vmem>> -> memref<128xi32, #tpu.memory_space<vmem>>
      %dma_wait3A_243 = arith.constant 0 : i32
      %dma_wait3A_244 = arith.constant 0 : i32
      %dma_wait3A_245 = tpu.memref_slice %arg36[%dma_wait3A_243, %dma_wait3A_244] : memref<10240x8xf32, #tpu.memory_space<vmem_shared>> -> memref<10240x8xf32, #tpu.memory_space<vmem_shared>>
      tpu.wait_indirect_dma semaphore(%arg25 : memref<!tpu.dma_semaphore, #tpu.memory_space<semaphore_mem>>) src(%dma_wait3A_245 : memref<10240x8xf32, #tpu.memory_space<vmem_shared>>) dst(%arg17 : memref<128x8xf32, #tpu.memory_space<vmem>>)
      %dma_start3A_246 = arith.constant 0 : i32
      %dma_start3A_247 = tpu.memref_slice %arg9[%add3A_239, %dma_start3A_246] : memref<80x128xi32, #tpu.memory_space<vmem>> -> memref<1x128xi32, #tpu.memory_space<vmem>>
      %dma_start3A_248 = tpu.memref_squeeze %dma_start3A_247 : memref<1x128xi32, #tpu.memory_space<vmem>> -> memref<128xi32, #tpu.memory_space<vmem>>
      %dma_start3A_249 = arith.constant 0 : i32
      %dma_start3A_250 = arith.constant 0 : i32
      %dma_start3A_251 = tpu.memref_slice %arg37[%dma_start3A_249, %dma_start3A_250] : memref<10240x8xf32, #tpu.memory_space<vmem_shared>> -> memref<10240x8xf32, #tpu.memory_space<vmem_shared>>
      tpu.enqueue_indirect_dma source(%arg17 : memref<128x8xf32, #tpu.memory_space<vmem>>) target(%dma_start3A_251 : memref<10240x8xf32, #tpu.memory_space<vmem_shared>>) offsets(%dma_start3A_248 : memref<128xi32, #tpu.memory_space<vmem>>) semaphore(%arg33 : memref<!tpu.dma_semaphore, #tpu.memory_space<semaphore_mem>>) {add = true}
      %gt3A_252 = arith.constant 0 : i32
      %gt3A_253 = arith.cmpi sgt, %add3A_239, %gt3A_252 : i32
      %convert_element_type3A_254 = arith.extui %gt3A_253 : i1 to i32
      %cond3A_255 = arith.constant 0 : i32
      %cond3A_256 = arith.cmpi ne, %convert_element_type3A_254, %cond3A_255 : i32
      scf.if %cond3A_256 {
        %sub3A = arith.constant 1 : i32
        %sub3A_257 = arith.subi %add3A_239, %sub3A : i32
        %dma_wait3A_258 = arith.constant 0 : i32
        %dma_wait3A_259 = tpu.memref_slice %arg9[%sub3A_257, %dma_wait3A_258] : memref<80x128xi32, #tpu.memory_space<vmem>> -> memref<1x128xi32, #tpu.memory_space<vmem>>
        %dma_wait3A_260 = tpu.memref_squeeze %dma_wait3A_259 : memref<1x128xi32, #tpu.memory_space<vmem>> -> memref<128xi32, #tpu.memory_space<vmem>>
        %dma_wait3A_261 = arith.constant 0 : i32
        %dma_wait3A_262 = arith.constant 0 : i32
        %dma_wait3A_263 = tpu.memref_slice %arg37[%dma_wait3A_261, %dma_wait3A_262] : memref<10240x8xf32, #tpu.memory_space<vmem_shared>> -> memref<10240x8xf32, #tpu.memory_space<vmem_shared>>
        tpu.wait_indirect_dma semaphore(%arg32 : memref<!tpu.dma_semaphore, #tpu.memory_space<semaphore_mem>>) src(%arg16 : memref<128x8xf32, #tpu.memory_space<vmem>>) dst(%dma_wait3A_263 : memref<10240x8xf32, #tpu.memory_space<vmem_shared>>)
        %sub3A_264 = arith.constant 1 : i32
        %sub3A_265 = arith.subi %add3A_239, %sub3A_264 : i32
        %add3A_266 = arith.constant 8 : i32
        %add3A_267 = arith.addi %sub3A_265, %add3A_266 : i32
        %lt3A = arith.constant 80 : i32
        %lt3A_268 = arith.cmpi slt, %add3A_267, %lt3A : i32
        %convert_element_type3A_269 = arith.extui %lt3A_268 : i1 to i32
        %cond3A_270 = arith.constant 0 : i32
        %cond3A_271 = arith.cmpi ne, %convert_element_type3A_269, %cond3A_270 : i32
        scf.if %cond3A_271 {
          %sub3A_272 = arith.constant 1 : i32
          %sub3A_273 = arith.subi %add3A_239, %sub3A_272 : i32
          %add3A_274 = arith.constant 8 : i32
          %add3A_275 = arith.addi %sub3A_273, %add3A_274 : i32
          %dma_start3A_276 = arith.constant 0 : i32
          %dma_start3A_277 = tpu.memref_slice %arg8[%add3A_275, %dma_start3A_276] : memref<80x128xi32, #tpu.memory_space<vmem>> -> memref<1x128xi32, #tpu.memory_space<vmem>>
          %dma_start3A_278 = tpu.memref_squeeze %dma_start3A_277 : memref<1x128xi32, #tpu.memory_space<vmem>> -> memref<128xi32, #tpu.memory_space<vmem>>
          %dma_start3A_279 = arith.constant 0 : i32
          %dma_start3A_280 = arith.constant 0 : i32
          %dma_start3A_281 = tpu.memref_slice %arg36[%dma_start3A_279, %dma_start3A_280] : memref<10240x8xf32, #tpu.memory_space<vmem_shared>> -> memref<10240x8xf32, #tpu.memory_space<vmem_shared>>
          tpu.enqueue_indirect_dma source(%dma_start3A_281 : memref<10240x8xf32, #tpu.memory_space<vmem_shared>>) target(%arg16 : memref<128x8xf32, #tpu.memory_space<vmem>>) offsets(%dma_start3A_278 : memref<128xi32, #tpu.memory_space<vmem>>) semaphore(%arg24 : memref<!tpu.dma_semaphore, #tpu.memory_space<semaphore_mem>>)
        } else {
        }
      } else {
      }
    }
    %scan3A_76 = arith.constant 10 : i32
    %dma_wait3A = arith.constant 79 : i32
    %dma_wait3A_77 = arith.constant 0 : i32
    %dma_wait3A_78 = tpu.memref_slice %arg9[%dma_wait3A, %dma_wait3A_77] : memref<80x128xi32, #tpu.memory_space<vmem>> -> memref<1x128xi32, #tpu.memory_space<vmem>>
    %dma_wait3A_79 = tpu.memref_squeeze %dma_wait3A_78 : memref<1x128xi32, #tpu.memory_space<vmem>> -> memref<128xi32, #tpu.memory_space<vmem>>
    %dma_wait3A_80 = arith.constant 0 : i32
    %dma_wait3A_81 = arith.constant 0 : i32
    %dma_wait3A_82 = tpu.memref_slice %arg37[%dma_wait3A_80, %dma_wait3A_81] : memref<10240x8xf32, #tpu.memory_space<vmem_shared>> -> memref<10240x8xf32, #tpu.memory_space<vmem_shared>>
    tpu.wait_indirect_dma semaphore(%arg33 : memref<!tpu.dma_semaphore, #tpu.memory_space<semaphore_mem>>) src(%arg17 : memref<128x8xf32, #tpu.memory_space<vmem>>) dst(%dma_wait3A_82 : memref<10240x8xf32, #tpu.memory_space<vmem_shared>>)
    %barrier3A_83 = arith.constant 0 : index
    tpu.barrier barrier_id(%barrier3A_83)
    %mul3A_84 = arith.constant 640 : i32
    %mul3A_85 = arith.muli %arg1, %mul3A_84 : i32
    %mul3A_86 = arith.constant 10240 : i32
    %mul3A_87 = arith.muli %arg0, %mul3A_86 : i32
    %mul3A_88 = arith.constant 640 : i32
    %mul3A_89 = arith.muli %arg1, %mul3A_88 : i32
    %add3A_90 = arith.addi %mul3A_87, %mul3A_89 : i32
    "tpu.region"() ({
      %run_scoped3A_91 = tpu.sem_alloc : memref<!tpu.dma_semaphore, #tpu.memory_space<semaphore_mem>>
      %dma_start3A_92 = arith.constant 0 : i32
      %dma_start3A_93 = tpu.memref_slice %arg7[%add3A_90, %dma_start3A_92] : memref<20480x8xf32, #tpu.memory_space<hbm>> -> memref<640x8xf32, #tpu.memory_space<hbm>>
      %dma_start3A_94 = arith.constant 0 : i32
      %dma_start3A_95 = tpu.memref_slice %arg37[%mul3A_85, %dma_start3A_94] : memref<10240x8xf32, #tpu.memory_space<vmem_shared>> -> memref<640x8xf32, #tpu.memory_space<vmem_shared>>
      tpu.enqueue_dma source(%dma_start3A_95 : memref<640x8xf32, #tpu.memory_space<vmem_shared>>) target(%dma_start3A_93 : memref<640x8xf32, #tpu.memory_space<hbm>>) target_semaphore(%run_scoped3A_91 : memref<!tpu.dma_semaphore, #tpu.memory_space<semaphore_mem>>)
      %dma_wait3A_96 = arith.constant 0 : i32
      %dma_wait3A_97 = tpu.memref_slice %arg7[%add3A_90, %dma_wait3A_96] : memref<20480x8xf32, #tpu.memory_space<hbm>> -> memref<640x8xf32, #tpu.memory_space<hbm>>
      %dma_wait3A_98 = arith.constant 0 : i32
      %dma_wait3A_99 = tpu.memref_slice %arg37[%mul3A_85, %dma_wait3A_98] : memref<10240x8xf32, #tpu.memory_space<vmem_shared>> -> memref<640x8xf32, #tpu.memory_space<vmem_shared>>
      tpu.wait_dma2 semaphore(%run_scoped3A_91 : memref<!tpu.dma_semaphore, #tpu.memory_space<semaphore_mem>>) src(%dma_wait3A_99 : memref<640x8xf32, #tpu.memory_space<vmem_shared>>) dst(%dma_wait3A_97 : memref<640x8xf32, #tpu.memory_space<hbm>>)
      tpu.yield
    }) : () -> ()
    return
  }
}

#map = affine_map<(d0, d1) -> (0, 0)>
#map1 = affine_map<(d0, d1) -> (0, 0, 0)>
module attributes {stable_mosaic.version = 14 : i64} {
  func.func @_sc_pass(%arg0: i32, %arg1: i32, %arg2: memref<20480x8xf32, #tpu.memory_space<hbm>>, %arg3: memref<32x80x128xi32, #tpu.memory_space<hbm>>, %arg4: memref<32x80x128xi32, #tpu.memory_space<hbm>>, %arg5: memref<10240x8xf32, #tpu.memory_space<hbm>>, %arg6: memref<16x5x128xi32, #tpu.memory_space<hbm>>, %arg7: memref<20480x8xf32, #tpu.memory_space<hbm>>, %arg8: memref<80x128xi32, #tpu.memory_space<vmem>>, %arg9: memref<80x128xi32, #tpu.memory_space<vmem>>, %arg10: memref<128x8xf32, #tpu.memory_space<vmem>>, %arg11: memref<128x8xf32, #tpu.memory_space<vmem>>, %arg12: memref<128x8xf32, #tpu.memory_space<vmem>>, %arg13: memref<128x8xf32, #tpu.memory_space<vmem>>, %arg14: memref<128x8xf32, #tpu.memory_space<vmem>>, %arg15: memref<128x8xf32, #tpu.memory_space<vmem>>, %arg16: memref<128x8xf32, #tpu.memory_space<vmem>>, %arg17: memref<128x8xf32, #tpu.memory_space<vmem>>, %arg18: memref<!tpu.dma_semaphore, #tpu.memory_space<semaphore_mem>>, %arg19: memref<!tpu.dma_semaphore, #tpu.memory_space<semaphore_mem>>, %arg20: memref<!tpu.dma_semaphore, #tpu.memory_space<semaphore_mem>>, %arg21: memref<!tpu.dma_semaphore, #tpu.memory_space<semaphore_mem>>, %arg22: memref<!tpu.dma_semaphore, #tpu.memory_space<semaphore_mem>>, %arg23: memref<!tpu.dma_semaphore, #tpu.memory_space<semaphore_mem>>, %arg24: memref<!tpu.dma_semaphore, #tpu.memory_space<semaphore_mem>>, %arg25: memref<!tpu.dma_semaphore, #tpu.memory_space<semaphore_mem>>, %arg26: memref<!tpu.dma_semaphore, #tpu.memory_space<semaphore_mem>>, %arg27: memref<!tpu.dma_semaphore, #tpu.memory_space<semaphore_mem>>, %arg28: memref<!tpu.dma_semaphore, #tpu.memory_space<semaphore_mem>>, %arg29: memref<!tpu.dma_semaphore, #tpu.memory_space<semaphore_mem>>, %arg30: memref<!tpu.dma_semaphore, #tpu.memory_space<semaphore_mem>>, %arg31: memref<!tpu.dma_semaphore, #tpu.memory_space<semaphore_mem>>, %arg32: memref<!tpu.dma_semaphore, #tpu.memory_space<semaphore_mem>>, %arg33: memref<!tpu.dma_semaphore, #tpu.memory_space<semaphore_mem>>, %arg34: memref<5x128xi32, #tpu.memory_space<vmem>>, %arg35: memref<640x8xf32, #tpu.memory_space<vmem>>, %arg36: memref<10240x8xf32, #tpu.memory_space<vmem_shared>>, %arg37: memref<10240x8xf32, #tpu.memory_space<vmem_shared>>) attributes {dimension_semantics = [#tpu.dimension_semantics<core_parallel>, #tpu.dimension_semantics<subcore_parallel>], iteration_bounds = array<i64: 2, 16>, scalar_prefetch = 0 : i64, scratch_operands = 30 : i64, tpu.core_type = #tpu.core_type<sc_vector_subcore>, window_params = [{transform_indices = #map}, {transform_indices = #map1}, {transform_indices = #map1}, {transform_indices = #map}, {transform_indices = #map1}, {transform_indices = #map}]} {
    %mul3A = arith.constant 16 : i32
    %mul3A_0 = arith.muli %arg0, %mul3A : i32
    %add3A = arith.addi %mul3A_0, %arg1 : i32
    %mul3A_1 = arith.constant 640 : i32
    %mul3A_2 = arith.muli %arg1, %mul3A_1 : i32
    %mul3A_3 = arith.constant 640 : i32
    %mul3A_4 = arith.muli %arg1, %mul3A_3 : i32
    "tpu.region"() ({
      %run_scoped3A_91 = tpu.sem_alloc : memref<!tpu.dma_semaphore, #tpu.memory_space<semaphore_mem>>
      %dma_start3A_92 = arith.constant 0 : i32
      %dma_start3A_93 = tpu.memref_slice %arg36[%mul3A_4, %dma_start3A_92] : memref<10240x8xf32, #tpu.memory_space<vmem_shared>> -> memref<640x8xf32, #tpu.memory_space<vmem_shared>>
      %dma_start3A_94 = arith.constant 0 : i32
      %dma_start3A_95 = tpu.memref_slice %arg2[%mul3A_2, %dma_start3A_94] : memref<20480x8xf32, #tpu.memory_space<hbm>> -> memref<640x8xf32, #tpu.memory_space<hbm>>
      tpu.enqueue_dma source(%dma_start3A_95 : memref<640x8xf32, #tpu.memory_space<hbm>>) target(%dma_start3A_93 : memref<640x8xf32, #tpu.memory_space<vmem_shared>>) target_semaphore(%run_scoped3A_91 : memref<!tpu.dma_semaphore, #tpu.memory_space<semaphore_mem>>)
      %dma_wait3A_96 = arith.constant 0 : i32
      %dma_wait3A_97 = tpu.memref_slice %arg36[%mul3A_4, %dma_wait3A_96] : memref<10240x8xf32, #tpu.memory_space<vmem_shared>> -> memref<640x8xf32, #tpu.memory_space<vmem_shared>>
      %dma_wait3A_98 = arith.constant 0 : i32
      %dma_wait3A_99 = tpu.memref_slice %arg2[%mul3A_2, %dma_wait3A_98] : memref<20480x8xf32, #tpu.memory_space<hbm>> -> memref<640x8xf32, #tpu.memory_space<hbm>>
      tpu.wait_dma2 semaphore(%run_scoped3A_91 : memref<!tpu.dma_semaphore, #tpu.memory_space<semaphore_mem>>) src(%dma_wait3A_99 : memref<640x8xf32, #tpu.memory_space<hbm>>) dst(%dma_wait3A_97 : memref<640x8xf32, #tpu.memory_space<vmem_shared>>)
      tpu.yield
    }) : () -> ()
    %mul3A_5 = arith.constant 640 : i32
    %mul3A_6 = arith.muli %arg1, %mul3A_5 : i32
    %mul3A_7 = arith.constant 640 : i32
    %mul3A_8 = arith.muli %arg1, %mul3A_7 : i32
    "tpu.region"() ({
      %run_scoped3A_91 = tpu.sem_alloc : memref<!tpu.dma_semaphore, #tpu.memory_space<semaphore_mem>>
      %dma_start3A_92 = arith.constant 0 : i32
      %dma_start3A_93 = tpu.memref_slice %arg37[%mul3A_8, %dma_start3A_92] : memref<10240x8xf32, #tpu.memory_space<vmem_shared>> -> memref<640x8xf32, #tpu.memory_space<vmem_shared>>
      %dma_start3A_94 = arith.constant 0 : i32
      %dma_start3A_95 = tpu.memref_slice %arg5[%mul3A_6, %dma_start3A_94] : memref<10240x8xf32, #tpu.memory_space<hbm>> -> memref<640x8xf32, #tpu.memory_space<hbm>>
      tpu.enqueue_dma source(%dma_start3A_95 : memref<640x8xf32, #tpu.memory_space<hbm>>) target(%dma_start3A_93 : memref<640x8xf32, #tpu.memory_space<vmem_shared>>) target_semaphore(%run_scoped3A_91 : memref<!tpu.dma_semaphore, #tpu.memory_space<semaphore_mem>>)
      %dma_wait3A_96 = arith.constant 0 : i32
      %dma_wait3A_97 = tpu.memref_slice %arg37[%mul3A_8, %dma_wait3A_96] : memref<10240x8xf32, #tpu.memory_space<vmem_shared>> -> memref<640x8xf32, #tpu.memory_space<vmem_shared>>
      %dma_wait3A_98 = arith.constant 0 : i32
      %dma_wait3A_99 = tpu.memref_slice %arg5[%mul3A_6, %dma_wait3A_98] : memref<10240x8xf32, #tpu.memory_space<hbm>> -> memref<640x8xf32, #tpu.memory_space<hbm>>
      tpu.wait_dma2 semaphore(%run_scoped3A_91 : memref<!tpu.dma_semaphore, #tpu.memory_space<semaphore_mem>>) src(%dma_wait3A_99 : memref<640x8xf32, #tpu.memory_space<hbm>>) dst(%dma_wait3A_97 : memref<640x8xf32, #tpu.memory_space<vmem_shared>>)
      tpu.yield
    }) : () -> ()
    %mul3A_9 = arith.constant 640 : i32
    %mul3A_10 = arith.muli %arg1, %mul3A_9 : i32
    %add3A_11 = arith.constant 10240 : i32
    %add3A_12 = arith.addi %add3A_11, %mul3A_10 : i32
    "tpu.region"() ({
      %run_scoped3A_91 = tpu.sem_alloc : memref<!tpu.dma_semaphore, #tpu.memory_space<semaphore_mem>>
      %dma_start3A_92 = arith.constant 0 : i32
      %dma_start3A_93 = tpu.memref_slice %arg2[%add3A_12, %dma_start3A_92] : memref<20480x8xf32, #tpu.memory_space<hbm>> -> memref<640x8xf32, #tpu.memory_space<hbm>>
      %dma_start3A_94 = arith.constant 0 : i32
      %dma_start3A_95 = tpu.memref_slice %arg2[%add3A_12, %dma_start3A_94] : memref<20480x8xf32, #tpu.memory_space<hbm>> -> memref<640x8xf32, #tpu.memory_space<hbm>>
      tpu.enqueue_dma source(%dma_start3A_95 : memref<640x8xf32, #tpu.memory_space<hbm>>) target(%arg35 : memref<640x8xf32, #tpu.memory_space<vmem>>) target_semaphore(%run_scoped3A_91 : memref<!tpu.dma_semaphore, #tpu.memory_space<semaphore_mem>>)
      %dma_wait3A_96 = arith.constant 0 : i32
      %dma_wait3A_97 = tpu.memref_slice %arg2[%add3A_12, %dma_wait3A_96] : memref<20480x8xf32, #tpu.memory_space<hbm>> -> memref<640x8xf32, #tpu.memory_space<hbm>>
      %dma_wait3A_98 = arith.constant 0 : i32
      %dma_wait3A_99 = tpu.memref_slice %arg2[%add3A_12, %dma_wait3A_98] : memref<20480x8xf32, #tpu.memory_space<hbm>> -> memref<640x8xf32, #tpu.memory_space<hbm>>
      tpu.wait_dma2 semaphore(%run_scoped3A_91 : memref<!tpu.dma_semaphore, #tpu.memory_space<semaphore_mem>>) src(%dma_wait3A_99 : memref<640x8xf32, #tpu.memory_space<hbm>>) dst(%arg35 : memref<640x8xf32, #tpu.memory_space<vmem>>)
      tpu.yield
    }) : () -> ()
    "tpu.region"() ({
      %run_scoped3A_91 = tpu.sem_alloc : memref<!tpu.dma_semaphore, #tpu.memory_space<semaphore_mem>>
      %dma_start3A_92 = arith.constant 0 : i32
      %dma_start3A_93 = arith.constant 0 : i32
      %dma_start3A_94 = tpu.memref_slice %arg6[%arg1, %dma_start3A_92, %dma_start3A_93] : memref<16x5x128xi32, #tpu.memory_space<hbm>> -> memref<1x5x128xi32, #tpu.memory_space<hbm>>
      %dma_start3A_95 = tpu.memref_squeeze %dma_start3A_94 : memref<1x5x128xi32, #tpu.memory_space<hbm>> -> memref<5x128xi32, #tpu.memory_space<hbm>>
      %dma_start3A_96 = arith.constant 0 : i32
      %dma_start3A_97 = arith.constant 0 : i32
      %dma_start3A_98 = tpu.memref_slice %arg6[%arg1, %dma_start3A_96, %dma_start3A_97] : memref<16x5x128xi32, #tpu.memory_space<hbm>> -> memref<1x5x128xi32, #tpu.memory_space<hbm>>
      %dma_start3A_99 = tpu.memref_squeeze %dma_start3A_98 : memref<1x5x128xi32, #tpu.memory_space<hbm>> -> memref<5x128xi32, #tpu.memory_space<hbm>>
      tpu.enqueue_dma source(%dma_start3A_99 : memref<5x128xi32, #tpu.memory_space<hbm>>) target(%arg34 : memref<5x128xi32, #tpu.memory_space<vmem>>) target_semaphore(%run_scoped3A_91 : memref<!tpu.dma_semaphore, #tpu.memory_space<semaphore_mem>>)
      %dma_wait3A_100 = arith.constant 0 : i32
      %dma_wait3A_101 = arith.constant 0 : i32
      %dma_wait3A_102 = tpu.memref_slice %arg6[%arg1, %dma_wait3A_100, %dma_wait3A_101] : memref<16x5x128xi32, #tpu.memory_space<hbm>> -> memref<1x5x128xi32, #tpu.memory_space<hbm>>
      %dma_wait3A_103 = tpu.memref_squeeze %dma_wait3A_102 : memref<1x5x128xi32, #tpu.memory_space<hbm>> -> memref<5x128xi32, #tpu.memory_space<hbm>>
      %dma_wait3A_104 = arith.constant 0 : i32
      %dma_wait3A_105 = arith.constant 0 : i32
      %dma_wait3A_106 = tpu.memref_slice %arg6[%arg1, %dma_wait3A_104, %dma_wait3A_105] : memref<16x5x128xi32, #tpu.memory_space<hbm>> -> memref<1x5x128xi32, #tpu.memory_space<hbm>>
      %dma_wait3A_107 = tpu.memref_squeeze %dma_wait3A_106 : memref<1x5x128xi32, #tpu.memory_space<hbm>> -> memref<5x128xi32, #tpu.memory_space<hbm>>
      tpu.wait_dma2 semaphore(%run_scoped3A_91 : memref<!tpu.dma_semaphore, #tpu.memory_space<semaphore_mem>>) src(%dma_wait3A_107 : memref<5x128xi32, #tpu.memory_space<hbm>>) dst(%arg34 : memref<5x128xi32, #tpu.memory_space<vmem>>)
      tpu.yield
    }) : () -> ()
    "tpu.region"() ({
      %run_scoped3A_91 = tpu.sem_alloc : memref<!tpu.dma_semaphore, #tpu.memory_space<semaphore_mem>>
      %dma_start3A_92 = arith.constant 0 : i32
      %dma_start3A_93 = arith.constant 0 : i32
      %dma_start3A_94 = tpu.memref_slice %arg3[%add3A, %dma_start3A_92, %dma_start3A_93] : memref<32x80x128xi32, #tpu.memory_space<hbm>> -> memref<1x80x128xi32, #tpu.memory_space<hbm>>
      %dma_start3A_95 = tpu.memref_squeeze %dma_start3A_94 : memref<1x80x128xi32, #tpu.memory_space<hbm>> -> memref<80x128xi32, #tpu.memory_space<hbm>>
      %dma_start3A_96 = arith.constant 0 : i32
      %dma_start3A_97 = arith.constant 0 : i32
      %dma_start3A_98 = tpu.memref_slice %arg3[%add3A, %dma_start3A_96, %dma_start3A_97] : memref<32x80x128xi32, #tpu.memory_space<hbm>> -> memref<1x80x128xi32, #tpu.memory_space<hbm>>
      %dma_start3A_99 = tpu.memref_squeeze %dma_start3A_98 : memref<1x80x128xi32, #tpu.memory_space<hbm>> -> memref<80x128xi32, #tpu.memory_space<hbm>>
      tpu.enqueue_dma source(%dma_start3A_99 : memref<80x128xi32, #tpu.memory_space<hbm>>) target(%arg8 : memref<80x128xi32, #tpu.memory_space<vmem>>) target_semaphore(%run_scoped3A_91 : memref<!tpu.dma_semaphore, #tpu.memory_space<semaphore_mem>>)
      %dma_wait3A_100 = arith.constant 0 : i32
      %dma_wait3A_101 = arith.constant 0 : i32
      %dma_wait3A_102 = tpu.memref_slice %arg3[%add3A, %dma_wait3A_100, %dma_wait3A_101] : memref<32x80x128xi32, #tpu.memory_space<hbm>> -> memref<1x80x128xi32, #tpu.memory_space<hbm>>
      %dma_wait3A_103 = tpu.memref_squeeze %dma_wait3A_102 : memref<1x80x128xi32, #tpu.memory_space<hbm>> -> memref<80x128xi32, #tpu.memory_space<hbm>>
      %dma_wait3A_104 = arith.constant 0 : i32
      %dma_wait3A_105 = arith.constant 0 : i32
      %dma_wait3A_106 = tpu.memref_slice %arg3[%add3A, %dma_wait3A_104, %dma_wait3A_105] : memref<32x80x128xi32, #tpu.memory_space<hbm>> -> memref<1x80x128xi32, #tpu.memory_space<hbm>>
      %dma_wait3A_107 = tpu.memref_squeeze %dma_wait3A_106 : memref<1x80x128xi32, #tpu.memory_space<hbm>> -> memref<80x128xi32, #tpu.memory_space<hbm>>
      tpu.wait_dma2 semaphore(%run_scoped3A_91 : memref<!tpu.dma_semaphore, #tpu.memory_space<semaphore_mem>>) src(%dma_wait3A_107 : memref<80x128xi32, #tpu.memory_space<hbm>>) dst(%arg8 : memref<80x128xi32, #tpu.memory_space<vmem>>)
      tpu.yield
    }) : () -> ()
    "tpu.region"() ({
      %run_scoped3A_91 = tpu.sem_alloc : memref<!tpu.dma_semaphore, #tpu.memory_space<semaphore_mem>>
      %dma_start3A_92 = arith.constant 0 : i32
      %dma_start3A_93 = arith.constant 0 : i32
      %dma_start3A_94 = tpu.memref_slice %arg4[%add3A, %dma_start3A_92, %dma_start3A_93] : memref<32x80x128xi32, #tpu.memory_space<hbm>> -> memref<1x80x128xi32, #tpu.memory_space<hbm>>
      %dma_start3A_95 = tpu.memref_squeeze %dma_start3A_94 : memref<1x80x128xi32, #tpu.memory_space<hbm>> -> memref<80x128xi32, #tpu.memory_space<hbm>>
      %dma_start3A_96 = arith.constant 0 : i32
      %dma_start3A_97 = arith.constant 0 : i32
      %dma_start3A_98 = tpu.memref_slice %arg4[%add3A, %dma_start3A_96, %dma_start3A_97] : memref<32x80x128xi32, #tpu.memory_space<hbm>> -> memref<1x80x128xi32, #tpu.memory_space<hbm>>
      %dma_start3A_99 = tpu.memref_squeeze %dma_start3A_98 : memref<1x80x128xi32, #tpu.memory_space<hbm>> -> memref<80x128xi32, #tpu.memory_space<hbm>>
      tpu.enqueue_dma source(%dma_start3A_99 : memref<80x128xi32, #tpu.memory_space<hbm>>) target(%arg9 : memref<80x128xi32, #tpu.memory_space<vmem>>) target_semaphore(%run_scoped3A_91 : memref<!tpu.dma_semaphore, #tpu.memory_space<semaphore_mem>>)
      %dma_wait3A_100 = arith.constant 0 : i32
      %dma_wait3A_101 = arith.constant 0 : i32
      %dma_wait3A_102 = tpu.memref_slice %arg4[%add3A, %dma_wait3A_100, %dma_wait3A_101] : memref<32x80x128xi32, #tpu.memory_space<hbm>> -> memref<1x80x128xi32, #tpu.memory_space<hbm>>
      %dma_wait3A_103 = tpu.memref_squeeze %dma_wait3A_102 : memref<1x80x128xi32, #tpu.memory_space<hbm>> -> memref<80x128xi32, #tpu.memory_space<hbm>>
      %dma_wait3A_104 = arith.constant 0 : i32
      %dma_wait3A_105 = arith.constant 0 : i32
      %dma_wait3A_106 = tpu.memref_slice %arg4[%add3A, %dma_wait3A_104, %dma_wait3A_105] : memref<32x80x128xi32, #tpu.memory_space<hbm>> -> memref<1x80x128xi32, #tpu.memory_space<hbm>>
      %dma_wait3A_107 = tpu.memref_squeeze %dma_wait3A_106 : memref<1x80x128xi32, #tpu.memory_space<hbm>> -> memref<80x128xi32, #tpu.memory_space<hbm>>
      tpu.wait_dma2 semaphore(%run_scoped3A_91 : memref<!tpu.dma_semaphore, #tpu.memory_space<semaphore_mem>>) src(%dma_wait3A_107 : memref<80x128xi32, #tpu.memory_space<hbm>>) dst(%arg9 : memref<80x128xi32, #tpu.memory_space<vmem>>)
      tpu.yield
    }) : () -> ()
    %run_scoped3A = arith.constant 0 : i32
    "tpu.region"() ({
      %run_scoped3A_91 = tpu.sem_alloc : memref<!tpu.dma_semaphore, #tpu.memory_space<semaphore_mem>>
      %dma_start3A_92 = arith.constant 0 : i32
      %dma_start3A_93 = arith.constant 0 : i32
      %dma_start3A_94 = tpu.memref_slice %arg35[%dma_start3A_92, %dma_start3A_93] : memref<640x8xf32, #tpu.memory_space<vmem>> -> memref<128x8xf32, #tpu.memory_space<vmem>>
      %dma_start3A_95 = arith.constant 0 : i32
      %dma_start3A_96 = tpu.memref_slice %arg34[%run_scoped3A, %dma_start3A_95] : memref<5x128xi32, #tpu.memory_space<vmem>> -> memref<1x128xi32, #tpu.memory_space<vmem>>
      %dma_start3A_97 = tpu.memref_squeeze %dma_start3A_96 : memref<1x128xi32, #tpu.memory_space<vmem>> -> memref<128xi32, #tpu.memory_space<vmem>>
      %dma_start3A_98 = arith.constant 0 : i32
      %dma_start3A_99 = arith.constant 0 : i32
      %dma_start3A_100 = tpu.memref_slice %arg36[%dma_start3A_98, %dma_start3A_99] : memref<10240x8xf32, #tpu.memory_space<vmem_shared>> -> memref<10240x8xf32, #tpu.memory_space<vmem_shared>>
      tpu.enqueue_indirect_dma source(%dma_start3A_94 : memref<128x8xf32, #tpu.memory_space<vmem>>) target(%dma_start3A_100 : memref<10240x8xf32, #tpu.memory_space<vmem_shared>>) offsets(%dma_start3A_97 : memref<128xi32, #tpu.memory_space<vmem>>) semaphore(%run_scoped3A_91 : memref<!tpu.dma_semaphore, #tpu.memory_space<semaphore_mem>>) {add = true}
      %dma_wait3A_101 = arith.constant 0 : i32
      %dma_wait3A_102 = arith.constant 0 : i32
      %dma_wait3A_103 = tpu.memref_slice %arg35[%dma_wait3A_101, %dma_wait3A_102] : memref<640x8xf32, #tpu.memory_space<vmem>> -> memref<128x8xf32, #tpu.memory_space<vmem>>
      %dma_wait3A_104 = arith.constant 0 : i32
      %dma_wait3A_105 = tpu.memref_slice %arg34[%run_scoped3A, %dma_wait3A_104] : memref<5x128xi32, #tpu.memory_space<vmem>> -> memref<1x128xi32, #tpu.memory_space<vmem>>
      %dma_wait3A_106 = tpu.memref_squeeze %dma_wait3A_105 : memref<1x128xi32, #tpu.memory_space<vmem>> -> memref<128xi32, #tpu.memory_space<vmem>>
      %dma_wait3A_107 = arith.constant 0 : i32
      %dma_wait3A_108 = arith.constant 0 : i32
      %dma_wait3A_109 = tpu.memref_slice %arg36[%dma_wait3A_107, %dma_wait3A_108] : memref<10240x8xf32, #tpu.memory_space<vmem_shared>> -> memref<10240x8xf32, #tpu.memory_space<vmem_shared>>
      tpu.wait_indirect_dma semaphore(%run_scoped3A_91 : memref<!tpu.dma_semaphore, #tpu.memory_space<semaphore_mem>>) src(%dma_wait3A_103 : memref<128x8xf32, #tpu.memory_space<vmem>>) dst(%dma_wait3A_109 : memref<10240x8xf32, #tpu.memory_space<vmem_shared>>)
      tpu.yield
    }) : () -> ()
    %run_scoped3A_13 = arith.constant 1 : i32
    "tpu.region"() ({
      %run_scoped3A_91 = tpu.sem_alloc : memref<!tpu.dma_semaphore, #tpu.memory_space<semaphore_mem>>
      %dma_start3A_92 = arith.constant 128 : i32
      %dma_start3A_93 = arith.constant 0 : i32
      %dma_start3A_94 = tpu.memref_slice %arg35[%dma_start3A_92, %dma_start3A_93] : memref<640x8xf32, #tpu.memory_space<vmem>> -> memref<128x8xf32, #tpu.memory_space<vmem>>
      %dma_start3A_95 = arith.constant 0 : i32
      %dma_start3A_96 = tpu.memref_slice %arg34[%run_scoped3A_13, %dma_start3A_95] : memref<5x128xi32, #tpu.memory_space<vmem>> -> memref<1x128xi32, #tpu.memory_space<vmem>>
      %dma_start3A_97 = tpu.memref_squeeze %dma_start3A_96 : memref<1x128xi32, #tpu.memory_space<vmem>> -> memref<128xi32, #tpu.memory_space<vmem>>
      %dma_start3A_98 = arith.constant 0 : i32
      %dma_start3A_99 = arith.constant 0 : i32
      %dma_start3A_100 = tpu.memref_slice %arg36[%dma_start3A_98, %dma_start3A_99] : memref<10240x8xf32, #tpu.memory_space<vmem_shared>> -> memref<10240x8xf32, #tpu.memory_space<vmem_shared>>
      tpu.enqueue_indirect_dma source(%dma_start3A_94 : memref<128x8xf32, #tpu.memory_space<vmem>>) target(%dma_start3A_100 : memref<10240x8xf32, #tpu.memory_space<vmem_shared>>) offsets(%dma_start3A_97 : memref<128xi32, #tpu.memory_space<vmem>>) semaphore(%run_scoped3A_91 : memref<!tpu.dma_semaphore, #tpu.memory_space<semaphore_mem>>) {add = true}
      %dma_wait3A_101 = arith.constant 128 : i32
      %dma_wait3A_102 = arith.constant 0 : i32
      %dma_wait3A_103 = tpu.memref_slice %arg35[%dma_wait3A_101, %dma_wait3A_102] : memref<640x8xf32, #tpu.memory_space<vmem>> -> memref<128x8xf32, #tpu.memory_space<vmem>>
      %dma_wait3A_104 = arith.constant 0 : i32
      %dma_wait3A_105 = tpu.memref_slice %arg34[%run_scoped3A_13, %dma_wait3A_104] : memref<5x128xi32, #tpu.memory_space<vmem>> -> memref<1x128xi32, #tpu.memory_space<vmem>>
      %dma_wait3A_106 = tpu.memref_squeeze %dma_wait3A_105 : memref<1x128xi32, #tpu.memory_space<vmem>> -> memref<128xi32, #tpu.memory_space<vmem>>
      %dma_wait3A_107 = arith.constant 0 : i32
      %dma_wait3A_108 = arith.constant 0 : i32
      %dma_wait3A_109 = tpu.memref_slice %arg36[%dma_wait3A_107, %dma_wait3A_108] : memref<10240x8xf32, #tpu.memory_space<vmem_shared>> -> memref<10240x8xf32, #tpu.memory_space<vmem_shared>>
      tpu.wait_indirect_dma semaphore(%run_scoped3A_91 : memref<!tpu.dma_semaphore, #tpu.memory_space<semaphore_mem>>) src(%dma_wait3A_103 : memref<128x8xf32, #tpu.memory_space<vmem>>) dst(%dma_wait3A_109 : memref<10240x8xf32, #tpu.memory_space<vmem_shared>>)
      tpu.yield
    }) : () -> ()
    %run_scoped3A_14 = arith.constant 2 : i32
    "tpu.region"() ({
      %run_scoped3A_91 = tpu.sem_alloc : memref<!tpu.dma_semaphore, #tpu.memory_space<semaphore_mem>>
      %dma_start3A_92 = arith.constant 256 : i32
      %dma_start3A_93 = arith.constant 0 : i32
      %dma_start3A_94 = tpu.memref_slice %arg35[%dma_start3A_92, %dma_start3A_93] : memref<640x8xf32, #tpu.memory_space<vmem>> -> memref<128x8xf32, #tpu.memory_space<vmem>>
      %dma_start3A_95 = arith.constant 0 : i32
      %dma_start3A_96 = tpu.memref_slice %arg34[%run_scoped3A_14, %dma_start3A_95] : memref<5x128xi32, #tpu.memory_space<vmem>> -> memref<1x128xi32, #tpu.memory_space<vmem>>
      %dma_start3A_97 = tpu.memref_squeeze %dma_start3A_96 : memref<1x128xi32, #tpu.memory_space<vmem>> -> memref<128xi32, #tpu.memory_space<vmem>>
      %dma_start3A_98 = arith.constant 0 : i32
      %dma_start3A_99 = arith.constant 0 : i32
      %dma_start3A_100 = tpu.memref_slice %arg36[%dma_start3A_98, %dma_start3A_99] : memref<10240x8xf32, #tpu.memory_space<vmem_shared>> -> memref<10240x8xf32, #tpu.memory_space<vmem_shared>>
      tpu.enqueue_indirect_dma source(%dma_start3A_94 : memref<128x8xf32, #tpu.memory_space<vmem>>) target(%dma_start3A_100 : memref<10240x8xf32, #tpu.memory_space<vmem_shared>>) offsets(%dma_start3A_97 : memref<128xi32, #tpu.memory_space<vmem>>) semaphore(%run_scoped3A_91 : memref<!tpu.dma_semaphore, #tpu.memory_space<semaphore_mem>>) {add = true}
      %dma_wait3A_101 = arith.constant 256 : i32
      %dma_wait3A_102 = arith.constant 0 : i32
      %dma_wait3A_103 = tpu.memref_slice %arg35[%dma_wait3A_101, %dma_wait3A_102] : memref<640x8xf32, #tpu.memory_space<vmem>> -> memref<128x8xf32, #tpu.memory_space<vmem>>
      %dma_wait3A_104 = arith.constant 0 : i32
      %dma_wait3A_105 = tpu.memref_slice %arg34[%run_scoped3A_14, %dma_wait3A_104] : memref<5x128xi32, #tpu.memory_space<vmem>> -> memref<1x128xi32, #tpu.memory_space<vmem>>
      %dma_wait3A_106 = tpu.memref_squeeze %dma_wait3A_105 : memref<1x128xi32, #tpu.memory_space<vmem>> -> memref<128xi32, #tpu.memory_space<vmem>>
      %dma_wait3A_107 = arith.constant 0 : i32
      %dma_wait3A_108 = arith.constant 0 : i32
      %dma_wait3A_109 = tpu.memref_slice %arg36[%dma_wait3A_107, %dma_wait3A_108] : memref<10240x8xf32, #tpu.memory_space<vmem_shared>> -> memref<10240x8xf32, #tpu.memory_space<vmem_shared>>
      tpu.wait_indirect_dma semaphore(%run_scoped3A_91 : memref<!tpu.dma_semaphore, #tpu.memory_space<semaphore_mem>>) src(%dma_wait3A_103 : memref<128x8xf32, #tpu.memory_space<vmem>>) dst(%dma_wait3A_109 : memref<10240x8xf32, #tpu.memory_space<vmem_shared>>)
      tpu.yield
    }) : () -> ()
    %run_scoped3A_15 = arith.constant 3 : i32
    "tpu.region"() ({
      %run_scoped3A_91 = tpu.sem_alloc : memref<!tpu.dma_semaphore, #tpu.memory_space<semaphore_mem>>
      %dma_start3A_92 = arith.constant 384 : i32
      %dma_start3A_93 = arith.constant 0 : i32
      %dma_start3A_94 = tpu.memref_slice %arg35[%dma_start3A_92, %dma_start3A_93] : memref<640x8xf32, #tpu.memory_space<vmem>> -> memref<128x8xf32, #tpu.memory_space<vmem>>
      %dma_start3A_95 = arith.constant 0 : i32
      %dma_start3A_96 = tpu.memref_slice %arg34[%run_scoped3A_15, %dma_start3A_95] : memref<5x128xi32, #tpu.memory_space<vmem>> -> memref<1x128xi32, #tpu.memory_space<vmem>>
      %dma_start3A_97 = tpu.memref_squeeze %dma_start3A_96 : memref<1x128xi32, #tpu.memory_space<vmem>> -> memref<128xi32, #tpu.memory_space<vmem>>
      %dma_start3A_98 = arith.constant 0 : i32
      %dma_start3A_99 = arith.constant 0 : i32
      %dma_start3A_100 = tpu.memref_slice %arg36[%dma_start3A_98, %dma_start3A_99] : memref<10240x8xf32, #tpu.memory_space<vmem_shared>> -> memref<10240x8xf32, #tpu.memory_space<vmem_shared>>
      tpu.enqueue_indirect_dma source(%dma_start3A_94 : memref<128x8xf32, #tpu.memory_space<vmem>>) target(%dma_start3A_100 : memref<10240x8xf32, #tpu.memory_space<vmem_shared>>) offsets(%dma_start3A_97 : memref<128xi32, #tpu.memory_space<vmem>>) semaphore(%run_scoped3A_91 : memref<!tpu.dma_semaphore, #tpu.memory_space<semaphore_mem>>) {add = true}
      %dma_wait3A_101 = arith.constant 384 : i32
      %dma_wait3A_102 = arith.constant 0 : i32
      %dma_wait3A_103 = tpu.memref_slice %arg35[%dma_wait3A_101, %dma_wait3A_102] : memref<640x8xf32, #tpu.memory_space<vmem>> -> memref<128x8xf32, #tpu.memory_space<vmem>>
      %dma_wait3A_104 = arith.constant 0 : i32
      %dma_wait3A_105 = tpu.memref_slice %arg34[%run_scoped3A_15, %dma_wait3A_104] : memref<5x128xi32, #tpu.memory_space<vmem>> -> memref<1x128xi32, #tpu.memory_space<vmem>>
      %dma_wait3A_106 = tpu.memref_squeeze %dma_wait3A_105 : memref<1x128xi32, #tpu.memory_space<vmem>> -> memref<128xi32, #tpu.memory_space<vmem>>
      %dma_wait3A_107 = arith.constant 0 : i32
      %dma_wait3A_108 = arith.constant 0 : i32
      %dma_wait3A_109 = tpu.memref_slice %arg36[%dma_wait3A_107, %dma_wait3A_108] : memref<10240x8xf32, #tpu.memory_space<vmem_shared>> -> memref<10240x8xf32, #tpu.memory_space<vmem_shared>>
      tpu.wait_indirect_dma semaphore(%run_scoped3A_91 : memref<!tpu.dma_semaphore, #tpu.memory_space<semaphore_mem>>) src(%dma_wait3A_103 : memref<128x8xf32, #tpu.memory_space<vmem>>) dst(%dma_wait3A_109 : memref<10240x8xf32, #tpu.memory_space<vmem_shared>>)
      tpu.yield
    }) : () -> ()
    %run_scoped3A_16 = arith.constant 4 : i32
    "tpu.region"() ({
      %run_scoped3A_91 = tpu.sem_alloc : memref<!tpu.dma_semaphore, #tpu.memory_space<semaphore_mem>>
      %dma_start3A_92 = arith.constant 512 : i32
      %dma_start3A_93 = arith.constant 0 : i32
      %dma_start3A_94 = tpu.memref_slice %arg35[%dma_start3A_92, %dma_start3A_93] : memref<640x8xf32, #tpu.memory_space<vmem>> -> memref<128x8xf32, #tpu.memory_space<vmem>>
      %dma_start3A_95 = arith.constant 0 : i32
      %dma_start3A_96 = tpu.memref_slice %arg34[%run_scoped3A_16, %dma_start3A_95] : memref<5x128xi32, #tpu.memory_space<vmem>> -> memref<1x128xi32, #tpu.memory_space<vmem>>
      %dma_start3A_97 = tpu.memref_squeeze %dma_start3A_96 : memref<1x128xi32, #tpu.memory_space<vmem>> -> memref<128xi32, #tpu.memory_space<vmem>>
      %dma_start3A_98 = arith.constant 0 : i32
      %dma_start3A_99 = arith.constant 0 : i32
      %dma_start3A_100 = tpu.memref_slice %arg36[%dma_start3A_98, %dma_start3A_99] : memref<10240x8xf32, #tpu.memory_space<vmem_shared>> -> memref<10240x8xf32, #tpu.memory_space<vmem_shared>>
      tpu.enqueue_indirect_dma source(%dma_start3A_94 : memref<128x8xf32, #tpu.memory_space<vmem>>) target(%dma_start3A_100 : memref<10240x8xf32, #tpu.memory_space<vmem_shared>>) offsets(%dma_start3A_97 : memref<128xi32, #tpu.memory_space<vmem>>) semaphore(%run_scoped3A_91 : memref<!tpu.dma_semaphore, #tpu.memory_space<semaphore_mem>>) {add = true}
      %dma_wait3A_101 = arith.constant 512 : i32
      %dma_wait3A_102 = arith.constant 0 : i32
      %dma_wait3A_103 = tpu.memref_slice %arg35[%dma_wait3A_101, %dma_wait3A_102] : memref<640x8xf32, #tpu.memory_space<vmem>> -> memref<128x8xf32, #tpu.memory_space<vmem>>
      %dma_wait3A_104 = arith.constant 0 : i32
      %dma_wait3A_105 = tpu.memref_slice %arg34[%run_scoped3A_16, %dma_wait3A_104] : memref<5x128xi32, #tpu.memory_space<vmem>> -> memref<1x128xi32, #tpu.memory_space<vmem>>
      %dma_wait3A_106 = tpu.memref_squeeze %dma_wait3A_105 : memref<1x128xi32, #tpu.memory_space<vmem>> -> memref<128xi32, #tpu.memory_space<vmem>>
      %dma_wait3A_107 = arith.constant 0 : i32
      %dma_wait3A_108 = arith.constant 0 : i32
      %dma_wait3A_109 = tpu.memref_slice %arg36[%dma_wait3A_107, %dma_wait3A_108] : memref<10240x8xf32, #tpu.memory_space<vmem_shared>> -> memref<10240x8xf32, #tpu.memory_space<vmem_shared>>
      tpu.wait_indirect_dma semaphore(%run_scoped3A_91 : memref<!tpu.dma_semaphore, #tpu.memory_space<semaphore_mem>>) src(%dma_wait3A_103 : memref<128x8xf32, #tpu.memory_space<vmem>>) dst(%dma_wait3A_109 : memref<10240x8xf32, #tpu.memory_space<vmem_shared>>)
      tpu.yield
    }) : () -> ()
    %barrier3A = arith.constant 0 : index
    tpu.barrier barrier_id(%barrier3A)
    %dma_start3A = arith.constant 0 : i32
    %dma_start3A_17 = arith.constant 0 : i32
    %dma_start3A_18 = tpu.memref_slice %arg8[%dma_start3A, %dma_start3A_17] : memref<80x128xi32, #tpu.memory_space<vmem>> -> memref<1x128xi32, #tpu.memory_space<vmem>>
    %dma_start3A_19 = tpu.memref_squeeze %dma_start3A_18 : memref<1x128xi32, #tpu.memory_space<vmem>> -> memref<128xi32, #tpu.memory_space<vmem>>
    %dma_start3A_20 = arith.constant 0 : i32
    %dma_start3A_21 = arith.constant 0 : i32
    %dma_start3A_22 = tpu.memref_slice %arg36[%dma_start3A_20, %dma_start3A_21] : memref<10240x8xf32, #tpu.memory_space<vmem_shared>> -> memref<10240x8xf32, #tpu.memory_space<vmem_shared>>
    tpu.enqueue_indirect_dma source(%dma_start3A_22 : memref<10240x8xf32, #tpu.memory_space<vmem_shared>>) target(%arg10 : memref<128x8xf32, #tpu.memory_space<vmem>>) offsets(%dma_start3A_19 : memref<128xi32, #tpu.memory_space<vmem>>) semaphore(%arg18 : memref<!tpu.dma_semaphore, #tpu.memory_space<semaphore_mem>>)
    %dma_start3A_23 = arith.constant 1 : i32
    %dma_start3A_24 = arith.constant 0 : i32
    %dma_start3A_25 = tpu.memref_slice %arg8[%dma_start3A_23, %dma_start3A_24] : memref<80x128xi32, #tpu.memory_space<vmem>> -> memref<1x128xi32, #tpu.memory_space<vmem>>
    %dma_start3A_26 = tpu.memref_squeeze %dma_start3A_25 : memref<1x128xi32, #tpu.memory_space<vmem>> -> memref<128xi32, #tpu.memory_space<vmem>>
    %dma_start3A_27 = arith.constant 0 : i32
    %dma_start3A_28 = arith.constant 0 : i32
    %dma_start3A_29 = tpu.memref_slice %arg36[%dma_start3A_27, %dma_start3A_28] : memref<10240x8xf32, #tpu.memory_space<vmem_shared>> -> memref<10240x8xf32, #tpu.memory_space<vmem_shared>>
    tpu.enqueue_indirect_dma source(%dma_start3A_29 : memref<10240x8xf32, #tpu.memory_space<vmem_shared>>) target(%arg11 : memref<128x8xf32, #tpu.memory_space<vmem>>) offsets(%dma_start3A_26 : memref<128xi32, #tpu.memory_space<vmem>>) semaphore(%arg19 : memref<!tpu.dma_semaphore, #tpu.memory_space<semaphore_mem>>)
    %dma_start3A_30 = arith.constant 2 : i32
    %dma_start3A_31 = arith.constant 0 : i32
    %dma_start3A_32 = tpu.memref_slice %arg8[%dma_start3A_30, %dma_start3A_31] : memref<80x128xi32, #tpu.memory_space<vmem>> -> memref<1x128xi32, #tpu.memory_space<vmem>>
    %dma_start3A_33 = tpu.memref_squeeze %dma_start3A_32 : memref<1x128xi32, #tpu.memory_space<vmem>> -> memref<128xi32, #tpu.memory_space<vmem>>
    %dma_start3A_34 = arith.constant 0 : i32
    %dma_start3A_35 = arith.constant 0 : i32
    %dma_start3A_36 = tpu.memref_slice %arg36[%dma_start3A_34, %dma_start3A_35] : memref<10240x8xf32, #tpu.memory_space<vmem_shared>> -> memref<10240x8xf32, #tpu.memory_space<vmem_shared>>
    tpu.enqueue_indirect_dma source(%dma_start3A_36 : memref<10240x8xf32, #tpu.memory_space<vmem_shared>>) target(%arg12 : memref<128x8xf32, #tpu.memory_space<vmem>>) offsets(%dma_start3A_33 : memref<128xi32, #tpu.memory_space<vmem>>) semaphore(%arg20 : memref<!tpu.dma_semaphore, #tpu.memory_space<semaphore_mem>>)
    %dma_start3A_37 = arith.constant 3 : i32
    %dma_start3A_38 = arith.constant 0 : i32
    %dma_start3A_39 = tpu.memref_slice %arg8[%dma_start3A_37, %dma_start3A_38] : memref<80x128xi32, #tpu.memory_space<vmem>> -> memref<1x128xi32, #tpu.memory_space<vmem>>
    %dma_start3A_40 = tpu.memref_squeeze %dma_start3A_39 : memref<1x128xi32, #tpu.memory_space<vmem>> -> memref<128xi32, #tpu.memory_space<vmem>>
    %dma_start3A_41 = arith.constant 0 : i32
    %dma_start3A_42 = arith.constant 0 : i32
    %dma_start3A_43 = tpu.memref_slice %arg36[%dma_start3A_41, %dma_start3A_42] : memref<10240x8xf32, #tpu.memory_space<vmem_shared>> -> memref<10240x8xf32, #tpu.memory_space<vmem_shared>>
    tpu.enqueue_indirect_dma source(%dma_start3A_43 : memref<10240x8xf32, #tpu.memory_space<vmem_shared>>) target(%arg13 : memref<128x8xf32, #tpu.memory_space<vmem>>) offsets(%dma_start3A_40 : memref<128xi32, #tpu.memory_space<vmem>>) semaphore(%arg21 : memref<!tpu.dma_semaphore, #tpu.memory_space<semaphore_mem>>)
    %dma_start3A_44 = arith.constant 4 : i32
    %dma_start3A_45 = arith.constant 0 : i32
    %dma_start3A_46 = tpu.memref_slice %arg8[%dma_start3A_44, %dma_start3A_45] : memref<80x128xi32, #tpu.memory_space<vmem>> -> memref<1x128xi32, #tpu.memory_space<vmem>>
    %dma_start3A_47 = tpu.memref_squeeze %dma_start3A_46 : memref<1x128xi32, #tpu.memory_space<vmem>> -> memref<128xi32, #tpu.memory_space<vmem>>
    %dma_start3A_48 = arith.constant 0 : i32
    %dma_start3A_49 = arith.constant 0 : i32
    %dma_start3A_50 = tpu.memref_slice %arg36[%dma_start3A_48, %dma_start3A_49] : memref<10240x8xf32, #tpu.memory_space<vmem_shared>> -> memref<10240x8xf32, #tpu.memory_space<vmem_shared>>
    tpu.enqueue_indirect_dma source(%dma_start3A_50 : memref<10240x8xf32, #tpu.memory_space<vmem_shared>>) target(%arg14 : memref<128x8xf32, #tpu.memory_space<vmem>>) offsets(%dma_start3A_47 : memref<128xi32, #tpu.memory_space<vmem>>) semaphore(%arg22 : memref<!tpu.dma_semaphore, #tpu.memory_space<semaphore_mem>>)
    %dma_start3A_51 = arith.constant 5 : i32
    %dma_start3A_52 = arith.constant 0 : i32
    %dma_start3A_53 = tpu.memref_slice %arg8[%dma_start3A_51, %dma_start3A_52] : memref<80x128xi32, #tpu.memory_space<vmem>> -> memref<1x128xi32, #tpu.memory_space<vmem>>
    %dma_start3A_54 = tpu.memref_squeeze %dma_start3A_53 : memref<1x128xi32, #tpu.memory_space<vmem>> -> memref<128xi32, #tpu.memory_space<vmem>>
    %dma_start3A_55 = arith.constant 0 : i32
    %dma_start3A_56 = arith.constant 0 : i32
    %dma_start3A_57 = tpu.memref_slice %arg36[%dma_start3A_55, %dma_start3A_56] : memref<10240x8xf32, #tpu.memory_space<vmem_shared>> -> memref<10240x8xf32, #tpu.memory_space<vmem_shared>>
    tpu.enqueue_indirect_dma source(%dma_start3A_57 : memref<10240x8xf32, #tpu.memory_space<vmem_shared>>) target(%arg15 : memref<128x8xf32, #tpu.memory_space<vmem>>) offsets(%dma_start3A_54 : memref<128xi32, #tpu.memory_space<vmem>>) semaphore(%arg23 : memref<!tpu.dma_semaphore, #tpu.memory_space<semaphore_mem>>)
    %dma_start3A_58 = arith.constant 6 : i32
    %dma_start3A_59 = arith.constant 0 : i32
    %dma_start3A_60 = tpu.memref_slice %arg8[%dma_start3A_58, %dma_start3A_59] : memref<80x128xi32, #tpu.memory_space<vmem>> -> memref<1x128xi32, #tpu.memory_space<vmem>>
    %dma_start3A_61 = tpu.memref_squeeze %dma_start3A_60 : memref<1x128xi32, #tpu.memory_space<vmem>> -> memref<128xi32, #tpu.memory_space<vmem>>
    %dma_start3A_62 = arith.constant 0 : i32
    %dma_start3A_63 = arith.constant 0 : i32
    %dma_start3A_64 = tpu.memref_slice %arg36[%dma_start3A_62, %dma_start3A_63] : memref<10240x8xf32, #tpu.memory_space<vmem_shared>> -> memref<10240x8xf32, #tpu.memory_space<vmem_shared>>
    tpu.enqueue_indirect_dma source(%dma_start3A_64 : memref<10240x8xf32, #tpu.memory_space<vmem_shared>>) target(%arg16 : memref<128x8xf32, #tpu.memory_space<vmem>>) offsets(%dma_start3A_61 : memref<128xi32, #tpu.memory_space<vmem>>) semaphore(%arg24 : memref<!tpu.dma_semaphore, #tpu.memory_space<semaphore_mem>>)
    %dma_start3A_65 = arith.constant 7 : i32
    %dma_start3A_66 = arith.constant 0 : i32
    %dma_start3A_67 = tpu.memref_slice %arg8[%dma_start3A_65, %dma_start3A_66] : memref<80x128xi32, #tpu.memory_space<vmem>> -> memref<1x128xi32, #tpu.memory_space<vmem>>
    %dma_start3A_68 = tpu.memref_squeeze %dma_start3A_67 : memref<1x128xi32, #tpu.memory_space<vmem>> -> memref<128xi32, #tpu.memory_space<vmem>>
    %dma_start3A_69 = arith.constant 0 : i32
    %dma_start3A_70 = arith.constant 0 : i32
    %dma_start3A_71 = tpu.memref_slice %arg36[%dma_start3A_69, %dma_start3A_70] : memref<10240x8xf32, #tpu.memory_space<vmem_shared>> -> memref<10240x8xf32, #tpu.memory_space<vmem_shared>>
    tpu.enqueue_indirect_dma source(%dma_start3A_71 : memref<10240x8xf32, #tpu.memory_space<vmem_shared>>) target(%arg17 : memref<128x8xf32, #tpu.memory_space<vmem>>) offsets(%dma_start3A_68 : memref<128xi32, #tpu.memory_space<vmem>>) semaphore(%arg25 : memref<!tpu.dma_semaphore, #tpu.memory_space<semaphore_mem>>)
    %scan3A = arith.constant 0 : i32
    %scan3A_72 = arith.constant 0 : i32
    %scan3A_73 = arith.constant 10 : i32
    %scan3A_74 = arith.addi %scan3A_72, %scan3A_73 : i32
    %scan3A_75 = arith.constant 1 : i32
    scf.for %scan3A_91 = %scan3A_72 to %scan3A_74 step %scan3A_75  : i32 {
      %mul3A_92 = arith.constant 8 : i32
      %mul3A_93 = arith.muli %scan3A_91, %mul3A_92 : i32
      %add3A_94 = arith.constant 0 : i32
      %add3A_95 = arith.addi %mul3A_93, %add3A_94 : i32
      %dma_wait3A_96 = arith.constant 0 : i32
      %dma_wait3A_97 = tpu.memref_slice %arg8[%add3A_95, %dma_wait3A_96] : memref<80x128xi32, #tpu.memory_space<vmem>> -> memref<1x128xi32, #tpu.memory_space<vmem>>
      %dma_wait3A_98 = tpu.memref_squeeze %dma_wait3A_97 : memref<1x128xi32, #tpu.memory_space<vmem>> -> memref<128xi32, #tpu.memory_space<vmem>>
      %dma_wait3A_99 = arith.constant 0 : i32
      %dma_wait3A_100 = arith.constant 0 : i32
      %dma_wait3A_101 = tpu.memref_slice %arg36[%dma_wait3A_99, %dma_wait3A_100] : memref<10240x8xf32, #tpu.memory_space<vmem_shared>> -> memref<10240x8xf32, #tpu.memory_space<vmem_shared>>
      tpu.wait_indirect_dma semaphore(%arg18 : memref<!tpu.dma_semaphore, #tpu.memory_space<semaphore_mem>>) src(%dma_wait3A_101 : memref<10240x8xf32, #tpu.memory_space<vmem_shared>>) dst(%arg10 : memref<128x8xf32, #tpu.memory_space<vmem>>)
      %dma_start3A_102 = arith.constant 0 : i32
      %dma_start3A_103 = tpu.memref_slice %arg9[%add3A_95, %dma_start3A_102] : memref<80x128xi32, #tpu.memory_space<vmem>> -> memref<1x128xi32, #tpu.memory_space<vmem>>
      %dma_start3A_104 = tpu.memref_squeeze %dma_start3A_103 : memref<1x128xi32, #tpu.memory_space<vmem>> -> memref<128xi32, #tpu.memory_space<vmem>>
      %dma_start3A_105 = arith.constant 0 : i32
      %dma_start3A_106 = arith.constant 0 : i32
      %dma_start3A_107 = tpu.memref_slice %arg37[%dma_start3A_105, %dma_start3A_106] : memref<10240x8xf32, #tpu.memory_space<vmem_shared>> -> memref<10240x8xf32, #tpu.memory_space<vmem_shared>>
      tpu.enqueue_indirect_dma source(%arg10 : memref<128x8xf32, #tpu.memory_space<vmem>>) target(%dma_start3A_107 : memref<10240x8xf32, #tpu.memory_space<vmem_shared>>) offsets(%dma_start3A_104 : memref<128xi32, #tpu.memory_space<vmem>>) semaphore(%arg26 : memref<!tpu.dma_semaphore, #tpu.memory_space<semaphore_mem>>) {add = true}
      %gt3A = arith.constant 0 : i32
      %gt3A_108 = arith.cmpi sgt, %add3A_95, %gt3A : i32
      %convert_element_type3A = arith.extui %gt3A_108 : i1 to i32
      %cond3A = arith.constant 0 : i32
      %cond3A_109 = arith.cmpi ne, %convert_element_type3A, %cond3A : i32
      scf.if %cond3A_109 {
        %sub3A = arith.constant 1 : i32
        %sub3A_257 = arith.subi %add3A_95, %sub3A : i32
        %dma_wait3A_258 = arith.constant 0 : i32
        %dma_wait3A_259 = tpu.memref_slice %arg9[%sub3A_257, %dma_wait3A_258] : memref<80x128xi32, #tpu.memory_space<vmem>> -> memref<1x128xi32, #tpu.memory_space<vmem>>
        %dma_wait3A_260 = tpu.memref_squeeze %dma_wait3A_259 : memref<1x128xi32, #tpu.memory_space<vmem>> -> memref<128xi32, #tpu.memory_space<vmem>>
        %dma_wait3A_261 = arith.constant 0 : i32
        %dma_wait3A_262 = arith.constant 0 : i32
        %dma_wait3A_263 = tpu.memref_slice %arg37[%dma_wait3A_261, %dma_wait3A_262] : memref<10240x8xf32, #tpu.memory_space<vmem_shared>> -> memref<10240x8xf32, #tpu.memory_space<vmem_shared>>
        tpu.wait_indirect_dma semaphore(%arg33 : memref<!tpu.dma_semaphore, #tpu.memory_space<semaphore_mem>>) src(%arg17 : memref<128x8xf32, #tpu.memory_space<vmem>>) dst(%dma_wait3A_263 : memref<10240x8xf32, #tpu.memory_space<vmem_shared>>)
        %sub3A_264 = arith.constant 1 : i32
        %sub3A_265 = arith.subi %add3A_95, %sub3A_264 : i32
        %add3A_266 = arith.constant 8 : i32
        %add3A_267 = arith.addi %sub3A_265, %add3A_266 : i32
        %lt3A = arith.constant 80 : i32
        %lt3A_268 = arith.cmpi slt, %add3A_267, %lt3A : i32
        %convert_element_type3A_269 = arith.extui %lt3A_268 : i1 to i32
        %cond3A_270 = arith.constant 0 : i32
        %cond3A_271 = arith.cmpi ne, %convert_element_type3A_269, %cond3A_270 : i32
        scf.if %cond3A_271 {
          %sub3A_272 = arith.constant 1 : i32
          %sub3A_273 = arith.subi %add3A_95, %sub3A_272 : i32
          %add3A_274 = arith.constant 8 : i32
          %add3A_275 = arith.addi %sub3A_273, %add3A_274 : i32
          %dma_start3A_276 = arith.constant 0 : i32
          %dma_start3A_277 = tpu.memref_slice %arg8[%add3A_275, %dma_start3A_276] : memref<80x128xi32, #tpu.memory_space<vmem>> -> memref<1x128xi32, #tpu.memory_space<vmem>>
          %dma_start3A_278 = tpu.memref_squeeze %dma_start3A_277 : memref<1x128xi32, #tpu.memory_space<vmem>> -> memref<128xi32, #tpu.memory_space<vmem>>
          %dma_start3A_279 = arith.constant 0 : i32
          %dma_start3A_280 = arith.constant 0 : i32
          %dma_start3A_281 = tpu.memref_slice %arg36[%dma_start3A_279, %dma_start3A_280] : memref<10240x8xf32, #tpu.memory_space<vmem_shared>> -> memref<10240x8xf32, #tpu.memory_space<vmem_shared>>
          tpu.enqueue_indirect_dma source(%dma_start3A_281 : memref<10240x8xf32, #tpu.memory_space<vmem_shared>>) target(%arg17 : memref<128x8xf32, #tpu.memory_space<vmem>>) offsets(%dma_start3A_278 : memref<128xi32, #tpu.memory_space<vmem>>) semaphore(%arg25 : memref<!tpu.dma_semaphore, #tpu.memory_space<semaphore_mem>>)
        } else {
        }
      } else {
      }
      %mul3A_110 = arith.constant 8 : i32
      %mul3A_111 = arith.muli %scan3A_91, %mul3A_110 : i32
      %add3A_112 = arith.constant 1 : i32
      %add3A_113 = arith.addi %mul3A_111, %add3A_112 : i32
      %dma_wait3A_114 = arith.constant 0 : i32
      %dma_wait3A_115 = tpu.memref_slice %arg8[%add3A_113, %dma_wait3A_114] : memref<80x128xi32, #tpu.memory_space<vmem>> -> memref<1x128xi32, #tpu.memory_space<vmem>>
      %dma_wait3A_116 = tpu.memref_squeeze %dma_wait3A_115 : memref<1x128xi32, #tpu.memory_space<vmem>> -> memref<128xi32, #tpu.memory_space<vmem>>
      %dma_wait3A_117 = arith.constant 0 : i32
      %dma_wait3A_118 = arith.constant 0 : i32
      %dma_wait3A_119 = tpu.memref_slice %arg36[%dma_wait3A_117, %dma_wait3A_118] : memref<10240x8xf32, #tpu.memory_space<vmem_shared>> -> memref<10240x8xf32, #tpu.memory_space<vmem_shared>>
      tpu.wait_indirect_dma semaphore(%arg19 : memref<!tpu.dma_semaphore, #tpu.memory_space<semaphore_mem>>) src(%dma_wait3A_119 : memref<10240x8xf32, #tpu.memory_space<vmem_shared>>) dst(%arg11 : memref<128x8xf32, #tpu.memory_space<vmem>>)
      %dma_start3A_120 = arith.constant 0 : i32
      %dma_start3A_121 = tpu.memref_slice %arg9[%add3A_113, %dma_start3A_120] : memref<80x128xi32, #tpu.memory_space<vmem>> -> memref<1x128xi32, #tpu.memory_space<vmem>>
      %dma_start3A_122 = tpu.memref_squeeze %dma_start3A_121 : memref<1x128xi32, #tpu.memory_space<vmem>> -> memref<128xi32, #tpu.memory_space<vmem>>
      %dma_start3A_123 = arith.constant 0 : i32
      %dma_start3A_124 = arith.constant 0 : i32
      %dma_start3A_125 = tpu.memref_slice %arg37[%dma_start3A_123, %dma_start3A_124] : memref<10240x8xf32, #tpu.memory_space<vmem_shared>> -> memref<10240x8xf32, #tpu.memory_space<vmem_shared>>
      tpu.enqueue_indirect_dma source(%arg11 : memref<128x8xf32, #tpu.memory_space<vmem>>) target(%dma_start3A_125 : memref<10240x8xf32, #tpu.memory_space<vmem_shared>>) offsets(%dma_start3A_122 : memref<128xi32, #tpu.memory_space<vmem>>) semaphore(%arg27 : memref<!tpu.dma_semaphore, #tpu.memory_space<semaphore_mem>>) {add = true}
      %gt3A_126 = arith.constant 0 : i32
      %gt3A_127 = arith.cmpi sgt, %add3A_113, %gt3A_126 : i32
      %convert_element_type3A_128 = arith.extui %gt3A_127 : i1 to i32
      %cond3A_129 = arith.constant 0 : i32
      %cond3A_130 = arith.cmpi ne, %convert_element_type3A_128, %cond3A_129 : i32
      scf.if %cond3A_130 {
        %sub3A = arith.constant 1 : i32
        %sub3A_257 = arith.subi %add3A_113, %sub3A : i32
        %dma_wait3A_258 = arith.constant 0 : i32
        %dma_wait3A_259 = tpu.memref_slice %arg9[%sub3A_257, %dma_wait3A_258] : memref<80x128xi32, #tpu.memory_space<vmem>> -> memref<1x128xi32, #tpu.memory_space<vmem>>
        %dma_wait3A_260 = tpu.memref_squeeze %dma_wait3A_259 : memref<1x128xi32, #tpu.memory_space<vmem>> -> memref<128xi32, #tpu.memory_space<vmem>>
        %dma_wait3A_261 = arith.constant 0 : i32
        %dma_wait3A_262 = arith.constant 0 : i32
        %dma_wait3A_263 = tpu.memref_slice %arg37[%dma_wait3A_261, %dma_wait3A_262] : memref<10240x8xf32, #tpu.memory_space<vmem_shared>> -> memref<10240x8xf32, #tpu.memory_space<vmem_shared>>
        tpu.wait_indirect_dma semaphore(%arg26 : memref<!tpu.dma_semaphore, #tpu.memory_space<semaphore_mem>>) src(%arg10 : memref<128x8xf32, #tpu.memory_space<vmem>>) dst(%dma_wait3A_263 : memref<10240x8xf32, #tpu.memory_space<vmem_shared>>)
        %sub3A_264 = arith.constant 1 : i32
        %sub3A_265 = arith.subi %add3A_113, %sub3A_264 : i32
        %add3A_266 = arith.constant 8 : i32
        %add3A_267 = arith.addi %sub3A_265, %add3A_266 : i32
        %lt3A = arith.constant 80 : i32
        %lt3A_268 = arith.cmpi slt, %add3A_267, %lt3A : i32
        %convert_element_type3A_269 = arith.extui %lt3A_268 : i1 to i32
        %cond3A_270 = arith.constant 0 : i32
        %cond3A_271 = arith.cmpi ne, %convert_element_type3A_269, %cond3A_270 : i32
        scf.if %cond3A_271 {
          %sub3A_272 = arith.constant 1 : i32
          %sub3A_273 = arith.subi %add3A_113, %sub3A_272 : i32
          %add3A_274 = arith.constant 8 : i32
          %add3A_275 = arith.addi %sub3A_273, %add3A_274 : i32
          %dma_start3A_276 = arith.constant 0 : i32
          %dma_start3A_277 = tpu.memref_slice %arg8[%add3A_275, %dma_start3A_276] : memref<80x128xi32, #tpu.memory_space<vmem>> -> memref<1x128xi32, #tpu.memory_space<vmem>>
          %dma_start3A_278 = tpu.memref_squeeze %dma_start3A_277 : memref<1x128xi32, #tpu.memory_space<vmem>> -> memref<128xi32, #tpu.memory_space<vmem>>
          %dma_start3A_279 = arith.constant 0 : i32
          %dma_start3A_280 = arith.constant 0 : i32
          %dma_start3A_281 = tpu.memref_slice %arg36[%dma_start3A_279, %dma_start3A_280] : memref<10240x8xf32, #tpu.memory_space<vmem_shared>> -> memref<10240x8xf32, #tpu.memory_space<vmem_shared>>
          tpu.enqueue_indirect_dma source(%dma_start3A_281 : memref<10240x8xf32, #tpu.memory_space<vmem_shared>>) target(%arg10 : memref<128x8xf32, #tpu.memory_space<vmem>>) offsets(%dma_start3A_278 : memref<128xi32, #tpu.memory_space<vmem>>) semaphore(%arg18 : memref<!tpu.dma_semaphore, #tpu.memory_space<semaphore_mem>>)
        } else {
        }
      } else {
      }
      %mul3A_131 = arith.constant 8 : i32
      %mul3A_132 = arith.muli %scan3A_91, %mul3A_131 : i32
      %add3A_133 = arith.constant 2 : i32
      %add3A_134 = arith.addi %mul3A_132, %add3A_133 : i32
      %dma_wait3A_135 = arith.constant 0 : i32
      %dma_wait3A_136 = tpu.memref_slice %arg8[%add3A_134, %dma_wait3A_135] : memref<80x128xi32, #tpu.memory_space<vmem>> -> memref<1x128xi32, #tpu.memory_space<vmem>>
      %dma_wait3A_137 = tpu.memref_squeeze %dma_wait3A_136 : memref<1x128xi32, #tpu.memory_space<vmem>> -> memref<128xi32, #tpu.memory_space<vmem>>
      %dma_wait3A_138 = arith.constant 0 : i32
      %dma_wait3A_139 = arith.constant 0 : i32
      %dma_wait3A_140 = tpu.memref_slice %arg36[%dma_wait3A_138, %dma_wait3A_139] : memref<10240x8xf32, #tpu.memory_space<vmem_shared>> -> memref<10240x8xf32, #tpu.memory_space<vmem_shared>>
      tpu.wait_indirect_dma semaphore(%arg20 : memref<!tpu.dma_semaphore, #tpu.memory_space<semaphore_mem>>) src(%dma_wait3A_140 : memref<10240x8xf32, #tpu.memory_space<vmem_shared>>) dst(%arg12 : memref<128x8xf32, #tpu.memory_space<vmem>>)
      %dma_start3A_141 = arith.constant 0 : i32
      %dma_start3A_142 = tpu.memref_slice %arg9[%add3A_134, %dma_start3A_141] : memref<80x128xi32, #tpu.memory_space<vmem>> -> memref<1x128xi32, #tpu.memory_space<vmem>>
      %dma_start3A_143 = tpu.memref_squeeze %dma_start3A_142 : memref<1x128xi32, #tpu.memory_space<vmem>> -> memref<128xi32, #tpu.memory_space<vmem>>
      %dma_start3A_144 = arith.constant 0 : i32
      %dma_start3A_145 = arith.constant 0 : i32
      %dma_start3A_146 = tpu.memref_slice %arg37[%dma_start3A_144, %dma_start3A_145] : memref<10240x8xf32, #tpu.memory_space<vmem_shared>> -> memref<10240x8xf32, #tpu.memory_space<vmem_shared>>
      tpu.enqueue_indirect_dma source(%arg12 : memref<128x8xf32, #tpu.memory_space<vmem>>) target(%dma_start3A_146 : memref<10240x8xf32, #tpu.memory_space<vmem_shared>>) offsets(%dma_start3A_143 : memref<128xi32, #tpu.memory_space<vmem>>) semaphore(%arg28 : memref<!tpu.dma_semaphore, #tpu.memory_space<semaphore_mem>>) {add = true}
      %gt3A_147 = arith.constant 0 : i32
      %gt3A_148 = arith.cmpi sgt, %add3A_134, %gt3A_147 : i32
      %convert_element_type3A_149 = arith.extui %gt3A_148 : i1 to i32
      %cond3A_150 = arith.constant 0 : i32
      %cond3A_151 = arith.cmpi ne, %convert_element_type3A_149, %cond3A_150 : i32
      scf.if %cond3A_151 {
        %sub3A = arith.constant 1 : i32
        %sub3A_257 = arith.subi %add3A_134, %sub3A : i32
        %dma_wait3A_258 = arith.constant 0 : i32
        %dma_wait3A_259 = tpu.memref_slice %arg9[%sub3A_257, %dma_wait3A_258] : memref<80x128xi32, #tpu.memory_space<vmem>> -> memref<1x128xi32, #tpu.memory_space<vmem>>
        %dma_wait3A_260 = tpu.memref_squeeze %dma_wait3A_259 : memref<1x128xi32, #tpu.memory_space<vmem>> -> memref<128xi32, #tpu.memory_space<vmem>>
        %dma_wait3A_261 = arith.constant 0 : i32
        %dma_wait3A_262 = arith.constant 0 : i32
        %dma_wait3A_263 = tpu.memref_slice %arg37[%dma_wait3A_261, %dma_wait3A_262] : memref<10240x8xf32, #tpu.memory_space<vmem_shared>> -> memref<10240x8xf32, #tpu.memory_space<vmem_shared>>
        tpu.wait_indirect_dma semaphore(%arg27 : memref<!tpu.dma_semaphore, #tpu.memory_space<semaphore_mem>>) src(%arg11 : memref<128x8xf32, #tpu.memory_space<vmem>>) dst(%dma_wait3A_263 : memref<10240x8xf32, #tpu.memory_space<vmem_shared>>)
        %sub3A_264 = arith.constant 1 : i32
        %sub3A_265 = arith.subi %add3A_134, %sub3A_264 : i32
        %add3A_266 = arith.constant 8 : i32
        %add3A_267 = arith.addi %sub3A_265, %add3A_266 : i32
        %lt3A = arith.constant 80 : i32
        %lt3A_268 = arith.cmpi slt, %add3A_267, %lt3A : i32
        %convert_element_type3A_269 = arith.extui %lt3A_268 : i1 to i32
        %cond3A_270 = arith.constant 0 : i32
        %cond3A_271 = arith.cmpi ne, %convert_element_type3A_269, %cond3A_270 : i32
        scf.if %cond3A_271 {
          %sub3A_272 = arith.constant 1 : i32
          %sub3A_273 = arith.subi %add3A_134, %sub3A_272 : i32
          %add3A_274 = arith.constant 8 : i32
          %add3A_275 = arith.addi %sub3A_273, %add3A_274 : i32
          %dma_start3A_276 = arith.constant 0 : i32
          %dma_start3A_277 = tpu.memref_slice %arg8[%add3A_275, %dma_start3A_276] : memref<80x128xi32, #tpu.memory_space<vmem>> -> memref<1x128xi32, #tpu.memory_space<vmem>>
          %dma_start3A_278 = tpu.memref_squeeze %dma_start3A_277 : memref<1x128xi32, #tpu.memory_space<vmem>> -> memref<128xi32, #tpu.memory_space<vmem>>
          %dma_start3A_279 = arith.constant 0 : i32
          %dma_start3A_280 = arith.constant 0 : i32
          %dma_start3A_281 = tpu.memref_slice %arg36[%dma_start3A_279, %dma_start3A_280] : memref<10240x8xf32, #tpu.memory_space<vmem_shared>> -> memref<10240x8xf32, #tpu.memory_space<vmem_shared>>
          tpu.enqueue_indirect_dma source(%dma_start3A_281 : memref<10240x8xf32, #tpu.memory_space<vmem_shared>>) target(%arg11 : memref<128x8xf32, #tpu.memory_space<vmem>>) offsets(%dma_start3A_278 : memref<128xi32, #tpu.memory_space<vmem>>) semaphore(%arg19 : memref<!tpu.dma_semaphore, #tpu.memory_space<semaphore_mem>>)
        } else {
        }
      } else {
      }
      %mul3A_152 = arith.constant 8 : i32
      %mul3A_153 = arith.muli %scan3A_91, %mul3A_152 : i32
      %add3A_154 = arith.constant 3 : i32
      %add3A_155 = arith.addi %mul3A_153, %add3A_154 : i32
      %dma_wait3A_156 = arith.constant 0 : i32
      %dma_wait3A_157 = tpu.memref_slice %arg8[%add3A_155, %dma_wait3A_156] : memref<80x128xi32, #tpu.memory_space<vmem>> -> memref<1x128xi32, #tpu.memory_space<vmem>>
      %dma_wait3A_158 = tpu.memref_squeeze %dma_wait3A_157 : memref<1x128xi32, #tpu.memory_space<vmem>> -> memref<128xi32, #tpu.memory_space<vmem>>
      %dma_wait3A_159 = arith.constant 0 : i32
      %dma_wait3A_160 = arith.constant 0 : i32
      %dma_wait3A_161 = tpu.memref_slice %arg36[%dma_wait3A_159, %dma_wait3A_160] : memref<10240x8xf32, #tpu.memory_space<vmem_shared>> -> memref<10240x8xf32, #tpu.memory_space<vmem_shared>>
      tpu.wait_indirect_dma semaphore(%arg21 : memref<!tpu.dma_semaphore, #tpu.memory_space<semaphore_mem>>) src(%dma_wait3A_161 : memref<10240x8xf32, #tpu.memory_space<vmem_shared>>) dst(%arg13 : memref<128x8xf32, #tpu.memory_space<vmem>>)
      %dma_start3A_162 = arith.constant 0 : i32
      %dma_start3A_163 = tpu.memref_slice %arg9[%add3A_155, %dma_start3A_162] : memref<80x128xi32, #tpu.memory_space<vmem>> -> memref<1x128xi32, #tpu.memory_space<vmem>>
      %dma_start3A_164 = tpu.memref_squeeze %dma_start3A_163 : memref<1x128xi32, #tpu.memory_space<vmem>> -> memref<128xi32, #tpu.memory_space<vmem>>
      %dma_start3A_165 = arith.constant 0 : i32
      %dma_start3A_166 = arith.constant 0 : i32
      %dma_start3A_167 = tpu.memref_slice %arg37[%dma_start3A_165, %dma_start3A_166] : memref<10240x8xf32, #tpu.memory_space<vmem_shared>> -> memref<10240x8xf32, #tpu.memory_space<vmem_shared>>
      tpu.enqueue_indirect_dma source(%arg13 : memref<128x8xf32, #tpu.memory_space<vmem>>) target(%dma_start3A_167 : memref<10240x8xf32, #tpu.memory_space<vmem_shared>>) offsets(%dma_start3A_164 : memref<128xi32, #tpu.memory_space<vmem>>) semaphore(%arg29 : memref<!tpu.dma_semaphore, #tpu.memory_space<semaphore_mem>>) {add = true}
      %gt3A_168 = arith.constant 0 : i32
      %gt3A_169 = arith.cmpi sgt, %add3A_155, %gt3A_168 : i32
      %convert_element_type3A_170 = arith.extui %gt3A_169 : i1 to i32
      %cond3A_171 = arith.constant 0 : i32
      %cond3A_172 = arith.cmpi ne, %convert_element_type3A_170, %cond3A_171 : i32
      scf.if %cond3A_172 {
        %sub3A = arith.constant 1 : i32
        %sub3A_257 = arith.subi %add3A_155, %sub3A : i32
        %dma_wait3A_258 = arith.constant 0 : i32
        %dma_wait3A_259 = tpu.memref_slice %arg9[%sub3A_257, %dma_wait3A_258] : memref<80x128xi32, #tpu.memory_space<vmem>> -> memref<1x128xi32, #tpu.memory_space<vmem>>
        %dma_wait3A_260 = tpu.memref_squeeze %dma_wait3A_259 : memref<1x128xi32, #tpu.memory_space<vmem>> -> memref<128xi32, #tpu.memory_space<vmem>>
        %dma_wait3A_261 = arith.constant 0 : i32
        %dma_wait3A_262 = arith.constant 0 : i32
        %dma_wait3A_263 = tpu.memref_slice %arg37[%dma_wait3A_261, %dma_wait3A_262] : memref<10240x8xf32, #tpu.memory_space<vmem_shared>> -> memref<10240x8xf32, #tpu.memory_space<vmem_shared>>
        tpu.wait_indirect_dma semaphore(%arg28 : memref<!tpu.dma_semaphore, #tpu.memory_space<semaphore_mem>>) src(%arg12 : memref<128x8xf32, #tpu.memory_space<vmem>>) dst(%dma_wait3A_263 : memref<10240x8xf32, #tpu.memory_space<vmem_shared>>)
        %sub3A_264 = arith.constant 1 : i32
        %sub3A_265 = arith.subi %add3A_155, %sub3A_264 : i32
        %add3A_266 = arith.constant 8 : i32
        %add3A_267 = arith.addi %sub3A_265, %add3A_266 : i32
        %lt3A = arith.constant 80 : i32
        %lt3A_268 = arith.cmpi slt, %add3A_267, %lt3A : i32
        %convert_element_type3A_269 = arith.extui %lt3A_268 : i1 to i32
        %cond3A_270 = arith.constant 0 : i32
        %cond3A_271 = arith.cmpi ne, %convert_element_type3A_269, %cond3A_270 : i32
        scf.if %cond3A_271 {
          %sub3A_272 = arith.constant 1 : i32
          %sub3A_273 = arith.subi %add3A_155, %sub3A_272 : i32
          %add3A_274 = arith.constant 8 : i32
          %add3A_275 = arith.addi %sub3A_273, %add3A_274 : i32
          %dma_start3A_276 = arith.constant 0 : i32
          %dma_start3A_277 = tpu.memref_slice %arg8[%add3A_275, %dma_start3A_276] : memref<80x128xi32, #tpu.memory_space<vmem>> -> memref<1x128xi32, #tpu.memory_space<vmem>>
          %dma_start3A_278 = tpu.memref_squeeze %dma_start3A_277 : memref<1x128xi32, #tpu.memory_space<vmem>> -> memref<128xi32, #tpu.memory_space<vmem>>
          %dma_start3A_279 = arith.constant 0 : i32
          %dma_start3A_280 = arith.constant 0 : i32
          %dma_start3A_281 = tpu.memref_slice %arg36[%dma_start3A_279, %dma_start3A_280] : memref<10240x8xf32, #tpu.memory_space<vmem_shared>> -> memref<10240x8xf32, #tpu.memory_space<vmem_shared>>
          tpu.enqueue_indirect_dma source(%dma_start3A_281 : memref<10240x8xf32, #tpu.memory_space<vmem_shared>>) target(%arg12 : memref<128x8xf32, #tpu.memory_space<vmem>>) offsets(%dma_start3A_278 : memref<128xi32, #tpu.memory_space<vmem>>) semaphore(%arg20 : memref<!tpu.dma_semaphore, #tpu.memory_space<semaphore_mem>>)
        } else {
        }
      } else {
      }
      %mul3A_173 = arith.constant 8 : i32
      %mul3A_174 = arith.muli %scan3A_91, %mul3A_173 : i32
      %add3A_175 = arith.constant 4 : i32
      %add3A_176 = arith.addi %mul3A_174, %add3A_175 : i32
      %dma_wait3A_177 = arith.constant 0 : i32
      %dma_wait3A_178 = tpu.memref_slice %arg8[%add3A_176, %dma_wait3A_177] : memref<80x128xi32, #tpu.memory_space<vmem>> -> memref<1x128xi32, #tpu.memory_space<vmem>>
      %dma_wait3A_179 = tpu.memref_squeeze %dma_wait3A_178 : memref<1x128xi32, #tpu.memory_space<vmem>> -> memref<128xi32, #tpu.memory_space<vmem>>
      %dma_wait3A_180 = arith.constant 0 : i32
      %dma_wait3A_181 = arith.constant 0 : i32
      %dma_wait3A_182 = tpu.memref_slice %arg36[%dma_wait3A_180, %dma_wait3A_181] : memref<10240x8xf32, #tpu.memory_space<vmem_shared>> -> memref<10240x8xf32, #tpu.memory_space<vmem_shared>>
      tpu.wait_indirect_dma semaphore(%arg22 : memref<!tpu.dma_semaphore, #tpu.memory_space<semaphore_mem>>) src(%dma_wait3A_182 : memref<10240x8xf32, #tpu.memory_space<vmem_shared>>) dst(%arg14 : memref<128x8xf32, #tpu.memory_space<vmem>>)
      %dma_start3A_183 = arith.constant 0 : i32
      %dma_start3A_184 = tpu.memref_slice %arg9[%add3A_176, %dma_start3A_183] : memref<80x128xi32, #tpu.memory_space<vmem>> -> memref<1x128xi32, #tpu.memory_space<vmem>>
      %dma_start3A_185 = tpu.memref_squeeze %dma_start3A_184 : memref<1x128xi32, #tpu.memory_space<vmem>> -> memref<128xi32, #tpu.memory_space<vmem>>
      %dma_start3A_186 = arith.constant 0 : i32
      %dma_start3A_187 = arith.constant 0 : i32
      %dma_start3A_188 = tpu.memref_slice %arg37[%dma_start3A_186, %dma_start3A_187] : memref<10240x8xf32, #tpu.memory_space<vmem_shared>> -> memref<10240x8xf32, #tpu.memory_space<vmem_shared>>
      tpu.enqueue_indirect_dma source(%arg14 : memref<128x8xf32, #tpu.memory_space<vmem>>) target(%dma_start3A_188 : memref<10240x8xf32, #tpu.memory_space<vmem_shared>>) offsets(%dma_start3A_185 : memref<128xi32, #tpu.memory_space<vmem>>) semaphore(%arg30 : memref<!tpu.dma_semaphore, #tpu.memory_space<semaphore_mem>>) {add = true}
      %gt3A_189 = arith.constant 0 : i32
      %gt3A_190 = arith.cmpi sgt, %add3A_176, %gt3A_189 : i32
      %convert_element_type3A_191 = arith.extui %gt3A_190 : i1 to i32
      %cond3A_192 = arith.constant 0 : i32
      %cond3A_193 = arith.cmpi ne, %convert_element_type3A_191, %cond3A_192 : i32
      scf.if %cond3A_193 {
        %sub3A = arith.constant 1 : i32
        %sub3A_257 = arith.subi %add3A_176, %sub3A : i32
        %dma_wait3A_258 = arith.constant 0 : i32
        %dma_wait3A_259 = tpu.memref_slice %arg9[%sub3A_257, %dma_wait3A_258] : memref<80x128xi32, #tpu.memory_space<vmem>> -> memref<1x128xi32, #tpu.memory_space<vmem>>
        %dma_wait3A_260 = tpu.memref_squeeze %dma_wait3A_259 : memref<1x128xi32, #tpu.memory_space<vmem>> -> memref<128xi32, #tpu.memory_space<vmem>>
        %dma_wait3A_261 = arith.constant 0 : i32
        %dma_wait3A_262 = arith.constant 0 : i32
        %dma_wait3A_263 = tpu.memref_slice %arg37[%dma_wait3A_261, %dma_wait3A_262] : memref<10240x8xf32, #tpu.memory_space<vmem_shared>> -> memref<10240x8xf32, #tpu.memory_space<vmem_shared>>
        tpu.wait_indirect_dma semaphore(%arg29 : memref<!tpu.dma_semaphore, #tpu.memory_space<semaphore_mem>>) src(%arg13 : memref<128x8xf32, #tpu.memory_space<vmem>>) dst(%dma_wait3A_263 : memref<10240x8xf32, #tpu.memory_space<vmem_shared>>)
        %sub3A_264 = arith.constant 1 : i32
        %sub3A_265 = arith.subi %add3A_176, %sub3A_264 : i32
        %add3A_266 = arith.constant 8 : i32
        %add3A_267 = arith.addi %sub3A_265, %add3A_266 : i32
        %lt3A = arith.constant 80 : i32
        %lt3A_268 = arith.cmpi slt, %add3A_267, %lt3A : i32
        %convert_element_type3A_269 = arith.extui %lt3A_268 : i1 to i32
        %cond3A_270 = arith.constant 0 : i32
        %cond3A_271 = arith.cmpi ne, %convert_element_type3A_269, %cond3A_270 : i32
        scf.if %cond3A_271 {
          %sub3A_272 = arith.constant 1 : i32
          %sub3A_273 = arith.subi %add3A_176, %sub3A_272 : i32
          %add3A_274 = arith.constant 8 : i32
          %add3A_275 = arith.addi %sub3A_273, %add3A_274 : i32
          %dma_start3A_276 = arith.constant 0 : i32
          %dma_start3A_277 = tpu.memref_slice %arg8[%add3A_275, %dma_start3A_276] : memref<80x128xi32, #tpu.memory_space<vmem>> -> memref<1x128xi32, #tpu.memory_space<vmem>>
          %dma_start3A_278 = tpu.memref_squeeze %dma_start3A_277 : memref<1x128xi32, #tpu.memory_space<vmem>> -> memref<128xi32, #tpu.memory_space<vmem>>
          %dma_start3A_279 = arith.constant 0 : i32
          %dma_start3A_280 = arith.constant 0 : i32
          %dma_start3A_281 = tpu.memref_slice %arg36[%dma_start3A_279, %dma_start3A_280] : memref<10240x8xf32, #tpu.memory_space<vmem_shared>> -> memref<10240x8xf32, #tpu.memory_space<vmem_shared>>
          tpu.enqueue_indirect_dma source(%dma_start3A_281 : memref<10240x8xf32, #tpu.memory_space<vmem_shared>>) target(%arg13 : memref<128x8xf32, #tpu.memory_space<vmem>>) offsets(%dma_start3A_278 : memref<128xi32, #tpu.memory_space<vmem>>) semaphore(%arg21 : memref<!tpu.dma_semaphore, #tpu.memory_space<semaphore_mem>>)
        } else {
        }
      } else {
      }
      %mul3A_194 = arith.constant 8 : i32
      %mul3A_195 = arith.muli %scan3A_91, %mul3A_194 : i32
      %add3A_196 = arith.constant 5 : i32
      %add3A_197 = arith.addi %mul3A_195, %add3A_196 : i32
      %dma_wait3A_198 = arith.constant 0 : i32
      %dma_wait3A_199 = tpu.memref_slice %arg8[%add3A_197, %dma_wait3A_198] : memref<80x128xi32, #tpu.memory_space<vmem>> -> memref<1x128xi32, #tpu.memory_space<vmem>>
      %dma_wait3A_200 = tpu.memref_squeeze %dma_wait3A_199 : memref<1x128xi32, #tpu.memory_space<vmem>> -> memref<128xi32, #tpu.memory_space<vmem>>
      %dma_wait3A_201 = arith.constant 0 : i32
      %dma_wait3A_202 = arith.constant 0 : i32
      %dma_wait3A_203 = tpu.memref_slice %arg36[%dma_wait3A_201, %dma_wait3A_202] : memref<10240x8xf32, #tpu.memory_space<vmem_shared>> -> memref<10240x8xf32, #tpu.memory_space<vmem_shared>>
      tpu.wait_indirect_dma semaphore(%arg23 : memref<!tpu.dma_semaphore, #tpu.memory_space<semaphore_mem>>) src(%dma_wait3A_203 : memref<10240x8xf32, #tpu.memory_space<vmem_shared>>) dst(%arg15 : memref<128x8xf32, #tpu.memory_space<vmem>>)
      %dma_start3A_204 = arith.constant 0 : i32
      %dma_start3A_205 = tpu.memref_slice %arg9[%add3A_197, %dma_start3A_204] : memref<80x128xi32, #tpu.memory_space<vmem>> -> memref<1x128xi32, #tpu.memory_space<vmem>>
      %dma_start3A_206 = tpu.memref_squeeze %dma_start3A_205 : memref<1x128xi32, #tpu.memory_space<vmem>> -> memref<128xi32, #tpu.memory_space<vmem>>
      %dma_start3A_207 = arith.constant 0 : i32
      %dma_start3A_208 = arith.constant 0 : i32
      %dma_start3A_209 = tpu.memref_slice %arg37[%dma_start3A_207, %dma_start3A_208] : memref<10240x8xf32, #tpu.memory_space<vmem_shared>> -> memref<10240x8xf32, #tpu.memory_space<vmem_shared>>
      tpu.enqueue_indirect_dma source(%arg15 : memref<128x8xf32, #tpu.memory_space<vmem>>) target(%dma_start3A_209 : memref<10240x8xf32, #tpu.memory_space<vmem_shared>>) offsets(%dma_start3A_206 : memref<128xi32, #tpu.memory_space<vmem>>) semaphore(%arg31 : memref<!tpu.dma_semaphore, #tpu.memory_space<semaphore_mem>>) {add = true}
      %gt3A_210 = arith.constant 0 : i32
      %gt3A_211 = arith.cmpi sgt, %add3A_197, %gt3A_210 : i32
      %convert_element_type3A_212 = arith.extui %gt3A_211 : i1 to i32
      %cond3A_213 = arith.constant 0 : i32
      %cond3A_214 = arith.cmpi ne, %convert_element_type3A_212, %cond3A_213 : i32
      scf.if %cond3A_214 {
        %sub3A = arith.constant 1 : i32
        %sub3A_257 = arith.subi %add3A_197, %sub3A : i32
        %dma_wait3A_258 = arith.constant 0 : i32
        %dma_wait3A_259 = tpu.memref_slice %arg9[%sub3A_257, %dma_wait3A_258] : memref<80x128xi32, #tpu.memory_space<vmem>> -> memref<1x128xi32, #tpu.memory_space<vmem>>
        %dma_wait3A_260 = tpu.memref_squeeze %dma_wait3A_259 : memref<1x128xi32, #tpu.memory_space<vmem>> -> memref<128xi32, #tpu.memory_space<vmem>>
        %dma_wait3A_261 = arith.constant 0 : i32
        %dma_wait3A_262 = arith.constant 0 : i32
        %dma_wait3A_263 = tpu.memref_slice %arg37[%dma_wait3A_261, %dma_wait3A_262] : memref<10240x8xf32, #tpu.memory_space<vmem_shared>> -> memref<10240x8xf32, #tpu.memory_space<vmem_shared>>
        tpu.wait_indirect_dma semaphore(%arg30 : memref<!tpu.dma_semaphore, #tpu.memory_space<semaphore_mem>>) src(%arg14 : memref<128x8xf32, #tpu.memory_space<vmem>>) dst(%dma_wait3A_263 : memref<10240x8xf32, #tpu.memory_space<vmem_shared>>)
        %sub3A_264 = arith.constant 1 : i32
        %sub3A_265 = arith.subi %add3A_197, %sub3A_264 : i32
        %add3A_266 = arith.constant 8 : i32
        %add3A_267 = arith.addi %sub3A_265, %add3A_266 : i32
        %lt3A = arith.constant 80 : i32
        %lt3A_268 = arith.cmpi slt, %add3A_267, %lt3A : i32
        %convert_element_type3A_269 = arith.extui %lt3A_268 : i1 to i32
        %cond3A_270 = arith.constant 0 : i32
        %cond3A_271 = arith.cmpi ne, %convert_element_type3A_269, %cond3A_270 : i32
        scf.if %cond3A_271 {
          %sub3A_272 = arith.constant 1 : i32
          %sub3A_273 = arith.subi %add3A_197, %sub3A_272 : i32
          %add3A_274 = arith.constant 8 : i32
          %add3A_275 = arith.addi %sub3A_273, %add3A_274 : i32
          %dma_start3A_276 = arith.constant 0 : i32
          %dma_start3A_277 = tpu.memref_slice %arg8[%add3A_275, %dma_start3A_276] : memref<80x128xi32, #tpu.memory_space<vmem>> -> memref<1x128xi32, #tpu.memory_space<vmem>>
          %dma_start3A_278 = tpu.memref_squeeze %dma_start3A_277 : memref<1x128xi32, #tpu.memory_space<vmem>> -> memref<128xi32, #tpu.memory_space<vmem>>
          %dma_start3A_279 = arith.constant 0 : i32
          %dma_start3A_280 = arith.constant 0 : i32
          %dma_start3A_281 = tpu.memref_slice %arg36[%dma_start3A_279, %dma_start3A_280] : memref<10240x8xf32, #tpu.memory_space<vmem_shared>> -> memref<10240x8xf32, #tpu.memory_space<vmem_shared>>
          tpu.enqueue_indirect_dma source(%dma_start3A_281 : memref<10240x8xf32, #tpu.memory_space<vmem_shared>>) target(%arg14 : memref<128x8xf32, #tpu.memory_space<vmem>>) offsets(%dma_start3A_278 : memref<128xi32, #tpu.memory_space<vmem>>) semaphore(%arg22 : memref<!tpu.dma_semaphore, #tpu.memory_space<semaphore_mem>>)
        } else {
        }
      } else {
      }
      %mul3A_215 = arith.constant 8 : i32
      %mul3A_216 = arith.muli %scan3A_91, %mul3A_215 : i32
      %add3A_217 = arith.constant 6 : i32
      %add3A_218 = arith.addi %mul3A_216, %add3A_217 : i32
      %dma_wait3A_219 = arith.constant 0 : i32
      %dma_wait3A_220 = tpu.memref_slice %arg8[%add3A_218, %dma_wait3A_219] : memref<80x128xi32, #tpu.memory_space<vmem>> -> memref<1x128xi32, #tpu.memory_space<vmem>>
      %dma_wait3A_221 = tpu.memref_squeeze %dma_wait3A_220 : memref<1x128xi32, #tpu.memory_space<vmem>> -> memref<128xi32, #tpu.memory_space<vmem>>
      %dma_wait3A_222 = arith.constant 0 : i32
      %dma_wait3A_223 = arith.constant 0 : i32
      %dma_wait3A_224 = tpu.memref_slice %arg36[%dma_wait3A_222, %dma_wait3A_223] : memref<10240x8xf32, #tpu.memory_space<vmem_shared>> -> memref<10240x8xf32, #tpu.memory_space<vmem_shared>>
      tpu.wait_indirect_dma semaphore(%arg24 : memref<!tpu.dma_semaphore, #tpu.memory_space<semaphore_mem>>) src(%dma_wait3A_224 : memref<10240x8xf32, #tpu.memory_space<vmem_shared>>) dst(%arg16 : memref<128x8xf32, #tpu.memory_space<vmem>>)
      %dma_start3A_225 = arith.constant 0 : i32
      %dma_start3A_226 = tpu.memref_slice %arg9[%add3A_218, %dma_start3A_225] : memref<80x128xi32, #tpu.memory_space<vmem>> -> memref<1x128xi32, #tpu.memory_space<vmem>>
      %dma_start3A_227 = tpu.memref_squeeze %dma_start3A_226 : memref<1x128xi32, #tpu.memory_space<vmem>> -> memref<128xi32, #tpu.memory_space<vmem>>
      %dma_start3A_228 = arith.constant 0 : i32
      %dma_start3A_229 = arith.constant 0 : i32
      %dma_start3A_230 = tpu.memref_slice %arg37[%dma_start3A_228, %dma_start3A_229] : memref<10240x8xf32, #tpu.memory_space<vmem_shared>> -> memref<10240x8xf32, #tpu.memory_space<vmem_shared>>
      tpu.enqueue_indirect_dma source(%arg16 : memref<128x8xf32, #tpu.memory_space<vmem>>) target(%dma_start3A_230 : memref<10240x8xf32, #tpu.memory_space<vmem_shared>>) offsets(%dma_start3A_227 : memref<128xi32, #tpu.memory_space<vmem>>) semaphore(%arg32 : memref<!tpu.dma_semaphore, #tpu.memory_space<semaphore_mem>>) {add = true}
      %gt3A_231 = arith.constant 0 : i32
      %gt3A_232 = arith.cmpi sgt, %add3A_218, %gt3A_231 : i32
      %convert_element_type3A_233 = arith.extui %gt3A_232 : i1 to i32
      %cond3A_234 = arith.constant 0 : i32
      %cond3A_235 = arith.cmpi ne, %convert_element_type3A_233, %cond3A_234 : i32
      scf.if %cond3A_235 {
        %sub3A = arith.constant 1 : i32
        %sub3A_257 = arith.subi %add3A_218, %sub3A : i32
        %dma_wait3A_258 = arith.constant 0 : i32
        %dma_wait3A_259 = tpu.memref_slice %arg9[%sub3A_257, %dma_wait3A_258] : memref<80x128xi32, #tpu.memory_space<vmem>> -> memref<1x128xi32, #tpu.memory_space<vmem>>
        %dma_wait3A_260 = tpu.memref_squeeze %dma_wait3A_259 : memref<1x128xi32, #tpu.memory_space<vmem>> -> memref<128xi32, #tpu.memory_space<vmem>>
        %dma_wait3A_261 = arith.constant 0 : i32
        %dma_wait3A_262 = arith.constant 0 : i32
        %dma_wait3A_263 = tpu.memref_slice %arg37[%dma_wait3A_261, %dma_wait3A_262] : memref<10240x8xf32, #tpu.memory_space<vmem_shared>> -> memref<10240x8xf32, #tpu.memory_space<vmem_shared>>
        tpu.wait_indirect_dma semaphore(%arg31 : memref<!tpu.dma_semaphore, #tpu.memory_space<semaphore_mem>>) src(%arg15 : memref<128x8xf32, #tpu.memory_space<vmem>>) dst(%dma_wait3A_263 : memref<10240x8xf32, #tpu.memory_space<vmem_shared>>)
        %sub3A_264 = arith.constant 1 : i32
        %sub3A_265 = arith.subi %add3A_218, %sub3A_264 : i32
        %add3A_266 = arith.constant 8 : i32
        %add3A_267 = arith.addi %sub3A_265, %add3A_266 : i32
        %lt3A = arith.constant 80 : i32
        %lt3A_268 = arith.cmpi slt, %add3A_267, %lt3A : i32
        %convert_element_type3A_269 = arith.extui %lt3A_268 : i1 to i32
        %cond3A_270 = arith.constant 0 : i32
        %cond3A_271 = arith.cmpi ne, %convert_element_type3A_269, %cond3A_270 : i32
        scf.if %cond3A_271 {
          %sub3A_272 = arith.constant 1 : i32
          %sub3A_273 = arith.subi %add3A_218, %sub3A_272 : i32
          %add3A_274 = arith.constant 8 : i32
          %add3A_275 = arith.addi %sub3A_273, %add3A_274 : i32
          %dma_start3A_276 = arith.constant 0 : i32
          %dma_start3A_277 = tpu.memref_slice %arg8[%add3A_275, %dma_start3A_276] : memref<80x128xi32, #tpu.memory_space<vmem>> -> memref<1x128xi32, #tpu.memory_space<vmem>>
          %dma_start3A_278 = tpu.memref_squeeze %dma_start3A_277 : memref<1x128xi32, #tpu.memory_space<vmem>> -> memref<128xi32, #tpu.memory_space<vmem>>
          %dma_start3A_279 = arith.constant 0 : i32
          %dma_start3A_280 = arith.constant 0 : i32
          %dma_start3A_281 = tpu.memref_slice %arg36[%dma_start3A_279, %dma_start3A_280] : memref<10240x8xf32, #tpu.memory_space<vmem_shared>> -> memref<10240x8xf32, #tpu.memory_space<vmem_shared>>
          tpu.enqueue_indirect_dma source(%dma_start3A_281 : memref<10240x8xf32, #tpu.memory_space<vmem_shared>>) target(%arg15 : memref<128x8xf32, #tpu.memory_space<vmem>>) offsets(%dma_start3A_278 : memref<128xi32, #tpu.memory_space<vmem>>) semaphore(%arg23 : memref<!tpu.dma_semaphore, #tpu.memory_space<semaphore_mem>>)
        } else {
        }
      } else {
      }
      %mul3A_236 = arith.constant 8 : i32
      %mul3A_237 = arith.muli %scan3A_91, %mul3A_236 : i32
      %add3A_238 = arith.constant 7 : i32
      %add3A_239 = arith.addi %mul3A_237, %add3A_238 : i32
      %dma_wait3A_240 = arith.constant 0 : i32
      %dma_wait3A_241 = tpu.memref_slice %arg8[%add3A_239, %dma_wait3A_240] : memref<80x128xi32, #tpu.memory_space<vmem>> -> memref<1x128xi32, #tpu.memory_space<vmem>>
      %dma_wait3A_242 = tpu.memref_squeeze %dma_wait3A_241 : memref<1x128xi32, #tpu.memory_space<vmem>> -> memref<128xi32, #tpu.memory_space<vmem>>
      %dma_wait3A_243 = arith.constant 0 : i32
      %dma_wait3A_244 = arith.constant 0 : i32
      %dma_wait3A_245 = tpu.memref_slice %arg36[%dma_wait3A_243, %dma_wait3A_244] : memref<10240x8xf32, #tpu.memory_space<vmem_shared>> -> memref<10240x8xf32, #tpu.memory_space<vmem_shared>>
      tpu.wait_indirect_dma semaphore(%arg25 : memref<!tpu.dma_semaphore, #tpu.memory_space<semaphore_mem>>) src(%dma_wait3A_245 : memref<10240x8xf32, #tpu.memory_space<vmem_shared>>) dst(%arg17 : memref<128x8xf32, #tpu.memory_space<vmem>>)
      %dma_start3A_246 = arith.constant 0 : i32
      %dma_start3A_247 = tpu.memref_slice %arg9[%add3A_239, %dma_start3A_246] : memref<80x128xi32, #tpu.memory_space<vmem>> -> memref<1x128xi32, #tpu.memory_space<vmem>>
      %dma_start3A_248 = tpu.memref_squeeze %dma_start3A_247 : memref<1x128xi32, #tpu.memory_space<vmem>> -> memref<128xi32, #tpu.memory_space<vmem>>
      %dma_start3A_249 = arith.constant 0 : i32
      %dma_start3A_250 = arith.constant 0 : i32
      %dma_start3A_251 = tpu.memref_slice %arg37[%dma_start3A_249, %dma_start3A_250] : memref<10240x8xf32, #tpu.memory_space<vmem_shared>> -> memref<10240x8xf32, #tpu.memory_space<vmem_shared>>
      tpu.enqueue_indirect_dma source(%arg17 : memref<128x8xf32, #tpu.memory_space<vmem>>) target(%dma_start3A_251 : memref<10240x8xf32, #tpu.memory_space<vmem_shared>>) offsets(%dma_start3A_248 : memref<128xi32, #tpu.memory_space<vmem>>) semaphore(%arg33 : memref<!tpu.dma_semaphore, #tpu.memory_space<semaphore_mem>>) {add = true}
      %gt3A_252 = arith.constant 0 : i32
      %gt3A_253 = arith.cmpi sgt, %add3A_239, %gt3A_252 : i32
      %convert_element_type3A_254 = arith.extui %gt3A_253 : i1 to i32
      %cond3A_255 = arith.constant 0 : i32
      %cond3A_256 = arith.cmpi ne, %convert_element_type3A_254, %cond3A_255 : i32
      scf.if %cond3A_256 {
        %sub3A = arith.constant 1 : i32
        %sub3A_257 = arith.subi %add3A_239, %sub3A : i32
        %dma_wait3A_258 = arith.constant 0 : i32
        %dma_wait3A_259 = tpu.memref_slice %arg9[%sub3A_257, %dma_wait3A_258] : memref<80x128xi32, #tpu.memory_space<vmem>> -> memref<1x128xi32, #tpu.memory_space<vmem>>
        %dma_wait3A_260 = tpu.memref_squeeze %dma_wait3A_259 : memref<1x128xi32, #tpu.memory_space<vmem>> -> memref<128xi32, #tpu.memory_space<vmem>>
        %dma_wait3A_261 = arith.constant 0 : i32
        %dma_wait3A_262 = arith.constant 0 : i32
        %dma_wait3A_263 = tpu.memref_slice %arg37[%dma_wait3A_261, %dma_wait3A_262] : memref<10240x8xf32, #tpu.memory_space<vmem_shared>> -> memref<10240x8xf32, #tpu.memory_space<vmem_shared>>
        tpu.wait_indirect_dma semaphore(%arg32 : memref<!tpu.dma_semaphore, #tpu.memory_space<semaphore_mem>>) src(%arg16 : memref<128x8xf32, #tpu.memory_space<vmem>>) dst(%dma_wait3A_263 : memref<10240x8xf32, #tpu.memory_space<vmem_shared>>)
        %sub3A_264 = arith.constant 1 : i32
        %sub3A_265 = arith.subi %add3A_239, %sub3A_264 : i32
        %add3A_266 = arith.constant 8 : i32
        %add3A_267 = arith.addi %sub3A_265, %add3A_266 : i32
        %lt3A = arith.constant 80 : i32
        %lt3A_268 = arith.cmpi slt, %add3A_267, %lt3A : i32
        %convert_element_type3A_269 = arith.extui %lt3A_268 : i1 to i32
        %cond3A_270 = arith.constant 0 : i32
        %cond3A_271 = arith.cmpi ne, %convert_element_type3A_269, %cond3A_270 : i32
        scf.if %cond3A_271 {
          %sub3A_272 = arith.constant 1 : i32
          %sub3A_273 = arith.subi %add3A_239, %sub3A_272 : i32
          %add3A_274 = arith.constant 8 : i32
          %add3A_275 = arith.addi %sub3A_273, %add3A_274 : i32
          %dma_start3A_276 = arith.constant 0 : i32
          %dma_start3A_277 = tpu.memref_slice %arg8[%add3A_275, %dma_start3A_276] : memref<80x128xi32, #tpu.memory_space<vmem>> -> memref<1x128xi32, #tpu.memory_space<vmem>>
          %dma_start3A_278 = tpu.memref_squeeze %dma_start3A_277 : memref<1x128xi32, #tpu.memory_space<vmem>> -> memref<128xi32, #tpu.memory_space<vmem>>
          %dma_start3A_279 = arith.constant 0 : i32
          %dma_start3A_280 = arith.constant 0 : i32
          %dma_start3A_281 = tpu.memref_slice %arg36[%dma_start3A_279, %dma_start3A_280] : memref<10240x8xf32, #tpu.memory_space<vmem_shared>> -> memref<10240x8xf32, #tpu.memory_space<vmem_shared>>
          tpu.enqueue_indirect_dma source(%dma_start3A_281 : memref<10240x8xf32, #tpu.memory_space<vmem_shared>>) target(%arg16 : memref<128x8xf32, #tpu.memory_space<vmem>>) offsets(%dma_start3A_278 : memref<128xi32, #tpu.memory_space<vmem>>) semaphore(%arg24 : memref<!tpu.dma_semaphore, #tpu.memory_space<semaphore_mem>>)
        } else {
        }
      } else {
      }
    }
    %scan3A_76 = arith.constant 10 : i32
    %dma_wait3A = arith.constant 79 : i32
    %dma_wait3A_77 = arith.constant 0 : i32
    %dma_wait3A_78 = tpu.memref_slice %arg9[%dma_wait3A, %dma_wait3A_77] : memref<80x128xi32, #tpu.memory_space<vmem>> -> memref<1x128xi32, #tpu.memory_space<vmem>>
    %dma_wait3A_79 = tpu.memref_squeeze %dma_wait3A_78 : memref<1x128xi32, #tpu.memory_space<vmem>> -> memref<128xi32, #tpu.memory_space<vmem>>
    %dma_wait3A_80 = arith.constant 0 : i32
    %dma_wait3A_81 = arith.constant 0 : i32
    %dma_wait3A_82 = tpu.memref_slice %arg37[%dma_wait3A_80, %dma_wait3A_81] : memref<10240x8xf32, #tpu.memory_space<vmem_shared>> -> memref<10240x8xf32, #tpu.memory_space<vmem_shared>>
    tpu.wait_indirect_dma semaphore(%arg33 : memref<!tpu.dma_semaphore, #tpu.memory_space<semaphore_mem>>) src(%arg17 : memref<128x8xf32, #tpu.memory_space<vmem>>) dst(%dma_wait3A_82 : memref<10240x8xf32, #tpu.memory_space<vmem_shared>>)
    %barrier3A_83 = arith.constant 0 : index
    tpu.barrier barrier_id(%barrier3A_83)
    %mul3A_84 = arith.constant 640 : i32
    %mul3A_85 = arith.muli %arg1, %mul3A_84 : i32
    %mul3A_86 = arith.constant 10240 : i32
    %mul3A_87 = arith.muli %arg0, %mul3A_86 : i32
    %mul3A_88 = arith.constant 640 : i32
    %mul3A_89 = arith.muli %arg1, %mul3A_88 : i32
    %add3A_90 = arith.addi %mul3A_87, %mul3A_89 : i32
    "tpu.region"() ({
      %run_scoped3A_91 = tpu.sem_alloc : memref<!tpu.dma_semaphore, #tpu.memory_space<semaphore_mem>>
      %dma_start3A_92 = arith.constant 0 : i32
      %dma_start3A_93 = tpu.memref_slice %arg7[%add3A_90, %dma_start3A_92] : memref<20480x8xf32, #tpu.memory_space<hbm>> -> memref<640x8xf32, #tpu.memory_space<hbm>>
      %dma_start3A_94 = arith.constant 0 : i32
      %dma_start3A_95 = tpu.memref_slice %arg37[%mul3A_85, %dma_start3A_94] : memref<10240x8xf32, #tpu.memory_space<vmem_shared>> -> memref<640x8xf32, #tpu.memory_space<vmem_shared>>
      tpu.enqueue_dma source(%dma_start3A_95 : memref<640x8xf32, #tpu.memory_space<vmem_shared>>) target(%dma_start3A_93 : memref<640x8xf32, #tpu.memory_space<hbm>>) target_semaphore(%run_scoped3A_91 : memref<!tpu.dma_semaphore, #tpu.memory_space<semaphore_mem>>)
      %dma_wait3A_96 = arith.constant 0 : i32
      %dma_wait3A_97 = tpu.memref_slice %arg7[%add3A_90, %dma_wait3A_96] : memref<20480x8xf32, #tpu.memory_space<hbm>> -> memref<640x8xf32, #tpu.memory_space<hbm>>
      %dma_wait3A_98 = arith.constant 0 : i32
      %dma_wait3A_99 = tpu.memref_slice %arg37[%mul3A_85, %dma_wait3A_98] : memref<10240x8xf32, #tpu.memory_space<vmem_shared>> -> memref<640x8xf32, #tpu.memory_space<vmem_shared>>
      tpu.wait_dma2 semaphore(%run_scoped3A_91 : memref<!tpu.dma_semaphore, #tpu.memory_space<semaphore_mem>>) src(%dma_wait3A_99 : memref<640x8xf32, #tpu.memory_space<vmem_shared>>) dst(%dma_wait3A_97 : memref<640x8xf32, #tpu.memory_space<hbm>>)
      tpu.yield
    }) : () -> ()
    return
  }
}

module attributes {stable_mosaic.version = 14 : i64} {
  func.func @_mm_body(%arg0: memref<10000x128xf32, #tpu.memory_space<vmem>>, %arg1: memref<128x128xf32, #tpu.memory_space<vmem>>, %arg2: memref<128x128xf32, #tpu.memory_space<vmem>>, %arg3: memref<128x8xf32, #tpu.memory_space<vmem>>, %arg4: memref<20480x8xf32, #tpu.memory_space<vmem>>) attributes {dimension_semantics = [], scalar_prefetch = 0 : i64, scratch_operands = 0 : i64, tpu.core_type = #tpu.core_type<tc>} {
    %get3A = arith.constant 0 : index
    %get3A_0 = arith.constant 0 : index
    %get3A_1 = vector.load %arg1[%get3A, %get3A_0] : memref<128x128xf32, #tpu.memory_space<vmem>>, vector<128x128xf32>
    %get3A_2 = arith.constant 0 : index
    %get3A_3 = arith.constant 0 : index
    %get3A_4 = vector.load %arg2[%get3A_2, %get3A_3] : memref<128x128xf32, #tpu.memory_space<vmem>>, vector<128x128xf32>
    %dot_general3A = arith.constant dense<0.000000e+00> : vector<128x128xf32>
    %dot_general3A_5 = tpu.matmul %get3A_1, %get3A_4, %dot_general3A {dimension_numbers = #tpu.dot_dimension_numbers<[1], [0], [0], [1], [0, 0, 1, 1], [], []>, precision = #tpu.contract_precision<fp32>, transpose_lhs_hint = false} : vector<128x128xf32>, vector<128x128xf32>, vector<128x128xf32> -> vector<128x128xf32>
    %get3A_6 = arith.constant 0 : index
    %get3A_7 = arith.constant 0 : index
    %get3A_8 = vector.load %arg3[%get3A_6, %get3A_7] : memref<128x8xf32, #tpu.memory_space<vmem>>, vector<128x8xf32>
    %dot_general3A_9 = arith.constant dense<0.000000e+00> : vector<128x8xf32>
    %dot_general3A_10 = tpu.matmul %dot_general3A_5, %get3A_8, %dot_general3A_9 {dimension_numbers = #tpu.dot_dimension_numbers<[1], [0], [0], [1], [0, 0, 1, 1], [], []>, precision = #tpu.contract_precision<fp32>, transpose_lhs_hint = false} : vector<128x128xf32>, vector<128x8xf32>, vector<128x8xf32> -> vector<128x8xf32>
    %get3A_11 = arith.constant 0 : index
    %get3A_12 = arith.constant 0 : index
    %get3A_13 = vector.load %arg0[%get3A_11, %get3A_12] : memref<10000x128xf32, #tpu.memory_space<vmem>>, vector<10000x128xf32>
    %dot_general3A_14 = arith.constant dense<0.000000e+00> : vector<10000x8xf32>
    %dot_general3A_15 = tpu.matmul %get3A_13, %dot_general3A_10, %dot_general3A_14 {dimension_numbers = #tpu.dot_dimension_numbers<[1], [0], [0], [1], [0, 0, 1, 1], [], []>, precision = #tpu.contract_precision<fp32>, transpose_lhs_hint = false} : vector<10000x128xf32>, vector<128x8xf32>, vector<10000x8xf32> -> vector<10000x8xf32>
    %jit3A = arith.constant 0 : i32
    %convert_element_type3A = arith.sitofp %jit3A : i32 to f32
    %pad3A = vector.broadcast %convert_element_type3A : f32 to vector<10480x8xf32>
    %pad3A_16 = tpu.concatenate %dot_general3A_15, %pad3A in 0 : vector<10000x8xf32>, vector<10480x8xf32> -> vector<20480x8xf32>
    %swap3A = arith.constant 0 : index
    %swap3A_17 = arith.constant 0 : index
    %swap3A_18 = vector.load %arg4[%swap3A, %swap3A_17] : memref<20480x8xf32, #tpu.memory_space<vmem>>, vector<20480x8xf32>
    tpu.vector_store %arg4[%swap3A, %swap3A_17], %pad3A_16 {strides = array<i32>} : memref<20480x8xf32, #tpu.memory_space<vmem>>, vector<20480x8xf32>,
    return
  }
}

module attributes {stable_mosaic.version = 14 : i64} {
  func.func @_add_body(%arg0: memref<2x10240x8xf32, #tpu.memory_space<vmem>>, %arg1: memref<10000x8xf32, #tpu.memory_space<vmem>>) attributes {dimension_semantics = [], scalar_prefetch = 0 : i64, scratch_operands = 0 : i64, tpu.core_type = #tpu.core_type<tc>} {
    %get3A = arith.constant 0 : index
    %get3A_0 = arith.constant 0 : index
    %get3A_1 = arith.constant 0 : index
    %get3A_2 = vector.load %arg0[%get3A, %get3A_0, %get3A_1] : memref<2x10240x8xf32, #tpu.memory_space<vmem>>, vector<1x10000x8xf32>
    %get3A_3 = vector.shape_cast %get3A_2 : vector<1x10000x8xf32> to vector<10000x8xf32>
    %get3A_4 = arith.constant 1 : index
    %get3A_5 = arith.constant 0 : index
    %get3A_6 = arith.constant 0 : index
    %get3A_7 = vector.load %arg0[%get3A_4, %get3A_5, %get3A_6] : memref<2x10240x8xf32, #tpu.memory_space<vmem>>, vector<1x10000x8xf32>
    %get3A_8 = vector.shape_cast %get3A_7 : vector<1x10000x8xf32> to vector<10000x8xf32>
    %add3A = arith.addf %get3A_3, %get3A_8 : vector<10000x8xf32>
    %swap3A = arith.constant 0 : index
    %swap3A_9 = arith.constant 0 : index
    %swap3A_10 = vector.load %arg1[%swap3A, %swap3A_9] : memref<10000x8xf32, #tpu.memory_space<vmem>>, vector<10000x8xf32>
    tpu.vector_store %arg1[%swap3A, %swap3A_9], %add3A {strides = array<i32>} : memref<10000x8xf32, #tpu.memory_space<vmem>>, vector<10000x8xf32>,
    return
  }
}

</mosaic_0001>

<sc_bundles>
// kernel: kernel.10.cloned.1.call-start
scs
__scs_entry_jumppad:
0x0: {  	(pc) =	sbr.rel $0x88, $3  }
0x1: {  	(tag) =	ssettag $0x0;
	lr =	simm.s32 $0x1  }
0x2: {  	[smem:$0x3F9C] =	sst lr;
	_ =	strace $0xD0000000  }
0x3: {  	_ = 	snop  }
0x4: {  	_ = 	snop  }
0x5: {  	_ = 	snop  }
0x6: {  	_ = 	snop  }
0x7: {  	_ = 	snop  }
__scs_overlays_trampoline_lowered:
0x8: {  	[smem:$0x3FAB] =	sst s0  }
0x9: {  	[smem:$0x3FAC] =	sst s1  }
0xa: {  	[smem:$0x3FAD] =	sst s2  }
0xb: {  	[smem:$0x3FAE] =	sst s3  }
0xc: {  	[smem:$0x3FAF] =	sst s4  }
0xd: {  	[smem:$0x3FB0] =	sst s5  }
0xe: {  	[smem:$0x3FB1] =	sst s6  }
0xf: {  	[smem:$0x3FB2] =	sst s7  }
0x10: {  	[smem:$0x3FB3] =	sst s8  }
0x11: {  	[smem:$0x3FB4] =	sst s9;
	s0 =	simm.s32 @!p0 $0x0  }
0x12: {  	s1 =	sld [smem:$0x3F9A];
	s0 =	simm.s32 @p0 $0x1  }
0x13: {  	[smem:$0x3FB5] =	sst s0;
	s0 =	simm.s32 @!p1 $0x0  }
0x14: {  	s2 =	sld [smem:$0x3F99];
	s0 =	simm.s32 @p1 $0x1  }
0x15: {  	[smem:$0x3FB6] =	sst s0;
	s0 =	simm.s32 @!p2 $0x0  }
0x16: {  	s3 =	sld [smem:$0x3FDB];
	s0 =	simm.s32 @p2 $0x1  }
0x17: {  	s4 =	simm.s32 $0x1BF5;
	[smem:$0x3FB8] =	sst s0  }
0x18: {  	s0 =	sld [smem:$0x3F9B];
	_ =	swait.ge [sflag:s4], $0x0  }
0x19: {  	s7 =	sld [smem:$0x3F9C]  }
0x1a: {  	s8 =	sadd.s32 $0xFFFFE003, lr  }
0x1b: {  	s9 =	sadd.s32 $0xFFFFFEF7, lr;
	s5 =	simm.s32 $0xFFFFFFFF;
	p2 =	slt.u32 s8, $0xFFFFF086  }
0x1c: {  	p1 =	slt.u32 s9, $0xF7A;
	s5 =	simm.s32 @!p2 $0x0  }
0x1d: {  	s5 =	simm.s32 @p1 $0x1;
	p0 =	seq.s32 s7, s2  }
0x1e: {  	s7 =	smul.u32 @!p0 $0xF7A, s2;
	p2 =	seq.s32 @!p0 s5, $0x0  }
0x1f: {  	s9 =	smul.u32 $0xF7A, s1;
	s8 =	simm.s32 @!p0 $0x1BF5;
	p2 =	por !p2, p0  }
0x20: {  	[sflag:s8] =	ssyncset.s32 @!p0 $0xFFFFF086;
	s6 =	sadd.s32 @!p0 s3, s7;
	s7 =	simm.s32 @!p0 $0x108  }
0x21: {  	s3 =	sadd.s32 s3, s9;
	s6 =	sadd.s32 @!p0 $0x88, s6;
	s7 =	simm.s32 @p2 $0x1082  }
0x22: {  	[simem:s7], [sflag:s8] =	dma.local @!p0 [hbm:s6], $0xF7A  }
0x23: {  	s9 =	sor.u32 $0xD0000000, s2;
	s6 =	simm.s32 $0x108;
	_ =	swait.ge @!p0 [sflag:s8], $0x0  }
0x24: {  	s3 =	sadd.s32 $0x88, s3;
	s6 =	simm.s32 @!p1 $0x1082;
	[sflag:s4] =	ssyncset.s32 $0xFFFFF086  }
0x25: {  	[simem:s6], [sflag:s4] =	dma.local [hbm:s3], $0xF7A  }
0x26: {  	[smem:$0x3F9C] =	sst s1;
	(tag) =	ssettag s2;
	_ =	strace s9  }
0x27: {  	s1 =	sld [smem:$0x3FAC]  }
0x28: {  	s2 =	sld [smem:$0x3FAD]  }
0x29: {  	s4 =	sld [smem:$0x3FAF]  }
0x2a: {  	p0 =	seq.s32 s5, $0x0;
	s5 =	sld [smem:$0x3FB0]  }
0x2b: {  	s6 =	sld [smem:$0x3FB1]  }
0x2c: {  	s7 =	sld [smem:$0x3FB2]  }
0x2d: {  	s3 =	simm.s32 $0x108;
	s8 =	sld [smem:$0x3FB3]  }
0x2e: {  	s3 =	simm.s32 @!p0 $0x1082;
	s9 =	sld [smem:$0x3FB4]  }
0x2f: {  	lr =	sadd.s32 s0, s3;
	s0 =	sld [smem:$0x3FAB]  }
0x30: {  	s3 =	sld [smem:$0x3FAE]  }
0x31: {  	[smem:$0x3FB7] =	sst s10  }
0x32: {  	s10 =	sld [smem:$0x3FB5];
	_ =	sdelay $0x3  }
0x33: {  	p0 =	seq.s32 s10, $0x1;
	s10 =	sld [smem:$0x3FB7];
	_ =	sdelay $0x3  }
0x34: {  	[smem:$0x3FB7] =	sst s10  }
0x35: {  	s10 =	sld [smem:$0x3FB6];
	_ =	sdelay $0x3  }
0x36: {  	p1 =	seq.s32 s10, $0x1;
	s10 =	sld [smem:$0x3FB7];
	_ =	sdelay $0x3  }
0x37: {  	[smem:$0x3FB7] =	sst s10  }
0x38: {  	s10 =	sld [smem:$0x3FB8]  }
0x39: {  	_ = 	snop;
	(pc) =	sbr.ind lr, $3  }
0x3a: {  	_ = 	snop  }
0x3b: {  	_ = 	snop  }
0x3c: {  	p2 =	seq.s32 s10, $0x1;
	s10 =	sld [smem:$0x3FB7]  }
0x3d: {  	_ =	shalt  }
0x3e: {  	_ =	shalt  }
0x3f: {  	_ =	shalt  }
0x40: {  	_ =	shalt  }
0x41: {  	_ =	shalt  }
0x42: {  	_ =	shalt  }
0x43: {  	_ =	shalt  }
0x44: {  	_ =	shalt  }
0x45: {  	_ =	shalt  }
0x46: {  	_ =	shalt  }
0x47: {  	_ =	shalt  }
0x48: {  	_ =	shalt  }
0x49: {  	_ =	shalt  }
0x4a: {  	_ =	shalt  }
0x4b: {  	_ =	shalt  }
0x4c: {  	_ =	shalt  }
0x4d: {  	_ =	shalt  }
0x4e: {  	_ =	shalt  }
0x4f: {  	_ =	shalt  }
0x50: {  	_ =	shalt  }
0x51: {  	_ =	shalt  }
0x52: {  	_ =	shalt  }
0x53: {  	_ =	shalt  }
0x54: {  	_ =	shalt  }
0x55: {  	_ =	shalt  }
0x56: {  	_ =	shalt  }
0x57: {  	_ =	shalt  }
0x58: {  	_ =	shalt  }
0x59: {  	_ =	shalt  }
0x5a: {  	_ =	shalt  }
0x5b: {  	_ =	shalt  }
0x5c: {  	_ =	shalt  }
0x5d: {  	_ =	shalt  }
0x5e: {  	_ =	shalt  }
0x5f: {  	_ =	shalt  }
0x60: {  	_ =	shalt  }
0x61: {  	_ =	shalt  }
0x62: {  	_ =	shalt  }
0x63: {  	_ =	shalt  }
0x64: {  	_ =	shalt  }
0x65: {  	_ =	shalt  }
0x66: {  	_ =	shalt  }
0x67: {  	_ =	shalt  }
0x68: {  	_ =	shalt  }
0x69: {  	_ =	shalt  }
0x6a: {  	_ =	shalt  }
0x6b: {  	_ =	shalt  }
0x6c: {  	_ =	shalt  }
0x6d: {  	_ =	shalt  }
0x6e: {  	_ =	shalt  }
0x6f: {  	_ =	shalt  }
0x70: {  	_ =	shalt  }
0x71: {  	_ =	shalt  }
0x72: {  	_ =	shalt  }
0x73: {  	_ =	shalt  }
0x74: {  	_ =	shalt  }
0x75: {  	_ =	shalt  }
0x76: {  	_ =	shalt  }
0x77: {  	_ =	shalt  }
0x78: {  	_ =	shalt  }
0x79: {  	_ =	shalt  }
0x7a: {  	_ =	shalt  }
0x7b: {  	_ =	shalt  }
0x7c: {  	_ =	shalt  }
0x7d: {  	_ =	shalt  }
0x7e: {  	_ =	shalt  }
0x7f: {  	_ =	shalt  }
0x80: {  	_ =	shalt  }
0x81: {  	_ =	shalt  }
0x82: {  	_ =	shalt  }
0x83: {  	_ =	shalt  }
0x84: {  	_ =	shalt  }
0x85: {  	_ =	shalt  }
0x86: {  	_ =	shalt  }
0x87: {  	_ =	shalt  }
.Lfunc_end0:
.L_simem_size_0:
called_computation.1_lowered:
.L_overlay_start_0:
0x88: {  	s2 =	sld [smem:$0x3FD9]  }
0x89: {  	s3 =	sld [smem:$0x3FFE];
	_ =	sdelay $0x1  }
0x8a: {  	s1 =	srdreg.scid  }
0x8b: {  	s0 =	sand.u32 $0x1, s1  }
0x8c: {  	s17 =	sshll.u32 s0, $0xA;
	s2 =	sadd.s32 s3, s2  }
0x8d: {  	s2 =	sadd.s32 s2, s17  }
0x8e: {  	[smem:$0x3FC3] =	sst s2  }
0x8f: {  	_ = 	snop  }
0x90: {  	s2 =	sld [smem:$0x3FD0];
	(tm) =	ssettm $0x1  }
0x91: {  	s18 =	sld [smem:$0x3FFB];
	_ =	sdelay $0x3  }
0x92: {  	_ =	strace s18  }
0x93: {  	s3 =	sld [smem:$0x3FFC];
	_ =	sdelay $0x3  }
0x94: {  	_ =	strace s3  }
0x95: {  	s3 =	sld [smem:$0x3FFD];
	_ =	sdelay $0x3  }
0x96: {  	_ =	strace s3  }
0x97: {  	_ =	strace $0x8FFFFFFF  }
0x98: {  	s19 =	sld [smem:$0x3FDB];
	_ =	sdelay $0x1  }
0x99: {  	s4 =	simm.s32 $_scs_section_size  }
0x9a: {  	s5 =	simm.s32 $_size__tile_overlayer_lowered;
	s6 =	simm.s32 $_tile_overlayer_lowered  }
0x9b: {  	s22 =	simm.s32 $0x1BFF;
	s21 =	sshll.u32 s6, $0x1;
	s3 =	sadd.s32 s4, s19  }
0x9c: {  	s7 =	simm.s32 $0x0;
	s20 =	sshll.u32 s5, $0x1;
	s5 =	sadd.s32 s21, s3  }
0x9d: {  	[timem:s7], [sflag:s22] =	dma.local [hbm:s5], s20  }
0x9e: {  	_ =	swait.ge [sflag:s22], s20  }
0x9f: {  	s4 =	ssub.s32 $0x0, s20;
	[sflag:s22] =	ssyncset.done $0x0  }
0xa0: {  	[sflag:s22] =	ssyncadd.s32 s4;
	_ =	sdelay $0x1  }
0xa1: {  	s23 =	simm.s32 $0x1B8B  }
0xa2: {  	_ =	swait.ge [sflag:s23], $0x1  }
0xa3: {  	[sflag:s23] =	ssyncset.done $0x0  }
0xa4: {  	s25 =	simm.s32 $0x1B8E;
	s24 =	sld [smem:$0x3FFE];
	[sflag:s23] =	ssyncadd.s32 $0xFFFFFFFF  }
0xa5: {  	s26 =	simm.s32 $execute0_lowered;
	[smem:$0x3FD2] =	sst s25  }
0xa6: {  	s5 =	sshll.u32 s26, $0x1;
	_ =	strace $0x80000049;
	[dreg:$0x1] =	wrdreg $0xFFFFFFFF  }
0xa7: {  	s28 =	simm.s32 $_size_execute0_lowered;
	s3 =	sadd.s32 s3, s5;
	[dreg:$0x0] =	wrdreg $0x0  }
0xa8: {  	s5 =	sshll.u32 s28, $0x1;
	[dreg:$0x2] =	wrdreg s3  }
0xa9: {  	[dreg:$0x3] =	wrdreg s5  }
0xaa: {  	[dreg:$0x4] =	wrdreg $0xC0  }
0xab: {  	_ =	task [dreg:s7], $0x5FFFF  }
0xac: {  	[dreg:$0x1] =	wrdreg $0xFFFFFFFF  }
0xad: {  	[dreg:$0x0] =	wrdreg $0x60  }
0xae: {  	[dreg:$0x2] =	wrdreg s24  }
0xaf: {  	[dreg:$0x3] =	wrdreg s2  }
0xb0: {  	[dreg:$0x4] =	wrdreg $0x86800  }
0xb1: {  	[dreg:$0x5] =	wrdreg $0x9A800  }
0xb2: {  	[dreg:$0x6] =	wrdreg $0x9  }
0xb3: {  	_ =	task.clear_ibuf [dreg:s7], $0x7FFFF;
	_ =	strace $0x90000049  }
0xb4: {  	s29 =	simm.s32 $0x9;
	_ =	strace $0x8000004B  }
0xb5: {  	_ =	swait.ge [sflag:s29], $0x1  }
0xb6: {  	[sflag:s29] =	ssyncadd.s32 $0xFFFFFFFF  }
0xb7: {  	_ =	strace $0x9000004B  }
0xb8: {  	_ =	sfence  }
0xb9: {  	s30 =	sld [smem:$0x0];
	_ =	sdelay $0x2  }
0xba: {  	s31 =	sshll.u32 s1, $0xD;
	s1 =	sshrl.u32 s1, $0x2  }
0xbb: {  	s3 =	sand.u32 $0x4000, s31;
	s1 =	sadd.s32 s1, s30  }
0xbc: {  	s0 =	sor.u32 s3, s0;
	s1 =	sshll.u32 s1, $0x11  }
0xbd: {  	s0 =	sor.u32 s1, s0  }
0xbe: {  	s0 =	sadd.s32 $0x8F2B, s0  }
0xbf: {  	[sflag:s0] =	ssyncadd.remote.s32 $0x1  }
0xc0: {  	_ =	sfence.sel $0xFFFF  }
0xc1: {  	[dreg:$0x0] =	wrdreg $0xFFFFFFFF;
	(pc) =	sbr.abs _section_cstart, $3  }
0xc2: {  	[dreg:$0x1] =	wrdreg $0xFFFFFFFF  }
0xc3: {  	_ =	task.clear_ibuf [dreg:s7], $0x2FFFF;
	_ =	strace $0x9FFFFFFF  }
0xc4: {  	(tm) =	ssettm $0x7FFFFFFF  }
0xc5: {  	_ =	shalt  }
tec
execute0_lowered:
.L_overlay_start_1:
0x0: {  	(tag) =	ssettag $0x1  }
0x1: {  	s0 =	rddreg [dreg:$0x0]  }
0x2: {  	s3 =	rddreg [dreg:$0x1]  }
0x3: {  	s1 =	rddreg [dreg:$0x2]  }
0x4: {  	s2 =	rddreg [dreg:$0x3]  }
0x5: {  	s4 =	srdreg.scid;
	s18 =	simm.s32 $0x0;
	s12 =	stileid.u32  }
0x6: {  	s15 =	simm.s32 $0x11;
	s30 =	simm.s32 $0x5000;
	s31 =	simm.s32 $0x5400  }
0x7: {  	s28 =	simm.s32 $0x6800;
	s29 =	simm.s32 $0xD;
	s7 =	smul.u32 $0x1400, s12  }
0x8: {  	s5 =	sand.u32 $0x1, s4;
	[smem:$0x7FF] =	sst s18;
	s9 =	smul.u32 $0x280, s12  }
0x9: {  	s20 =	sshll.u32 s12, $0x6;
	s6 =	sshll.u32 s5, $0x4;
	_ =	strace $0x8000004A  }
0xa: {  	s10 =	ssub.s32 $0x2, s5;
	s5 =	smul.u32 $0x2800, s5;
	s6 =	sor.u32 s12, s6  }
0xb: {  	s8 =	sshrl.u32 s7, $0x3;
	s19 =	sshrl.u32 s10, $0x1;
	s21 =	sadd.s32 s7, s1  }
0xc: {  	s7 =	sadd.s32 s7, s2;
	s6 =	smul.u32 $0x500, s6;
	s8 =	sadd.s32 s8, s0  }
0xd: {  	s10 =	ssub.s32 s10, s19;
	s26 =	sshrl.u32 s21, $0x3;
	s21 =	simm.s32 $0x5C00  }
0xe: {  	s19 =	simm.s32 $0x2;
	s13 =	sadd.s32 $0x1C200, s8;
	[dreg:$0xd] =	wrdreg s26  }
0xf: {  	s22 =	sadd.s32 $0x19A00, s8;
	s8 =	sadd.s32 $0x1EA00, s8;
	[dreg:$0x5] =	wrdreg s13  }
0x10: {  	s25 =	smax.u32 s10, $0x1;
	s26 =	simm.s32 $0x6;
	[dreg:$0x6] =	wrdreg s22  }
0x11: {  	s11 =	sadd.s32 s6, s0;
	s0 =	sadd.s32 s9, s0;
	[dreg:$0x7] =	wrdreg s8  }
0x12: {  	s6 =	sor.u32 $0x1C11, s20;
	s9 =	sshrl.u32 s9, $0x3;
	[dreg:$0xc] =	wrdreg s25  }
0x13: {  	s20 =	simm.s32 $0x80;
	s25 =	simm.s32 $0x6400;
	s22 =	simm.s32 $0x9  }
0x14: {  	s3 =	sadd.s32 s3, s9;
	s23 =	sadd.s32 $0xAA00, s11;
	s24 =	sadd.s32 $0xA00, s11  }
.Ltmp0:
0x15: {  	s0 =	sadd.s32 s5, s0;
	[dreg:$0x8] =	wrdreg s3;
	(pc) =	sbr.rel .LBB2_1-.Ltmp0, $4  }
0x16: {  	s11 =	sshrl.u32 s7, $0x3;
	s5 =	simm.s32 $0x8;
	[dreg:$0x9] =	wrdreg s23  }
0x17: {  	s7 =	simm.s32 $0xF;
	s9 =	simm.s32 $0x0;
	[dreg:$0xa] =	wrdreg s24  }
0x18: {  	s0 =	sadd.s32 $0x14A00, s0;
	s3 =	simm.s32 $0x1;
	s23 =	simm.s32 $0x4  }
0x19: {  	s24 =	simm.s32 $0xB;
	[dreg:$0xb] =	wrdreg s0;
	s0 =	simm.s32 $0x6C00  }
.LBB2_4:
0x1a: {  	s8 =	simm.s32 $0x10  }
0x1b: {  	_ =	swait.ge [sflag:s8], $0x400  }
0x1c: {  	[sflag:s8] =	ssyncset.done $0x0  }
0x1d: {  	[sflag:s8] =	ssyncadd.s32 $0xFFFFFC00  }
0x1e: {  	[bflag:$0x0] =	sbarrier.arrive $0xFFFF  }
0x1f: {  	s17 =	rddreg [dreg:$0xb]  }
0x20: {  	[hbm:s17], [sflag:s6] =	dma.local [spmem:s4], $0x280  }
0x21: {  	_ =	swait.ge [sflag:s15], $0x280  }
0x22: {  	s9 =	sadd.s32 $0x1, s9;
	s18 =	rddreg [dreg:$0xc]  }
0x23: {  	p0 =	sne.s32 s9, s18  }
.Ltmp1:
0x24: {  	_ = 	snop;
	(pc) =	sbr.rel @!p0 .LBB2_5-.Ltmp1, $3  }
0x25: {  	_ =	sdelay $0x1  }
0x26: {  	[sflag:s15] =	ssyncset.done $0x0  }
0x27: {  	s11 =	smov.u32 s4;
	[sflag:s15] =	ssyncadd.s32 $0xFFFFFD80  }
.LBB2_1:
0x28: {  	s8 =	rddreg [dreg:$0x5]  }
0x29: {  	s10 =	rddreg [dreg:$0xd]  }
0x2a: {  	[spmem:s10], [sflag:s6] =	dma.local [hbm:s8], $0x280  }
0x2b: {  	_ =	swait.ge [sflag:s15], $0x280  }
0x2c: {  	[sflag:s15] =	ssyncset.done $0x0  }
0x2d: {  	s16 =	rddreg [dreg:$0x6];
	[sflag:s15] =	ssyncadd.s32 $0xFFFFFD80  }
0x2e: {  	[spmem:s11], [sflag:s6] =	dma.local [hbm:s16], $0x280  }
0x2f: {  	_ =	swait.ge [sflag:s15], $0x280  }
0x30: {  	s18 =	simm.s32 $0x7280;
	[sflag:s15] =	ssyncset.done $0x0  }
0x31: {  	s10 =	simm.s32 $0x0;
	s17 =	rddreg [dreg:$0x7];
	[sflag:s15] =	ssyncadd.s32 $0xFFFFFD80  }
0x32: {  	[tilespmem:s18], [sflag:$0x11] =	stream.linear.gather [hbm4b:s17+s10], $0x1400, $0x38;
	[tilespmem:$0xAE80] =	vst v63  }
0x33: {  	_ =	swait.ge [sflag:s15], $0x1400  }
0x34: {  	[sflag:s15] =	ssyncset.done $0x0  }
0x35: {  	s12 =	simm.s32 $0x7000;
	s13 =	rddreg [dreg:$0x8];
	[sflag:s15] =	ssyncadd.s32 $0xFFFFEC00  }
0x36: {  	[tilespmem:s12], [sflag:$0x11] =	stream.linear.gather [hbm4b:s13+s10], $0x280, $0x38;
	[tilespmem:$0xAE80] =	vst v63  }
0x37: {  	_ =	swait.ge [sflag:s15], $0x280  }
0x38: {  	[sflag:s15] =	ssyncset.done $0x0  }
0x39: {  	s14 =	rddreg [dreg:$0x9];
	[sflag:s15] =	ssyncadd.s32 $0xFFFFFD80  }
0x3a: {  	[tilespmem:s10], [sflag:$0x11] =	stream.linear.gather [hbm4b:s14+s10], $0x2800, $0x38;
	[tilespmem:$0xAE80] =	vst v63  }
0x3b: {  	_ =	swait.ge [sflag:s15], $0x2800  }
0x3c: {  	[sflag:s15] =	ssyncset.done $0x0  }
0x3d: {  	s13 =	simm.s32 $0x2800;
	s16 =	rddreg [dreg:$0xa];
	[sflag:s15] =	ssyncadd.s32 $0xFFFFD800  }
0x3e: {  	[tilespmem:s13], [sflag:$0x11] =	stream.linear.gather [hbm4b:s16+s10], $0x2800, $0x38;
	[tilespmem:$0xAE80] =	vst v63  }
0x3f: {  	_ =	swait.ge [sflag:s15], $0x2800  }
0x40: {  	[sflag:s15] =	ssyncset.done $0x0  }
0x41: {  	[sflag:s15] =	ssyncadd.s32 $0xFFFFD800  }
0x42: {  	[spmem:s1] =	stream.indirect.scatter.add.f32 [tilespmem:s18], [sflag:$0x11], $0x8, s12, s20, $0xb8;
	[tilespmem:$0xAE80] =	vst v63  }
0x43: {  	_ =	swait.ge [sflag:s15], $0x400  }
0x44: {  	[sflag:s15] =	ssyncset.done $0x0  }
0x45: {  	s17 =	simm.s32 $0x7080;
	s18 =	simm.s32 $0x7680;
	[sflag:s15] =	ssyncadd.s32 $0xFFFFFC00  }
0x46: {  	[spmem:s1] =	stream.indirect.scatter.add.f32 [tilespmem:s18], [sflag:$0x11], $0x8, s17, s20, $0xb8;
	[tilespmem:$0xAE80] =	vst v63  }
0x47: {  	_ =	swait.ge [sflag:s15], $0x400  }
0x48: {  	[sflag:s15] =	ssyncset.done $0x0  }
0x49: {  	s13 =	simm.s32 $0x7A80;
	s12 =	simm.s32 $0x7100;
	[sflag:s15] =	ssyncadd.s32 $0xFFFFFC00  }
0x4a: {  	[spmem:s1] =	stream.indirect.scatter.add.f32 [tilespmem:s13], [sflag:$0x11], $0x8, s12, s20, $0xb8;
	[tilespmem:$0xAE80] =	vst v63  }
0x4b: {  	_ =	swait.ge [sflag:s15], $0x400  }
0x4c: {  	[sflag:s15] =	ssyncset.done $0x0  }
0x4d: {  	s14 =	simm.s32 $0x7180;
	s16 =	simm.s32 $0x7E80;
	[sflag:s15] =	ssyncadd.s32 $0xFFFFFC00  }
0x4e: {  	[spmem:s1] =	stream.indirect.scatter.add.f32 [tilespmem:s16], [sflag:$0x11], $0x8, s14, s20, $0xb8;
	[tilespmem:$0xAE80] =	vst v63  }
0x4f: {  	_ =	swait.ge [sflag:s15], $0x400  }
0x50: {  	[sflag:s15] =	ssyncset.done $0x0  }
0x51: {  	s17 =	simm.s32 $0x7200;
	s18 =	simm.s32 $0x8280;
	[sflag:s15] =	ssyncadd.s32 $0xFFFFFC00  }
0x52: {  	[spmem:s1] =	stream.indirect.scatter.add.f32 [tilespmem:s18], [sflag:$0x11], $0x8, s17, s20, $0xb8;
	[tilespmem:$0xAE80] =	vst v63  }
0x53: {  	_ =	swait.ge [sflag:s15], $0x400  }
0x54: {  	[sflag:s15] =	ssyncset.done $0x0  }
0x55: {  	[sflag:s15] =	ssyncadd.s32 $0xFFFFFC00  }
0x56: {  	[bflag:$0x0] =	sbarrier.arrive $0xFFFF  }
0x57: {  	[tilespmem:s30], [sflag:$0x1] =	stream.indirect.gather [spmem:s1], $0x8, s10, s20, $0xb8;
	[tilespmem:$0xAE80] =	vst v63  }
0x58: {  	_ = 	snop  }
0x59: {  	[tilespmem:s31], [sflag:$0x2] =	stream.indirect.gather [spmem:s1], $0x8, s20, s20, $0xb8;
	[tilespmem:$0xAE80] =	vst v63  }
0x5a: {  	s4 =	smov.u32 s11;
	s11 =	simm.s32 $0x5800;
	s10 =	simm.s32 $0x100  }
0x5b: {  	[tilespmem:s11], [sflag:$0x3] =	stream.indirect.gather [spmem:s1], $0x8, s10, s20, $0xb8;
	[tilespmem:$0xAE80] =	vst v63  }
0x5c: {  	s12 =	simm.s32 $0x180  }
0x5d: {  	[tilespmem:s21], [sflag:$0x4] =	stream.indirect.gather [spmem:s1], $0x8, s12, s20, $0xb8;
	[tilespmem:$0xAE80] =	vst v63  }
0x5e: {  	s13 =	simm.s32 $0x200;
	s14 =	simm.s32 $0x6000  }
0x5f: {  	[tilespmem:s14], [sflag:$0x5] =	stream.indirect.gather [spmem:s1], $0x8, s13, s20, $0xb8;
	[tilespmem:$0xAE80] =	vst v63  }
0x60: {  	s16 =	simm.s32 $0x280  }
0x61: {  	[tilespmem:s25], [sflag:$0x6] =	stream.indirect.gather [spmem:s1], $0x8, s16, s20, $0xb8;
	[tilespmem:$0xAE80] =	vst v63  }
0x62: {  	s17 =	simm.s32 $0x300  }
0x63: {  	[tilespmem:s28], [sflag:$0x7] =	stream.indirect.gather [spmem:s1], $0x8, s17, s20, $0xb8;
	[tilespmem:$0xAE80] =	vst v63  }
0x64: {  	s18 =	simm.s32 $0x380;
	s10 =	simm.s32 $0x0  }
0x65: {  	[tilespmem:s0], [sflag:$0x8] =	stream.indirect.gather [spmem:s1], $0x8, s18, s20, $0xb8;
	[tilespmem:$0xAE80] =	vst v63  }
.LBB2_2:
0x66: {  	_ =	swait.ge [sflag:s3], $0x400  }
0x67: {  	s11 =	sshra.s32 s10, $0x2;
	[sflag:s3] =	ssyncset.done $0x0  }
0x68: {  	p0 =	seq.s32 s10, $0x0;
	s12 =	sadd.s32 $0x2800, s11;
	[sflag:s3] =	ssyncadd.s32 $0xFFFFFC00  }
0x69: {  	[spmem:s2] =	stream.indirect.scatter.add.f32 [tilespmem:s30], [sflag:$0x9], $0x8, s12, s20, $0xb8;
	[tilespmem:$0xAE80] =	vst v63  }
0x6a: {  	s12 =	simm.s32 @!p0 $0x10  }
0x6b: {  	_ =	swait.ge @!p0 [sflag:s12], $0x400  }
0x6c: {  	[sflag:s12] =	ssyncset.done @!p0 $0x0  }
0x6d: {  	[sflag:s12] =	ssyncadd.s32 @!p0 $0xFFFFFC00;
	s12 =	sshra.s32 @!p0 s10, $0x2  }
0x6e: {  	s13 =	simm.s32 @!p0 $0x80;
	s17 =	simm.s32 @!p0 $0x6C00;
	s12 =	sadd.s32 @!p0 $0x380, s12  }
0x6f: {  	[tilespmem:s17], [sflag:$0x8] =	stream.indirect.gather @!p0 [spmem:s1], $0x8, s12, s13, $0xb8;
	[tilespmem:$0xAE80] =	vst v63  }
0x70: {  	_ =	swait.ge [sflag:s19], $0x400  }
0x71: {  	[sflag:s19] =	ssyncset.done $0x0  }
0x72: {  	s14 =	sadd.s32 $0x2880, s11;
	[sflag:s19] =	ssyncadd.s32 $0xFFFFFC00  }
0x73: {  	[spmem:s2] =	stream.indirect.scatter.add.f32 [tilespmem:s31], [sflag:$0xA], $0x8, s14, s20, $0xb8;
	[tilespmem:$0xAE80] =	vst v63  }
0x74: {  	_ =	swait.ge [sflag:s22], $0x400  }
0x75: {  	p0 =	seq.s32 s10, $0x9000;
	[sflag:s22] =	ssyncset.done $0x0  }
0x76: {  	s12 =	simm.s32 @p0 $0x3;
	[sflag:s22] =	ssyncadd.s32 $0xFFFFFC00  }
0x77: {  	_ =	swait.ge @p0 [sflag:s12], $0x400  }
0x78: {  	s13 =	sshra.s32 @p0 s10, $0x2;
	s18 =	simm.s32 @p0 $0x80;
	[sflag:s12] =	ssyncset.done @p0 $0x0  }
0x79: {  	s17 =	simm.s32 @p0 $0x5800;
	[sflag:s12] =	ssyncadd.s32 @p0 $0xFFFFFC00;
	s12 =	sadd.s32 @p0 $0x2900, s13  }
0x7a: {  	[spmem:s2] =	stream.indirect.scatter.add.f32 @p0 [tilespmem:s17], [sflag:$0xB], $0x8, s12, s18, $0xb8;
	[tilespmem:$0xAE80] =	vst v63  }
0x7b: {  	s12 =	simm.s32 @p0 $0xA  }
0x7c: {  	_ =	swait.ge @p0 [sflag:s12], $0x400  }
0x7d: {  	[sflag:s12] =	ssyncset.done @p0 $0x0  }
0x7e: {  	[sflag:s12] =	ssyncadd.s32 @p0 $0xFFFFFC00;
	s12 =	sshra.s32 @!p0 s10, $0x2  }
0x7f: {  	s8 =	simm.s32 @!p0 $0x5000;
	s17 =	simm.s32 @!p0 $0x80;
	s14 =	sadd.s32 @!p0 $0x400, s12  }
0x80: {  	[tilespmem:s8], [sflag:$0x1] =	stream.indirect.gather @!p0 [spmem:s1], $0x8, s14, s17, $0xb8;
	[tilespmem:$0xAE80] =	vst v63  }
0x81: {  	s8 =	simm.s32 @!p0 $0x3  }
0x82: {  	_ =	swait.ge @!p0 [sflag:s8], $0x400  }
0x83: {  	[sflag:s8] =	ssyncset.done @!p0 $0x0  }
0x84: {  	s14 =	simm.s32 @!p0 $0x5800;
	[sflag:s8] =	ssyncadd.s32 @!p0 $0xFFFFFC00;
	s8 =	sadd.s32 @!p0 $0x2900, s12  }
0x85: {  	[spmem:s2] =	stream.indirect.scatter.add.f32 @!p0 [tilespmem:s14], [sflag:$0xB], $0x8, s8, s17, $0xb8;
	[tilespmem:$0xAE80] =	vst v63  }
0x86: {  	s8 =	simm.s32 @!p0 $0xA  }
0x87: {  	_ =	swait.ge @!p0 [sflag:s8], $0x400  }
0x88: {  	[sflag:s8] =	ssyncset.done @!p0 $0x0  }
0x89: {  	s16 =	simm.s32 @!p0 $0x5400;
	[sflag:s8] =	ssyncadd.s32 @!p0 $0xFFFFFC00;
	s8 =	sadd.s32 @!p0 $0x480, s12  }
0x8a: {  	[tilespmem:s16], [sflag:$0x2] =	stream.indirect.gather @!p0 [spmem:s1], $0x8, s8, s17, $0xb8;
	[tilespmem:$0xAE80] =	vst v63  }
0x8b: {  	_ =	swait.ge [sflag:s23], $0x400  }
0x8c: {  	[sflag:s23] =	ssyncset.done $0x0  }
0x8d: {  	s16 =	sadd.s32 $0x2980, s11;
	[sflag:s23] =	ssyncadd.s32 $0xFFFFFC00  }
0x8e: {  	[spmem:s2] =	stream.indirect.scatter.add.f32 [tilespmem:s21], [sflag:$0xC], $0x8, s16, s20, $0xb8;
	[tilespmem:$0xAE80] =	vst v63  }
0x8f: {  	_ =	swait.ge [sflag:s24], $0x400  }
0x90: {  	[sflag:s24] =	ssyncset.done $0x0  }
0x91: {  	s8 =	simm.s32 @p0 $0x5;
	[sflag:s24] =	ssyncadd.s32 $0xFFFFFC00  }
0x92: {  	_ =	swait.ge @p0 [sflag:s8], $0x400  }
0x93: {  	[sflag:s8] =	ssyncset.done @p0 $0x0  }
0x94: {  	s16 =	simm.s32 @p0 $0x6000;
	[sflag:s8] =	ssyncadd.s32 @p0 $0xFFFFFC00;
	s8 =	sadd.s32 @p0 $0x2A00, s13  }
0x95: {  	[spmem:s2] =	stream.indirect.scatter.add.f32 @p0 [tilespmem:s16], [sflag:$0xD], $0x8, s8, s18, $0xb8;
	[tilespmem:$0xAE80] =	vst v63  }
0x96: {  	s8 =	simm.s32 @p0 $0xC  }
0x97: {  	_ =	swait.ge @p0 [sflag:s8], $0x400  }
0x98: {  	[sflag:s8] =	ssyncset.done @p0 $0x0  }
0x99: {  	[sflag:s8] =	ssyncadd.s32 @p0 $0xFFFFFC00;
	s8 =	sadd.s32 @!p0 $0x500, s12  }
0x9a: {  	[tilespmem:s14], [sflag:$0x3] =	stream.indirect.gather @!p0 [spmem:s1], $0x8, s8, s17, $0xb8;
	[tilespmem:$0xAE80] =	vst v63  }
0x9b: {  	s8 =	simm.s32 @!p0 $0x5  }
0x9c: {  	_ =	swait.ge @!p0 [sflag:s8], $0x400  }
0x9d: {  	[sflag:s8] =	ssyncset.done @!p0 $0x0  }
0x9e: {  	s14 =	simm.s32 @!p0 $0x6000;
	[sflag:s8] =	ssyncadd.s32 @!p0 $0xFFFFFC00;
	s8 =	sadd.s32 @!p0 $0x2A00, s12  }
0x9f: {  	[spmem:s2] =	stream.indirect.scatter.add.f32 @!p0 [tilespmem:s14], [sflag:$0xD], $0x8, s8, s17, $0xb8;
	[tilespmem:$0xAE80] =	vst v63  }
0xa0: {  	s8 =	simm.s32 @!p0 $0xC  }
0xa1: {  	_ =	swait.ge @!p0 [sflag:s8], $0x400  }
0xa2: {  	[sflag:s8] =	ssyncset.done @!p0 $0x0  }
0xa3: {  	s16 =	simm.s32 @!p0 $0x5C00;
	[sflag:s8] =	ssyncadd.s32 @!p0 $0xFFFFFC00;
	s8 =	sadd.s32 @!p0 $0x580, s12  }
0xa4: {  	[tilespmem:s16], [sflag:$0x4] =	stream.indirect.gather @!p0 [spmem:s1], $0x8, s8, s17, $0xb8;
	[tilespmem:$0xAE80] =	vst v63  }
0xa5: {  	_ =	swait.ge [sflag:s26], $0x400  }
0xa6: {  	[sflag:s26] =	ssyncset.done $0x0  }
0xa7: {  	s16 =	sadd.s32 $0x2A80, s11;
	[sflag:s26] =	ssyncadd.s32 $0xFFFFFC00  }
0xa8: {  	[spmem:s2] =	stream.indirect.scatter.add.f32 [tilespmem:s25], [sflag:$0xE], $0x8, s16, s20, $0xb8;
	[tilespmem:$0xAE80] =	vst v63  }
0xa9: {  	_ =	swait.ge [sflag:s29], $0x400  }
0xaa: {  	[sflag:s29] =	ssyncset.done $0x0  }
0xab: {  	s8 =	simm.s32 @p0 $0x7;
	[sflag:s29] =	ssyncadd.s32 $0xFFFFFC00  }
0xac: {  	_ =	swait.ge @p0 [sflag:s8], $0x400  }
0xad: {  	[sflag:s8] =	ssyncset.done @p0 $0x0  }
0xae: {  	[sflag:s8] =	ssyncadd.s32 @p0 $0xFFFFFC00;
	s8 =	sadd.s32 @p0 $0x2B00, s13;
	s13 =	simm.s32 @p0 $0x6800  }
0xaf: {  	[spmem:s2] =	stream.indirect.scatter.add.f32 @p0 [tilespmem:s13], [sflag:$0xF], $0x8, s8, s18, $0xb8;
	[tilespmem:$0xAE80] =	vst v63  }
0xb0: {  	s8 =	simm.s32 @p0 $0xE  }
0xb1: {  	_ =	swait.ge @p0 [sflag:s8], $0x400  }
0xb2: {  	[sflag:s8] =	ssyncset.done @p0 $0x0  }
0xb3: {  	[sflag:s8] =	ssyncadd.s32 @p0 $0xFFFFFC00;
	s8 =	sadd.s32 @!p0 $0x600, s12  }
0xb4: {  	[tilespmem:s14], [sflag:$0x5] =	stream.indirect.gather @!p0 [spmem:s1], $0x8, s8, s17, $0xb8;
	[tilespmem:$0xAE80] =	vst v63  }
0xb5: {  	s8 =	simm.s32 @!p0 $0x7  }
0xb6: {  	_ =	swait.ge @!p0 [sflag:s8], $0x400  }
0xb7: {  	[sflag:s8] =	ssyncset.done @!p0 $0x0  }
0xb8: {  	s13 =	simm.s32 @!p0 $0x6800;
	[sflag:s8] =	ssyncadd.s32 @!p0 $0xFFFFFC00;
	s8 =	sadd.s32 @!p0 $0x2B00, s12  }
0xb9: {  	[spmem:s2] =	stream.indirect.scatter.add.f32 @!p0 [tilespmem:s13], [sflag:$0xF], $0x8, s8, s17, $0xb8;
	[tilespmem:$0xAE80] =	vst v63  }
0xba: {  	s8 =	simm.s32 @!p0 $0xE  }
0xbb: {  	_ =	swait.ge @!p0 [sflag:s8], $0x400  }
0xbc: {  	[sflag:s8] =	ssyncset.done @!p0 $0x0  }
0xbd: {  	[sflag:s8] =	ssyncadd.s32 @!p0 $0xFFFFFC00;
	s8 =	sadd.s32 @!p0 $0x680, s12;
	s12 =	simm.s32 @!p0 $0x6400  }
0xbe: {  	[tilespmem:s12], [sflag:$0x6] =	stream.indirect.gather @!p0 [spmem:s1], $0x8, s8, s17, $0xb8;
	[tilespmem:$0xAE80] =	vst v63  }
0xbf: {  	_ =	swait.ge [sflag:s5], $0x400  }
0xc0: {  	[sflag:s5] =	ssyncset.done $0x0  }
.Ltmp2:
0xc1: {  	s18 =	sadd.s32 $0x2B80, s11;
	[sflag:s5] =	ssyncadd.s32 $0xFFFFFC00;
	(pc) =	sbr.rel @p0 .LBB2_4-.Ltmp2, $4  }
0xc2: {  	[spmem:s2] =	stream.indirect.scatter.add.f32 [tilespmem:s0], [sflag:$0x10], $0x8, s18, s20, $0xb8;
	[tilespmem:$0xAE80] =	vst v63  }
0xc3: {  	_ =	swait.ge [sflag:s7], $0x400  }
0xc4: {  	[sflag:s7] =	ssyncset.done $0x0  }
0xc5: {  	[sflag:s7] =	ssyncadd.s32 $0xFFFFFC00  }
.Ltmp3:
0xc6: {  	(pc) =	sbr.rel .LBB2_2-.Ltmp3, $3  }
0xc7: {  	_ =	sdelay $0x1  }
0xc8: {  	s8 =	sadd.s32 $0x700, s11;
	s10 =	sadd.s32 $0x1000, s10  }
0xc9: {  	[tilespmem:s28], [sflag:$0x7] =	stream.indirect.gather [spmem:s1], $0x8, s8, s20, $0xb8;
	[tilespmem:$0xAE80] =	vst v63  }
.LBB2_5:
0xca: {  	_ =	sfence.sel $0x180000  }
0xcb: {  	[bflag:$0x0] =	sbarrier.arrive $0xFFFF  }
0xcc: {  	_ =	strace $0x9000004A  }
0xcd: {  	s0 =	stileid.u32;
	[bflag:$0x2] =	sbarrier.arrive $0xFFFF  }
0xce: {  	p0 =	sne.s32 s0, $0x0;
	s0 =	rddreg [dreg:$0x4]  }
0xcf: {  	s0 =	sadd.s32 @!p0 $0x100000, s0  }
0xd0: {  	[sflag:s0] =	ssyncadd.tile.s32 @!p0 $0x1;
	_ =	shalt  }
.Lfunc_end2:
_tile_overlayer_lowered:
.L_overlay_start_2:
0xd1: {  	(tag) =	ssettag $0x2  }
0xd2: {  	s0 =	rddreg [dreg:$0x0];
	s2 =	stileid.u32  }
0xd3: {  	s1 =	rddreg [dreg:$0x1];
	p0 =	sne.s32 s2, $0x0  }
0xd4: {  	s3 =	rddreg [dreg:$0x2];
	[bflag:$0x3] =	sbarrier.arrive $0xFFFF;
	s2 =	simm.s32 @!p0 $0x1C11  }
0xd5: {  	[timem:s3], [sflag:s2] =	dma.local @!p0 [hbm:s0], s1  }
0xd6: {  	s0 =	simm.s32 @!p0 $0x11  }
0xd7: {  	_ =	swait.ge @!p0 [sflag:s0], s1  }
0xd8: {  	s1 =	ssub.s32 @!p0 $0x0, s1;
	[sflag:s0] =	ssyncset.done @!p0 $0x0  }
0xd9: {  	[sflag:s0] =	ssyncadd.s32 @!p0 s1  }
0xda: {  	[bflag:$0x3] =	sbarrier.arrive $0xFFFF  }
0xdb: {  	_ =	shalt  }

// kernel: kernel.13.cloned.1.call-start
scs
__scs_entry_jumppad:
0x0: {  	(pc) =	sbr.rel $0x88, $3  }
0x1: {  	(tag) =	ssettag $0x0;
	lr =	simm.s32 $0x1  }
0x2: {  	[smem:$0x3F9C] =	sst lr;
	_ =	strace $0xD0000000  }
0x3: {  	_ = 	snop  }
0x4: {  	_ = 	snop  }
0x5: {  	_ = 	snop  }
0x6: {  	_ = 	snop  }
0x7: {  	_ = 	snop  }
__scs_overlays_trampoline_lowered:
0x8: {  	[smem:$0x3FAB] =	sst s0  }
0x9: {  	[smem:$0x3FAC] =	sst s1  }
0xa: {  	[smem:$0x3FAD] =	sst s2  }
0xb: {  	[smem:$0x3FAE] =	sst s3  }
0xc: {  	[smem:$0x3FAF] =	sst s4  }
0xd: {  	[smem:$0x3FB0] =	sst s5  }
0xe: {  	[smem:$0x3FB1] =	sst s6  }
0xf: {  	[smem:$0x3FB2] =	sst s7  }
0x10: {  	[smem:$0x3FB3] =	sst s8  }
0x11: {  	[smem:$0x3FB4] =	sst s9;
	s0 =	simm.s32 @!p0 $0x0  }
0x12: {  	s1 =	sld [smem:$0x3F9A];
	s0 =	simm.s32 @p0 $0x1  }
0x13: {  	[smem:$0x3FB5] =	sst s0;
	s0 =	simm.s32 @!p1 $0x0  }
0x14: {  	s2 =	sld [smem:$0x3F99];
	s0 =	simm.s32 @p1 $0x1  }
0x15: {  	[smem:$0x3FB6] =	sst s0;
	s0 =	simm.s32 @!p2 $0x0  }
0x16: {  	s3 =	sld [smem:$0x3FDB];
	s0 =	simm.s32 @p2 $0x1  }
0x17: {  	s4 =	simm.s32 $0x1BF5;
	[smem:$0x3FB8] =	sst s0  }
0x18: {  	s0 =	sld [smem:$0x3F9B];
	_ =	swait.ge [sflag:s4], $0x0  }
0x19: {  	s7 =	sld [smem:$0x3F9C]  }
0x1a: {  	s8 =	sadd.s32 $0xFFFFE003, lr  }
0x1b: {  	s9 =	sadd.s32 $0xFFFFFEF7, lr;
	s5 =	simm.s32 $0xFFFFFFFF;
	p2 =	slt.u32 s8, $0xFFFFF086  }
0x1c: {  	p1 =	slt.u32 s9, $0xF7A;
	s5 =	simm.s32 @!p2 $0x0  }
0x1d: {  	s5 =	simm.s32 @p1 $0x1;
	p0 =	seq.s32 s7, s2  }
0x1e: {  	s7 =	smul.u32 @!p0 $0xF7A, s2;
	p2 =	seq.s32 @!p0 s5, $0x0  }
0x1f: {  	s9 =	smul.u32 $0xF7A, s1;
	s8 =	simm.s32 @!p0 $0x1BF5;
	p2 =	por !p2, p0  }
0x20: {  	[sflag:s8] =	ssyncset.s32 @!p0 $0xFFFFF086;
	s6 =	sadd.s32 @!p0 s3, s7;
	s7 =	simm.s32 @!p0 $0x108  }
0x21: {  	s3 =	sadd.s32 s3, s9;
	s6 =	sadd.s32 @!p0 $0x88, s6;
	s7 =	simm.s32 @p2 $0x1082  }
0x22: {  	[simem:s7], [sflag:s8] =	dma.local @!p0 [hbm:s6], $0xF7A  }
0x23: {  	s9 =	sor.u32 $0xD0000000, s2;
	s6 =	simm.s32 $0x108;
	_ =	swait.ge @!p0 [sflag:s8], $0x0  }
0x24: {  	s3 =	sadd.s32 $0x88, s3;
	s6 =	simm.s32 @!p1 $0x1082;
	[sflag:s4] =	ssyncset.s32 $0xFFFFF086  }
0x25: {  	[simem:s6], [sflag:s4] =	dma.local [hbm:s3], $0xF7A  }
0x26: {  	[smem:$0x3F9C] =	sst s1;
	(tag) =	ssettag s2;
	_ =	strace s9  }
0x27: {  	s1 =	sld [smem:$0x3FAC]  }
0x28: {  	s2 =	sld [smem:$0x3FAD]  }
0x29: {  	s4 =	sld [smem:$0x3FAF]  }
0x2a: {  	p0 =	seq.s32 s5, $0x0;
	s5 =	sld [smem:$0x3FB0]  }
0x2b: {  	s6 =	sld [smem:$0x3FB1]  }
0x2c: {  	s7 =	sld [smem:$0x3FB2]  }
0x2d: {  	s3 =	simm.s32 $0x108;
	s8 =	sld [smem:$0x3FB3]  }
0x2e: {  	s3 =	simm.s32 @!p0 $0x1082;
	s9 =	sld [smem:$0x3FB4]  }
0x2f: {  	lr =	sadd.s32 s0, s3;
	s0 =	sld [smem:$0x3FAB]  }
0x30: {  	s3 =	sld [smem:$0x3FAE]  }
0x31: {  	[smem:$0x3FB7] =	sst s10  }
0x32: {  	s10 =	sld [smem:$0x3FB5];
	_ =	sdelay $0x3  }
0x33: {  	p0 =	seq.s32 s10, $0x1;
	s10 =	sld [smem:$0x3FB7];
	_ =	sdelay $0x3  }
0x34: {  	[smem:$0x3FB7] =	sst s10  }
0x35: {  	s10 =	sld [smem:$0x3FB6];
	_ =	sdelay $0x3  }
0x36: {  	p1 =	seq.s32 s10, $0x1;
	s10 =	sld [smem:$0x3FB7];
	_ =	sdelay $0x3  }
0x37: {  	[smem:$0x3FB7] =	sst s10  }
0x38: {  	s10 =	sld [smem:$0x3FB8]  }
0x39: {  	_ = 	snop;
	(pc) =	sbr.ind lr, $3  }
0x3a: {  	_ = 	snop  }
0x3b: {  	_ = 	snop  }
0x3c: {  	p2 =	seq.s32 s10, $0x1;
	s10 =	sld [smem:$0x3FB7]  }
0x3d: {  	_ =	shalt  }
0x3e: {  	_ =	shalt  }
0x3f: {  	_ =	shalt  }
0x40: {  	_ =	shalt  }
0x41: {  	_ =	shalt  }
0x42: {  	_ =	shalt  }
0x43: {  	_ =	shalt  }
0x44: {  	_ =	shalt  }
0x45: {  	_ =	shalt  }
0x46: {  	_ =	shalt  }
0x47: {  	_ =	shalt  }
0x48: {  	_ =	shalt  }
0x49: {  	_ =	shalt  }
0x4a: {  	_ =	shalt  }
0x4b: {  	_ =	shalt  }
0x4c: {  	_ =	shalt  }
0x4d: {  	_ =	shalt  }
0x4e: {  	_ =	shalt  }
0x4f: {  	_ =	shalt  }
0x50: {  	_ =	shalt  }
0x51: {  	_ =	shalt  }
0x52: {  	_ =	shalt  }
0x53: {  	_ =	shalt  }
0x54: {  	_ =	shalt  }
0x55: {  	_ =	shalt  }
0x56: {  	_ =	shalt  }
0x57: {  	_ =	shalt  }
0x58: {  	_ =	shalt  }
0x59: {  	_ =	shalt  }
0x5a: {  	_ =	shalt  }
0x5b: {  	_ =	shalt  }
0x5c: {  	_ =	shalt  }
0x5d: {  	_ =	shalt  }
0x5e: {  	_ =	shalt  }
0x5f: {  	_ =	shalt  }
0x60: {  	_ =	shalt  }
0x61: {  	_ =	shalt  }
0x62: {  	_ =	shalt  }
0x63: {  	_ =	shalt  }
0x64: {  	_ =	shalt  }
0x65: {  	_ =	shalt  }
0x66: {  	_ =	shalt  }
0x67: {  	_ =	shalt  }
0x68: {  	_ =	shalt  }
0x69: {  	_ =	shalt  }
0x6a: {  	_ =	shalt  }
0x6b: {  	_ =	shalt  }
0x6c: {  	_ =	shalt  }
0x6d: {  	_ =	shalt  }
0x6e: {  	_ =	shalt  }
0x6f: {  	_ =	shalt  }
0x70: {  	_ =	shalt  }
0x71: {  	_ =	shalt  }
0x72: {  	_ =	shalt  }
0x73: {  	_ =	shalt  }
0x74: {  	_ =	shalt  }
0x75: {  	_ =	shalt  }
0x76: {  	_ =	shalt  }
0x77: {  	_ =	shalt  }
0x78: {  	_ =	shalt  }
0x79: {  	_ =	shalt  }
0x7a: {  	_ =	shalt  }
0x7b: {  	_ =	shalt  }
0x7c: {  	_ =	shalt  }
0x7d: {  	_ =	shalt  }
0x7e: {  	_ =	shalt  }
0x7f: {  	_ =	shalt  }
0x80: {  	_ =	shalt  }
0x81: {  	_ =	shalt  }
0x82: {  	_ =	shalt  }
0x83: {  	_ =	shalt  }
0x84: {  	_ =	shalt  }
0x85: {  	_ =	shalt  }
0x86: {  	_ =	shalt  }
0x87: {  	_ =	shalt  }
.Lfunc_end0:
.L_simem_size_0:
called_computation.2_lowered:
.L_overlay_start_0:
0x88: {  	s2 =	sld [smem:$0x3FD9]  }
0x89: {  	s3 =	sld [smem:$0x3FFE];
	_ =	sdelay $0x1  }
0x8a: {  	s1 =	srdreg.scid  }
0x8b: {  	s0 =	sand.u32 $0x1, s1  }
0x8c: {  	s17 =	sshll.u32 s0, $0xA;
	s2 =	sadd.s32 s3, s2  }
0x8d: {  	s2 =	sadd.s32 s2, s17  }
0x8e: {  	[smem:$0x3FC3] =	sst s2  }
0x8f: {  	_ = 	snop  }
0x90: {  	s2 =	sld [smem:$0x3FD0];
	(tm) =	ssettm $0x1  }
0x91: {  	s18 =	sld [smem:$0x3FFB];
	_ =	sdelay $0x3  }
0x92: {  	_ =	strace s18  }
0x93: {  	s3 =	sld [smem:$0x3FFC];
	_ =	sdelay $0x3  }
0x94: {  	_ =	strace s3  }
0x95: {  	s3 =	sld [smem:$0x3FFD];
	_ =	sdelay $0x3  }
0x96: {  	_ =	strace s3  }
0x97: {  	_ =	strace $0x8FFFFFFF  }
0x98: {  	s19 =	sld [smem:$0x3FDB];
	_ =	sdelay $0x1  }
0x99: {  	s4 =	simm.s32 $_scs_section_size  }
0x9a: {  	s5 =	simm.s32 $_size__tile_overlayer_lowered;
	s6 =	simm.s32 $_tile_overlayer_lowered  }
0x9b: {  	s22 =	simm.s32 $0x1BFF;
	s21 =	sshll.u32 s6, $0x1;
	s3 =	sadd.s32 s4, s19  }
0x9c: {  	s7 =	simm.s32 $0x0;
	s20 =	sshll.u32 s5, $0x1;
	s5 =	sadd.s32 s21, s3  }
0x9d: {  	[timem:s7], [sflag:s22] =	dma.local [hbm:s5], s20  }
0x9e: {  	_ =	swait.ge [sflag:s22], s20  }
0x9f: {  	s4 =	ssub.s32 $0x0, s20;
	[sflag:s22] =	ssyncset.done $0x0  }
0xa0: {  	[sflag:s22] =	ssyncadd.s32 s4;
	_ =	sdelay $0x1  }
0xa1: {  	s23 =	simm.s32 $0x1B8B  }
0xa2: {  	_ =	swait.ge [sflag:s23], $0x1  }
0xa3: {  	[sflag:s23] =	ssyncset.done $0x0  }
0xa4: {  	s25 =	simm.s32 $0x1B8E;
	s24 =	sld [smem:$0x3FFE];
	[sflag:s23] =	ssyncadd.s32 $0xFFFFFFFF  }
0xa5: {  	s26 =	simm.s32 $execute0_lowered;
	[smem:$0x3FD2] =	sst s25  }
0xa6: {  	s5 =	sshll.u32 s26, $0x1;
	_ =	strace $0x8000004C;
	[dreg:$0x1] =	wrdreg $0xFFFFFFFF  }
0xa7: {  	s28 =	simm.s32 $_size_execute0_lowered;
	s3 =	sadd.s32 s3, s5;
	[dreg:$0x0] =	wrdreg $0x0  }
0xa8: {  	s5 =	sshll.u32 s28, $0x1;
	[dreg:$0x2] =	wrdreg s3  }
0xa9: {  	[dreg:$0x3] =	wrdreg s5  }
0xaa: {  	[dreg:$0x4] =	wrdreg $0xC0  }
0xab: {  	_ =	task [dreg:s7], $0x5FFFF  }
0xac: {  	[dreg:$0x1] =	wrdreg $0xFFFFFFFF  }
0xad: {  	[dreg:$0x0] =	wrdreg $0x60  }
0xae: {  	[dreg:$0x2] =	wrdreg s24  }
0xaf: {  	[dreg:$0x3] =	wrdreg s2  }
0xb0: {  	[dreg:$0x4] =	wrdreg $0x86800  }
0xb1: {  	[dreg:$0x5] =	wrdreg $0x9A800  }
0xb2: {  	[dreg:$0x6] =	wrdreg $0x9  }
0xb3: {  	_ =	task.clear_ibuf [dreg:s7], $0x7FFFF;
	_ =	strace $0x9000004C  }
0xb4: {  	s29 =	simm.s32 $0x9;
	_ =	strace $0x8000004E  }
0xb5: {  	_ =	swait.ge [sflag:s29], $0x1  }
0xb6: {  	[sflag:s29] =	ssyncadd.s32 $0xFFFFFFFF  }
0xb7: {  	_ =	strace $0x9000004E  }
0xb8: {  	_ =	sfence  }
0xb9: {  	s30 =	sld [smem:$0x0];
	_ =	sdelay $0x2  }
0xba: {  	s31 =	sshll.u32 s1, $0xD;
	s1 =	sshrl.u32 s1, $0x2  }
0xbb: {  	s3 =	sand.u32 $0x4000, s31;
	s1 =	sadd.s32 s1, s30  }
0xbc: {  	s0 =	sor.u32 s3, s0;
	s1 =	sshll.u32 s1, $0x11  }
0xbd: {  	s0 =	sor.u32 s1, s0  }
0xbe: {  	s0 =	sadd.s32 $0x8F2B, s0  }
0xbf: {  	[sflag:s0] =	ssyncadd.remote.s32 $0x1  }
0xc0: {  	_ =	sfence.sel $0xFFFF  }
0xc1: {  	[dreg:$0x0] =	wrdreg $0xFFFFFFFF;
	(pc) =	sbr.abs _section_cstart, $3  }
0xc2: {  	[dreg:$0x1] =	wrdreg $0xFFFFFFFF  }
0xc3: {  	_ =	task.clear_ibuf [dreg:s7], $0x2FFFF;
	_ =	strace $0x9FFFFFFF  }
0xc4: {  	(tm) =	ssettm $0x7FFFFFFF  }
0xc5: {  	_ =	shalt  }
tec
execute0_lowered:
.L_overlay_start_1:
0x0: {  	(tag) =	ssettag $0x1  }
0x1: {  	s0 =	rddreg [dreg:$0x0]  }
0x2: {  	s3 =	rddreg [dreg:$0x1]  }
0x3: {  	s1 =	rddreg [dreg:$0x2]  }
0x4: {  	s2 =	rddreg [dreg:$0x3]  }
0x5: {  	s4 =	srdreg.scid;
	s18 =	simm.s32 $0x0;
	s12 =	stileid.u32  }
0x6: {  	s15 =	simm.s32 $0x11;
	s30 =	simm.s32 $0x5000;
	s31 =	simm.s32 $0x5400  }
0x7: {  	s28 =	simm.s32 $0x6800;
	s29 =	simm.s32 $0xD;
	s7 =	smul.u32 $0x1400, s12  }
0x8: {  	s5 =	sand.u32 $0x1, s4;
	[smem:$0x7FF] =	sst s18;
	s9 =	smul.u32 $0x280, s12  }
0x9: {  	s20 =	sshll.u32 s12, $0x6;
	s6 =	sshll.u32 s5, $0x4;
	_ =	strace $0x8000004D  }
0xa: {  	s10 =	ssub.s32 $0x2, s5;
	s5 =	smul.u32 $0x2800, s5;
	s6 =	sor.u32 s12, s6  }
0xb: {  	s8 =	sshrl.u32 s7, $0x3;
	s19 =	sshrl.u32 s10, $0x1;
	s21 =	sadd.s32 s7, s1  }
0xc: {  	s7 =	sadd.s32 s7, s2;
	s6 =	smul.u32 $0x500, s6;
	s8 =	sadd.s32 s8, s0  }
0xd: {  	s10 =	ssub.s32 s10, s19;
	s26 =	sshrl.u32 s21, $0x3;
	s21 =	simm.s32 $0x5C00  }
0xe: {  	s19 =	simm.s32 $0x2;
	s13 =	sadd.s32 $0x14A00, s8;
	[dreg:$0xd] =	wrdreg s26  }
0xf: {  	s22 =	sadd.s32 $0x19A00, s8;
	s8 =	sadd.s32 $0x17200, s8;
	[dreg:$0x5] =	wrdreg s13  }
0x10: {  	s25 =	smax.u32 s10, $0x1;
	s26 =	simm.s32 $0x6;
	[dreg:$0x6] =	wrdreg s22  }
0x11: {  	s11 =	sadd.s32 s6, s0;
	s0 =	sadd.s32 s9, s0;
	[dreg:$0x7] =	wrdreg s8  }
0x12: {  	s6 =	sor.u32 $0x1C11, s20;
	s9 =	sshrl.u32 s9, $0x3;
	[dreg:$0xc] =	wrdreg s25  }
0x13: {  	s20 =	simm.s32 $0x80;
	s25 =	simm.s32 $0x6400;
	s22 =	simm.s32 $0x9  }
0x14: {  	s3 =	sadd.s32 s3, s9;
	s23 =	sadd.s32 $0xAA00, s11;
	s24 =	sadd.s32 $0xA00, s11  }
.Ltmp0:
0x15: {  	s0 =	sadd.s32 s5, s0;
	[dreg:$0x8] =	wrdreg s3;
	(pc) =	sbr.rel .LBB2_1-.Ltmp0, $4  }
0x16: {  	s11 =	sshrl.u32 s7, $0x3;
	s5 =	simm.s32 $0x8;
	[dreg:$0x9] =	wrdreg s23  }
0x17: {  	s7 =	simm.s32 $0xF;
	s9 =	simm.s32 $0x0;
	[dreg:$0xa] =	wrdreg s24  }
0x18: {  	s0 =	sadd.s32 $0x1C200, s0;
	s3 =	simm.s32 $0x1;
	s23 =	simm.s32 $0x4  }
0x19: {  	s24 =	simm.s32 $0xB;
	[dreg:$0xb] =	wrdreg s0;
	s0 =	simm.s32 $0x6C00  }
.LBB2_4:
0x1a: {  	s8 =	simm.s32 $0x10  }
0x1b: {  	_ =	swait.ge [sflag:s8], $0x400  }
0x1c: {  	[sflag:s8] =	ssyncset.done $0x0  }
0x1d: {  	[sflag:s8] =	ssyncadd.s32 $0xFFFFFC00  }
0x1e: {  	[bflag:$0x0] =	sbarrier.arrive $0xFFFF  }
0x1f: {  	s17 =	rddreg [dreg:$0xb]  }
0x20: {  	[hbm:s17], [sflag:s6] =	dma.local [spmem:s4], $0x280  }
0x21: {  	_ =	swait.ge [sflag:s15], $0x280  }
0x22: {  	s9 =	sadd.s32 $0x1, s9;
	s18 =	rddreg [dreg:$0xc]  }
0x23: {  	p0 =	sne.s32 s9, s18  }
.Ltmp1:
0x24: {  	_ = 	snop;
	(pc) =	sbr.rel @!p0 .LBB2_5-.Ltmp1, $3  }
0x25: {  	_ =	sdelay $0x1  }
0x26: {  	[sflag:s15] =	ssyncset.done $0x0  }
0x27: {  	s11 =	smov.u32 s4;
	[sflag:s15] =	ssyncadd.s32 $0xFFFFFD80  }
.LBB2_1:
0x28: {  	s8 =	rddreg [dreg:$0x5]  }
0x29: {  	s10 =	rddreg [dreg:$0xd]  }
0x2a: {  	[spmem:s10], [sflag:s6] =	dma.local [hbm:s8], $0x280  }
0x2b: {  	_ =	swait.ge [sflag:s15], $0x280  }
0x2c: {  	[sflag:s15] =	ssyncset.done $0x0  }
0x2d: {  	s16 =	rddreg [dreg:$0x6];
	[sflag:s15] =	ssyncadd.s32 $0xFFFFFD80  }
0x2e: {  	[spmem:s11], [sflag:s6] =	dma.local [hbm:s16], $0x280  }
0x2f: {  	_ =	swait.ge [sflag:s15], $0x280  }
0x30: {  	s18 =	simm.s32 $0x7280;
	[sflag:s15] =	ssyncset.done $0x0  }
0x31: {  	s10 =	simm.s32 $0x0;
	s17 =	rddreg [dreg:$0x7];
	[sflag:s15] =	ssyncadd.s32 $0xFFFFFD80  }
0x32: {  	[tilespmem:s18], [sflag:$0x11] =	stream.linear.gather [hbm4b:s17+s10], $0x1400, $0x38;
	[tilespmem:$0xAE80] =	vst v63  }
0x33: {  	_ =	swait.ge [sflag:s15], $0x1400  }
0x34: {  	[sflag:s15] =	ssyncset.done $0x0  }
0x35: {  	s12 =	simm.s32 $0x7000;
	s13 =	rddreg [dreg:$0x8];
	[sflag:s15] =	ssyncadd.s32 $0xFFFFEC00  }
0x36: {  	[tilespmem:s12], [sflag:$0x11] =	stream.linear.gather [hbm4b:s13+s10], $0x280, $0x38;
	[tilespmem:$0xAE80] =	vst v63  }
0x37: {  	_ =	swait.ge [sflag:s15], $0x280  }
0x38: {  	[sflag:s15] =	ssyncset.done $0x0  }
0x39: {  	s14 =	rddreg [dreg:$0x9];
	[sflag:s15] =	ssyncadd.s32 $0xFFFFFD80  }
0x3a: {  	[tilespmem:s10], [sflag:$0x11] =	stream.linear.gather [hbm4b:s14+s10], $0x2800, $0x38;
	[tilespmem:$0xAE80] =	vst v63  }
0x3b: {  	_ =	swait.ge [sflag:s15], $0x2800  }
0x3c: {  	[sflag:s15] =	ssyncset.done $0x0  }
0x3d: {  	s13 =	simm.s32 $0x2800;
	s16 =	rddreg [dreg:$0xa];
	[sflag:s15] =	ssyncadd.s32 $0xFFFFD800  }
0x3e: {  	[tilespmem:s13], [sflag:$0x11] =	stream.linear.gather [hbm4b:s16+s10], $0x2800, $0x38;
	[tilespmem:$0xAE80] =	vst v63  }
0x3f: {  	_ =	swait.ge [sflag:s15], $0x2800  }
0x40: {  	[sflag:s15] =	ssyncset.done $0x0  }
0x41: {  	[sflag:s15] =	ssyncadd.s32 $0xFFFFD800  }
0x42: {  	[spmem:s1] =	stream.indirect.scatter.add.f32 [tilespmem:s18], [sflag:$0x11], $0x8, s12, s20, $0xb8;
	[tilespmem:$0xAE80] =	vst v63  }
0x43: {  	_ =	swait.ge [sflag:s15], $0x400  }
0x44: {  	[sflag:s15] =	ssyncset.done $0x0  }
0x45: {  	s17 =	simm.s32 $0x7080;
	s18 =	simm.s32 $0x7680;
	[sflag:s15] =	ssyncadd.s32 $0xFFFFFC00  }
0x46: {  	[spmem:s1] =	stream.indirect.scatter.add.f32 [tilespmem:s18], [sflag:$0x11], $0x8, s17, s20, $0xb8;
	[tilespmem:$0xAE80] =	vst v63  }
0x47: {  	_ =	swait.ge [sflag:s15], $0x400  }
0x48: {  	[sflag:s15] =	ssyncset.done $0x0  }
0x49: {  	s13 =	simm.s32 $0x7A80;
	s12 =	simm.s32 $0x7100;
	[sflag:s15] =	ssyncadd.s32 $0xFFFFFC00  }
0x4a: {  	[spmem:s1] =	stream.indirect.scatter.add.f32 [tilespmem:s13], [sflag:$0x11], $0x8, s12, s20, $0xb8;
	[tilespmem:$0xAE80] =	vst v63  }
0x4b: {  	_ =	swait.ge [sflag:s15], $0x400  }
0x4c: {  	[sflag:s15] =	ssyncset.done $0x0  }
0x4d: {  	s14 =	simm.s32 $0x7180;
	s16 =	simm.s32 $0x7E80;
	[sflag:s15] =	ssyncadd.s32 $0xFFFFFC00  }
0x4e: {  	[spmem:s1] =	stream.indirect.scatter.add.f32 [tilespmem:s16], [sflag:$0x11], $0x8, s14, s20, $0xb8;
	[tilespmem:$0xAE80] =	vst v63  }
0x4f: {  	_ =	swait.ge [sflag:s15], $0x400  }
0x50: {  	[sflag:s15] =	ssyncset.done $0x0  }
0x51: {  	s17 =	simm.s32 $0x7200;
	s18 =	simm.s32 $0x8280;
	[sflag:s15] =	ssyncadd.s32 $0xFFFFFC00  }
0x52: {  	[spmem:s1] =	stream.indirect.scatter.add.f32 [tilespmem:s18], [sflag:$0x11], $0x8, s17, s20, $0xb8;
	[tilespmem:$0xAE80] =	vst v63  }
0x53: {  	_ =	swait.ge [sflag:s15], $0x400  }
0x54: {  	[sflag:s15] =	ssyncset.done $0x0  }
0x55: {  	[sflag:s15] =	ssyncadd.s32 $0xFFFFFC00  }
0x56: {  	[bflag:$0x0] =	sbarrier.arrive $0xFFFF  }
0x57: {  	[tilespmem:s30], [sflag:$0x1] =	stream.indirect.gather [spmem:s1], $0x8, s10, s20, $0xb8;
	[tilespmem:$0xAE80] =	vst v63  }
0x58: {  	_ = 	snop  }
0x59: {  	[tilespmem:s31], [sflag:$0x2] =	stream.indirect.gather [spmem:s1], $0x8, s20, s20, $0xb8;
	[tilespmem:$0xAE80] =	vst v63  }
0x5a: {  	s4 =	smov.u32 s11;
	s11 =	simm.s32 $0x5800;
	s10 =	simm.s32 $0x100  }
0x5b: {  	[tilespmem:s11], [sflag:$0x3] =	stream.indirect.gather [spmem:s1], $0x8, s10, s20, $0xb8;
	[tilespmem:$0xAE80] =	vst v63  }
0x5c: {  	s12 =	simm.s32 $0x180  }
0x5d: {  	[tilespmem:s21], [sflag:$0x4] =	stream.indirect.gather [spmem:s1], $0x8, s12, s20, $0xb8;
	[tilespmem:$0xAE80] =	vst v63  }
0x5e: {  	s13 =	simm.s32 $0x200;
	s14 =	simm.s32 $0x6000  }
0x5f: {  	[tilespmem:s14], [sflag:$0x5] =	stream.indirect.gather [spmem:s1], $0x8, s13, s20, $0xb8;
	[tilespmem:$0xAE80] =	vst v63  }
0x60: {  	s16 =	simm.s32 $0x280  }
0x61: {  	[tilespmem:s25], [sflag:$0x6] =	stream.indirect.gather [spmem:s1], $0x8, s16, s20, $0xb8;
	[tilespmem:$0xAE80] =	vst v63  }
0x62: {  	s17 =	simm.s32 $0x300  }
0x63: {  	[tilespmem:s28], [sflag:$0x7] =	stream.indirect.gather [spmem:s1], $0x8, s17, s20, $0xb8;
	[tilespmem:$0xAE80] =	vst v63  }
0x64: {  	s18 =	simm.s32 $0x380;
	s10 =	simm.s32 $0x0  }
0x65: {  	[tilespmem:s0], [sflag:$0x8] =	stream.indirect.gather [spmem:s1], $0x8, s18, s20, $0xb8;
	[tilespmem:$0xAE80] =	vst v63  }
.LBB2_2:
0x66: {  	_ =	swait.ge [sflag:s3], $0x400  }
0x67: {  	s11 =	sshra.s32 s10, $0x2;
	[sflag:s3] =	ssyncset.done $0x0  }
0x68: {  	p0 =	seq.s32 s10, $0x0;
	s12 =	sadd.s32 $0x2800, s11;
	[sflag:s3] =	ssyncadd.s32 $0xFFFFFC00  }
0x69: {  	[spmem:s2] =	stream.indirect.scatter.add.f32 [tilespmem:s30], [sflag:$0x9], $0x8, s12, s20, $0xb8;
	[tilespmem:$0xAE80] =	vst v63  }
0x6a: {  	s12 =	simm.s32 @!p0 $0x10  }
0x6b: {  	_ =	swait.ge @!p0 [sflag:s12], $0x400  }
0x6c: {  	[sflag:s12] =	ssyncset.done @!p0 $0x0  }
0x6d: {  	[sflag:s12] =	ssyncadd.s32 @!p0 $0xFFFFFC00;
	s12 =	sshra.s32 @!p0 s10, $0x2  }
0x6e: {  	s13 =	simm.s32 @!p0 $0x80;
	s17 =	simm.s32 @!p0 $0x6C00;
	s12 =	sadd.s32 @!p0 $0x380, s12  }
0x6f: {  	[tilespmem:s17], [sflag:$0x8] =	stream.indirect.gather @!p0 [spmem:s1], $0x8, s12, s13, $0xb8;
	[tilespmem:$0xAE80] =	vst v63  }
0x70: {  	_ =	swait.ge [sflag:s19], $0x400  }
0x71: {  	[sflag:s19] =	ssyncset.done $0x0  }
0x72: {  	s14 =	sadd.s32 $0x2880, s11;
	[sflag:s19] =	ssyncadd.s32 $0xFFFFFC00  }
0x73: {  	[spmem:s2] =	stream.indirect.scatter.add.f32 [tilespmem:s31], [sflag:$0xA], $0x8, s14, s20, $0xb8;
	[tilespmem:$0xAE80] =	vst v63  }
0x74: {  	_ =	swait.ge [sflag:s22], $0x400  }
0x75: {  	p0 =	seq.s32 s10, $0x9000;
	[sflag:s22] =	ssyncset.done $0x0  }
0x76: {  	s12 =	simm.s32 @p0 $0x3;
	[sflag:s22] =	ssyncadd.s32 $0xFFFFFC00  }
0x77: {  	_ =	swait.ge @p0 [sflag:s12], $0x400  }
0x78: {  	s13 =	sshra.s32 @p0 s10, $0x2;
	s18 =	simm.s32 @p0 $0x80;
	[sflag:s12] =	ssyncset.done @p0 $0x0  }
0x79: {  	s17 =	simm.s32 @p0 $0x5800;
	[sflag:s12] =	ssyncadd.s32 @p0 $0xFFFFFC00;
	s12 =	sadd.s32 @p0 $0x2900, s13  }
0x7a: {  	[spmem:s2] =	stream.indirect.scatter.add.f32 @p0 [tilespmem:s17], [sflag:$0xB], $0x8, s12, s18, $0xb8;
	[tilespmem:$0xAE80] =	vst v63  }
0x7b: {  	s12 =	simm.s32 @p0 $0xA  }
0x7c: {  	_ =	swait.ge @p0 [sflag:s12], $0x400  }
0x7d: {  	[sflag:s12] =	ssyncset.done @p0 $0x0  }
0x7e: {  	[sflag:s12] =	ssyncadd.s32 @p0 $0xFFFFFC00;
	s12 =	sshra.s32 @!p0 s10, $0x2  }
0x7f: {  	s8 =	simm.s32 @!p0 $0x5000;
	s17 =	simm.s32 @!p0 $0x80;
	s14 =	sadd.s32 @!p0 $0x400, s12  }
0x80: {  	[tilespmem:s8], [sflag:$0x1] =	stream.indirect.gather @!p0 [spmem:s1], $0x8, s14, s17, $0xb8;
	[tilespmem:$0xAE80] =	vst v63  }
0x81: {  	s8 =	simm.s32 @!p0 $0x3  }
0x82: {  	_ =	swait.ge @!p0 [sflag:s8], $0x400  }
0x83: {  	[sflag:s8] =	ssyncset.done @!p0 $0x0  }
0x84: {  	s14 =	simm.s32 @!p0 $0x5800;
	[sflag:s8] =	ssyncadd.s32 @!p0 $0xFFFFFC00;
	s8 =	sadd.s32 @!p0 $0x2900, s12  }
0x85: {  	[spmem:s2] =	stream.indirect.scatter.add.f32 @!p0 [tilespmem:s14], [sflag:$0xB], $0x8, s8, s17, $0xb8;
	[tilespmem:$0xAE80] =	vst v63  }
0x86: {  	s8 =	simm.s32 @!p0 $0xA  }
0x87: {  	_ =	swait.ge @!p0 [sflag:s8], $0x400  }
0x88: {  	[sflag:s8] =	ssyncset.done @!p0 $0x0  }
0x89: {  	s16 =	simm.s32 @!p0 $0x5400;
	[sflag:s8] =	ssyncadd.s32 @!p0 $0xFFFFFC00;
	s8 =	sadd.s32 @!p0 $0x480, s12  }
0x8a: {  	[tilespmem:s16], [sflag:$0x2] =	stream.indirect.gather @!p0 [spmem:s1], $0x8, s8, s17, $0xb8;
	[tilespmem:$0xAE80] =	vst v63  }
0x8b: {  	_ =	swait.ge [sflag:s23], $0x400  }
0x8c: {  	[sflag:s23] =	ssyncset.done $0x0  }
0x8d: {  	s16 =	sadd.s32 $0x2980, s11;
	[sflag:s23] =	ssyncadd.s32 $0xFFFFFC00  }
0x8e: {  	[spmem:s2] =	stream.indirect.scatter.add.f32 [tilespmem:s21], [sflag:$0xC], $0x8, s16, s20, $0xb8;
	[tilespmem:$0xAE80] =	vst v63  }
0x8f: {  	_ =	swait.ge [sflag:s24], $0x400  }
0x90: {  	[sflag:s24] =	ssyncset.done $0x0  }
0x91: {  	s8 =	simm.s32 @p0 $0x5;
	[sflag:s24] =	ssyncadd.s32 $0xFFFFFC00  }
0x92: {  	_ =	swait.ge @p0 [sflag:s8], $0x400  }
0x93: {  	[sflag:s8] =	ssyncset.done @p0 $0x0  }
0x94: {  	s16 =	simm.s32 @p0 $0x6000;
	[sflag:s8] =	ssyncadd.s32 @p0 $0xFFFFFC00;
	s8 =	sadd.s32 @p0 $0x2A00, s13  }
0x95: {  	[spmem:s2] =	stream.indirect.scatter.add.f32 @p0 [tilespmem:s16], [sflag:$0xD], $0x8, s8, s18, $0xb8;
	[tilespmem:$0xAE80] =	vst v63  }
0x96: {  	s8 =	simm.s32 @p0 $0xC  }
0x97: {  	_ =	swait.ge @p0 [sflag:s8], $0x400  }
0x98: {  	[sflag:s8] =	ssyncset.done @p0 $0x0  }
0x99: {  	[sflag:s8] =	ssyncadd.s32 @p0 $0xFFFFFC00;
	s8 =	sadd.s32 @!p0 $0x500, s12  }
0x9a: {  	[tilespmem:s14], [sflag:$0x3] =	stream.indirect.gather @!p0 [spmem:s1], $0x8, s8, s17, $0xb8;
	[tilespmem:$0xAE80] =	vst v63  }
0x9b: {  	s8 =	simm.s32 @!p0 $0x5  }
0x9c: {  	_ =	swait.ge @!p0 [sflag:s8], $0x400  }
0x9d: {  	[sflag:s8] =	ssyncset.done @!p0 $0x0  }
0x9e: {  	s14 =	simm.s32 @!p0 $0x6000;
	[sflag:s8] =	ssyncadd.s32 @!p0 $0xFFFFFC00;
	s8 =	sadd.s32 @!p0 $0x2A00, s12  }
0x9f: {  	[spmem:s2] =	stream.indirect.scatter.add.f32 @!p0 [tilespmem:s14], [sflag:$0xD], $0x8, s8, s17, $0xb8;
	[tilespmem:$0xAE80] =	vst v63  }
0xa0: {  	s8 =	simm.s32 @!p0 $0xC  }
0xa1: {  	_ =	swait.ge @!p0 [sflag:s8], $0x400  }
0xa2: {  	[sflag:s8] =	ssyncset.done @!p0 $0x0  }
0xa3: {  	s16 =	simm.s32 @!p0 $0x5C00;
	[sflag:s8] =	ssyncadd.s32 @!p0 $0xFFFFFC00;
	s8 =	sadd.s32 @!p0 $0x580, s12  }
0xa4: {  	[tilespmem:s16], [sflag:$0x4] =	stream.indirect.gather @!p0 [spmem:s1], $0x8, s8, s17, $0xb8;
	[tilespmem:$0xAE80] =	vst v63  }
0xa5: {  	_ =	swait.ge [sflag:s26], $0x400  }
0xa6: {  	[sflag:s26] =	ssyncset.done $0x0  }
0xa7: {  	s16 =	sadd.s32 $0x2A80, s11;
	[sflag:s26] =	ssyncadd.s32 $0xFFFFFC00  }
0xa8: {  	[spmem:s2] =	stream.indirect.scatter.add.f32 [tilespmem:s25], [sflag:$0xE], $0x8, s16, s20, $0xb8;
	[tilespmem:$0xAE80] =	vst v63  }
0xa9: {  	_ =	swait.ge [sflag:s29], $0x400  }
0xaa: {  	[sflag:s29] =	ssyncset.done $0x0  }
0xab: {  	s8 =	simm.s32 @p0 $0x7;
	[sflag:s29] =	ssyncadd.s32 $0xFFFFFC00  }
0xac: {  	_ =	swait.ge @p0 [sflag:s8], $0x400  }
0xad: {  	[sflag:s8] =	ssyncset.done @p0 $0x0  }
0xae: {  	[sflag:s8] =	ssyncadd.s32 @p0 $0xFFFFFC00;
	s8 =	sadd.s32 @p0 $0x2B00, s13;
	s13 =	simm.s32 @p0 $0x6800  }
0xaf: {  	[spmem:s2] =	stream.indirect.scatter.add.f32 @p0 [tilespmem:s13], [sflag:$0xF], $0x8, s8, s18, $0xb8;
	[tilespmem:$0xAE80] =	vst v63  }
0xb0: {  	s8 =	simm.s32 @p0 $0xE  }
0xb1: {  	_ =	swait.ge @p0 [sflag:s8], $0x400  }
0xb2: {  	[sflag:s8] =	ssyncset.done @p0 $0x0  }
0xb3: {  	[sflag:s8] =	ssyncadd.s32 @p0 $0xFFFFFC00;
	s8 =	sadd.s32 @!p0 $0x600, s12  }
0xb4: {  	[tilespmem:s14], [sflag:$0x5] =	stream.indirect.gather @!p0 [spmem:s1], $0x8, s8, s17, $0xb8;
	[tilespmem:$0xAE80] =	vst v63  }
0xb5: {  	s8 =	simm.s32 @!p0 $0x7  }
0xb6: {  	_ =	swait.ge @!p0 [sflag:s8], $0x400  }
0xb7: {  	[sflag:s8] =	ssyncset.done @!p0 $0x0  }
0xb8: {  	s13 =	simm.s32 @!p0 $0x6800;
	[sflag:s8] =	ssyncadd.s32 @!p0 $0xFFFFFC00;
	s8 =	sadd.s32 @!p0 $0x2B00, s12  }
0xb9: {  	[spmem:s2] =	stream.indirect.scatter.add.f32 @!p0 [tilespmem:s13], [sflag:$0xF], $0x8, s8, s17, $0xb8;
	[tilespmem:$0xAE80] =	vst v63  }
0xba: {  	s8 =	simm.s32 @!p0 $0xE  }
0xbb: {  	_ =	swait.ge @!p0 [sflag:s8], $0x400  }
0xbc: {  	[sflag:s8] =	ssyncset.done @!p0 $0x0  }
0xbd: {  	[sflag:s8] =	ssyncadd.s32 @!p0 $0xFFFFFC00;
	s8 =	sadd.s32 @!p0 $0x680, s12;
	s12 =	simm.s32 @!p0 $0x6400  }
0xbe: {  	[tilespmem:s12], [sflag:$0x6] =	stream.indirect.gather @!p0 [spmem:s1], $0x8, s8, s17, $0xb8;
	[tilespmem:$0xAE80] =	vst v63  }
0xbf: {  	_ =	swait.ge [sflag:s5], $0x400  }
0xc0: {  	[sflag:s5] =	ssyncset.done $0x0  }
.Ltmp2:
0xc1: {  	s18 =	sadd.s32 $0x2B80, s11;
	[sflag:s5] =	ssyncadd.s32 $0xFFFFFC00;
	(pc) =	sbr.rel @p0 .LBB2_4-.Ltmp2, $4  }
0xc2: {  	[spmem:s2] =	stream.indirect.scatter.add.f32 [tilespmem:s0], [sflag:$0x10], $0x8, s18, s20, $0xb8;
	[tilespmem:$0xAE80] =	vst v63  }
0xc3: {  	_ =	swait.ge [sflag:s7], $0x400  }
0xc4: {  	[sflag:s7] =	ssyncset.done $0x0  }
0xc5: {  	[sflag:s7] =	ssyncadd.s32 $0xFFFFFC00  }
.Ltmp3:
0xc6: {  	(pc) =	sbr.rel .LBB2_2-.Ltmp3, $3  }
0xc7: {  	_ =	sdelay $0x1  }
0xc8: {  	s8 =	sadd.s32 $0x700, s11;
	s10 =	sadd.s32 $0x1000, s10  }
0xc9: {  	[tilespmem:s28], [sflag:$0x7] =	stream.indirect.gather [spmem:s1], $0x8, s8, s20, $0xb8;
	[tilespmem:$0xAE80] =	vst v63  }
.LBB2_5:
0xca: {  	_ =	sfence.sel $0x180000  }
0xcb: {  	[bflag:$0x0] =	sbarrier.arrive $0xFFFF  }
0xcc: {  	_ =	strace $0x9000004D  }
0xcd: {  	s0 =	stileid.u32;
	[bflag:$0x2] =	sbarrier.arrive $0xFFFF  }
0xce: {  	p0 =	sne.s32 s0, $0x0;
	s0 =	rddreg [dreg:$0x4]  }
0xcf: {  	s0 =	sadd.s32 @!p0 $0x100000, s0  }
0xd0: {  	[sflag:s0] =	ssyncadd.tile.s32 @!p0 $0x1;
	_ =	shalt  }
.Lfunc_end2:
_tile_overlayer_lowered:
.L_overlay_start_2:
0xd1: {  	(tag) =	ssettag $0x2  }
0xd2: {  	s0 =	rddreg [dreg:$0x0];
	s2 =	stileid.u32  }
0xd3: {  	s1 =	rddreg [dreg:$0x1];
	p0 =	sne.s32 s2, $0x0  }
0xd4: {  	s3 =	rddreg [dreg:$0x2];
	[bflag:$0x3] =	sbarrier.arrive $0xFFFF;
	s2 =	simm.s32 @!p0 $0x1C11  }
0xd5: {  	[timem:s3], [sflag:s2] =	dma.local @!p0 [hbm:s0], s1  }
0xd6: {  	s0 =	simm.s32 @!p0 $0x11  }
0xd7: {  	_ =	swait.ge @!p0 [sflag:s0], s1  }
0xd8: {  	s1 =	ssub.s32 @!p0 $0x0, s1;
	[sflag:s0] =	ssyncset.done @!p0 $0x0  }
0xd9: {  	[sflag:s0] =	ssyncadd.s32 @!p0 s1  }
0xda: {  	[bflag:$0x3] =	sbarrier.arrive $0xFFFF  }
0xdb: {  	_ =	shalt  }

// kernel: kernel.7.cloned.1.call-start
scs
__scs_entry_jumppad:
0x0: {  	(pc) =	sbr.rel $0x88, $3  }
0x1: {  	(tag) =	ssettag $0x0;
	lr =	simm.s32 $0x1  }
0x2: {  	[smem:$0x3F9C] =	sst lr;
	_ =	strace $0xD0000000  }
0x3: {  	_ = 	snop  }
0x4: {  	_ = 	snop  }
0x5: {  	_ = 	snop  }
0x6: {  	_ = 	snop  }
0x7: {  	_ = 	snop  }
__scs_overlays_trampoline_lowered:
0x8: {  	[smem:$0x3FAB] =	sst s0  }
0x9: {  	[smem:$0x3FAC] =	sst s1  }
0xa: {  	[smem:$0x3FAD] =	sst s2  }
0xb: {  	[smem:$0x3FAE] =	sst s3  }
0xc: {  	[smem:$0x3FAF] =	sst s4  }
0xd: {  	[smem:$0x3FB0] =	sst s5  }
0xe: {  	[smem:$0x3FB1] =	sst s6  }
0xf: {  	[smem:$0x3FB2] =	sst s7  }
0x10: {  	[smem:$0x3FB3] =	sst s8  }
0x11: {  	[smem:$0x3FB4] =	sst s9;
	s0 =	simm.s32 @!p0 $0x0  }
0x12: {  	s1 =	sld [smem:$0x3F9A];
	s0 =	simm.s32 @p0 $0x1  }
0x13: {  	[smem:$0x3FB5] =	sst s0;
	s0 =	simm.s32 @!p1 $0x0  }
0x14: {  	s2 =	sld [smem:$0x3F99];
	s0 =	simm.s32 @p1 $0x1  }
0x15: {  	[smem:$0x3FB6] =	sst s0;
	s0 =	simm.s32 @!p2 $0x0  }
0x16: {  	s3 =	sld [smem:$0x3FDB];
	s0 =	simm.s32 @p2 $0x1  }
0x17: {  	s4 =	simm.s32 $0x1BF5;
	[smem:$0x3FB8] =	sst s0  }
0x18: {  	s0 =	sld [smem:$0x3F9B];
	_ =	swait.ge [sflag:s4], $0x0  }
0x19: {  	s7 =	sld [smem:$0x3F9C]  }
0x1a: {  	s8 =	sadd.s32 $0xFFFFE003, lr  }
0x1b: {  	s9 =	sadd.s32 $0xFFFFFEF7, lr;
	s5 =	simm.s32 $0xFFFFFFFF;
	p2 =	slt.u32 s8, $0xFFFFF086  }
0x1c: {  	p1 =	slt.u32 s9, $0xF7A;
	s5 =	simm.s32 @!p2 $0x0  }
0x1d: {  	s5 =	simm.s32 @p1 $0x1;
	p0 =	seq.s32 s7, s2  }
0x1e: {  	s7 =	smul.u32 @!p0 $0xF7A, s2;
	p2 =	seq.s32 @!p0 s5, $0x0  }
0x1f: {  	s9 =	smul.u32 $0xF7A, s1;
	s8 =	simm.s32 @!p0 $0x1BF5;
	p2 =	por !p2, p0  }
0x20: {  	[sflag:s8] =	ssyncset.s32 @!p0 $0xFFFFF086;
	s6 =	sadd.s32 @!p0 s3, s7;
	s7 =	simm.s32 @!p0 $0x108  }
0x21: {  	s3 =	sadd.s32 s3, s9;
	s6 =	sadd.s32 @!p0 $0x88, s6;
	s7 =	simm.s32 @p2 $0x1082  }
0x22: {  	[simem:s7], [sflag:s8] =	dma.local @!p0 [hbm:s6], $0xF7A  }
0x23: {  	s9 =	sor.u32 $0xD0000000, s2;
	s6 =	simm.s32 $0x108;
	_ =	swait.ge @!p0 [sflag:s8], $0x0  }
0x24: {  	s3 =	sadd.s32 $0x88, s3;
	s6 =	simm.s32 @!p1 $0x1082;
	[sflag:s4] =	ssyncset.s32 $0xFFFFF086  }
0x25: {  	[simem:s6], [sflag:s4] =	dma.local [hbm:s3], $0xF7A  }
0x26: {  	[smem:$0x3F9C] =	sst s1;
	(tag) =	ssettag s2;
	_ =	strace s9  }
0x27: {  	s1 =	sld [smem:$0x3FAC]  }
0x28: {  	s2 =	sld [smem:$0x3FAD]  }
0x29: {  	s4 =	sld [smem:$0x3FAF]  }
0x2a: {  	p0 =	seq.s32 s5, $0x0;
	s5 =	sld [smem:$0x3FB0]  }
0x2b: {  	s6 =	sld [smem:$0x3FB1]  }
0x2c: {  	s7 =	sld [smem:$0x3FB2]  }
0x2d: {  	s3 =	simm.s32 $0x108;
	s8 =	sld [smem:$0x3FB3]  }
0x2e: {  	s3 =	simm.s32 @!p0 $0x1082;
	s9 =	sld [smem:$0x3FB4]  }
0x2f: {  	lr =	sadd.s32 s0, s3;
	s0 =	sld [smem:$0x3FAB]  }
0x30: {  	s3 =	sld [smem:$0x3FAE]  }
0x31: {  	[smem:$0x3FB7] =	sst s10  }
0x32: {  	s10 =	sld [smem:$0x3FB5];
	_ =	sdelay $0x3  }
0x33: {  	p0 =	seq.s32 s10, $0x1;
	s10 =	sld [smem:$0x3FB7];
	_ =	sdelay $0x3  }
0x34: {  	[smem:$0x3FB7] =	sst s10  }
0x35: {  	s10 =	sld [smem:$0x3FB6];
	_ =	sdelay $0x3  }
0x36: {  	p1 =	seq.s32 s10, $0x1;
	s10 =	sld [smem:$0x3FB7];
	_ =	sdelay $0x3  }
0x37: {  	[smem:$0x3FB7] =	sst s10  }
0x38: {  	s10 =	sld [smem:$0x3FB8]  }
0x39: {  	_ = 	snop;
	(pc) =	sbr.ind lr, $3  }
0x3a: {  	_ = 	snop  }
0x3b: {  	_ = 	snop  }
0x3c: {  	p2 =	seq.s32 s10, $0x1;
	s10 =	sld [smem:$0x3FB7]  }
0x3d: {  	_ =	shalt  }
0x3e: {  	_ =	shalt  }
0x3f: {  	_ =	shalt  }
0x40: {  	_ =	shalt  }
0x41: {  	_ =	shalt  }
0x42: {  	_ =	shalt  }
0x43: {  	_ =	shalt  }
0x44: {  	_ =	shalt  }
0x45: {  	_ =	shalt  }
0x46: {  	_ =	shalt  }
0x47: {  	_ =	shalt  }
0x48: {  	_ =	shalt  }
0x49: {  	_ =	shalt  }
0x4a: {  	_ =	shalt  }
0x4b: {  	_ =	shalt  }
0x4c: {  	_ =	shalt  }
0x4d: {  	_ =	shalt  }
0x4e: {  	_ =	shalt  }
0x4f: {  	_ =	shalt  }
0x50: {  	_ =	shalt  }
0x51: {  	_ =	shalt  }
0x52: {  	_ =	shalt  }
0x53: {  	_ =	shalt  }
0x54: {  	_ =	shalt  }
0x55: {  	_ =	shalt  }
0x56: {  	_ =	shalt  }
0x57: {  	_ =	shalt  }
0x58: {  	_ =	shalt  }
0x59: {  	_ =	shalt  }
0x5a: {  	_ =	shalt  }
0x5b: {  	_ =	shalt  }
0x5c: {  	_ =	shalt  }
0x5d: {  	_ =	shalt  }
0x5e: {  	_ =	shalt  }
0x5f: {  	_ =	shalt  }
0x60: {  	_ =	shalt  }
0x61: {  	_ =	shalt  }
0x62: {  	_ =	shalt  }
0x63: {  	_ =	shalt  }
0x64: {  	_ =	shalt  }
0x65: {  	_ =	shalt  }
0x66: {  	_ =	shalt  }
0x67: {  	_ =	shalt  }
0x68: {  	_ =	shalt  }
0x69: {  	_ =	shalt  }
0x6a: {  	_ =	shalt  }
0x6b: {  	_ =	shalt  }
0x6c: {  	_ =	shalt  }
0x6d: {  	_ =	shalt  }
0x6e: {  	_ =	shalt  }
0x6f: {  	_ =	shalt  }
0x70: {  	_ =	shalt  }
0x71: {  	_ =	shalt  }
0x72: {  	_ =	shalt  }
0x73: {  	_ =	shalt  }
0x74: {  	_ =	shalt  }
0x75: {  	_ =	shalt  }
0x76: {  	_ =	shalt  }
0x77: {  	_ =	shalt  }
0x78: {  	_ =	shalt  }
0x79: {  	_ =	shalt  }
0x7a: {  	_ =	shalt  }
0x7b: {  	_ =	shalt  }
0x7c: {  	_ =	shalt  }
0x7d: {  	_ =	shalt  }
0x7e: {  	_ =	shalt  }
0x7f: {  	_ =	shalt  }
0x80: {  	_ =	shalt  }
0x81: {  	_ =	shalt  }
0x82: {  	_ =	shalt  }
0x83: {  	_ =	shalt  }
0x84: {  	_ =	shalt  }
0x85: {  	_ =	shalt  }
0x86: {  	_ =	shalt  }
0x87: {  	_ =	shalt  }
.Lfunc_end0:
.L_simem_size_0:
called_computation_lowered:
.L_overlay_start_0:
0x88: {  	s2 =	sld [smem:$0x3FD9]  }
0x89: {  	s3 =	sld [smem:$0x3FFE];
	_ =	sdelay $0x1  }
0x8a: {  	s1 =	srdreg.scid  }
0x8b: {  	s0 =	sand.u32 $0x1, s1  }
0x8c: {  	s17 =	sshll.u32 s0, $0xA;
	s2 =	sadd.s32 s3, s2  }
0x8d: {  	s2 =	sadd.s32 s2, s17  }
0x8e: {  	[smem:$0x3FC3] =	sst s2  }
0x8f: {  	_ = 	snop  }
0x90: {  	s2 =	sld [smem:$0x3FD0];
	(tm) =	ssettm $0x1  }
0x91: {  	s18 =	sld [smem:$0x3FFB];
	_ =	sdelay $0x3  }
0x92: {  	_ =	strace s18  }
0x93: {  	s3 =	sld [smem:$0x3FFC];
	_ =	sdelay $0x3  }
0x94: {  	_ =	strace s3  }
0x95: {  	s3 =	sld [smem:$0x3FFD];
	_ =	sdelay $0x3  }
0x96: {  	_ =	strace s3  }
0x97: {  	_ =	strace $0x8FFFFFFF  }
0x98: {  	s19 =	sld [smem:$0x3FDB];
	_ =	sdelay $0x1  }
0x99: {  	s4 =	simm.s32 $_scs_section_size  }
0x9a: {  	s5 =	simm.s32 $_size__tile_overlayer_lowered;
	s6 =	simm.s32 $_tile_overlayer_lowered  }
0x9b: {  	s22 =	simm.s32 $0x1BFF;
	s21 =	sshll.u32 s6, $0x1;
	s3 =	sadd.s32 s4, s19  }
0x9c: {  	s7 =	simm.s32 $0x0;
	s20 =	sshll.u32 s5, $0x1;
	s5 =	sadd.s32 s21, s3  }
0x9d: {  	[timem:s7], [sflag:s22] =	dma.local [hbm:s5], s20  }
0x9e: {  	_ =	swait.ge [sflag:s22], s20  }
0x9f: {  	s4 =	ssub.s32 $0x0, s20;
	[sflag:s22] =	ssyncset.done $0x0  }
0xa0: {  	[sflag:s22] =	ssyncadd.s32 s4;
	_ =	sdelay $0x1  }
0xa1: {  	s23 =	simm.s32 $0x1B8B  }
0xa2: {  	_ =	swait.ge [sflag:s23], $0x1  }
0xa3: {  	[sflag:s23] =	ssyncset.done $0x0  }
0xa4: {  	s25 =	simm.s32 $0x1B8E;
	s24 =	sld [smem:$0x3FFE];
	[sflag:s23] =	ssyncadd.s32 $0xFFFFFFFF  }
0xa5: {  	s26 =	simm.s32 $execute0_lowered;
	[smem:$0x3FD2] =	sst s25  }
0xa6: {  	s5 =	sshll.u32 s26, $0x1;
	_ =	strace $0x80000046;
	[dreg:$0x1] =	wrdreg $0xFFFFFFFF  }
0xa7: {  	s28 =	simm.s32 $_size_execute0_lowered;
	s3 =	sadd.s32 s3, s5;
	[dreg:$0x0] =	wrdreg $0x0  }
0xa8: {  	s5 =	sshll.u32 s28, $0x1;
	[dreg:$0x2] =	wrdreg s3  }
0xa9: {  	[dreg:$0x3] =	wrdreg s5  }
0xaa: {  	[dreg:$0x4] =	wrdreg $0xC0  }
0xab: {  	_ =	task [dreg:s7], $0x5FFFF  }
0xac: {  	[dreg:$0x1] =	wrdreg $0xFFFFFFFF  }
0xad: {  	[dreg:$0x0] =	wrdreg $0x60  }
0xae: {  	[dreg:$0x2] =	wrdreg s24  }
0xaf: {  	[dreg:$0x3] =	wrdreg s2  }
0xb0: {  	[dreg:$0x4] =	wrdreg $0x86800  }
0xb1: {  	[dreg:$0x5] =	wrdreg $0x9A800  }
0xb2: {  	[dreg:$0x6] =	wrdreg $0x9  }
0xb3: {  	_ =	task.clear_ibuf [dreg:s7], $0x7FFFF;
	_ =	strace $0x90000046  }
0xb4: {  	s29 =	simm.s32 $0x9;
	_ =	strace $0x80000048  }
0xb5: {  	_ =	swait.ge [sflag:s29], $0x1  }
0xb6: {  	[sflag:s29] =	ssyncadd.s32 $0xFFFFFFFF  }
0xb7: {  	_ =	strace $0x90000048  }
0xb8: {  	_ =	sfence  }
0xb9: {  	s30 =	sld [smem:$0x0];
	_ =	sdelay $0x2  }
0xba: {  	s31 =	sshll.u32 s1, $0xD;
	s1 =	sshrl.u32 s1, $0x2  }
0xbb: {  	s3 =	sand.u32 $0x4000, s31;
	s1 =	sadd.s32 s1, s30  }
0xbc: {  	s0 =	sor.u32 s3, s0;
	s1 =	sshll.u32 s1, $0x11  }
0xbd: {  	s0 =	sor.u32 s1, s0  }
0xbe: {  	s0 =	sadd.s32 $0x8F2B, s0  }
0xbf: {  	[sflag:s0] =	ssyncadd.remote.s32 $0x1  }
0xc0: {  	_ =	sfence.sel $0xFFFF  }
0xc1: {  	[dreg:$0x0] =	wrdreg $0xFFFFFFFF;
	(pc) =	sbr.abs _section_cstart, $3  }
0xc2: {  	[dreg:$0x1] =	wrdreg $0xFFFFFFFF  }
0xc3: {  	_ =	task.clear_ibuf [dreg:s7], $0x2FFFF;
	_ =	strace $0x9FFFFFFF  }
0xc4: {  	(tm) =	ssettm $0x7FFFFFFF  }
0xc5: {  	_ =	shalt  }
tec
execute0_lowered:
.L_overlay_start_1:
0x0: {  	(tag) =	ssettag $0x1  }
0x1: {  	s0 =	rddreg [dreg:$0x0]  }
0x2: {  	s3 =	rddreg [dreg:$0x1]  }
0x3: {  	s1 =	rddreg [dreg:$0x2]  }
0x4: {  	s2 =	rddreg [dreg:$0x3]  }
0x5: {  	s4 =	srdreg.scid;
	s18 =	simm.s32 $0x0;
	s12 =	stileid.u32  }
0x6: {  	s15 =	simm.s32 $0x11;
	s30 =	simm.s32 $0x5000;
	s31 =	simm.s32 $0x5400  }
0x7: {  	s28 =	simm.s32 $0x6800;
	s29 =	simm.s32 $0xD;
	s7 =	smul.u32 $0x1400, s12  }
0x8: {  	s5 =	sand.u32 $0x1, s4;
	[smem:$0x7FF] =	sst s18;
	s9 =	smul.u32 $0x280, s12  }
0x9: {  	s20 =	sshll.u32 s12, $0x6;
	s6 =	sshll.u32 s5, $0x4;
	_ =	strace $0x80000047  }
0xa: {  	s10 =	ssub.s32 $0x2, s5;
	s5 =	smul.u32 $0x2800, s5;
	s6 =	sor.u32 s12, s6  }
0xb: {  	s8 =	sshrl.u32 s7, $0x3;
	s19 =	sshrl.u32 s10, $0x1;
	s21 =	sadd.s32 s7, s1  }
0xc: {  	s7 =	sadd.s32 s7, s2;
	s6 =	smul.u32 $0x500, s6;
	s8 =	sadd.s32 s8, s0  }
0xd: {  	s10 =	ssub.s32 s10, s19;
	s26 =	sshrl.u32 s21, $0x3;
	s21 =	simm.s32 $0x5C00  }
0xe: {  	s19 =	simm.s32 $0x2;
	s13 =	sadd.s32 $0x14A00, s8;
	[dreg:$0xd] =	wrdreg s26  }
0xf: {  	s22 =	sadd.s32 $0x19A00, s8;
	s8 =	sadd.s32 $0x17200, s8;
	[dreg:$0x5] =	wrdreg s13  }
0x10: {  	s25 =	smax.u32 s10, $0x1;
	s26 =	simm.s32 $0x6;
	[dreg:$0x6] =	wrdreg s22  }
0x11: {  	s11 =	sadd.s32 s6, s0;
	s0 =	sadd.s32 s9, s0;
	[dreg:$0x7] =	wrdreg s8  }
0x12: {  	s6 =	sor.u32 $0x1C11, s20;
	s9 =	sshrl.u32 s9, $0x3;
	[dreg:$0xc] =	wrdreg s25  }
0x13: {  	s20 =	simm.s32 $0x80;
	s25 =	simm.s32 $0x6400;
	s22 =	simm.s32 $0x9  }
0x14: {  	s3 =	sadd.s32 s3, s9;
	s23 =	sadd.s32 $0xAA00, s11;
	s24 =	sadd.s32 $0xA00, s11  }
.Ltmp0:
0x15: {  	s0 =	sadd.s32 s5, s0;
	[dreg:$0x8] =	wrdreg s3;
	(pc) =	sbr.rel .LBB2_1-.Ltmp0, $4  }
0x16: {  	s11 =	sshrl.u32 s7, $0x3;
	s5 =	simm.s32 $0x8;
	[dreg:$0x9] =	wrdreg s23  }
0x17: {  	s7 =	simm.s32 $0xF;
	s9 =	simm.s32 $0x0;
	[dreg:$0xa] =	wrdreg s24  }
0x18: {  	s0 =	sadd.s32 $0x1C200, s0;
	s3 =	simm.s32 $0x1;
	s23 =	simm.s32 $0x4  }
0x19: {  	s24 =	simm.s32 $0xB;
	[dreg:$0xb] =	wrdreg s0;
	s0 =	simm.s32 $0x6C00  }
.LBB2_4:
0x1a: {  	s8 =	simm.s32 $0x10  }
0x1b: {  	_ =	swait.ge [sflag:s8], $0x400  }
0x1c: {  	[sflag:s8] =	ssyncset.done $0x0  }
0x1d: {  	[sflag:s8] =	ssyncadd.s32 $0xFFFFFC00  }
0x1e: {  	[bflag:$0x0] =	sbarrier.arrive $0xFFFF  }
0x1f: {  	s17 =	rddreg [dreg:$0xb]  }
0x20: {  	[hbm:s17], [sflag:s6] =	dma.local [spmem:s4], $0x280  }
0x21: {  	_ =	swait.ge [sflag:s15], $0x280  }
0x22: {  	s9 =	sadd.s32 $0x1, s9;
	s18 =	rddreg [dreg:$0xc]  }
0x23: {  	p0 =	sne.s32 s9, s18  }
.Ltmp1:
0x24: {  	_ = 	snop;
	(pc) =	sbr.rel @!p0 .LBB2_5-.Ltmp1, $3  }
0x25: {  	_ =	sdelay $0x1  }
0x26: {  	[sflag:s15] =	ssyncset.done $0x0  }
0x27: {  	s11 =	smov.u32 s4;
	[sflag:s15] =	ssyncadd.s32 $0xFFFFFD80  }
.LBB2_1:
0x28: {  	s8 =	rddreg [dreg:$0x5]  }
0x29: {  	s10 =	rddreg [dreg:$0xd]  }
0x2a: {  	[spmem:s10], [sflag:s6] =	dma.local [hbm:s8], $0x280  }
0x2b: {  	_ =	swait.ge [sflag:s15], $0x280  }
0x2c: {  	[sflag:s15] =	ssyncset.done $0x0  }
0x2d: {  	s16 =	rddreg [dreg:$0x6];
	[sflag:s15] =	ssyncadd.s32 $0xFFFFFD80  }
0x2e: {  	[spmem:s11], [sflag:s6] =	dma.local [hbm:s16], $0x280  }
0x2f: {  	_ =	swait.ge [sflag:s15], $0x280  }
0x30: {  	s18 =	simm.s32 $0x7280;
	[sflag:s15] =	ssyncset.done $0x0  }
0x31: {  	s10 =	simm.s32 $0x0;
	s17 =	rddreg [dreg:$0x7];
	[sflag:s15] =	ssyncadd.s32 $0xFFFFFD80  }
0x32: {  	[tilespmem:s18], [sflag:$0x11] =	stream.linear.gather [hbm4b:s17+s10], $0x1400, $0x38;
	[tilespmem:$0xAE80] =	vst v63  }
0x33: {  	_ =	swait.ge [sflag:s15], $0x1400  }
0x34: {  	[sflag:s15] =	ssyncset.done $0x0  }
0x35: {  	s12 =	simm.s32 $0x7000;
	s13 =	rddreg [dreg:$0x8];
	[sflag:s15] =	ssyncadd.s32 $0xFFFFEC00  }
0x36: {  	[tilespmem:s12], [sflag:$0x11] =	stream.linear.gather [hbm4b:s13+s10], $0x280, $0x38;
	[tilespmem:$0xAE80] =	vst v63  }
0x37: {  	_ =	swait.ge [sflag:s15], $0x280  }
0x38: {  	[sflag:s15] =	ssyncset.done $0x0  }
0x39: {  	s14 =	rddreg [dreg:$0x9];
	[sflag:s15] =	ssyncadd.s32 $0xFFFFFD80  }
0x3a: {  	[tilespmem:s10], [sflag:$0x11] =	stream.linear.gather [hbm4b:s14+s10], $0x2800, $0x38;
	[tilespmem:$0xAE80] =	vst v63  }
0x3b: {  	_ =	swait.ge [sflag:s15], $0x2800  }
0x3c: {  	[sflag:s15] =	ssyncset.done $0x0  }
0x3d: {  	s13 =	simm.s32 $0x2800;
	s16 =	rddreg [dreg:$0xa];
	[sflag:s15] =	ssyncadd.s32 $0xFFFFD800  }
0x3e: {  	[tilespmem:s13], [sflag:$0x11] =	stream.linear.gather [hbm4b:s16+s10], $0x2800, $0x38;
	[tilespmem:$0xAE80] =	vst v63  }
0x3f: {  	_ =	swait.ge [sflag:s15], $0x2800  }
0x40: {  	[sflag:s15] =	ssyncset.done $0x0  }
0x41: {  	[sflag:s15] =	ssyncadd.s32 $0xFFFFD800  }
0x42: {  	[spmem:s1] =	stream.indirect.scatter.add.f32 [tilespmem:s18], [sflag:$0x11], $0x8, s12, s20, $0xb8;
	[tilespmem:$0xAE80] =	vst v63  }
0x43: {  	_ =	swait.ge [sflag:s15], $0x400  }
0x44: {  	[sflag:s15] =	ssyncset.done $0x0  }
0x45: {  	s17 =	simm.s32 $0x7080;
	s18 =	simm.s32 $0x7680;
	[sflag:s15] =	ssyncadd.s32 $0xFFFFFC00  }
0x46: {  	[spmem:s1] =	stream.indirect.scatter.add.f32 [tilespmem:s18], [sflag:$0x11], $0x8, s17, s20, $0xb8;
	[tilespmem:$0xAE80] =	vst v63  }
0x47: {  	_ =	swait.ge [sflag:s15], $0x400  }
0x48: {  	[sflag:s15] =	ssyncset.done $0x0  }
0x49: {  	s13 =	simm.s32 $0x7A80;
	s12 =	simm.s32 $0x7100;
	[sflag:s15] =	ssyncadd.s32 $0xFFFFFC00  }
0x4a: {  	[spmem:s1] =	stream.indirect.scatter.add.f32 [tilespmem:s13], [sflag:$0x11], $0x8, s12, s20, $0xb8;
	[tilespmem:$0xAE80] =	vst v63  }
0x4b: {  	_ =	swait.ge [sflag:s15], $0x400  }
0x4c: {  	[sflag:s15] =	ssyncset.done $0x0  }
0x4d: {  	s14 =	simm.s32 $0x7180;
	s16 =	simm.s32 $0x7E80;
	[sflag:s15] =	ssyncadd.s32 $0xFFFFFC00  }
0x4e: {  	[spmem:s1] =	stream.indirect.scatter.add.f32 [tilespmem:s16], [sflag:$0x11], $0x8, s14, s20, $0xb8;
	[tilespmem:$0xAE80] =	vst v63  }
0x4f: {  	_ =	swait.ge [sflag:s15], $0x400  }
0x50: {  	[sflag:s15] =	ssyncset.done $0x0  }
0x51: {  	s17 =	simm.s32 $0x7200;
	s18 =	simm.s32 $0x8280;
	[sflag:s15] =	ssyncadd.s32 $0xFFFFFC00  }
0x52: {  	[spmem:s1] =	stream.indirect.scatter.add.f32 [tilespmem:s18], [sflag:$0x11], $0x8, s17, s20, $0xb8;
	[tilespmem:$0xAE80] =	vst v63  }
0x53: {  	_ =	swait.ge [sflag:s15], $0x400  }
0x54: {  	[sflag:s15] =	ssyncset.done $0x0  }
0x55: {  	[sflag:s15] =	ssyncadd.s32 $0xFFFFFC00  }
0x56: {  	[bflag:$0x0] =	sbarrier.arrive $0xFFFF  }
0x57: {  	[tilespmem:s30], [sflag:$0x1] =	stream.indirect.gather [spmem:s1], $0x8, s10, s20, $0xb8;
	[tilespmem:$0xAE80] =	vst v63  }
0x58: {  	_ = 	snop  }
0x59: {  	[tilespmem:s31], [sflag:$0x2] =	stream.indirect.gather [spmem:s1], $0x8, s20, s20, $0xb8;
	[tilespmem:$0xAE80] =	vst v63  }
0x5a: {  	s4 =	smov.u32 s11;
	s11 =	simm.s32 $0x5800;
	s10 =	simm.s32 $0x100  }
0x5b: {  	[tilespmem:s11], [sflag:$0x3] =	stream.indirect.gather [spmem:s1], $0x8, s10, s20, $0xb8;
	[tilespmem:$0xAE80] =	vst v63  }
0x5c: {  	s12 =	simm.s32 $0x180  }
0x5d: {  	[tilespmem:s21], [sflag:$0x4] =	stream.indirect.gather [spmem:s1], $0x8, s12, s20, $0xb8;
	[tilespmem:$0xAE80] =	vst v63  }
0x5e: {  	s13 =	simm.s32 $0x200;
	s14 =	simm.s32 $0x6000  }
0x5f: {  	[tilespmem:s14], [sflag:$0x5] =	stream.indirect.gather [spmem:s1], $0x8, s13, s20, $0xb8;
	[tilespmem:$0xAE80] =	vst v63  }
0x60: {  	s16 =	simm.s32 $0x280  }
0x61: {  	[tilespmem:s25], [sflag:$0x6] =	stream.indirect.gather [spmem:s1], $0x8, s16, s20, $0xb8;
	[tilespmem:$0xAE80] =	vst v63  }
0x62: {  	s17 =	simm.s32 $0x300  }
0x63: {  	[tilespmem:s28], [sflag:$0x7] =	stream.indirect.gather [spmem:s1], $0x8, s17, s20, $0xb8;
	[tilespmem:$0xAE80] =	vst v63  }
0x64: {  	s18 =	simm.s32 $0x380;
	s10 =	simm.s32 $0x0  }
0x65: {  	[tilespmem:s0], [sflag:$0x8] =	stream.indirect.gather [spmem:s1], $0x8, s18, s20, $0xb8;
	[tilespmem:$0xAE80] =	vst v63  }
.LBB2_2:
0x66: {  	_ =	swait.ge [sflag:s3], $0x400  }
0x67: {  	s11 =	sshra.s32 s10, $0x2;
	[sflag:s3] =	ssyncset.done $0x0  }
0x68: {  	p0 =	seq.s32 s10, $0x0;
	s12 =	sadd.s32 $0x2800, s11;
	[sflag:s3] =	ssyncadd.s32 $0xFFFFFC00  }
0x69: {  	[spmem:s2] =	stream.indirect.scatter.add.f32 [tilespmem:s30], [sflag:$0x9], $0x8, s12, s20, $0xb8;
	[tilespmem:$0xAE80] =	vst v63  }
0x6a: {  	s12 =	simm.s32 @!p0 $0x10  }
0x6b: {  	_ =	swait.ge @!p0 [sflag:s12], $0x400  }
0x6c: {  	[sflag:s12] =	ssyncset.done @!p0 $0x0  }
0x6d: {  	[sflag:s12] =	ssyncadd.s32 @!p0 $0xFFFFFC00;
	s12 =	sshra.s32 @!p0 s10, $0x2  }
0x6e: {  	s13 =	simm.s32 @!p0 $0x80;
	s17 =	simm.s32 @!p0 $0x6C00;
	s12 =	sadd.s32 @!p0 $0x380, s12  }
0x6f: {  	[tilespmem:s17], [sflag:$0x8] =	stream.indirect.gather @!p0 [spmem:s1], $0x8, s12, s13, $0xb8;
	[tilespmem:$0xAE80] =	vst v63  }
0x70: {  	_ =	swait.ge [sflag:s19], $0x400  }
0x71: {  	[sflag:s19] =	ssyncset.done $0x0  }
0x72: {  	s14 =	sadd.s32 $0x2880, s11;
	[sflag:s19] =	ssyncadd.s32 $0xFFFFFC00  }
0x73: {  	[spmem:s2] =	stream.indirect.scatter.add.f32 [tilespmem:s31], [sflag:$0xA], $0x8, s14, s20, $0xb8;
	[tilespmem:$0xAE80] =	vst v63  }
0x74: {  	_ =	swait.ge [sflag:s22], $0x400  }
0x75: {  	p0 =	seq.s32 s10, $0x9000;
	[sflag:s22] =	ssyncset.done $0x0  }
0x76: {  	s12 =	simm.s32 @p0 $0x3;
	[sflag:s22] =	ssyncadd.s32 $0xFFFFFC00  }
0x77: {  	_ =	swait.ge @p0 [sflag:s12], $0x400  }
0x78: {  	s13 =	sshra.s32 @p0 s10, $0x2;
	s18 =	simm.s32 @p0 $0x80;
	[sflag:s12] =	ssyncset.done @p0 $0x0  }
0x79: {  	s17 =	simm.s32 @p0 $0x5800;
	[sflag:s12] =	ssyncadd.s32 @p0 $0xFFFFFC00;
	s12 =	sadd.s32 @p0 $0x2900, s13  }
0x7a: {  	[spmem:s2] =	stream.indirect.scatter.add.f32 @p0 [tilespmem:s17], [sflag:$0xB], $0x8, s12, s18, $0xb8;
	[tilespmem:$0xAE80] =	vst v63  }
0x7b: {  	s12 =	simm.s32 @p0 $0xA  }
0x7c: {  	_ =	swait.ge @p0 [sflag:s12], $0x400  }
0x7d: {  	[sflag:s12] =	ssyncset.done @p0 $0x0  }
0x7e: {  	[sflag:s12] =	ssyncadd.s32 @p0 $0xFFFFFC00;
	s12 =	sshra.s32 @!p0 s10, $0x2  }
0x7f: {  	s8 =	simm.s32 @!p0 $0x5000;
	s17 =	simm.s32 @!p0 $0x80;
	s14 =	sadd.s32 @!p0 $0x400, s12  }
0x80: {  	[tilespmem:s8], [sflag:$0x1] =	stream.indirect.gather @!p0 [spmem:s1], $0x8, s14, s17, $0xb8;
	[tilespmem:$0xAE80] =	vst v63  }
0x81: {  	s8 =	simm.s32 @!p0 $0x3  }
0x82: {  	_ =	swait.ge @!p0 [sflag:s8], $0x400  }
0x83: {  	[sflag:s8] =	ssyncset.done @!p0 $0x0  }
0x84: {  	s14 =	simm.s32 @!p0 $0x5800;
	[sflag:s8] =	ssyncadd.s32 @!p0 $0xFFFFFC00;
	s8 =	sadd.s32 @!p0 $0x2900, s12  }
0x85: {  	[spmem:s2] =	stream.indirect.scatter.add.f32 @!p0 [tilespmem:s14], [sflag:$0xB], $0x8, s8, s17, $0xb8;
	[tilespmem:$0xAE80] =	vst v63  }
0x86: {  	s8 =	simm.s32 @!p0 $0xA  }
0x87: {  	_ =	swait.ge @!p0 [sflag:s8], $0x400  }
0x88: {  	[sflag:s8] =	ssyncset.done @!p0 $0x0  }
0x89: {  	s16 =	simm.s32 @!p0 $0x5400;
	[sflag:s8] =	ssyncadd.s32 @!p0 $0xFFFFFC00;
	s8 =	sadd.s32 @!p0 $0x480, s12  }
0x8a: {  	[tilespmem:s16], [sflag:$0x2] =	stream.indirect.gather @!p0 [spmem:s1], $0x8, s8, s17, $0xb8;
	[tilespmem:$0xAE80] =	vst v63  }
0x8b: {  	_ =	swait.ge [sflag:s23], $0x400  }
0x8c: {  	[sflag:s23] =	ssyncset.done $0x0  }
0x8d: {  	s16 =	sadd.s32 $0x2980, s11;
	[sflag:s23] =	ssyncadd.s32 $0xFFFFFC00  }
0x8e: {  	[spmem:s2] =	stream.indirect.scatter.add.f32 [tilespmem:s21], [sflag:$0xC], $0x8, s16, s20, $0xb8;
	[tilespmem:$0xAE80] =	vst v63  }
0x8f: {  	_ =	swait.ge [sflag:s24], $0x400  }
0x90: {  	[sflag:s24] =	ssyncset.done $0x0  }
0x91: {  	s8 =	simm.s32 @p0 $0x5;
	[sflag:s24] =	ssyncadd.s32 $0xFFFFFC00  }
0x92: {  	_ =	swait.ge @p0 [sflag:s8], $0x400  }
0x93: {  	[sflag:s8] =	ssyncset.done @p0 $0x0  }
0x94: {  	s16 =	simm.s32 @p0 $0x6000;
	[sflag:s8] =	ssyncadd.s32 @p0 $0xFFFFFC00;
	s8 =	sadd.s32 @p0 $0x2A00, s13  }
0x95: {  	[spmem:s2] =	stream.indirect.scatter.add.f32 @p0 [tilespmem:s16], [sflag:$0xD], $0x8, s8, s18, $0xb8;
	[tilespmem:$0xAE80] =	vst v63  }
0x96: {  	s8 =	simm.s32 @p0 $0xC  }
0x97: {  	_ =	swait.ge @p0 [sflag:s8], $0x400  }
0x98: {  	[sflag:s8] =	ssyncset.done @p0 $0x0  }
0x99: {  	[sflag:s8] =	ssyncadd.s32 @p0 $0xFFFFFC00;
	s8 =	sadd.s32 @!p0 $0x500, s12  }
0x9a: {  	[tilespmem:s14], [sflag:$0x3] =	stream.indirect.gather @!p0 [spmem:s1], $0x8, s8, s17, $0xb8;
	[tilespmem:$0xAE80] =	vst v63  }
0x9b: {  	s8 =	simm.s32 @!p0 $0x5  }
0x9c: {  	_ =	swait.ge @!p0 [sflag:s8], $0x400  }
0x9d: {  	[sflag:s8] =	ssyncset.done @!p0 $0x0  }
0x9e: {  	s14 =	simm.s32 @!p0 $0x6000;
	[sflag:s8] =	ssyncadd.s32 @!p0 $0xFFFFFC00;
	s8 =	sadd.s32 @!p0 $0x2A00, s12  }
0x9f: {  	[spmem:s2] =	stream.indirect.scatter.add.f32 @!p0 [tilespmem:s14], [sflag:$0xD], $0x8, s8, s17, $0xb8;
	[tilespmem:$0xAE80] =	vst v63  }
0xa0: {  	s8 =	simm.s32 @!p0 $0xC  }
0xa1: {  	_ =	swait.ge @!p0 [sflag:s8], $0x400  }
0xa2: {  	[sflag:s8] =	ssyncset.done @!p0 $0x0  }
0xa3: {  	s16 =	simm.s32 @!p0 $0x5C00;
	[sflag:s8] =	ssyncadd.s32 @!p0 $0xFFFFFC00;
	s8 =	sadd.s32 @!p0 $0x580, s12  }
0xa4: {  	[tilespmem:s16], [sflag:$0x4] =	stream.indirect.gather @!p0 [spmem:s1], $0x8, s8, s17, $0xb8;
	[tilespmem:$0xAE80] =	vst v63  }
0xa5: {  	_ =	swait.ge [sflag:s26], $0x400  }
0xa6: {  	[sflag:s26] =	ssyncset.done $0x0  }
0xa7: {  	s16 =	sadd.s32 $0x2A80, s11;
	[sflag:s26] =	ssyncadd.s32 $0xFFFFFC00  }
0xa8: {  	[spmem:s2] =	stream.indirect.scatter.add.f32 [tilespmem:s25], [sflag:$0xE], $0x8, s16, s20, $0xb8;
	[tilespmem:$0xAE80] =	vst v63  }
0xa9: {  	_ =	swait.ge [sflag:s29], $0x400  }
0xaa: {  	[sflag:s29] =	ssyncset.done $0x0  }
0xab: {  	s8 =	simm.s32 @p0 $0x7;
	[sflag:s29] =	ssyncadd.s32 $0xFFFFFC00  }
0xac: {  	_ =	swait.ge @p0 [sflag:s8], $0x400  }
0xad: {  	[sflag:s8] =	ssyncset.done @p0 $0x0  }
0xae: {  	[sflag:s8] =	ssyncadd.s32 @p0 $0xFFFFFC00;
	s8 =	sadd.s32 @p0 $0x2B00, s13;
	s13 =	simm.s32 @p0 $0x6800  }
0xaf: {  	[spmem:s2] =	stream.indirect.scatter.add.f32 @p0 [tilespmem:s13], [sflag:$0xF], $0x8, s8, s18, $0xb8;
	[tilespmem:$0xAE80] =	vst v63  }
0xb0: {  	s8 =	simm.s32 @p0 $0xE  }
0xb1: {  	_ =	swait.ge @p0 [sflag:s8], $0x400  }
0xb2: {  	[sflag:s8] =	ssyncset.done @p0 $0x0  }
0xb3: {  	[sflag:s8] =	ssyncadd.s32 @p0 $0xFFFFFC00;
	s8 =	sadd.s32 @!p0 $0x600, s12  }
0xb4: {  	[tilespmem:s14], [sflag:$0x5] =	stream.indirect.gather @!p0 [spmem:s1], $0x8, s8, s17, $0xb8;
	[tilespmem:$0xAE80] =	vst v63  }
0xb5: {  	s8 =	simm.s32 @!p0 $0x7  }
0xb6: {  	_ =	swait.ge @!p0 [sflag:s8], $0x400  }
0xb7: {  	[sflag:s8] =	ssyncset.done @!p0 $0x0  }
0xb8: {  	s13 =	simm.s32 @!p0 $0x6800;
	[sflag:s8] =	ssyncadd.s32 @!p0 $0xFFFFFC00;
	s8 =	sadd.s32 @!p0 $0x2B00, s12  }
0xb9: {  	[spmem:s2] =	stream.indirect.scatter.add.f32 @!p0 [tilespmem:s13], [sflag:$0xF], $0x8, s8, s17, $0xb8;
	[tilespmem:$0xAE80] =	vst v63  }
0xba: {  	s8 =	simm.s32 @!p0 $0xE  }
0xbb: {  	_ =	swait.ge @!p0 [sflag:s8], $0x400  }
0xbc: {  	[sflag:s8] =	ssyncset.done @!p0 $0x0  }
0xbd: {  	[sflag:s8] =	ssyncadd.s32 @!p0 $0xFFFFFC00;
	s8 =	sadd.s32 @!p0 $0x680, s12;
	s12 =	simm.s32 @!p0 $0x6400  }
0xbe: {  	[tilespmem:s12], [sflag:$0x6] =	stream.indirect.gather @!p0 [spmem:s1], $0x8, s8, s17, $0xb8;
	[tilespmem:$0xAE80] =	vst v63  }
0xbf: {  	_ =	swait.ge [sflag:s5], $0x400  }
0xc0: {  	[sflag:s5] =	ssyncset.done $0x0  }
.Ltmp2:
0xc1: {  	s18 =	sadd.s32 $0x2B80, s11;
	[sflag:s5] =	ssyncadd.s32 $0xFFFFFC00;
	(pc) =	sbr.rel @p0 .LBB2_4-.Ltmp2, $4  }
0xc2: {  	[spmem:s2] =	stream.indirect.scatter.add.f32 [tilespmem:s0], [sflag:$0x10], $0x8, s18, s20, $0xb8;
	[tilespmem:$0xAE80] =	vst v63  }
0xc3: {  	_ =	swait.ge [sflag:s7], $0x400  }
0xc4: {  	[sflag:s7] =	ssyncset.done $0x0  }
0xc5: {  	[sflag:s7] =	ssyncadd.s32 $0xFFFFFC00  }
.Ltmp3:
0xc6: {  	(pc) =	sbr.rel .LBB2_2-.Ltmp3, $3  }
0xc7: {  	_ =	sdelay $0x1  }
0xc8: {  	s8 =	sadd.s32 $0x700, s11;
	s10 =	sadd.s32 $0x1000, s10  }
0xc9: {  	[tilespmem:s28], [sflag:$0x7] =	stream.indirect.gather [spmem:s1], $0x8, s8, s20, $0xb8;
	[tilespmem:$0xAE80] =	vst v63  }
.LBB2_5:
0xca: {  	_ =	sfence.sel $0x180000  }
0xcb: {  	[bflag:$0x0] =	sbarrier.arrive $0xFFFF  }
0xcc: {  	_ =	strace $0x90000047  }
0xcd: {  	s0 =	stileid.u32;
	[bflag:$0x2] =	sbarrier.arrive $0xFFFF  }
0xce: {  	p0 =	sne.s32 s0, $0x0;
	s0 =	rddreg [dreg:$0x4]  }
0xcf: {  	s0 =	sadd.s32 @!p0 $0x100000, s0  }
0xd0: {  	[sflag:s0] =	ssyncadd.tile.s32 @!p0 $0x1;
	_ =	shalt  }
.Lfunc_end2:
_tile_overlayer_lowered:
.L_overlay_start_2:
0xd1: {  	(tag) =	ssettag $0x2  }
0xd2: {  	s0 =	rddreg [dreg:$0x0];
	s2 =	stileid.u32  }
0xd3: {  	s1 =	rddreg [dreg:$0x1];
	p0 =	sne.s32 s2, $0x0  }
0xd4: {  	s3 =	rddreg [dreg:$0x2];
	[bflag:$0x3] =	sbarrier.arrive $0xFFFF;
	s2 =	simm.s32 @!p0 $0x1C11  }
0xd5: {  	[timem:s3], [sflag:s2] =	dma.local @!p0 [hbm:s0], s1  }
0xd6: {  	s0 =	simm.s32 @!p0 $0x11  }
0xd7: {  	_ =	swait.ge @!p0 [sflag:s0], s1  }
0xd8: {  	s1 =	ssub.s32 @!p0 $0x0, s1;
	[sflag:s0] =	ssyncset.done @!p0 $0x0  }
0xd9: {  	[sflag:s0] =	ssyncadd.s32 @!p0 s1  }
0xda: {  	[bflag:$0x3] =	sbarrier.arrive $0xFFFF  }
0xdb: {  	_ =	shalt  }

</sc_bundles>
